<compile_context>
chip_gen: v7x
topology: tpu7x:2x2x1
jax: 0.10.2.dev20260603
libtpu: 0.0.44.dev20260713+nightly
codegen_flags: <defaults>
</compile_context>

<pallas_src>
import dataclasses
import functools

import jax
import jax.numpy as jnp
from jax import lax
from jax.experimental import pallas as pl
from jax.experimental.pallas import tpu as pltpu
from jax.experimental.pallas import tpu_sc as plsc

N = 10000
T = 10240
E_RAW = 160000
E_TOT = E_RAW + N
K = 128
NTILE = 16
EPT = 10752
E_PAD = EPT * NTILE
NCH = EPT // K
H = 256
HH = 128
B = 128
NOUT = 256
DUMMY = N
BL = T // 8
CS = 8192
CG = E_PAD // CS

_mesh = plsc.VectorSubcoreMesh(core_axis_name="c", subcore_axis_name="s")

_sc_cp = pltpu.CompilerParams()
if "needs_layout_passes" in pltpu.CompilerParams.__dataclass_fields__:
    _sc_cp = dataclasses.replace(_sc_cp, needs_layout_passes=False)
if "use_tc_tiling_on_sc" in pltpu.CompilerParams.__dataclass_fields__:
    _sc_cp = dataclasses.replace(_sc_cp, use_tc_tiling_on_sc=False)


@functools.partial(
    pl.kernel,
    mesh=_mesh,
    out_type=jax.ShapeDtypeStruct((2 * E_PAD, 16), jnp.float32),
    scratch_types=[
        pltpu.VMEM((K,), jnp.int32),
        pltpu.VMEM((K,), jnp.int32),
        pltpu.VMEM((K,), jnp.int32),
        pltpu.VMEM((K, HH), jnp.float32),
        pltpu.VMEM((K, HH), jnp.float32),
        pltpu.VMEM((K, 16), jnp.float32),
        pltpu.VMEM((HH,), jnp.float32),
    ],
)
def _sc_logits(xl_hbm, xr_hbm, src_hbm, dst_hbm, att_hbm, s_hbm,
               sraw, sidx, didx, xlv, xrv, sv, attv):
    c = lax.axis_index("c")
    sub = lax.axis_index("s")
    off = c * T
    pltpu.sync_copy(att_hbm.at[pl.ds(c * HH, HH)], attv)
    att_regs = [attv[pl.ds(16 * j, 16)] for j in range(8)]
    tbase = sub * EPT

    @pl.loop(0, NCH)
    def _chunk(ch):
        base = tbase + ch * K
        pltpu.sync_copy(src_hbm.at[pl.ds(base, K)], sraw)
        pltpu.sync_copy(dst_hbm.at[pl.ds(base, K)], didx)
        for g in range(K // 16):
            sl = pl.ds(16 * g, 16)
            sidx[sl] = sraw[sl] + off
            didx[sl] = didx[sl] + off
        pltpu.sync_copy(xl_hbm.at[sidx], xlv)
        pltpu.sync_copy(xr_hbm.at[didx], xrv)

        @pl.loop(0, K)
        def _edge(e):
            rl = xlv.at[e]
            rr = xrv.at[e]
            tot = None
            for j in range(8):
                sl = pl.ds(16 * j, 16)
                a = rl[sl] + rr[sl]
                lr = jnp.maximum(a, a * jnp.float32(0.2))
                t = lr * att_regs[j]
                tot = t if tot is None else tot + t
            sv.at[e][...] = tot

        pltpu.sync_copy(sv, s_hbm.at[pl.ds(c * E_PAD + base, K)])


KB = 128


@functools.partial(
    pl.kernel,
    mesh=_mesh,
    out_type=[
        jax.ShapeDtypeStruct((32 * T * 8,), jnp.float32),
        jax.ShapeDtypeStruct((T,), jnp.float32),
    ],
    scratch_types=[
        pltpu.VMEM((KB,), jnp.int32),
        pltpu.VMEM((KB,), jnp.int32),
        pltpu.VMEM((KB,), jnp.int32),
        pltpu.VMEM((KB,), jnp.float32),
        pltpu.VMEM((KB, 16), jnp.float32),
        pltpu.VMEM((T * 8,), jnp.float32),
        pltpu.VMEM((T,), jnp.float32),
    ],
    compiler_params=_sc_cp,
)
def _sc_aggregate(xl_hbm, src_hbm, dst_hbm, p_hbm, acc_hbm, den_hbm,
                  sraw, sidx, didx, pv, xg, slab, dslab):
    c = lax.axis_index("c")
    sub = lax.axis_index("s")
    g = c * 16 + sub
    q = sub // 2
    o = sub % 2
    rbase = c * T * 8 + q
    iota16 = lax.broadcasted_iota(jnp.int32, (16,), 0)
    lane0 = iota16 == 0
    halfmask = (iota16 // 8) == o
    addr_lo = iota16 % 8
    zeros16 = jnp.zeros((16,), jnp.float32)

    @pl.loop(0, T * 8 // 16)
    def _z(r):
        slab[pl.ds(r * 16, 16)] = zeros16

    @pl.loop(0, T // 16)
    def _zd(r):
        dslab[pl.ds(r * 16, 16)] = zeros16

    @pl.loop(0, E_PAD // KB)
    def _chunk(ch):
        base = ch * KB
        pltpu.sync_copy(src_hbm.at[pl.ds(base, KB)], sraw)
        pltpu.sync_copy(dst_hbm.at[pl.ds(base, KB)], didx)
        pltpu.sync_copy(p_hbm.at[pl.ds(base, KB)], pv)
        for gg in range(KB // 16):
            sl = pl.ds(16 * gg, 16)
            sidx[sl] = sraw[sl] * 8 + rbase
        pltpu.sync_copy(xl_hbm.at[sidx], xg)

        @pl.loop(0, KB // 16)
        def _grp(gg):
            dg = didx[pl.ds(16 * gg, 16)]
            pg = pv[pl.ds(16 * gg, 16)]
            for i in range(16):
                e = 16 * gg + i
                d = dg[i]
                pb = jnp.full((16,), pg[i], jnp.float32)
                val = xg.at[e][...] * pb
                addr = jnp.full((16,), d * 8, jnp.int32) + addr_lo
                plsc.addupdate_scatter(slab, [addr], val, mask=halfmask)
                plsc.addupdate_scatter(
                    dslab, [jnp.full((16,), d, jnp.int32)],
                    pb, mask=lane0)

    pltpu.sync_copy(slab, acc_hbm.at[pl.ds(g * T * 8, T * 8)])
    pltpu.sync_copy(dslab, den_hbm)


def _prep_body(h_ref, wl_ref, bl_ref, wr_ref, br_ref, xl_ref, xr_ref):
    hb = h_ref[...]
    xl_ref[0] = (jnp.dot(hb, wl_ref[0], preferred_element_type=jnp.float32)
                 + bl_ref[0])
    xr_ref[0] = (jnp.dot(hb, wr_ref[0], preferred_element_type=jnp.float32)
                 + br_ref[0])


def _tc_prep(h_pad, Wl, bl, Wr, br):
    return pl.pallas_call(
        _prep_body,
        grid=(8, 2),
        in_specs=[
            pl.BlockSpec((BL, H), lambda i, c: (i, 0)),
            pl.BlockSpec((1, H, HH), lambda i, c: (c, 0, 0)),
            pl.BlockSpec((1, 1, HH), lambda i, c: (c, 0, 0)),
            pl.BlockSpec((1, H, HH), lambda i, c: (c, 0, 0)),
            pl.BlockSpec((1, 1, HH), lambda i, c: (c, 0, 0)),
        ],
        out_specs=[
            pl.BlockSpec((1, BL, HH), lambda i, c: (c, i, 0)),
            pl.BlockSpec((1, BL, HH), lambda i, c: (c, i, 0)),
        ],
        out_shape=[
            jax.ShapeDtypeStruct((2, T, HH), jnp.float32),
            jax.ShapeDtypeStruct((2, T, HH), jnp.float32),
        ],
    )(h_pad, Wl.reshape(H, 2, HH).transpose(1, 0, 2),
      bl.reshape(2, 1, HH),
      Wr.reshape(H, 2, HH).transpose(1, 0, 2),
      br.reshape(2, 1, HH))


def _combine_body(s_ref, p_ref):
    s = s_ref[0, 0] + s_ref[1, 0]
    p_ref[0, 0] = jnp.exp(jnp.sum(s, axis=1))


def _tc_combine(S):
    return pl.pallas_call(
        _combine_body,
        grid=(CG,),
        in_specs=[pl.BlockSpec((2, 1, CS, 16), lambda i: (0, i, 0, 0))],
        out_specs=pl.BlockSpec((1, 1, CS), lambda i: (i, 0, 0)),
        out_shape=jax.ShapeDtypeStruct((CG, 1, CS), jnp.float32),
    )(S.reshape(2, CG, CS, 16))


def _post_body(acc_ref, den_ref, b_ref, g_ref, lb_ref, h_ref):
    a = acc_ref[...]
    d = den_ref[...]
    h = a / (d + jnp.float32(1e-16)) + b_ref[...]
    h = jnp.maximum(h, jnp.float32(0.0))
    mu = jnp.mean(h, axis=1, keepdims=True)
    diff = h - mu
    var = jnp.mean(diff * diff, axis=1, keepdims=True)
    h = diff * lax.rsqrt(var + jnp.float32(1e-5)) * g_ref[...] + lb_ref[...]
    row = (pl.program_id(0) * BL
           + lax.broadcasted_iota(jnp.int32, (BL, 1), 0))
    h_ref[...] = jnp.where(row < N, h, jnp.float32(0.0))


def _tc_post(acc, den, b, ln_g, ln_b):
    return pl.pallas_call(
        _post_body,
        grid=(8,),
        in_specs=[
            pl.BlockSpec((BL, H), lambda i: (i, 0)),
            pl.BlockSpec((BL, 1), lambda i: (i, 0)),
            pl.BlockSpec((1, H), lambda i: (0, 0)),
            pl.BlockSpec((1, H), lambda i: (0, 0)),
            pl.BlockSpec((1, H), lambda i: (0, 0)),
        ],
        out_specs=pl.BlockSpec((BL, H), lambda i: (i, 0)),
        out_shape=jax.ShapeDtypeStruct((T, H), jnp.float32),
    )(acc, den, b.reshape(1, H), ln_g.reshape(1, H), ln_b.reshape(1, H))


def _pool_body(h_ref, bt_ref, lcw_ref, lcb_ref, o_ref):
    hb = h_ref[...]
    m = (bt_ref[...] == lax.broadcasted_iota(jnp.int32, (T, B), 1)
         ).astype(jnp.float32)
    sums = lax.dot_general(m, hb, (((0,), (0,)), ((), ())),
                           preferred_element_type=jnp.float32)
    cnt = jnp.sum(m, axis=0)
    g = sums / jnp.maximum(cnt, jnp.float32(1.0))[:, None]
    o_ref[...] = jnp.maximum(
        jnp.dot(g, lcw_ref[...], preferred_element_type=jnp.float32)
        + lcb_ref[...], jnp.float32(0.0))


def _tc_pool(h_pad, batch_pad, lcW, lcb):
    return pl.pallas_call(
        _pool_body,
        out_shape=jax.ShapeDtypeStruct((B, NOUT), jnp.float32),
    )(h_pad, batch_pad, lcW, lcb.reshape(1, NOUT))


def kernel(x, edge_index, batch, Wl0, bl0, Wr0, br0, att0, b0,
           Wl1, bl1, Wr1, br1, att1, b1, Wl2, bl2, Wr2, br2, att2, b2,
           ln_g, ln_b, lcW, lcb):
    loops = jnp.arange(N, dtype=jnp.int32)
    pad = jnp.full((E_PAD - E_TOT,), DUMMY, jnp.int32)
    src = jnp.concatenate([edge_index[0].astype(jnp.int32), loops, pad])
    dst = jnp.concatenate([edge_index[1].astype(jnp.int32), loops, pad])
    h = jnp.pad(x, ((0, T - N), (0, 0)))
    batch_pad = jnp.pad(batch.astype(jnp.int32), (0, T - N),
                        constant_values=2 ** 30).reshape(T, 1)
    for (Wl, bl, Wr, br, att, b) in (
            (Wl0, bl0, Wr0, br0, att0, b0),
            (Wl1, bl1, Wr1, br1, att1, b1),
            (Wl2, bl2, Wr2, br2, att2, b2)):
        XL, XR = _tc_prep(h, Wl, bl, Wr, br)
        XLf = XL.reshape(2 * T, HH)
        XRf = XR.reshape(2 * T, HH)
        S = _sc_logits(XLf, XRf, src, dst, att)
        p = _tc_combine(S).reshape(E_PAD)
        accf, den = _sc_aggregate(XLf.reshape(2 * T * 8, 16), src, dst, p)
        acc = accf.reshape(32, T, 8).transpose(1, 0, 2).reshape(T, H)
        h = _tc_post(acc, den.reshape(T, 1), b, ln_g, ln_b)
    return _tc_pool(h, batch_pad, lcW, lcb)

# --- scband reference (transcript-rebuilt; emitter-appended) ---
"""Pipeline reference for scband-gatencoder-65214783422578 (READ-ONLY COPY).

The authoritative reference and input builder live on the scoring server;
editing this copy changes nothing except your own understanding.
"""

import jax, jax.numpy as jnp
import numpy as np

N = 10000
E = 160000
F_IN = 256
H = 256
NOUT = 256
B = 128


def _gat_forward(x, edge_index, batch, layer_params, ln_g, ln_b, lcW, lcb):
    loops = jnp.arange(N, dtype=edge_index.dtype)
    ei = jnp.concatenate([edge_index, jnp.stack([loops, loops])], axis=1)
    src = ei[0]
    dst = ei[1]
    h = x
    for (Wl, bl, Wr, br, att, b) in layer_params:
        xl = h @ Wl + bl
        xr = h @ Wr + br
        e = jax.nn.leaky_relu(xl[src] + xr[dst], 0.2)
        logit = e @ att
        m = jax.ops.segment_max(logit, dst, num_segments=N)
        p = jnp.exp(logit - m[dst])
        denom = jax.ops.segment_sum(p, dst, num_segments=N)
        alpha = p / (denom[dst] + 1e-16)
        h = jax.ops.segment_sum(xl[src] * alpha[:, None], dst, num_segments=N) + b
        h = jax.nn.relu(h)
        mu = jnp.mean(h, axis=-1, keepdims=True)
        var = jnp.var(h, axis=-1, keepdims=True)
        h = (h - mu) / jnp.sqrt(var + 1e-5) * ln_g + ln_b
    sums = jax.ops.segment_sum(h, batch, num_segments=B)
    cnt = jax.ops.segment_sum(jnp.ones((N,), h.dtype), batch, num_segments=B)
    g = sums / jnp.clip(cnt, 1.0)[:, None]
    return jax.nn.relu(g @ lcW + lcb)


def setup_inputs(seed: int = 0):
    key = jax.random.key(seed)
    inp = {}
    inp["x"] = jax.random.normal(jax.random.fold_in(key, 0), (N, F_IN), dtype=jnp.float32)
    inp["edge_index"] = jax.random.randint(jax.random.fold_in(key, 1), (2, E), 0, N, dtype=jnp.int32)
    inp["batch"] = jnp.sort(jax.random.randint(jax.random.fold_in(key, 2), (N,), 0, B, dtype=jnp.int32))
    dims = [F_IN, H, H]
    k = 10
    for i, din in enumerate(dims):
        inp["Wl%d" % i] = jax.random.normal(jax.random.fold_in(key, k), (din, H), dtype=jnp.float32) * 0.05; k += 1
        inp["bl%d" % i] = jnp.zeros((H,), dtype=jnp.float32)
        inp["Wr%d" % i] = jax.random.normal(jax.random.fold_in(key, k), (din, H), dtype=jnp.float32) * 0.05; k += 1
        inp["br%d" % i] = jnp.zeros((H,), dtype=jnp.float32)
        inp["att%d" % i] = jax.random.normal(jax.random.fold_in(key, k), (H,), dtype=jnp.float32) * 0.05; k += 1
        inp["b%d" % i] = jnp.zeros((H,), dtype=jnp.float32)
    inp["ln_g"] = jnp.ones((H,), dtype=jnp.float32)
    inp["ln_b"] = jnp.zeros((H,), dtype=jnp.float32)
    inp["lcW"] = jax.random.normal(jax.random.fold_in(key, 30), (H, NOUT), dtype=jnp.float32) * 0.05
    inp["lcb"] = jnp.zeros((NOUT,), dtype=jnp.float32)
    return inp


def reference(x, edge_index, batch, Wl0, bl0, Wr0, br0, att0, b0, Wl1, bl1, Wr1, br1, att1, b1, Wl2, bl2, Wr2, br2, att2, b2, ln_g, ln_b, lcW, lcb):
    layer_params = [
        (Wl0, bl0, Wr0, br0, att0, b0),
        (Wl1, bl1, Wr1, br1, att1, b1),
        (Wl2, bl2, Wr2, br2, att2, b2),
    ]
    return _gat_forward(x, edge_index, batch, layer_params, ln_g, ln_b, lcW, lcb)

if __name__ == "__main__":
    import jax
    _d = setup_inputs()
    print(jax.jit(kernel)(*tuple(_d.values())))

</pallas_src>

<mosaic_0001>
#map = affine_map<(d0, d1) -> (0, 0)>
#map1 = affine_map<(d0, d1) -> (0)>
module attributes {stable_mosaic.version = 14 : i64} {
  func.func @_sc_aggregate(%arg0: i32, %arg1: i32, %arg2: memref<163840x16xf32, #tpu.memory_space<hbm>>, %arg3: memref<172032xi32, #tpu.memory_space<hbm>>, %arg4: memref<172032xi32, #tpu.memory_space<hbm>>, %arg5: memref<172032xf32, #tpu.memory_space<hbm>>, %arg6: memref<2621440xf32, #tpu.memory_space<hbm>>, %arg7: memref<10240xf32, #tpu.memory_space<hbm>>, %arg8: memref<128xi32, #tpu.memory_space<vmem>>, %arg9: memref<128xi32, #tpu.memory_space<vmem>>, %arg10: memref<128xi32, #tpu.memory_space<vmem>>, %arg11: memref<128xf32, #tpu.memory_space<vmem>>, %arg12: memref<128x16xf32, #tpu.memory_space<vmem>>, %arg13: memref<81920xf32, #tpu.memory_space<vmem>>, %arg14: memref<10240xf32, #tpu.memory_space<vmem>>) attributes {dimension_semantics = [#tpu.dimension_semantics<core_parallel>, #tpu.dimension_semantics<subcore_parallel>], iteration_bounds = array<i64: 2, 16>, scalar_prefetch = 0 : i64, scratch_operands = 7 : i64, tpu.core_type = #tpu.core_type<sc_vector_subcore>, window_params = [{transform_indices = #map}, {transform_indices = #map1}, {transform_indices = #map1}, {transform_indices = #map1}, {transform_indices = #map1}, {transform_indices = #map1}]} {
    %mul3A = arith.constant 16 : i32
    %mul3A_0 = arith.muli %arg0, %mul3A : i32
    %add3A = arith.addi %mul3A_0, %arg1 : i32
    %jit3A = arith.constant 2 : i32
    %div3A = arith.divsi %arg1, %jit3A : i32
    %sign3A = arith.constant 0 : i32
    %sign3A_1 = arith.cmpi sgt, %arg1, %sign3A : i32
    %sign3A_2 = arith.extui %sign3A_1 : i1 to i32
    %sign3A_3 = arith.constant 0 : i32
    %sign3A_4 = arith.cmpi slt, %arg1, %sign3A_3 : i32
    %sign3A_5 = arith.extui %sign3A_4 : i1 to i32
    %sign3A_6 = arith.subi %sign3A_2, %sign3A_5 : i32
    %sign3A_7 = arith.constant 0 : i32
    %sign3A_8 = arith.cmpi sgt, %jit3A, %sign3A_7 : i32
    %sign3A_9 = arith.extui %sign3A_8 : i1 to i32
    %sign3A_10 = arith.constant 0 : i32
    %sign3A_11 = arith.cmpi slt, %jit3A, %sign3A_10 : i32
    %sign3A_12 = arith.extui %sign3A_11 : i1 to i32
    %sign3A_13 = arith.subi %sign3A_9, %sign3A_12 : i32
    %ne3A = arith.cmpi ne, %sign3A_6, %sign3A_13 : i32
    %rem3A = arith.remsi %arg1, %jit3A : i32
    %ne3A_14 = arith.constant 0 : i32
    %ne3A_15 = arith.cmpi ne, %rem3A, %ne3A_14 : i32
    %and3A = arith.andi %ne3A, %ne3A_15 : i1
    %sub3A = arith.constant 1 : i32
    %sub3A_16 = arith.subi %div3A, %sub3A : i32
    %select_n3A = arith.select %and3A, %sub3A_16, %div3A : i32
    %jit3A_17 = arith.constant 2 : i32
    %eq3A = arith.constant 0 : i32
    %eq3A_18 = arith.cmpi eq, %jit3A_17, %eq3A : i32
    %jit3A_19 = arith.constant 1 : i32
    %select_n3A_20 = arith.select %eq3A_18, %jit3A_19, %jit3A_17 : i32
    %rem3A_21 = arith.remsi %arg1, %select_n3A_20 : i32
    %ne3A_22 = arith.constant 0 : i32
    %ne3A_23 = arith.cmpi ne, %rem3A_21, %ne3A_22 : i32
    %lt3A = arith.constant 0 : i32
    %lt3A_24 = arith.cmpi slt, %rem3A_21, %lt3A : i32
    %lt3A_25 = arith.constant 0 : i32
    %lt3A_26 = arith.cmpi slt, %select_n3A_20, %lt3A_25 : i32
    %ne3A_27 = arith.xori %lt3A_24, %lt3A_26 : i1
    %and3A_28 = arith.andi %ne3A_27, %ne3A_23 : i1
    %add3A_29 = arith.addi %rem3A_21, %select_n3A_20 : i32
    %select_n3A_30 = arith.select %and3A_28, %add3A_29, %rem3A_21 : i32
    %mul3A_31 = arith.constant 10240 : i32
    %mul3A_32 = arith.muli %arg0, %mul3A_31 : i32
    %mul3A_33 = arith.constant 8 : i32
    %mul3A_34 = arith.muli %mul3A_32, %mul3A_33 : i32
    %add3A_35 = arith.addi %mul3A_34, %select_n3A : i32
    %iota3A = tpu.iota {dimensions = array<i32: 0>} : vector<16xi32>
    %eq3A_36 = arith.constant 0 : i32
    %eq3A_37 = vector.broadcast %eq3A_36 : i32 to vector<16xi32>
    %eq3A_38 = arith.cmpi eq, %iota3A, %eq3A_37 : vector<16xi32>
    %jit3A_39 = arith.constant 8 : i32
    %div3A_40 = vector.broadcast %jit3A_39 : i32 to vector<16xi32>
    %div3A_41 = arith.divsi %iota3A, %div3A_40 : vector<16xi32>
    %sign3A_42 = arith.constant 0 : i32
    %sign3A_43 = vector.broadcast %sign3A_42 : i32 to vector<16xi32>
    %sign3A_44 = arith.cmpi sgt, %iota3A, %sign3A_43 : vector<16xi32>
    %sign3A_45 = arith.extui %sign3A_44 : vector<16xi1> to vector<16xi32>
    %sign3A_46 = arith.constant 0 : i32
    %sign3A_47 = vector.broadcast %sign3A_46 : i32 to vector<16xi32>
    %sign3A_48 = arith.cmpi slt, %iota3A, %sign3A_47 : vector<16xi32>
    %sign3A_49 = arith.extui %sign3A_48 : vector<16xi1> to vector<16xi32>
    %sign3A_50 = arith.subi %sign3A_45, %sign3A_49 : vector<16xi32>
    %sign3A_51 = arith.constant 0 : i32
    %sign3A_52 = arith.cmpi sgt, %jit3A_39, %sign3A_51 : i32
    %sign3A_53 = arith.extui %sign3A_52 : i1 to i32
    %sign3A_54 = arith.constant 0 : i32
    %sign3A_55 = arith.cmpi slt, %jit3A_39, %sign3A_54 : i32
    %sign3A_56 = arith.extui %sign3A_55 : i1 to i32
    %sign3A_57 = arith.subi %sign3A_53, %sign3A_56 : i32
    %ne3A_58 = vector.broadcast %sign3A_57 : i32 to vector<16xi32>
    %ne3A_59 = arith.cmpi ne, %sign3A_50, %ne3A_58 : vector<16xi32>
    %rem3A_60 = vector.broadcast %jit3A_39 : i32 to vector<16xi32>
    %rem3A_61 = arith.remsi %iota3A, %rem3A_60 : vector<16xi32>
    %ne3A_62 = arith.constant 0 : i32
    %ne3A_63 = vector.broadcast %ne3A_62 : i32 to vector<16xi32>
    %ne3A_64 = arith.cmpi ne, %rem3A_61, %ne3A_63 : vector<16xi32>
    %and3A_65 = arith.andi %ne3A_59, %ne3A_64 : vector<16xi1>
    %sub3A_66 = arith.constant 1 : i32
    %sub3A_67 = vector.broadcast %sub3A_66 : i32 to vector<16xi32>
    %sub3A_68 = arith.subi %div3A_41, %sub3A_67 : vector<16xi32>
    %select_n3A_69 = arith.select %and3A_65, %sub3A_68, %div3A_41 : vector<16xi1>, vector<16xi32>
    %eq3A_70 = vector.broadcast %select_n3A_30 : i32 to vector<16xi32>
    %eq3A_71 = arith.cmpi eq, %select_n3A_69, %eq3A_70 : vector<16xi32>
    %jit3A_72 = arith.constant 8 : i32
    %eq3A_73 = arith.constant 0 : i32
    %eq3A_74 = arith.cmpi eq, %jit3A_72, %eq3A_73 : i32
    %jit3A_75 = arith.constant 1 : i32
    %select_n3A_76 = arith.select %eq3A_74, %jit3A_75, %jit3A_72 : i32
    %rem3A_77 = vector.broadcast %select_n3A_76 : i32 to vector<16xi32>
    %rem3A_78 = arith.remsi %iota3A, %rem3A_77 : vector<16xi32>
    %ne3A_79 = arith.constant 0 : i32
    %ne3A_80 = vector.broadcast %ne3A_79 : i32 to vector<16xi32>
    %ne3A_81 = arith.cmpi ne, %rem3A_78, %ne3A_80 : vector<16xi32>
    %lt3A_82 = arith.constant 0 : i32
    %lt3A_83 = vector.broadcast %lt3A_82 : i32 to vector<16xi32>
    %lt3A_84 = arith.cmpi slt, %rem3A_78, %lt3A_83 : vector<16xi32>
    %lt3A_85 = arith.constant 0 : i32
    %lt3A_86 = arith.cmpi slt, %select_n3A_76, %lt3A_85 : i32
    %ne3A_87 = vector.broadcast %lt3A_86 : i1 to vector<16xi1>
    %ne3A_88 = vector.broadcast %ne3A_87 : vector<16xi1> to vector<16xi1>
    %ne3A_89 = arith.xori %lt3A_84, %ne3A_88 : vector<16xi1>
    %and3A_90 = arith.andi %ne3A_89, %ne3A_81 : vector<16xi1>
    %add3A_91 = vector.broadcast %select_n3A_76 : i32 to vector<16xi32>
    %add3A_92 = arith.addi %rem3A_78, %add3A_91 : vector<16xi32>
    %select_n3A_93 = arith.select %and3A_90, %add3A_92, %rem3A_78 : vector<16xi1>, vector<16xi32>
    %broadcast_in_dim3A = arith.constant 0.000000e+00 : f32
    %broadcast_in_dim3A_94 = vector.broadcast %broadcast_in_dim3A : f32 to vector<16xf32>
    %scan3A = arith.constant 0 : i32
    %scan3A_95 = arith.constant 5120 : i32
    %scan3A_96 = arith.addi %scan3A, %scan3A_95 : i32
    %scan3A_97 = arith.constant 1 : i32
    scf.for %scan3A_113 = %scan3A to %scan3A_96 step %scan3A_97  : i32 {
      %mul3A_114 = arith.constant 1 : i32
      %mul3A_115 = arith.muli %scan3A_113, %mul3A_114 : i32
      %add3A_116 = arith.constant 0 : i32
      %add3A_117 = arith.addi %add3A_116, %mul3A_115 : i32
      %mul3A_118 = arith.constant 16 : i32
      %mul3A_119 = arith.muli %add3A_117, %mul3A_118 : i32
      %swap3A = arith.index_cast %mul3A_119 : i32 to index
      %swap3A_120 = tpu.vector_load %arg13[%swap3A] {strides = array<i32>} : memref<81920xf32, #tpu.memory_space<vmem>>, vector<16xf32>,
      tpu.vector_store %arg13[%swap3A], %broadcast_in_dim3A_94 {strides = array<i32>} : memref<81920xf32, #tpu.memory_space<vmem>>, vector<16xf32>,
    }
    %scan3A_98 = arith.constant 5120 : i32
    %scan3A_99 = arith.constant 0 : i32
    %scan3A_100 = arith.constant 640 : i32
    %scan3A_101 = arith.addi %scan3A_99, %scan3A_100 : i32
    %scan3A_102 = arith.constant 1 : i32
    scf.for %scan3A_113 = %scan3A_99 to %scan3A_101 step %scan3A_102  : i32 {
      %mul3A_114 = arith.constant 1 : i32
      %mul3A_115 = arith.muli %scan3A_113, %mul3A_114 : i32
      %add3A_116 = arith.constant 0 : i32
      %add3A_117 = arith.addi %add3A_116, %mul3A_115 : i32
      %mul3A_118 = arith.constant 16 : i32
      %mul3A_119 = arith.muli %add3A_117, %mul3A_118 : i32
      %swap3A = arith.index_cast %mul3A_119 : i32 to index
      %swap3A_120 = tpu.vector_load %arg14[%swap3A] {strides = array<i32>} : memref<10240xf32, #tpu.memory_space<vmem>>, vector<16xf32>,
      tpu.vector_store %arg14[%swap3A], %broadcast_in_dim3A_94 {strides = array<i32>} : memref<10240xf32, #tpu.memory_space<vmem>>, vector<16xf32>,
    }
    %scan3A_103 = arith.constant 640 : i32
    %scan3A_104 = arith.constant 0 : i32
    %scan3A_105 = arith.constant 1344 : i32
    %scan3A_106 = arith.addi %scan3A_104, %scan3A_105 : i32
    %scan3A_107 = arith.constant 1 : i32
    scf.for %scan3A_113 = %scan3A_104 to %scan3A_106 step %scan3A_107  : i32 {
      %mul3A_114 = arith.constant 1 : i32
      %mul3A_115 = arith.muli %scan3A_113, %mul3A_114 : i32
      %add3A_116 = arith.constant 0 : i32
      %add3A_117 = arith.addi %add3A_116, %mul3A_115 : i32
      %mul3A_118 = arith.constant 128 : i32
      %mul3A_119 = arith.muli %add3A_117, %mul3A_118 : i32
      "tpu.region"() ({
        %run_scoped3A = tpu.sem_alloc : memref<!tpu.dma_semaphore, #tpu.memory_space<semaphore_mem>>
        %dma_start3A = tpu.memref_slice %arg3[%mul3A_119] : memref<172032xi32, #tpu.memory_space<hbm>> -> memref<128xi32, #tpu.memory_space<hbm>>
        %dma_start3A_219 = tpu.memref_slice %arg3[%mul3A_119] : memref<172032xi32, #tpu.memory_space<hbm>> -> memref<128xi32, #tpu.memory_space<hbm>>
        tpu.enqueue_dma source(%dma_start3A_219 : memref<128xi32, #tpu.memory_space<hbm>>) target(%arg8 : memref<128xi32, #tpu.memory_space<vmem>>) target_semaphore(%run_scoped3A : memref<!tpu.dma_semaphore, #tpu.memory_space<semaphore_mem>>)
        %dma_wait3A = tpu.memref_slice %arg3[%mul3A_119] : memref<172032xi32, #tpu.memory_space<hbm>> -> memref<128xi32, #tpu.memory_space<hbm>>
        %dma_wait3A_220 = tpu.memref_slice %arg3[%mul3A_119] : memref<172032xi32, #tpu.memory_space<hbm>> -> memref<128xi32, #tpu.memory_space<hbm>>
        tpu.wait_dma2 semaphore(%run_scoped3A : memref<!tpu.dma_semaphore, #tpu.memory_space<semaphore_mem>>) src(%dma_wait3A_220 : memref<128xi32, #tpu.memory_space<hbm>>) dst(%arg8 : memref<128xi32, #tpu.memory_space<vmem>>)
        tpu.yield
      }) : () -> ()
      "tpu.region"() ({
        %run_scoped3A = tpu.sem_alloc : memref<!tpu.dma_semaphore, #tpu.memory_space<semaphore_mem>>
        %dma_start3A = tpu.memref_slice %arg4[%mul3A_119] : memref<172032xi32, #tpu.memory_space<hbm>> -> memref<128xi32, #tpu.memory_space<hbm>>
        %dma_start3A_219 = tpu.memref_slice %arg4[%mul3A_119] : memref<172032xi32, #tpu.memory_space<hbm>> -> memref<128xi32, #tpu.memory_space<hbm>>
        tpu.enqueue_dma source(%dma_start3A_219 : memref<128xi32, #tpu.memory_space<hbm>>) target(%arg10 : memref<128xi32, #tpu.memory_space<vmem>>) target_semaphore(%run_scoped3A : memref<!tpu.dma_semaphore, #tpu.memory_space<semaphore_mem>>)
        %dma_wait3A = tpu.memref_slice %arg4[%mul3A_119] : memref<172032xi32, #tpu.memory_space<hbm>> -> memref<128xi32, #tpu.memory_space<hbm>>
        %dma_wait3A_220 = tpu.memref_slice %arg4[%mul3A_119] : memref<172032xi32, #tpu.memory_space<hbm>> -> memref<128xi32, #tpu.memory_space<hbm>>
        tpu.wait_dma2 semaphore(%run_scoped3A : memref<!tpu.dma_semaphore, #tpu.memory_space<semaphore_mem>>) src(%dma_wait3A_220 : memref<128xi32, #tpu.memory_space<hbm>>) dst(%arg10 : memref<128xi32, #tpu.memory_space<vmem>>)
        tpu.yield
      }) : () -> ()
      "tpu.region"() ({
        %run_scoped3A = tpu.sem_alloc : memref<!tpu.dma_semaphore, #tpu.memory_space<semaphore_mem>>
        %dma_start3A = tpu.memref_slice %arg5[%mul3A_119] : memref<172032xf32, #tpu.memory_space<hbm>> -> memref<128xf32, #tpu.memory_space<hbm>>
        %dma_start3A_219 = tpu.memref_slice %arg5[%mul3A_119] : memref<172032xf32, #tpu.memory_space<hbm>> -> memref<128xf32, #tpu.memory_space<hbm>>
        tpu.enqueue_dma source(%dma_start3A_219 : memref<128xf32, #tpu.memory_space<hbm>>) target(%arg11 : memref<128xf32, #tpu.memory_space<vmem>>) target_semaphore(%run_scoped3A : memref<!tpu.dma_semaphore, #tpu.memory_space<semaphore_mem>>)
        %dma_wait3A = tpu.memref_slice %arg5[%mul3A_119] : memref<172032xf32, #tpu.memory_space<hbm>> -> memref<128xf32, #tpu.memory_space<hbm>>
        %dma_wait3A_220 = tpu.memref_slice %arg5[%mul3A_119] : memref<172032xf32, #tpu.memory_space<hbm>> -> memref<128xf32, #tpu.memory_space<hbm>>
        tpu.wait_dma2 semaphore(%run_scoped3A : memref<!tpu.dma_semaphore, #tpu.memory_space<semaphore_mem>>) src(%dma_wait3A_220 : memref<128xf32, #tpu.memory_space<hbm>>) dst(%arg11 : memref<128xf32, #tpu.memory_space<vmem>>)
        tpu.yield
      }) : () -> ()
      %get3A = arith.constant 0 : index
      %get3A_120 = tpu.vector_load %arg8[%get3A] {strides = array<i32>} : memref<128xi32, #tpu.memory_space<vmem>>, vector<16xi32>,
      %get3A_121 = vector.shape_cast %get3A_120 : vector<16xi32> to vector<16xi32>
      %mul3A_122 = arith.constant 8 : i32
      %mul3A_123 = vector.broadcast %mul3A_122 : i32 to vector<16xi32>
      %mul3A_124 = arith.muli %get3A_121, %mul3A_123 : vector<16xi32>
      %add3A_125 = vector.broadcast %add3A_35 : i32 to vector<16xi32>
      %add3A_126 = arith.addi %mul3A_124, %add3A_125 : vector<16xi32>
      %swap3A = arith.constant 0 : index
      %swap3A_127 = tpu.vector_load %arg9[%swap3A] {strides = array<i32>} : memref<128xi32, #tpu.memory_space<vmem>>, vector<16xi32>,
      %swap3A_128 = vector.shape_cast %swap3A_127 : vector<16xi32> to vector<16xi32>
      %swap3A_129 = vector.shape_cast %add3A_126 : vector<16xi32> to vector<16xi32>
      tpu.vector_store %arg9[%swap3A], %swap3A_129 {strides = array<i32>} : memref<128xi32, #tpu.memory_space<vmem>>, vector<16xi32>,
      %get3A_130 = arith.constant 16 : index
      %get3A_131 = tpu.vector_load %arg8[%get3A_130] {strides = array<i32>} : memref<128xi32, #tpu.memory_space<vmem>>, vector<16xi32>,
      %get3A_132 = vector.shape_cast %get3A_131 : vector<16xi32> to vector<16xi32>
      %mul3A_133 = arith.constant 8 : i32
      %mul3A_134 = vector.broadcast %mul3A_133 : i32 to vector<16xi32>
      %mul3A_135 = arith.muli %get3A_132, %mul3A_134 : vector<16xi32>
      %add3A_136 = vector.broadcast %add3A_35 : i32 to vector<16xi32>
      %add3A_137 = arith.addi %mul3A_135, %add3A_136 : vector<16xi32>
      %swap3A_138 = arith.constant 16 : index
      %swap3A_139 = tpu.vector_load %arg9[%swap3A_138] {strides = array<i32>} : memref<128xi32, #tpu.memory_space<vmem>>, vector<16xi32>,
      %swap3A_140 = vector.shape_cast %swap3A_139 : vector<16xi32> to vector<16xi32>
      %swap3A_141 = vector.shape_cast %add3A_137 : vector<16xi32> to vector<16xi32>
      tpu.vector_store %arg9[%swap3A_138], %swap3A_141 {strides = array<i32>} : memref<128xi32, #tpu.memory_space<vmem>>, vector<16xi32>,
      %get3A_142 = arith.constant 32 : index
      %get3A_143 = tpu.vector_load %arg8[%get3A_142] {strides = array<i32>} : memref<128xi32, #tpu.memory_space<vmem>>, vector<16xi32>,
      %get3A_144 = vector.shape_cast %get3A_143 : vector<16xi32> to vector<16xi32>
      %mul3A_145 = arith.constant 8 : i32
      %mul3A_146 = vector.broadcast %mul3A_145 : i32 to vector<16xi32>
      %mul3A_147 = arith.muli %get3A_144, %mul3A_146 : vector<16xi32>
      %add3A_148 = vector.broadcast %add3A_35 : i32 to vector<16xi32>
      %add3A_149 = arith.addi %mul3A_147, %add3A_148 : vector<16xi32>
      %swap3A_150 = arith.constant 32 : index
      %swap3A_151 = tpu.vector_load %arg9[%swap3A_150] {strides = array<i32>} : memref<128xi32, #tpu.memory_space<vmem>>, vector<16xi32>,
      %swap3A_152 = vector.shape_cast %swap3A_151 : vector<16xi32> to vector<16xi32>
      %swap3A_153 = vector.shape_cast %add3A_149 : vector<16xi32> to vector<16xi32>
      tpu.vector_store %arg9[%swap3A_150], %swap3A_153 {strides = array<i32>} : memref<128xi32, #tpu.memory_space<vmem>>, vector<16xi32>,
      %get3A_154 = arith.constant 48 : index
      %get3A_155 = tpu.vector_load %arg8[%get3A_154] {strides = array<i32>} : memref<128xi32, #tpu.memory_space<vmem>>, vector<16xi32>,
      %get3A_156 = vector.shape_cast %get3A_155 : vector<16xi32> to vector<16xi32>
      %mul3A_157 = arith.constant 8 : i32
      %mul3A_158 = vector.broadcast %mul3A_157 : i32 to vector<16xi32>
      %mul3A_159 = arith.muli %get3A_156, %mul3A_158 : vector<16xi32>
      %add3A_160 = vector.broadcast %add3A_35 : i32 to vector<16xi32>
      %add3A_161 = arith.addi %mul3A_159, %add3A_160 : vector<16xi32>
      %swap3A_162 = arith.constant 48 : index
      %swap3A_163 = tpu.vector_load %arg9[%swap3A_162] {strides = array<i32>} : memref<128xi32, #tpu.memory_space<vmem>>, vector<16xi32>,
      %swap3A_164 = vector.shape_cast %swap3A_163 : vector<16xi32> to vector<16xi32>
      %swap3A_165 = vector.shape_cast %add3A_161 : vector<16xi32> to vector<16xi32>
      tpu.vector_store %arg9[%swap3A_162], %swap3A_165 {strides = array<i32>} : memref<128xi32, #tpu.memory_space<vmem>>, vector<16xi32>,
      %get3A_166 = arith.constant 64 : index
      %get3A_167 = tpu.vector_load %arg8[%get3A_166] {strides = array<i32>} : memref<128xi32, #tpu.memory_space<vmem>>, vector<16xi32>,
      %get3A_168 = vector.shape_cast %get3A_167 : vector<16xi32> to vector<16xi32>
      %mul3A_169 = arith.constant 8 : i32
      %mul3A_170 = vector.broadcast %mul3A_169 : i32 to vector<16xi32>
      %mul3A_171 = arith.muli %get3A_168, %mul3A_170 : vector<16xi32>
      %add3A_172 = vector.broadcast %add3A_35 : i32 to vector<16xi32>
      %add3A_173 = arith.addi %mul3A_171, %add3A_172 : vector<16xi32>
      %swap3A_174 = arith.constant 64 : index
      %swap3A_175 = tpu.vector_load %arg9[%swap3A_174] {strides = array<i32>} : memref<128xi32, #tpu.memory_space<vmem>>, vector<16xi32>,
      %swap3A_176 = vector.shape_cast %swap3A_175 : vector<16xi32> to vector<16xi32>
      %swap3A_177 = vector.shape_cast %add3A_173 : vector<16xi32> to vector<16xi32>
      tpu.vector_store %arg9[%swap3A_174], %swap3A_177 {strides = array<i32>} : memref<128xi32, #tpu.memory_space<vmem>>, vector<16xi32>,
      %get3A_178 = arith.constant 80 : index
      %get3A_179 = tpu.vector_load %arg8[%get3A_178] {strides = array<i32>} : memref<128xi32, #tpu.memory_space<vmem>>, vector<16xi32>,
      %get3A_180 = vector.shape_cast %get3A_179 : vector<16xi32> to vector<16xi32>
      %mul3A_181 = arith.constant 8 : i32
      %mul3A_182 = vector.broadcast %mul3A_181 : i32 to vector<16xi32>
      %mul3A_183 = arith.muli %get3A_180, %mul3A_182 : vector<16xi32>
      %add3A_184 = vector.broadcast %add3A_35 : i32 to vector<16xi32>
      %add3A_185 = arith.addi %mul3A_183, %add3A_184 : vector<16xi32>
      %swap3A_186 = arith.constant 80 : index
      %swap3A_187 = tpu.vector_load %arg9[%swap3A_186] {strides = array<i32>} : memref<128xi32, #tpu.memory_space<vmem>>, vector<16xi32>,
      %swap3A_188 = vector.shape_cast %swap3A_187 : vector<16xi32> to vector<16xi32>
      %swap3A_189 = vector.shape_cast %add3A_185 : vector<16xi32> to vector<16xi32>
      tpu.vector_store %arg9[%swap3A_186], %swap3A_189 {strides = array<i32>} : memref<128xi32, #tpu.memory_space<vmem>>, vector<16xi32>,
      %get3A_190 = arith.constant 96 : index
      %get3A_191 = tpu.vector_load %arg8[%get3A_190] {strides = array<i32>} : memref<128xi32, #tpu.memory_space<vmem>>, vector<16xi32>,
      %get3A_192 = vector.shape_cast %get3A_191 : vector<16xi32> to vector<16xi32>
      %mul3A_193 = arith.constant 8 : i32
      %mul3A_194 = vector.broadcast %mul3A_193 : i32 to vector<16xi32>
      %mul3A_195 = arith.muli %get3A_192, %mul3A_194 : vector<16xi32>
      %add3A_196 = vector.broadcast %add3A_35 : i32 to vector<16xi32>
      %add3A_197 = arith.addi %mul3A_195, %add3A_196 : vector<16xi32>
      %swap3A_198 = arith.constant 96 : index
      %swap3A_199 = tpu.vector_load %arg9[%swap3A_198] {strides = array<i32>} : memref<128xi32, #tpu.memory_space<vmem>>, vector<16xi32>,
      %swap3A_200 = vector.shape_cast %swap3A_199 : vector<16xi32> to vector<16xi32>
      %swap3A_201 = vector.shape_cast %add3A_197 : vector<16xi32> to vector<16xi32>
      tpu.vector_store %arg9[%swap3A_198], %swap3A_201 {strides = array<i32>} : memref<128xi32, #tpu.memory_space<vmem>>, vector<16xi32>,
      %get3A_202 = arith.constant 112 : index
      %get3A_203 = tpu.vector_load %arg8[%get3A_202] {strides = array<i32>} : memref<128xi32, #tpu.memory_space<vmem>>, vector<16xi32>,
      %get3A_204 = vector.shape_cast %get3A_203 : vector<16xi32> to vector<16xi32>
      %mul3A_205 = arith.constant 8 : i32
      %mul3A_206 = vector.broadcast %mul3A_205 : i32 to vector<16xi32>
      %mul3A_207 = arith.muli %get3A_204, %mul3A_206 : vector<16xi32>
      %add3A_208 = vector.broadcast %add3A_35 : i32 to vector<16xi32>
      %add3A_209 = arith.addi %mul3A_207, %add3A_208 : vector<16xi32>
      %swap3A_210 = arith.constant 112 : index
      %swap3A_211 = tpu.vector_load %arg9[%swap3A_210] {strides = array<i32>} : memref<128xi32, #tpu.memory_space<vmem>>, vector<16xi32>,
      %swap3A_212 = vector.shape_cast %swap3A_211 : vector<16xi32> to vector<16xi32>
      %swap3A_213 = vector.shape_cast %add3A_209 : vector<16xi32> to vector<16xi32>
      tpu.vector_store %arg9[%swap3A_210], %swap3A_213 {strides = array<i32>} : memref<128xi32, #tpu.memory_space<vmem>>, vector<16xi32>,
      "tpu.region"() ({
        %run_scoped3A = tpu.sem_alloc : memref<!tpu.dma_semaphore, #tpu.memory_space<semaphore_mem>>
        %dma_start3A = arith.constant 0 : i32
        %dma_start3A_219 = arith.constant 0 : i32
        %dma_start3A_220 = tpu.memref_slice %arg2[%dma_start3A, %dma_start3A_219] : memref<163840x16xf32, #tpu.memory_space<hbm>> -> memref<163840x16xf32, #tpu.memory_space<hbm>>
        tpu.enqueue_indirect_dma source(%dma_start3A_220 : memref<163840x16xf32, #tpu.memory_space<hbm>>) target(%arg12 : memref<128x16xf32, #tpu.memory_space<vmem>>) offsets(%arg9 : memref<128xi32, #tpu.memory_space<vmem>>) semaphore(%run_scoped3A : memref<!tpu.dma_semaphore, #tpu.memory_space<semaphore_mem>>)
        %dma_wait3A = arith.constant 0 : i32
        %dma_wait3A_221 = arith.constant 0 : i32
        %dma_wait3A_222 = tpu.memref_slice %arg2[%dma_wait3A, %dma_wait3A_221] : memref<163840x16xf32, #tpu.memory_space<hbm>> -> memref<163840x16xf32, #tpu.memory_space<hbm>>
        tpu.wait_indirect_dma semaphore(%run_scoped3A : memref<!tpu.dma_semaphore, #tpu.memory_space<semaphore_mem>>) src(%dma_wait3A_222 : memref<163840x16xf32, #tpu.memory_space<hbm>>) dst(%arg12 : memref<128x16xf32, #tpu.memory_space<vmem>>)
        tpu.yield
      }) : () -> ()
      %scan3A_214 = arith.constant 0 : i32
      %scan3A_215 = arith.constant 8 : i32
      %scan3A_216 = arith.addi %scan3A_214, %scan3A_215 : i32
      %scan3A_217 = arith.constant 1 : i32
      scf.for %scan3A_219 = %scan3A_214 to %scan3A_216 step %scan3A_217  : i32 {
        %mul3A_220 = arith.constant 1 : i32
        %mul3A_221 = arith.muli %scan3A_219, %mul3A_220 : i32
        %add3A_222 = arith.constant 0 : i32
        %add3A_223 = arith.addi %add3A_222, %mul3A_221 : i32
        %mul3A_224 = arith.constant 16 : i32
        %mul3A_225 = arith.muli %mul3A_224, %add3A_223 : i32
        %get3A_226 = arith.index_cast %mul3A_225 : i32 to index
        %get3A_227 = tpu.vector_load %arg10[%get3A_226] {strides = array<i32>} : memref<128xi32, #tpu.memory_space<vmem>>, vector<16xi32>,
        %mul3A_228 = arith.constant 16 : i32
        %mul3A_229 = arith.muli %mul3A_228, %add3A_223 : i32
        %get3A_230 = arith.index_cast %mul3A_229 : i32 to index
        %get3A_231 = tpu.vector_load %arg11[%get3A_230] {strides = array<i32>} : memref<128xf32, #tpu.memory_space<vmem>>, vector<16xf32>,
        %mul3A_232 = arith.constant 16 : i32
        %mul3A_233 = arith.muli %mul3A_232, %add3A_223 : i32
        %add3A_234 = arith.constant 0 : i32
        %add3A_235 = arith.addi %mul3A_233, %add3A_234 : i32
        %slice3A = vector.extract_strided_slice %get3A_227 {offsets = [0], sizes = [1], strides = [1]} : vector<16xi32> to vector<1xi32>
        %squeeze3A = vector.extract %slice3A[0] : i32 from vector<1xi32>
        %slice3A_236 = vector.extract_strided_slice %get3A_231 {offsets = [0], sizes = [1], strides = [1]} : vector<16xf32> to vector<1xf32>
        %squeeze3A_237 = vector.extract %slice3A_236[0] : f32 from vector<1xf32>
        %broadcast_in_dim3A_238 = vector.broadcast %squeeze3A_237 : f32 to vector<16xf32>
        %get3A_239 = arith.index_cast %add3A_235 : i32 to index
        %get3A_240 = arith.constant 0 : index
        %get3A_241 = tpu.vector_load %arg12[%get3A_239, %get3A_240] {strides = array<i32>} : memref<128x16xf32, #tpu.memory_space<vmem>>, vector<16xf32>,
        %mul3A_242 = arith.mulf %get3A_241, %broadcast_in_dim3A_238 : vector<16xf32>
        %mul3A_243 = arith.constant 8 : i32
        %mul3A_244 = arith.muli %squeeze3A, %mul3A_243 : i32
        %broadcast_in_dim3A_245 = vector.broadcast %mul3A_244 : i32 to vector<16xi32>
        %add3A_246 = arith.addi %broadcast_in_dim3A_245, %select_n3A_93 : vector<16xi32>
        tpu.vector_store_idx %arg13[%add3A_246], %mul3A_242 masked %eq3A_71 {add = true} : memref<81920xf32, #tpu.memory_space<vmem>>[vector<16xi32>], vector<16xf32>, vector<16xi1>
        %broadcast_in_dim3A_247 = vector.broadcast %squeeze3A : i32 to vector<16xi32>
        tpu.vector_store_idx %arg14[%broadcast_in_dim3A_247], %broadcast_in_dim3A_238 masked %eq3A_38 {add = true} : memref<10240xf32, #tpu.memory_space<vmem>>[vector<16xi32>], vector<16xf32>, vector<16xi1>
        %mul3A_248 = arith.constant 16 : i32
        %mul3A_249 = arith.muli %mul3A_248, %add3A_223 : i32
        %add3A_250 = arith.constant 1 : i32
        %add3A_251 = arith.addi %mul3A_249, %add3A_250 : i32
        %slice3A_252 = vector.extract_strided_slice %get3A_227 {offsets = [1], sizes = [1], strides = [1]} : vector<16xi32> to vector<1xi32>
        %squeeze3A_253 = vector.extract %slice3A_252[0] : i32 from vector<1xi32>
        %slice3A_254 = vector.extract_strided_slice %get3A_231 {offsets = [1], sizes = [1], strides = [1]} : vector<16xf32> to vector<1xf32>
        %squeeze3A_255 = vector.extract %slice3A_254[0] : f32 from vector<1xf32>
        %broadcast_in_dim3A_256 = vector.broadcast %squeeze3A_255 : f32 to vector<16xf32>
        %get3A_257 = arith.index_cast %add3A_251 : i32 to index
        %get3A_258 = arith.constant 0 : index
        %get3A_259 = tpu.vector_load %arg12[%get3A_257, %get3A_258] {strides = array<i32>} : memref<128x16xf32, #tpu.memory_space<vmem>>, vector<16xf32>,
        %mul3A_260 = arith.mulf %get3A_259, %broadcast_in_dim3A_256 : vector<16xf32>
        %mul3A_261 = arith.constant 8 : i32
        %mul3A_262 = arith.muli %squeeze3A_253, %mul3A_261 : i32
        %broadcast_in_dim3A_263 = vector.broadcast %mul3A_262 : i32 to vector<16xi32>
        %add3A_264 = arith.addi %broadcast_in_dim3A_263, %select_n3A_93 : vector<16xi32>
        tpu.vector_store_idx %arg13[%add3A_264], %mul3A_260 masked %eq3A_71 {add = true} : memref<81920xf32, #tpu.memory_space<vmem>>[vector<16xi32>], vector<16xf32>, vector<16xi1>
        %broadcast_in_dim3A_265 = vector.broadcast %squeeze3A_253 : i32 to vector<16xi32>
        tpu.vector_store_idx %arg14[%broadcast_in_dim3A_265], %broadcast_in_dim3A_256 masked %eq3A_38 {add = true} : memref<10240xf32, #tpu.memory_space<vmem>>[vector<16xi32>], vector<16xf32>, vector<16xi1>
        %mul3A_266 = arith.constant 16 : i32
        %mul3A_267 = arith.muli %mul3A_266, %add3A_223 : i32
        %add3A_268 = arith.constant 2 : i32
        %add3A_269 = arith.addi %mul3A_267, %add3A_268 : i32
        %slice3A_270 = vector.extract_strided_slice %get3A_227 {offsets = [2], sizes = [1], strides = [1]} : vector<16xi32> to vector<1xi32>
        %squeeze3A_271 = vector.extract %slice3A_270[0] : i32 from vector<1xi32>
        %slice3A_272 = vector.extract_strided_slice %get3A_231 {offsets = [2], sizes = [1], strides = [1]} : vector<16xf32> to vector<1xf32>
        %squeeze3A_273 = vector.extract %slice3A_272[0] : f32 from vector<1xf32>
        %broadcast_in_dim3A_274 = vector.broadcast %squeeze3A_273 : f32 to vector<16xf32>
        %get3A_275 = arith.index_cast %add3A_269 : i32 to index
        %get3A_276 = arith.constant 0 : index
        %get3A_277 = tpu.vector_load %arg12[%get3A_275, %get3A_276] {strides = array<i32>} : memref<128x16xf32, #tpu.memory_space<vmem>>, vector<16xf32>,
        %mul3A_278 = arith.mulf %get3A_277, %broadcast_in_dim3A_274 : vector<16xf32>
        %mul3A_279 = arith.constant 8 : i32
        %mul3A_280 = arith.muli %squeeze3A_271, %mul3A_279 : i32
        %broadcast_in_dim3A_281 = vector.broadcast %mul3A_280 : i32 to vector<16xi32>
        %add3A_282 = arith.addi %broadcast_in_dim3A_281, %select_n3A_93 : vector<16xi32>
        tpu.vector_store_idx %arg13[%add3A_282], %mul3A_278 masked %eq3A_71 {add = true} : memref<81920xf32, #tpu.memory_space<vmem>>[vector<16xi32>], vector<16xf32>, vector<16xi1>
        %broadcast_in_dim3A_283 = vector.broadcast %squeeze3A_271 : i32 to vector<16xi32>
        tpu.vector_store_idx %arg14[%broadcast_in_dim3A_283], %broadcast_in_dim3A_274 masked %eq3A_38 {add = true} : memref<10240xf32, #tpu.memory_space<vmem>>[vector<16xi32>], vector<16xf32>, vector<16xi1>
        %mul3A_284 = arith.constant 16 : i32
        %mul3A_285 = arith.muli %mul3A_284, %add3A_223 : i32
        %add3A_286 = arith.constant 3 : i32
        %add3A_287 = arith.addi %mul3A_285, %add3A_286 : i32
        %slice3A_288 = vector.extract_strided_slice %get3A_227 {offsets = [3], sizes = [1], strides = [1]} : vector<16xi32> to vector<1xi32>
        %squeeze3A_289 = vector.extract %slice3A_288[0] : i32 from vector<1xi32>
        %slice3A_290 = vector.extract_strided_slice %get3A_231 {offsets = [3], sizes = [1], strides = [1]} : vector<16xf32> to vector<1xf32>
        %squeeze3A_291 = vector.extract %slice3A_290[0] : f32 from vector<1xf32>
        %broadcast_in_dim3A_292 = vector.broadcast %squeeze3A_291 : f32 to vector<16xf32>
        %get3A_293 = arith.index_cast %add3A_287 : i32 to index
        %get3A_294 = arith.constant 0 : index
        %get3A_295 = tpu.vector_load %arg12[%get3A_293, %get3A_294] {strides = array<i32>} : memref<128x16xf32, #tpu.memory_space<vmem>>, vector<16xf32>,
        %mul3A_296 = arith.mulf %get3A_295, %broadcast_in_dim3A_292 : vector<16xf32>
        %mul3A_297 = arith.constant 8 : i32
        %mul3A_298 = arith.muli %squeeze3A_289, %mul3A_297 : i32
        %broadcast_in_dim3A_299 = vector.broadcast %mul3A_298 : i32 to vector<16xi32>
        %add3A_300 = arith.addi %broadcast_in_dim3A_299, %select_n3A_93 : vector<16xi32>
        tpu.vector_store_idx %arg13[%add3A_300], %mul3A_296 masked %eq3A_71 {add = true} : memref<81920xf32, #tpu.memory_space<vmem>>[vector<16xi32>], vector<16xf32>, vector<16xi1>
        %broadcast_in_dim3A_301 = vector.broadcast %squeeze3A_289 : i32 to vector<16xi32>
        tpu.vector_store_idx %arg14[%broadcast_in_dim3A_301], %broadcast_in_dim3A_292 masked %eq3A_38 {add = true} : memref<10240xf32, #tpu.memory_space<vmem>>[vector<16xi32>], vector<16xf32>, vector<16xi1>
        %mul3A_302 = arith.constant 16 : i32
        %mul3A_303 = arith.muli %mul3A_302, %add3A_223 : i32
        %add3A_304 = arith.constant 4 : i32
        %add3A_305 = arith.addi %mul3A_303, %add3A_304 : i32
        %slice3A_306 = vector.extract_strided_slice %get3A_227 {offsets = [4], sizes = [1], strides = [1]} : vector<16xi32> to vector<1xi32>
        %squeeze3A_307 = vector.extract %slice3A_306[0] : i32 from vector<1xi32>
        %slice3A_308 = vector.extract_strided_slice %get3A_231 {offsets = [4], sizes = [1], strides = [1]} : vector<16xf32> to vector<1xf32>
        %squeeze3A_309 = vector.extract %slice3A_308[0] : f32 from vector<1xf32>
        %broadcast_in_dim3A_310 = vector.broadcast %squeeze3A_309 : f32 to vector<16xf32>
        %get3A_311 = arith.index_cast %add3A_305 : i32 to index
        %get3A_312 = arith.constant 0 : index
        %get3A_313 = tpu.vector_load %arg12[%get3A_311, %get3A_312] {strides = array<i32>} : memref<128x16xf32, #tpu.memory_space<vmem>>, vector<16xf32>,
        %mul3A_314 = arith.mulf %get3A_313, %broadcast_in_dim3A_310 : vector<16xf32>
        %mul3A_315 = arith.constant 8 : i32
        %mul3A_316 = arith.muli %squeeze3A_307, %mul3A_315 : i32
        %broadcast_in_dim3A_317 = vector.broadcast %mul3A_316 : i32 to vector<16xi32>
        %add3A_318 = arith.addi %broadcast_in_dim3A_317, %select_n3A_93 : vector<16xi32>
        tpu.vector_store_idx %arg13[%add3A_318], %mul3A_314 masked %eq3A_71 {add = true} : memref<81920xf32, #tpu.memory_space<vmem>>[vector<16xi32>], vector<16xf32>, vector<16xi1>
        %broadcast_in_dim3A_319 = vector.broadcast %squeeze3A_307 : i32 to vector<16xi32>
        tpu.vector_store_idx %arg14[%broadcast_in_dim3A_319], %broadcast_in_dim3A_310 masked %eq3A_38 {add = true} : memref<10240xf32, #tpu.memory_space<vmem>>[vector<16xi32>], vector<16xf32>, vector<16xi1>
        %mul3A_320 = arith.constant 16 : i32
        %mul3A_321 = arith.muli %mul3A_320, %add3A_223 : i32
        %add3A_322 = arith.constant 5 : i32
        %add3A_323 = arith.addi %mul3A_321, %add3A_322 : i32
        %slice3A_324 = vector.extract_strided_slice %get3A_227 {offsets = [5], sizes = [1], strides = [1]} : vector<16xi32> to vector<1xi32>
        %squeeze3A_325 = vector.extract %slice3A_324[0] : i32 from vector<1xi32>
        %slice3A_326 = vector.extract_strided_slice %get3A_231 {offsets = [5], sizes = [1], strides = [1]} : vector<16xf32> to vector<1xf32>
        %squeeze3A_327 = vector.extract %slice3A_326[0] : f32 from vector<1xf32>
        %broadcast_in_dim3A_328 = vector.broadcast %squeeze3A_327 : f32 to vector<16xf32>
        %get3A_329 = arith.index_cast %add3A_323 : i32 to index
        %get3A_330 = arith.constant 0 : index
        %get3A_331 = tpu.vector_load %arg12[%get3A_329, %get3A_330] {strides = array<i32>} : memref<128x16xf32, #tpu.memory_space<vmem>>, vector<16xf32>,
        %mul3A_332 = arith.mulf %get3A_331, %broadcast_in_dim3A_328 : vector<16xf32>
        %mul3A_333 = arith.constant 8 : i32
        %mul3A_334 = arith.muli %squeeze3A_325, %mul3A_333 : i32
        %broadcast_in_dim3A_335 = vector.broadcast %mul3A_334 : i32 to vector<16xi32>
        %add3A_336 = arith.addi %broadcast_in_dim3A_335, %select_n3A_93 : vector<16xi32>
        tpu.vector_store_idx %arg13[%add3A_336], %mul3A_332 masked %eq3A_71 {add = true} : memref<81920xf32, #tpu.memory_space<vmem>>[vector<16xi32>], vector<16xf32>, vector<16xi1>
        %broadcast_in_dim3A_337 = vector.broadcast %squeeze3A_325 : i32 to vector<16xi32>
        tpu.vector_store_idx %arg14[%broadcast_in_dim3A_337], %broadcast_in_dim3A_328 masked %eq3A_38 {add = true} : memref<10240xf32, #tpu.memory_space<vmem>>[vector<16xi32>], vector<16xf32>, vector<16xi1>
        %mul3A_338 = arith.constant 16 : i32
        %mul3A_339 = arith.muli %mul3A_338, %add3A_223 : i32
        %add3A_340 = arith.constant 6 : i32
        %add3A_341 = arith.addi %mul3A_339, %add3A_340 : i32
        %slice3A_342 = vector.extract_strided_slice %get3A_227 {offsets = [6], sizes = [1], strides = [1]} : vector<16xi32> to vector<1xi32>
        %squeeze3A_343 = vector.extract %slice3A_342[0] : i32 from vector<1xi32>
        %slice3A_344 = vector.extract_strided_slice %get3A_231 {offsets = [6], sizes = [1], strides = [1]} : vector<16xf32> to vector<1xf32>
        %squeeze3A_345 = vector.extract %slice3A_344[0] : f32 from vector<1xf32>
        %broadcast_in_dim3A_346 = vector.broadcast %squeeze3A_345 : f32 to vector<16xf32>
        %get3A_347 = arith.index_cast %add3A_341 : i32 to index
        %get3A_348 = arith.constant 0 : index
        %get3A_349 = tpu.vector_load %arg12[%get3A_347, %get3A_348] {strides = array<i32>} : memref<128x16xf32, #tpu.memory_space<vmem>>, vector<16xf32>,
        %mul3A_350 = arith.mulf %get3A_349, %broadcast_in_dim3A_346 : vector<16xf32>
        %mul3A_351 = arith.constant 8 : i32
        %mul3A_352 = arith.muli %squeeze3A_343, %mul3A_351 : i32
        %broadcast_in_dim3A_353 = vector.broadcast %mul3A_352 : i32 to vector<16xi32>
        %add3A_354 = arith.addi %broadcast_in_dim3A_353, %select_n3A_93 : vector<16xi32>
        tpu.vector_store_idx %arg13[%add3A_354], %mul3A_350 masked %eq3A_71 {add = true} : memref<81920xf32, #tpu.memory_space<vmem>>[vector<16xi32>], vector<16xf32>, vector<16xi1>
        %broadcast_in_dim3A_355 = vector.broadcast %squeeze3A_343 : i32 to vector<16xi32>
        tpu.vector_store_idx %arg14[%broadcast_in_dim3A_355], %broadcast_in_dim3A_346 masked %eq3A_38 {add = true} : memref<10240xf32, #tpu.memory_space<vmem>>[vector<16xi32>], vector<16xf32>, vector<16xi1>
        %mul3A_356 = arith.constant 16 : i32
        %mul3A_357 = arith.muli %mul3A_356, %add3A_223 : i32
        %add3A_358 = arith.constant 7 : i32
        %add3A_359 = arith.addi %mul3A_357, %add3A_358 : i32
        %slice3A_360 = vector.extract_strided_slice %get3A_227 {offsets = [7], sizes = [1], strides = [1]} : vector<16xi32> to vector<1xi32>
        %squeeze3A_361 = vector.extract %slice3A_360[0] : i32 from vector<1xi32>
        %slice3A_362 = vector.extract_strided_slice %get3A_231 {offsets = [7], sizes = [1], strides = [1]} : vector<16xf32> to vector<1xf32>
        %squeeze3A_363 = vector.extract %slice3A_362[0] : f32 from vector<1xf32>
        %broadcast_in_dim3A_364 = vector.broadcast %squeeze3A_363 : f32 to vector<16xf32>
        %get3A_365 = arith.index_cast %add3A_359 : i32 to index
        %get3A_366 = arith.constant 0 : index
        %get3A_367 = tpu.vector_load %arg12[%get3A_365, %get3A_366] {strides = array<i32>} : memref<128x16xf32, #tpu.memory_space<vmem>>, vector<16xf32>,
        %mul3A_368 = arith.mulf %get3A_367, %broadcast_in_dim3A_364 : vector<16xf32>
        %mul3A_369 = arith.constant 8 : i32
        %mul3A_370 = arith.muli %squeeze3A_361, %mul3A_369 : i32
        %broadcast_in_dim3A_371 = vector.broadcast %mul3A_370 : i32 to vector<16xi32>
        %add3A_372 = arith.addi %broadcast_in_dim3A_371, %select_n3A_93 : vector<16xi32>
        tpu.vector_store_idx %arg13[%add3A_372], %mul3A_368 masked %eq3A_71 {add = true} : memref<81920xf32, #tpu.memory_space<vmem>>[vector<16xi32>], vector<16xf32>, vector<16xi1>
        %broadcast_in_dim3A_373 = vector.broadcast %squeeze3A_361 : i32 to vector<16xi32>
        tpu.vector_store_idx %arg14[%broadcast_in_dim3A_373], %broadcast_in_dim3A_364 masked %eq3A_38 {add = true} : memref<10240xf32, #tpu.memory_space<vmem>>[vector<16xi32>], vector<16xf32>, vector<16xi1>
        %mul3A_374 = arith.constant 16 : i32
        %mul3A_375 = arith.muli %mul3A_374, %add3A_223 : i32
        %add3A_376 = arith.constant 8 : i32
        %add3A_377 = arith.addi %mul3A_375, %add3A_376 : i32
        %slice3A_378 = vector.extract_strided_slice %get3A_227 {offsets = [8], sizes = [1], strides = [1]} : vector<16xi32> to vector<1xi32>
        %squeeze3A_379 = vector.extract %slice3A_378[0] : i32 from vector<1xi32>
        %slice3A_380 = vector.extract_strided_slice %get3A_231 {offsets = [8], sizes = [1], strides = [1]} : vector<16xf32> to vector<1xf32>
        %squeeze3A_381 = vector.extract %slice3A_380[0] : f32 from vector<1xf32>
        %broadcast_in_dim3A_382 = vector.broadcast %squeeze3A_381 : f32 to vector<16xf32>
        %get3A_383 = arith.index_cast %add3A_377 : i32 to index
        %get3A_384 = arith.constant 0 : index
        %get3A_385 = tpu.vector_load %arg12[%get3A_383, %get3A_384] {strides = array<i32>} : memref<128x16xf32, #tpu.memory_space<vmem>>, vector<16xf32>,
        %mul3A_386 = arith.mulf %get3A_385, %broadcast_in_dim3A_382 : vector<16xf32>
        %mul3A_387 = arith.constant 8 : i32
        %mul3A_388 = arith.muli %squeeze3A_379, %mul3A_387 : i32
        %broadcast_in_dim3A_389 = vector.broadcast %mul3A_388 : i32 to vector<16xi32>
        %add3A_390 = arith.addi %broadcast_in_dim3A_389, %select_n3A_93 : vector<16xi32>
        tpu.vector_store_idx %arg13[%add3A_390], %mul3A_386 masked %eq3A_71 {add = true} : memref<81920xf32, #tpu.memory_space<vmem>>[vector<16xi32>], vector<16xf32>, vector<16xi1>
        %broadcast_in_dim3A_391 = vector.broadcast %squeeze3A_379 : i32 to vector<16xi32>
        tpu.vector_store_idx %arg14[%broadcast_in_dim3A_391], %broadcast_in_dim3A_382 masked %eq3A_38 {add = true} : memref<10240xf32, #tpu.memory_space<vmem>>[vector<16xi32>], vector<16xf32>, vector<16xi1>
        %mul3A_392 = arith.constant 16 : i32
        %mul3A_393 = arith.muli %mul3A_392, %add3A_223 : i32
        %add3A_394 = arith.constant 9 : i32
        %add3A_395 = arith.addi %mul3A_393, %add3A_394 : i32
        %slice3A_396 = vector.extract_strided_slice %get3A_227 {offsets = [9], sizes = [1], strides = [1]} : vector<16xi32> to vector<1xi32>
        %squeeze3A_397 = vector.extract %slice3A_396[0] : i32 from vector<1xi32>
        %slice3A_398 = vector.extract_strided_slice %get3A_231 {offsets = [9], sizes = [1], strides = [1]} : vector<16xf32> to vector<1xf32>
        %squeeze3A_399 = vector.extract %slice3A_398[0] : f32 from vector<1xf32>
        %broadcast_in_dim3A_400 = vector.broadcast %squeeze3A_399 : f32 to vector<16xf32>
        %get3A_401 = arith.index_cast %add3A_395 : i32 to index
        %get3A_402 = arith.constant 0 : index
        %get3A_403 = tpu.vector_load %arg12[%get3A_401, %get3A_402] {strides = array<i32>} : memref<128x16xf32, #tpu.memory_space<vmem>>, vector<16xf32>,
        %mul3A_404 = arith.mulf %get3A_403, %broadcast_in_dim3A_400 : vector<16xf32>
        %mul3A_405 = arith.constant 8 : i32
        %mul3A_406 = arith.muli %squeeze3A_397, %mul3A_405 : i32
        %broadcast_in_dim3A_407 = vector.broadcast %mul3A_406 : i32 to vector<16xi32>
        %add3A_408 = arith.addi %broadcast_in_dim3A_407, %select_n3A_93 : vector<16xi32>
        tpu.vector_store_idx %arg13[%add3A_408], %mul3A_404 masked %eq3A_71 {add = true} : memref<81920xf32, #tpu.memory_space<vmem>>[vector<16xi32>], vector<16xf32>, vector<16xi1>
        %broadcast_in_dim3A_409 = vector.broadcast %squeeze3A_397 : i32 to vector<16xi32>
        tpu.vector_store_idx %arg14[%broadcast_in_dim3A_409], %broadcast_in_dim3A_400 masked %eq3A_38 {add = true} : memref<10240xf32, #tpu.memory_space<vmem>>[vector<16xi32>], vector<16xf32>, vector<16xi1>
        %mul3A_410 = arith.constant 16 : i32
        %mul3A_411 = arith.muli %mul3A_410, %add3A_223 : i32
        %add3A_412 = arith.constant 10 : i32
        %add3A_413 = arith.addi %mul3A_411, %add3A_412 : i32
        %slice3A_414 = vector.extract_strided_slice %get3A_227 {offsets = [10], sizes = [1], strides = [1]} : vector<16xi32> to vector<1xi32>
        %squeeze3A_415 = vector.extract %slice3A_414[0] : i32 from vector<1xi32>
        %slice3A_416 = vector.extract_strided_slice %get3A_231 {offsets = [10], sizes = [1], strides = [1]} : vector<16xf32> to vector<1xf32>
        %squeeze3A_417 = vector.extract %slice3A_416[0] : f32 from vector<1xf32>
        %broadcast_in_dim3A_418 = vector.broadcast %squeeze3A_417 : f32 to vector<16xf32>
        %get3A_419 = arith.index_cast %add3A_413 : i32 to index
        %get3A_420 = arith.constant 0 : index
        %get3A_421 = tpu.vector_load %arg12[%get3A_419, %get3A_420] {strides = array<i32>} : memref<128x16xf32, #tpu.memory_space<vmem>>, vector<16xf32>,
        %mul3A_422 = arith.mulf %get3A_421, %broadcast_in_dim3A_418 : vector<16xf32>
        %mul3A_423 = arith.constant 8 : i32
        %mul3A_424 = arith.muli %squeeze3A_415, %mul3A_423 : i32
        %broadcast_in_dim3A_425 = vector.broadcast %mul3A_424 : i32 to vector<16xi32>
        %add3A_426 = arith.addi %broadcast_in_dim3A_425, %select_n3A_93 : vector<16xi32>
        tpu.vector_store_idx %arg13[%add3A_426], %mul3A_422 masked %eq3A_71 {add = true} : memref<81920xf32, #tpu.memory_space<vmem>>[vector<16xi32>], vector<16xf32>, vector<16xi1>
        %broadcast_in_dim3A_427 = vector.broadcast %squeeze3A_415 : i32 to vector<16xi32>
        tpu.vector_store_idx %arg14[%broadcast_in_dim3A_427], %broadcast_in_dim3A_418 masked %eq3A_38 {add = true} : memref<10240xf32, #tpu.memory_space<vmem>>[vector<16xi32>], vector<16xf32>, vector<16xi1>
        %mul3A_428 = arith.constant 16 : i32
        %mul3A_429 = arith.muli %mul3A_428, %add3A_223 : i32
        %add3A_430 = arith.constant 11 : i32
        %add3A_431 = arith.addi %mul3A_429, %add3A_430 : i32
        %slice3A_432 = vector.extract_strided_slice %get3A_227 {offsets = [11], sizes = [1], strides = [1]} : vector<16xi32> to vector<1xi32>
        %squeeze3A_433 = vector.extract %slice3A_432[0] : i32 from vector<1xi32>
        %slice3A_434 = vector.extract_strided_slice %get3A_231 {offsets = [11], sizes = [1], strides = [1]} : vector<16xf32> to vector<1xf32>
        %squeeze3A_435 = vector.extract %slice3A_434[0] : f32 from vector<1xf32>
        %broadcast_in_dim3A_436 = vector.broadcast %squeeze3A_435 : f32 to vector<16xf32>
        %get3A_437 = arith.index_cast %add3A_431 : i32 to index
        %get3A_438 = arith.constant 0 : index
        %get3A_439 = tpu.vector_load %arg12[%get3A_437, %get3A_438] {strides = array<i32>} : memref<128x16xf32, #tpu.memory_space<vmem>>, vector<16xf32>,
        %mul3A_440 = arith.mulf %get3A_439, %broadcast_in_dim3A_436 : vector<16xf32>
        %mul3A_441 = arith.constant 8 : i32
        %mul3A_442 = arith.muli %squeeze3A_433, %mul3A_441 : i32
        %broadcast_in_dim3A_443 = vector.broadcast %mul3A_442 : i32 to vector<16xi32>
        %add3A_444 = arith.addi %broadcast_in_dim3A_443, %select_n3A_93 : vector<16xi32>
        tpu.vector_store_idx %arg13[%add3A_444], %mul3A_440 masked %eq3A_71 {add = true} : memref<81920xf32, #tpu.memory_space<vmem>>[vector<16xi32>], vector<16xf32>, vector<16xi1>
        %broadcast_in_dim3A_445 = vector.broadcast %squeeze3A_433 : i32 to vector<16xi32>
        tpu.vector_store_idx %arg14[%broadcast_in_dim3A_445], %broadcast_in_dim3A_436 masked %eq3A_38 {add = true} : memref<10240xf32, #tpu.memory_space<vmem>>[vector<16xi32>], vector<16xf32>, vector<16xi1>
        %mul3A_446 = arith.constant 16 : i32
        %mul3A_447 = arith.muli %mul3A_446, %add3A_223 : i32
        %add3A_448 = arith.constant 12 : i32
        %add3A_449 = arith.addi %mul3A_447, %add3A_448 : i32
        %slice3A_450 = vector.extract_strided_slice %get3A_227 {offsets = [12], sizes = [1], strides = [1]} : vector<16xi32> to vector<1xi32>
        %squeeze3A_451 = vector.extract %slice3A_450[0] : i32 from vector<1xi32>
        %slice3A_452 = vector.extract_strided_slice %get3A_231 {offsets = [12], sizes = [1], strides = [1]} : vector<16xf32> to vector<1xf32>
        %squeeze3A_453 = vector.extract %slice3A_452[0] : f32 from vector<1xf32>
        %broadcast_in_dim3A_454 = vector.broadcast %squeeze3A_453 : f32 to vector<16xf32>
        %get3A_455 = arith.index_cast %add3A_449 : i32 to index
        %get3A_456 = arith.constant 0 : index
        %get3A_457 = tpu.vector_load %arg12[%get3A_455, %get3A_456] {strides = array<i32>} : memref<128x16xf32, #tpu.memory_space<vmem>>, vector<16xf32>,
        %mul3A_458 = arith.mulf %get3A_457, %broadcast_in_dim3A_454 : vector<16xf32>
        %mul3A_459 = arith.constant 8 : i32
        %mul3A_460 = arith.muli %squeeze3A_451, %mul3A_459 : i32
        %broadcast_in_dim3A_461 = vector.broadcast %mul3A_460 : i32 to vector<16xi32>
        %add3A_462 = arith.addi %broadcast_in_dim3A_461, %select_n3A_93 : vector<16xi32>
        tpu.vector_store_idx %arg13[%add3A_462], %mul3A_458 masked %eq3A_71 {add = true} : memref<81920xf32, #tpu.memory_space<vmem>>[vector<16xi32>], vector<16xf32>, vector<16xi1>
        %broadcast_in_dim3A_463 = vector.broadcast %squeeze3A_451 : i32 to vector<16xi32>
        tpu.vector_store_idx %arg14[%broadcast_in_dim3A_463], %broadcast_in_dim3A_454 masked %eq3A_38 {add = true} : memref<10240xf32, #tpu.memory_space<vmem>>[vector<16xi32>], vector<16xf32>, vector<16xi1>
        %mul3A_464 = arith.constant 16 : i32
        %mul3A_465 = arith.muli %mul3A_464, %add3A_223 : i32
        %add3A_466 = arith.constant 13 : i32
        %add3A_467 = arith.addi %mul3A_465, %add3A_466 : i32
        %slice3A_468 = vector.extract_strided_slice %get3A_227 {offsets = [13], sizes = [1], strides = [1]} : vector<16xi32> to vector<1xi32>
        %squeeze3A_469 = vector.extract %slice3A_468[0] : i32 from vector<1xi32>
        %slice3A_470 = vector.extract_strided_slice %get3A_231 {offsets = [13], sizes = [1], strides = [1]} : vector<16xf32> to vector<1xf32>
        %squeeze3A_471 = vector.extract %slice3A_470[0] : f32 from vector<1xf32>
        %broadcast_in_dim3A_472 = vector.broadcast %squeeze3A_471 : f32 to vector<16xf32>
        %get3A_473 = arith.index_cast %add3A_467 : i32 to index
        %get3A_474 = arith.constant 0 : index
        %get3A_475 = tpu.vector_load %arg12[%get3A_473, %get3A_474] {strides = array<i32>} : memref<128x16xf32, #tpu.memory_space<vmem>>, vector<16xf32>,
        %mul3A_476 = arith.mulf %get3A_475, %broadcast_in_dim3A_472 : vector<16xf32>
        %mul3A_477 = arith.constant 8 : i32
        %mul3A_478 = arith.muli %squeeze3A_469, %mul3A_477 : i32
        %broadcast_in_dim3A_479 = vector.broadcast %mul3A_478 : i32 to vector<16xi32>
        %add3A_480 = arith.addi %broadcast_in_dim3A_479, %select_n3A_93 : vector<16xi32>
        tpu.vector_store_idx %arg13[%add3A_480], %mul3A_476 masked %eq3A_71 {add = true} : memref<81920xf32, #tpu.memory_space<vmem>>[vector<16xi32>], vector<16xf32>, vector<16xi1>
        %broadcast_in_dim3A_481 = vector.broadcast %squeeze3A_469 : i32 to vector<16xi32>
        tpu.vector_store_idx %arg14[%broadcast_in_dim3A_481], %broadcast_in_dim3A_472 masked %eq3A_38 {add = true} : memref<10240xf32, #tpu.memory_space<vmem>>[vector<16xi32>], vector<16xf32>, vector<16xi1>
        %mul3A_482 = arith.constant 16 : i32
        %mul3A_483 = arith.muli %mul3A_482, %add3A_223 : i32
        %add3A_484 = arith.constant 14 : i32
        %add3A_485 = arith.addi %mul3A_483, %add3A_484 : i32
        %slice3A_486 = vector.extract_strided_slice %get3A_227 {offsets = [14], sizes = [1], strides = [1]} : vector<16xi32> to vector<1xi32>
        %squeeze3A_487 = vector.extract %slice3A_486[0] : i32 from vector<1xi32>
        %slice3A_488 = vector.extract_strided_slice %get3A_231 {offsets = [14], sizes = [1], strides = [1]} : vector<16xf32> to vector<1xf32>
        %squeeze3A_489 = vector.extract %slice3A_488[0] : f32 from vector<1xf32>
        %broadcast_in_dim3A_490 = vector.broadcast %squeeze3A_489 : f32 to vector<16xf32>
        %get3A_491 = arith.index_cast %add3A_485 : i32 to index
        %get3A_492 = arith.constant 0 : index
        %get3A_493 = tpu.vector_load %arg12[%get3A_491, %get3A_492] {strides = array<i32>} : memref<128x16xf32, #tpu.memory_space<vmem>>, vector<16xf32>,
        %mul3A_494 = arith.mulf %get3A_493, %broadcast_in_dim3A_490 : vector<16xf32>
        %mul3A_495 = arith.constant 8 : i32
        %mul3A_496 = arith.muli %squeeze3A_487, %mul3A_495 : i32
        %broadcast_in_dim3A_497 = vector.broadcast %mul3A_496 : i32 to vector<16xi32>
        %add3A_498 = arith.addi %broadcast_in_dim3A_497, %select_n3A_93 : vector<16xi32>
        tpu.vector_store_idx %arg13[%add3A_498], %mul3A_494 masked %eq3A_71 {add = true} : memref<81920xf32, #tpu.memory_space<vmem>>[vector<16xi32>], vector<16xf32>, vector<16xi1>
        %broadcast_in_dim3A_499 = vector.broadcast %squeeze3A_487 : i32 to vector<16xi32>
        tpu.vector_store_idx %arg14[%broadcast_in_dim3A_499], %broadcast_in_dim3A_490 masked %eq3A_38 {add = true} : memref<10240xf32, #tpu.memory_space<vmem>>[vector<16xi32>], vector<16xf32>, vector<16xi1>
        %mul3A_500 = arith.constant 16 : i32
        %mul3A_501 = arith.muli %mul3A_500, %add3A_223 : i32
        %add3A_502 = arith.constant 15 : i32
        %add3A_503 = arith.addi %mul3A_501, %add3A_502 : i32
        %slice3A_504 = vector.extract_strided_slice %get3A_227 {offsets = [15], sizes = [1], strides = [1]} : vector<16xi32> to vector<1xi32>
        %squeeze3A_505 = vector.extract %slice3A_504[0] : i32 from vector<1xi32>
        %slice3A_506 = vector.extract_strided_slice %get3A_231 {offsets = [15], sizes = [1], strides = [1]} : vector<16xf32> to vector<1xf32>
        %squeeze3A_507 = vector.extract %slice3A_506[0] : f32 from vector<1xf32>
        %broadcast_in_dim3A_508 = vector.broadcast %squeeze3A_507 : f32 to vector<16xf32>
        %get3A_509 = arith.index_cast %add3A_503 : i32 to index
        %get3A_510 = arith.constant 0 : index
        %get3A_511 = tpu.vector_load %arg12[%get3A_509, %get3A_510] {strides = array<i32>} : memref<128x16xf32, #tpu.memory_space<vmem>>, vector<16xf32>,
        %mul3A_512 = arith.mulf %get3A_511, %broadcast_in_dim3A_508 : vector<16xf32>
        %mul3A_513 = arith.constant 8 : i32
        %mul3A_514 = arith.muli %squeeze3A_505, %mul3A_513 : i32
        %broadcast_in_dim3A_515 = vector.broadcast %mul3A_514 : i32 to vector<16xi32>
        %add3A_516 = arith.addi %broadcast_in_dim3A_515, %select_n3A_93 : vector<16xi32>
        tpu.vector_store_idx %arg13[%add3A_516], %mul3A_512 masked %eq3A_71 {add = true} : memref<81920xf32, #tpu.memory_space<vmem>>[vector<16xi32>], vector<16xf32>, vector<16xi1>
        %broadcast_in_dim3A_517 = vector.broadcast %squeeze3A_505 : i32 to vector<16xi32>
        tpu.vector_store_idx %arg14[%broadcast_in_dim3A_517], %broadcast_in_dim3A_508 masked %eq3A_38 {add = true} : memref<10240xf32, #tpu.memory_space<vmem>>[vector<16xi32>], vector<16xf32>, vector<16xi1>
      }
      %scan3A_218 = arith.constant 8 : i32
    }
    %scan3A_108 = arith.constant 1344 : i32
    %mul3A_109 = arith.constant 10240 : i32
    %mul3A_110 = arith.muli %add3A, %mul3A_109 : i32
    %mul3A_111 = arith.constant 8 : i32
    %mul3A_112 = arith.muli %mul3A_110, %mul3A_111 : i32
    "tpu.region"() ({
      %run_scoped3A = tpu.sem_alloc : memref<!tpu.dma_semaphore, #tpu.memory_space<semaphore_mem>>
      %dma_start3A = tpu.memref_slice %arg6[%mul3A_112] : memref<2621440xf32, #tpu.memory_space<hbm>> -> memref<81920xf32, #tpu.memory_space<hbm>>
      %dma_start3A_113 = tpu.memref_slice %arg6[%mul3A_112] : memref<2621440xf32, #tpu.memory_space<hbm>> -> memref<81920xf32, #tpu.memory_space<hbm>>
      tpu.enqueue_dma source(%arg13 : memref<81920xf32, #tpu.memory_space<vmem>>) target(%dma_start3A_113 : memref<81920xf32, #tpu.memory_space<hbm>>) target_semaphore(%run_scoped3A : memref<!tpu.dma_semaphore, #tpu.memory_space<semaphore_mem>>)
      %dma_wait3A = tpu.memref_slice %arg6[%mul3A_112] : memref<2621440xf32, #tpu.memory_space<hbm>> -> memref<81920xf32, #tpu.memory_space<hbm>>
      %dma_wait3A_114 = tpu.memref_slice %arg6[%mul3A_112] : memref<2621440xf32, #tpu.memory_space<hbm>> -> memref<81920xf32, #tpu.memory_space<hbm>>
      tpu.wait_dma2 semaphore(%run_scoped3A : memref<!tpu.dma_semaphore, #tpu.memory_space<semaphore_mem>>) src(%arg13 : memref<81920xf32, #tpu.memory_space<vmem>>) dst(%dma_wait3A_114 : memref<81920xf32, #tpu.memory_space<hbm>>)
      tpu.yield
    }) : () -> ()
    "tpu.region"() ({
      %run_scoped3A = tpu.sem_alloc : memref<!tpu.dma_semaphore, #tpu.memory_space<semaphore_mem>>
      tpu.enqueue_dma source(%arg14 : memref<10240xf32, #tpu.memory_space<vmem>>) target(%arg7 : memref<10240xf32, #tpu.memory_space<hbm>>) target_semaphore(%run_scoped3A : memref<!tpu.dma_semaphore, #tpu.memory_space<semaphore_mem>>)
      tpu.wait_dma2 semaphore(%run_scoped3A : memref<!tpu.dma_semaphore, #tpu.memory_space<semaphore_mem>>) src(%arg14 : memref<10240xf32, #tpu.memory_space<vmem>>) dst(%arg7 : memref<10240xf32, #tpu.memory_space<hbm>>)
      tpu.yield
    }) : () -> ()
    return
  }
}

#map = affine_map<(d0, d1) -> (0, 0)>
#map1 = affine_map<(d0, d1) -> (0)>
module attributes {stable_mosaic.version = 14 : i64} {
  func.func @_sc_logits(%arg0: i32, %arg1: i32, %arg2: memref<20480x128xf32, #tpu.memory_space<hbm>>, %arg3: memref<20480x128xf32, #tpu.memory_space<hbm>>, %arg4: memref<172032xi32, #tpu.memory_space<hbm>>, %arg5: memref<172032xi32, #tpu.memory_space<hbm>>, %arg6: memref<256xf32, #tpu.memory_space<hbm>>, %arg7: memref<344064x16xf32, #tpu.memory_space<hbm>>, %arg8: memref<128xi32, #tpu.memory_space<vmem>>, %arg9: memref<128xi32, #tpu.memory_space<vmem>>, %arg10: memref<128xi32, #tpu.memory_space<vmem>>, %arg11: memref<128x128xf32, #tpu.memory_space<vmem>>, %arg12: memref<128x128xf32, #tpu.memory_space<vmem>>, %arg13: memref<128x16xf32, #tpu.memory_space<vmem>>, %arg14: memref<128xf32, #tpu.memory_space<vmem>>) attributes {dimension_semantics = [#tpu.dimension_semantics<core_parallel>, #tpu.dimension_semantics<subcore_parallel>], iteration_bounds = array<i64: 2, 16>, scalar_prefetch = 0 : i64, scratch_operands = 7 : i64, tpu.core_type = #tpu.core_type<sc_vector_subcore>, window_params = [{transform_indices = #map}, {transform_indices = #map}, {transform_indices = #map1}, {transform_indices = #map1}, {transform_indices = #map1}, {transform_indices = #map}]} {
    %mul3A = arith.constant 10240 : i32
    %mul3A_0 = arith.muli %arg0, %mul3A : i32
    %mul3A_1 = arith.constant 128 : i32
    %mul3A_2 = arith.muli %arg0, %mul3A_1 : i32
    "tpu.region"() ({
      %run_scoped3A = tpu.sem_alloc : memref<!tpu.dma_semaphore, #tpu.memory_space<semaphore_mem>>
      %dma_start3A = tpu.memref_slice %arg6[%mul3A_2] : memref<256xf32, #tpu.memory_space<hbm>> -> memref<128xf32, #tpu.memory_space<hbm>>
      %dma_start3A_32 = tpu.memref_slice %arg6[%mul3A_2] : memref<256xf32, #tpu.memory_space<hbm>> -> memref<128xf32, #tpu.memory_space<hbm>>
      tpu.enqueue_dma source(%dma_start3A_32 : memref<128xf32, #tpu.memory_space<hbm>>) target(%arg14 : memref<128xf32, #tpu.memory_space<vmem>>) target_semaphore(%run_scoped3A : memref<!tpu.dma_semaphore, #tpu.memory_space<semaphore_mem>>)
      %dma_wait3A = tpu.memref_slice %arg6[%mul3A_2] : memref<256xf32, #tpu.memory_space<hbm>> -> memref<128xf32, #tpu.memory_space<hbm>>
      %dma_wait3A_33 = tpu.memref_slice %arg6[%mul3A_2] : memref<256xf32, #tpu.memory_space<hbm>> -> memref<128xf32, #tpu.memory_space<hbm>>
      tpu.wait_dma2 semaphore(%run_scoped3A : memref<!tpu.dma_semaphore, #tpu.memory_space<semaphore_mem>>) src(%dma_wait3A_33 : memref<128xf32, #tpu.memory_space<hbm>>) dst(%arg14 : memref<128xf32, #tpu.memory_space<vmem>>)
      tpu.yield
    }) : () -> ()
    %get3A = arith.constant 0 : index
    %get3A_3 = tpu.vector_load %arg14[%get3A] {strides = array<i32>} : memref<128xf32, #tpu.memory_space<vmem>>, vector<16xf32>,
    %get3A_4 = vector.shape_cast %get3A_3 : vector<16xf32> to vector<16xf32>
    %get3A_5 = arith.constant 16 : index
    %get3A_6 = tpu.vector_load %arg14[%get3A_5] {strides = array<i32>} : memref<128xf32, #tpu.memory_space<vmem>>, vector<16xf32>,
    %get3A_7 = vector.shape_cast %get3A_6 : vector<16xf32> to vector<16xf32>
    %get3A_8 = arith.constant 32 : index
    %get3A_9 = tpu.vector_load %arg14[%get3A_8] {strides = array<i32>} : memref<128xf32, #tpu.memory_space<vmem>>, vector<16xf32>,
    %get3A_10 = vector.shape_cast %get3A_9 : vector<16xf32> to vector<16xf32>
    %get3A_11 = arith.constant 48 : index
    %get3A_12 = tpu.vector_load %arg14[%get3A_11] {strides = array<i32>} : memref<128xf32, #tpu.memory_space<vmem>>, vector<16xf32>,
    %get3A_13 = vector.shape_cast %get3A_12 : vector<16xf32> to vector<16xf32>
    %get3A_14 = arith.constant 64 : index
    %get3A_15 = tpu.vector_load %arg14[%get3A_14] {strides = array<i32>} : memref<128xf32, #tpu.memory_space<vmem>>, vector<16xf32>,
    %get3A_16 = vector.shape_cast %get3A_15 : vector<16xf32> to vector<16xf32>
    %get3A_17 = arith.constant 80 : index
    %get3A_18 = tpu.vector_load %arg14[%get3A_17] {strides = array<i32>} : memref<128xf32, #tpu.memory_space<vmem>>, vector<16xf32>,
    %get3A_19 = vector.shape_cast %get3A_18 : vector<16xf32> to vector<16xf32>
    %get3A_20 = arith.constant 96 : index
    %get3A_21 = tpu.vector_load %arg14[%get3A_20] {strides = array<i32>} : memref<128xf32, #tpu.memory_space<vmem>>, vector<16xf32>,
    %get3A_22 = vector.shape_cast %get3A_21 : vector<16xf32> to vector<16xf32>
    %get3A_23 = arith.constant 112 : index
    %get3A_24 = tpu.vector_load %arg14[%get3A_23] {strides = array<i32>} : memref<128xf32, #tpu.memory_space<vmem>>, vector<16xf32>,
    %get3A_25 = vector.shape_cast %get3A_24 : vector<16xf32> to vector<16xf32>
    %mul3A_26 = arith.constant 10752 : i32
    %mul3A_27 = arith.muli %arg1, %mul3A_26 : i32
    %scan3A = arith.constant 0 : i32
    %scan3A_28 = arith.constant 84 : i32
    %scan3A_29 = arith.addi %scan3A, %scan3A_28 : i32
    %scan3A_30 = arith.constant 1 : i32
    scf.for %scan3A_32 = %scan3A to %scan3A_29 step %scan3A_30  : i32 {
      %mul3A_33 = arith.constant 1 : i32
      %mul3A_34 = arith.muli %scan3A_32, %mul3A_33 : i32
      %add3A = arith.constant 0 : i32
      %add3A_35 = arith.addi %add3A, %mul3A_34 : i32
      %mul3A_36 = arith.constant 128 : i32
      %mul3A_37 = arith.muli %add3A_35, %mul3A_36 : i32
      %add3A_38 = arith.addi %mul3A_27, %mul3A_37 : i32
      "tpu.region"() ({
        %run_scoped3A = tpu.sem_alloc : memref<!tpu.dma_semaphore, #tpu.memory_space<semaphore_mem>>
        %dma_start3A = tpu.memref_slice %arg4[%add3A_38] : memref<172032xi32, #tpu.memory_space<hbm>> -> memref<128xi32, #tpu.memory_space<hbm>>
        %dma_start3A_190 = tpu.memref_slice %arg4[%add3A_38] : memref<172032xi32, #tpu.memory_space<hbm>> -> memref<128xi32, #tpu.memory_space<hbm>>
        tpu.enqueue_dma source(%dma_start3A_190 : memref<128xi32, #tpu.memory_space<hbm>>) target(%arg8 : memref<128xi32, #tpu.memory_space<vmem>>) target_semaphore(%run_scoped3A : memref<!tpu.dma_semaphore, #tpu.memory_space<semaphore_mem>>)
        %dma_wait3A = tpu.memref_slice %arg4[%add3A_38] : memref<172032xi32, #tpu.memory_space<hbm>> -> memref<128xi32, #tpu.memory_space<hbm>>
        %dma_wait3A_191 = tpu.memref_slice %arg4[%add3A_38] : memref<172032xi32, #tpu.memory_space<hbm>> -> memref<128xi32, #tpu.memory_space<hbm>>
        tpu.wait_dma2 semaphore(%run_scoped3A : memref<!tpu.dma_semaphore, #tpu.memory_space<semaphore_mem>>) src(%dma_wait3A_191 : memref<128xi32, #tpu.memory_space<hbm>>) dst(%arg8 : memref<128xi32, #tpu.memory_space<vmem>>)
        tpu.yield
      }) : () -> ()
      "tpu.region"() ({
        %run_scoped3A = tpu.sem_alloc : memref<!tpu.dma_semaphore, #tpu.memory_space<semaphore_mem>>
        %dma_start3A = tpu.memref_slice %arg5[%add3A_38] : memref<172032xi32, #tpu.memory_space<hbm>> -> memref<128xi32, #tpu.memory_space<hbm>>
        %dma_start3A_190 = tpu.memref_slice %arg5[%add3A_38] : memref<172032xi32, #tpu.memory_space<hbm>> -> memref<128xi32, #tpu.memory_space<hbm>>
        tpu.enqueue_dma source(%dma_start3A_190 : memref<128xi32, #tpu.memory_space<hbm>>) target(%arg10 : memref<128xi32, #tpu.memory_space<vmem>>) target_semaphore(%run_scoped3A : memref<!tpu.dma_semaphore, #tpu.memory_space<semaphore_mem>>)
        %dma_wait3A = tpu.memref_slice %arg5[%add3A_38] : memref<172032xi32, #tpu.memory_space<hbm>> -> memref<128xi32, #tpu.memory_space<hbm>>
        %dma_wait3A_191 = tpu.memref_slice %arg5[%add3A_38] : memref<172032xi32, #tpu.memory_space<hbm>> -> memref<128xi32, #tpu.memory_space<hbm>>
        tpu.wait_dma2 semaphore(%run_scoped3A : memref<!tpu.dma_semaphore, #tpu.memory_space<semaphore_mem>>) src(%dma_wait3A_191 : memref<128xi32, #tpu.memory_space<hbm>>) dst(%arg10 : memref<128xi32, #tpu.memory_space<vmem>>)
        tpu.yield
      }) : () -> ()
      %get3A_39 = arith.constant 0 : index
      %get3A_40 = tpu.vector_load %arg8[%get3A_39] {strides = array<i32>} : memref<128xi32, #tpu.memory_space<vmem>>, vector<16xi32>,
      %get3A_41 = vector.shape_cast %get3A_40 : vector<16xi32> to vector<16xi32>
      %add3A_42 = vector.broadcast %mul3A_0 : i32 to vector<16xi32>
      %add3A_43 = arith.addi %get3A_41, %add3A_42 : vector<16xi32>
      %swap3A = arith.constant 0 : index
      %swap3A_44 = tpu.vector_load %arg9[%swap3A] {strides = array<i32>} : memref<128xi32, #tpu.memory_space<vmem>>, vector<16xi32>,
      %swap3A_45 = vector.shape_cast %swap3A_44 : vector<16xi32> to vector<16xi32>
      %swap3A_46 = vector.shape_cast %add3A_43 : vector<16xi32> to vector<16xi32>
      tpu.vector_store %arg9[%swap3A], %swap3A_46 {strides = array<i32>} : memref<128xi32, #tpu.memory_space<vmem>>, vector<16xi32>,
      %get3A_47 = arith.constant 0 : index
      %get3A_48 = tpu.vector_load %arg10[%get3A_47] {strides = array<i32>} : memref<128xi32, #tpu.memory_space<vmem>>, vector<16xi32>,
      %get3A_49 = vector.shape_cast %get3A_48 : vector<16xi32> to vector<16xi32>
      %add3A_50 = vector.broadcast %mul3A_0 : i32 to vector<16xi32>
      %add3A_51 = arith.addi %get3A_49, %add3A_50 : vector<16xi32>
      %swap3A_52 = arith.constant 0 : index
      %swap3A_53 = tpu.vector_load %arg10[%swap3A_52] {strides = array<i32>} : memref<128xi32, #tpu.memory_space<vmem>>, vector<16xi32>,
      %swap3A_54 = vector.shape_cast %swap3A_53 : vector<16xi32> to vector<16xi32>
      %swap3A_55 = vector.shape_cast %add3A_51 : vector<16xi32> to vector<16xi32>
      tpu.vector_store %arg10[%swap3A_52], %swap3A_55 {strides = array<i32>} : memref<128xi32, #tpu.memory_space<vmem>>, vector<16xi32>,
      %get3A_56 = arith.constant 16 : index
      %get3A_57 = tpu.vector_load %arg8[%get3A_56] {strides = array<i32>} : memref<128xi32, #tpu.memory_space<vmem>>, vector<16xi32>,
      %get3A_58 = vector.shape_cast %get3A_57 : vector<16xi32> to vector<16xi32>
      %add3A_59 = vector.broadcast %mul3A_0 : i32 to vector<16xi32>
      %add3A_60 = arith.addi %get3A_58, %add3A_59 : vector<16xi32>
      %swap3A_61 = arith.constant 16 : index
      %swap3A_62 = tpu.vector_load %arg9[%swap3A_61] {strides = array<i32>} : memref<128xi32, #tpu.memory_space<vmem>>, vector<16xi32>,
      %swap3A_63 = vector.shape_cast %swap3A_62 : vector<16xi32> to vector<16xi32>
      %swap3A_64 = vector.shape_cast %add3A_60 : vector<16xi32> to vector<16xi32>
      tpu.vector_store %arg9[%swap3A_61], %swap3A_64 {strides = array<i32>} : memref<128xi32, #tpu.memory_space<vmem>>, vector<16xi32>,
      %get3A_65 = arith.constant 16 : index
      %get3A_66 = tpu.vector_load %arg10[%get3A_65] {strides = array<i32>} : memref<128xi32, #tpu.memory_space<vmem>>, vector<16xi32>,
      %get3A_67 = vector.shape_cast %get3A_66 : vector<16xi32> to vector<16xi32>
      %add3A_68 = vector.broadcast %mul3A_0 : i32 to vector<16xi32>
      %add3A_69 = arith.addi %get3A_67, %add3A_68 : vector<16xi32>
      %swap3A_70 = arith.constant 16 : index
      %swap3A_71 = tpu.vector_load %arg10[%swap3A_70] {strides = array<i32>} : memref<128xi32, #tpu.memory_space<vmem>>, vector<16xi32>,
      %swap3A_72 = vector.shape_cast %swap3A_71 : vector<16xi32> to vector<16xi32>
      %swap3A_73 = vector.shape_cast %add3A_69 : vector<16xi32> to vector<16xi32>
      tpu.vector_store %arg10[%swap3A_70], %swap3A_73 {strides = array<i32>} : memref<128xi32, #tpu.memory_space<vmem>>, vector<16xi32>,
      %get3A_74 = arith.constant 32 : index
      %get3A_75 = tpu.vector_load %arg8[%get3A_74] {strides = array<i32>} : memref<128xi32, #tpu.memory_space<vmem>>, vector<16xi32>,
      %get3A_76 = vector.shape_cast %get3A_75 : vector<16xi32> to vector<16xi32>
      %add3A_77 = vector.broadcast %mul3A_0 : i32 to vector<16xi32>
      %add3A_78 = arith.addi %get3A_76, %add3A_77 : vector<16xi32>
      %swap3A_79 = arith.constant 32 : index
      %swap3A_80 = tpu.vector_load %arg9[%swap3A_79] {strides = array<i32>} : memref<128xi32, #tpu.memory_space<vmem>>, vector<16xi32>,
      %swap3A_81 = vector.shape_cast %swap3A_80 : vector<16xi32> to vector<16xi32>
      %swap3A_82 = vector.shape_cast %add3A_78 : vector<16xi32> to vector<16xi32>
      tpu.vector_store %arg9[%swap3A_79], %swap3A_82 {strides = array<i32>} : memref<128xi32, #tpu.memory_space<vmem>>, vector<16xi32>,
      %get3A_83 = arith.constant 32 : index
      %get3A_84 = tpu.vector_load %arg10[%get3A_83] {strides = array<i32>} : memref<128xi32, #tpu.memory_space<vmem>>, vector<16xi32>,
      %get3A_85 = vector.shape_cast %get3A_84 : vector<16xi32> to vector<16xi32>
      %add3A_86 = vector.broadcast %mul3A_0 : i32 to vector<16xi32>
      %add3A_87 = arith.addi %get3A_85, %add3A_86 : vector<16xi32>
      %swap3A_88 = arith.constant 32 : index
      %swap3A_89 = tpu.vector_load %arg10[%swap3A_88] {strides = array<i32>} : memref<128xi32, #tpu.memory_space<vmem>>, vector<16xi32>,
      %swap3A_90 = vector.shape_cast %swap3A_89 : vector<16xi32> to vector<16xi32>
      %swap3A_91 = vector.shape_cast %add3A_87 : vector<16xi32> to vector<16xi32>
      tpu.vector_store %arg10[%swap3A_88], %swap3A_91 {strides = array<i32>} : memref<128xi32, #tpu.memory_space<vmem>>, vector<16xi32>,
      %get3A_92 = arith.constant 48 : index
      %get3A_93 = tpu.vector_load %arg8[%get3A_92] {strides = array<i32>} : memref<128xi32, #tpu.memory_space<vmem>>, vector<16xi32>,
      %get3A_94 = vector.shape_cast %get3A_93 : vector<16xi32> to vector<16xi32>
      %add3A_95 = vector.broadcast %mul3A_0 : i32 to vector<16xi32>
      %add3A_96 = arith.addi %get3A_94, %add3A_95 : vector<16xi32>
      %swap3A_97 = arith.constant 48 : index
      %swap3A_98 = tpu.vector_load %arg9[%swap3A_97] {strides = array<i32>} : memref<128xi32, #tpu.memory_space<vmem>>, vector<16xi32>,
      %swap3A_99 = vector.shape_cast %swap3A_98 : vector<16xi32> to vector<16xi32>
      %swap3A_100 = vector.shape_cast %add3A_96 : vector<16xi32> to vector<16xi32>
      tpu.vector_store %arg9[%swap3A_97], %swap3A_100 {strides = array<i32>} : memref<128xi32, #tpu.memory_space<vmem>>, vector<16xi32>,
      %get3A_101 = arith.constant 48 : index
      %get3A_102 = tpu.vector_load %arg10[%get3A_101] {strides = array<i32>} : memref<128xi32, #tpu.memory_space<vmem>>, vector<16xi32>,
      %get3A_103 = vector.shape_cast %get3A_102 : vector<16xi32> to vector<16xi32>
      %add3A_104 = vector.broadcast %mul3A_0 : i32 to vector<16xi32>
      %add3A_105 = arith.addi %get3A_103, %add3A_104 : vector<16xi32>
      %swap3A_106 = arith.constant 48 : index
      %swap3A_107 = tpu.vector_load %arg10[%swap3A_106] {strides = array<i32>} : memref<128xi32, #tpu.memory_space<vmem>>, vector<16xi32>,
      %swap3A_108 = vector.shape_cast %swap3A_107 : vector<16xi32> to vector<16xi32>
      %swap3A_109 = vector.shape_cast %add3A_105 : vector<16xi32> to vector<16xi32>
      tpu.vector_store %arg10[%swap3A_106], %swap3A_109 {strides = array<i32>} : memref<128xi32, #tpu.memory_space<vmem>>, vector<16xi32>,
      %get3A_110 = arith.constant 64 : index
      %get3A_111 = tpu.vector_load %arg8[%get3A_110] {strides = array<i32>} : memref<128xi32, #tpu.memory_space<vmem>>, vector<16xi32>,
      %get3A_112 = vector.shape_cast %get3A_111 : vector<16xi32> to vector<16xi32>
      %add3A_113 = vector.broadcast %mul3A_0 : i32 to vector<16xi32>
      %add3A_114 = arith.addi %get3A_112, %add3A_113 : vector<16xi32>
      %swap3A_115 = arith.constant 64 : index
      %swap3A_116 = tpu.vector_load %arg9[%swap3A_115] {strides = array<i32>} : memref<128xi32, #tpu.memory_space<vmem>>, vector<16xi32>,
      %swap3A_117 = vector.shape_cast %swap3A_116 : vector<16xi32> to vector<16xi32>
      %swap3A_118 = vector.shape_cast %add3A_114 : vector<16xi32> to vector<16xi32>
      tpu.vector_store %arg9[%swap3A_115], %swap3A_118 {strides = array<i32>} : memref<128xi32, #tpu.memory_space<vmem>>, vector<16xi32>,
      %get3A_119 = arith.constant 64 : index
      %get3A_120 = tpu.vector_load %arg10[%get3A_119] {strides = array<i32>} : memref<128xi32, #tpu.memory_space<vmem>>, vector<16xi32>,
      %get3A_121 = vector.shape_cast %get3A_120 : vector<16xi32> to vector<16xi32>
      %add3A_122 = vector.broadcast %mul3A_0 : i32 to vector<16xi32>
      %add3A_123 = arith.addi %get3A_121, %add3A_122 : vector<16xi32>
      %swap3A_124 = arith.constant 64 : index
      %swap3A_125 = tpu.vector_load %arg10[%swap3A_124] {strides = array<i32>} : memref<128xi32, #tpu.memory_space<vmem>>, vector<16xi32>,
      %swap3A_126 = vector.shape_cast %swap3A_125 : vector<16xi32> to vector<16xi32>
      %swap3A_127 = vector.shape_cast %add3A_123 : vector<16xi32> to vector<16xi32>
      tpu.vector_store %arg10[%swap3A_124], %swap3A_127 {strides = array<i32>} : memref<128xi32, #tpu.memory_space<vmem>>, vector<16xi32>,
      %get3A_128 = arith.constant 80 : index
      %get3A_129 = tpu.vector_load %arg8[%get3A_128] {strides = array<i32>} : memref<128xi32, #tpu.memory_space<vmem>>, vector<16xi32>,
      %get3A_130 = vector.shape_cast %get3A_129 : vector<16xi32> to vector<16xi32>
      %add3A_131 = vector.broadcast %mul3A_0 : i32 to vector<16xi32>
      %add3A_132 = arith.addi %get3A_130, %add3A_131 : vector<16xi32>
      %swap3A_133 = arith.constant 80 : index
      %swap3A_134 = tpu.vector_load %arg9[%swap3A_133] {strides = array<i32>} : memref<128xi32, #tpu.memory_space<vmem>>, vector<16xi32>,
      %swap3A_135 = vector.shape_cast %swap3A_134 : vector<16xi32> to vector<16xi32>
      %swap3A_136 = vector.shape_cast %add3A_132 : vector<16xi32> to vector<16xi32>
      tpu.vector_store %arg9[%swap3A_133], %swap3A_136 {strides = array<i32>} : memref<128xi32, #tpu.memory_space<vmem>>, vector<16xi32>,
      %get3A_137 = arith.constant 80 : index
      %get3A_138 = tpu.vector_load %arg10[%get3A_137] {strides = array<i32>} : memref<128xi32, #tpu.memory_space<vmem>>, vector<16xi32>,
      %get3A_139 = vector.shape_cast %get3A_138 : vector<16xi32> to vector<16xi32>
      %add3A_140 = vector.broadcast %mul3A_0 : i32 to vector<16xi32>
      %add3A_141 = arith.addi %get3A_139, %add3A_140 : vector<16xi32>
      %swap3A_142 = arith.constant 80 : index
      %swap3A_143 = tpu.vector_load %arg10[%swap3A_142] {strides = array<i32>} : memref<128xi32, #tpu.memory_space<vmem>>, vector<16xi32>,
      %swap3A_144 = vector.shape_cast %swap3A_143 : vector<16xi32> to vector<16xi32>
      %swap3A_145 = vector.shape_cast %add3A_141 : vector<16xi32> to vector<16xi32>
      tpu.vector_store %arg10[%swap3A_142], %swap3A_145 {strides = array<i32>} : memref<128xi32, #tpu.memory_space<vmem>>, vector<16xi32>,
      %get3A_146 = arith.constant 96 : index
      %get3A_147 = tpu.vector_load %arg8[%get3A_146] {strides = array<i32>} : memref<128xi32, #tpu.memory_space<vmem>>, vector<16xi32>,
      %get3A_148 = vector.shape_cast %get3A_147 : vector<16xi32> to vector<16xi32>
      %add3A_149 = vector.broadcast %mul3A_0 : i32 to vector<16xi32>
      %add3A_150 = arith.addi %get3A_148, %add3A_149 : vector<16xi32>
      %swap3A_151 = arith.constant 96 : index
      %swap3A_152 = tpu.vector_load %arg9[%swap3A_151] {strides = array<i32>} : memref<128xi32, #tpu.memory_space<vmem>>, vector<16xi32>,
      %swap3A_153 = vector.shape_cast %swap3A_152 : vector<16xi32> to vector<16xi32>
      %swap3A_154 = vector.shape_cast %add3A_150 : vector<16xi32> to vector<16xi32>
      tpu.vector_store %arg9[%swap3A_151], %swap3A_154 {strides = array<i32>} : memref<128xi32, #tpu.memory_space<vmem>>, vector<16xi32>,
      %get3A_155 = arith.constant 96 : index
      %get3A_156 = tpu.vector_load %arg10[%get3A_155] {strides = array<i32>} : memref<128xi32, #tpu.memory_space<vmem>>, vector<16xi32>,
      %get3A_157 = vector.shape_cast %get3A_156 : vector<16xi32> to vector<16xi32>
      %add3A_158 = vector.broadcast %mul3A_0 : i32 to vector<16xi32>
      %add3A_159 = arith.addi %get3A_157, %add3A_158 : vector<16xi32>
      %swap3A_160 = arith.constant 96 : index
      %swap3A_161 = tpu.vector_load %arg10[%swap3A_160] {strides = array<i32>} : memref<128xi32, #tpu.memory_space<vmem>>, vector<16xi32>,
      %swap3A_162 = vector.shape_cast %swap3A_161 : vector<16xi32> to vector<16xi32>
      %swap3A_163 = vector.shape_cast %add3A_159 : vector<16xi32> to vector<16xi32>
      tpu.vector_store %arg10[%swap3A_160], %swap3A_163 {strides = array<i32>} : memref<128xi32, #tpu.memory_space<vmem>>, vector<16xi32>,
      %get3A_164 = arith.constant 112 : index
      %get3A_165 = tpu.vector_load %arg8[%get3A_164] {strides = array<i32>} : memref<128xi32, #tpu.memory_space<vmem>>, vector<16xi32>,
      %get3A_166 = vector.shape_cast %get3A_165 : vector<16xi32> to vector<16xi32>
      %add3A_167 = vector.broadcast %mul3A_0 : i32 to vector<16xi32>
      %add3A_168 = arith.addi %get3A_166, %add3A_167 : vector<16xi32>
      %swap3A_169 = arith.constant 112 : index
      %swap3A_170 = tpu.vector_load %arg9[%swap3A_169] {strides = array<i32>} : memref<128xi32, #tpu.memory_space<vmem>>, vector<16xi32>,
      %swap3A_171 = vector.shape_cast %swap3A_170 : vector<16xi32> to vector<16xi32>
      %swap3A_172 = vector.shape_cast %add3A_168 : vector<16xi32> to vector<16xi32>
      tpu.vector_store %arg9[%swap3A_169], %swap3A_172 {strides = array<i32>} : memref<128xi32, #tpu.memory_space<vmem>>, vector<16xi32>,
      %get3A_173 = arith.constant 112 : index
      %get3A_174 = tpu.vector_load %arg10[%get3A_173] {strides = array<i32>} : memref<128xi32, #tpu.memory_space<vmem>>, vector<16xi32>,
      %get3A_175 = vector.shape_cast %get3A_174 : vector<16xi32> to vector<16xi32>
      %add3A_176 = vector.broadcast %mul3A_0 : i32 to vector<16xi32>
      %add3A_177 = arith.addi %get3A_175, %add3A_176 : vector<16xi32>
      %swap3A_178 = arith.constant 112 : index
      %swap3A_179 = tpu.vector_load %arg10[%swap3A_178] {strides = array<i32>} : memref<128xi32, #tpu.memory_space<vmem>>, vector<16xi32>,
      %swap3A_180 = vector.shape_cast %swap3A_179 : vector<16xi32> to vector<16xi32>
      %swap3A_181 = vector.shape_cast %add3A_177 : vector<16xi32> to vector<16xi32>
      tpu.vector_store %arg10[%swap3A_178], %swap3A_181 {strides = array<i32>} : memref<128xi32, #tpu.memory_space<vmem>>, vector<16xi32>,
      "tpu.region"() ({
        %run_scoped3A = tpu.sem_alloc : memref<!tpu.dma_semaphore, #tpu.memory_space<semaphore_mem>>
        %dma_start3A = arith.constant 0 : i32
        %dma_start3A_190 = arith.constant 0 : i32
        %dma_start3A_191 = tpu.memref_slice %arg2[%dma_start3A, %dma_start3A_190] : memref<20480x128xf32, #tpu.memory_space<hbm>> -> memref<20480x128xf32, #tpu.memory_space<hbm>>
        tpu.enqueue_indirect_dma source(%dma_start3A_191 : memref<20480x128xf32, #tpu.memory_space<hbm>>) target(%arg11 : memref<128x128xf32, #tpu.memory_space<vmem>>) offsets(%arg9 : memref<128xi32, #tpu.memory_space<vmem>>) semaphore(%run_scoped3A : memref<!tpu.dma_semaphore, #tpu.memory_space<semaphore_mem>>)
        %dma_wait3A = arith.constant 0 : i32
        %dma_wait3A_192 = arith.constant 0 : i32
        %dma_wait3A_193 = tpu.memref_slice %arg2[%dma_wait3A, %dma_wait3A_192] : memref<20480x128xf32, #tpu.memory_space<hbm>> -> memref<20480x128xf32, #tpu.memory_space<hbm>>
        tpu.wait_indirect_dma semaphore(%run_scoped3A : memref<!tpu.dma_semaphore, #tpu.memory_space<semaphore_mem>>) src(%dma_wait3A_193 : memref<20480x128xf32, #tpu.memory_space<hbm>>) dst(%arg11 : memref<128x128xf32, #tpu.memory_space<vmem>>)
        tpu.yield
      }) : () -> ()
      "tpu.region"() ({
        %run_scoped3A = tpu.sem_alloc : memref<!tpu.dma_semaphore, #tpu.memory_space<semaphore_mem>>
        %dma_start3A = arith.constant 0 : i32
        %dma_start3A_190 = arith.constant 0 : i32
        %dma_start3A_191 = tpu.memref_slice %arg3[%dma_start3A, %dma_start3A_190] : memref<20480x128xf32, #tpu.memory_space<hbm>> -> memref<20480x128xf32, #tpu.memory_space<hbm>>
        tpu.enqueue_indirect_dma source(%dma_start3A_191 : memref<20480x128xf32, #tpu.memory_space<hbm>>) target(%arg12 : memref<128x128xf32, #tpu.memory_space<vmem>>) offsets(%arg10 : memref<128xi32, #tpu.memory_space<vmem>>) semaphore(%run_scoped3A : memref<!tpu.dma_semaphore, #tpu.memory_space<semaphore_mem>>)
        %dma_wait3A = arith.constant 0 : i32
        %dma_wait3A_192 = arith.constant 0 : i32
        %dma_wait3A_193 = tpu.memref_slice %arg3[%dma_wait3A, %dma_wait3A_192] : memref<20480x128xf32, #tpu.memory_space<hbm>> -> memref<20480x128xf32, #tpu.memory_space<hbm>>
        tpu.wait_indirect_dma semaphore(%run_scoped3A : memref<!tpu.dma_semaphore, #tpu.memory_space<semaphore_mem>>) src(%dma_wait3A_193 : memref<20480x128xf32, #tpu.memory_space<hbm>>) dst(%arg12 : memref<128x128xf32, #tpu.memory_space<vmem>>)
        tpu.yield
      }) : () -> ()
      %scan3A_182 = arith.constant 0 : i32
      %scan3A_183 = arith.constant 128 : i32
      %scan3A_184 = arith.addi %scan3A_182, %scan3A_183 : i32
      %scan3A_185 = arith.constant 1 : i32
      scf.for %scan3A_190 = %scan3A_182 to %scan3A_184 step %scan3A_185  : i32 {
        %mul3A_191 = arith.constant 1 : i32
        %mul3A_192 = arith.muli %scan3A_190, %mul3A_191 : i32
        %add3A_193 = arith.constant 0 : i32
        %add3A_194 = arith.addi %add3A_193, %mul3A_192 : i32
        %get3A_195 = arith.constant 0 : i32
        %get3A_196 = tpu.memref_slice %arg11[%add3A_194, %get3A_195] : memref<128x128xf32, #tpu.memory_space<vmem>> -> memref<1x128xf32, #tpu.memory_space<vmem>>
        %get3A_197 = tpu.memref_squeeze %get3A_196 : memref<1x128xf32, #tpu.memory_space<vmem>> -> memref<128xf32, #tpu.memory_space<vmem>>
        %get3A_198 = arith.constant 0 : index
        %get3A_199 = tpu.vector_load %get3A_197[%get3A_198] {strides = array<i32>} : memref<128xf32, #tpu.memory_space<vmem>>, vector<16xf32>,
        %get3A_200 = vector.shape_cast %get3A_199 : vector<16xf32> to vector<16xf32>
        %get3A_201 = arith.constant 0 : i32
        %get3A_202 = tpu.memref_slice %arg12[%add3A_194, %get3A_201] : memref<128x128xf32, #tpu.memory_space<vmem>> -> memref<1x128xf32, #tpu.memory_space<vmem>>
        %get3A_203 = tpu.memref_squeeze %get3A_202 : memref<1x128xf32, #tpu.memory_space<vmem>> -> memref<128xf32, #tpu.memory_space<vmem>>
        %get3A_204 = arith.constant 0 : index
        %get3A_205 = tpu.vector_load %get3A_203[%get3A_204] {strides = array<i32>} : memref<128xf32, #tpu.memory_space<vmem>>, vector<16xf32>,
        %get3A_206 = vector.shape_cast %get3A_205 : vector<16xf32> to vector<16xf32>
        %add3A_207 = arith.addf %get3A_200, %get3A_206 : vector<16xf32>
        %mul3A_208 = arith.constant 2.000000e-01 : f32
        %mul3A_209 = vector.broadcast %mul3A_208 : f32 to vector<16xf32>
        %mul3A_210 = arith.mulf %add3A_207, %mul3A_209 : vector<16xf32>
        %max3A = arith.maximumf %add3A_207, %mul3A_210 : vector<16xf32>
        %mul3A_211 = arith.mulf %max3A, %get3A_4 : vector<16xf32>
        %get3A_212 = arith.constant 0 : i32
        %get3A_213 = tpu.memref_slice %arg11[%add3A_194, %get3A_212] : memref<128x128xf32, #tpu.memory_space<vmem>> -> memref<1x128xf32, #tpu.memory_space<vmem>>
        %get3A_214 = tpu.memref_squeeze %get3A_213 : memref<1x128xf32, #tpu.memory_space<vmem>> -> memref<128xf32, #tpu.memory_space<vmem>>
        %get3A_215 = arith.constant 16 : index
        %get3A_216 = tpu.vector_load %get3A_214[%get3A_215] {strides = array<i32>} : memref<128xf32, #tpu.memory_space<vmem>>, vector<16xf32>,
        %get3A_217 = vector.shape_cast %get3A_216 : vector<16xf32> to vector<16xf32>
        %get3A_218 = arith.constant 0 : i32
        %get3A_219 = tpu.memref_slice %arg12[%add3A_194, %get3A_218] : memref<128x128xf32, #tpu.memory_space<vmem>> -> memref<1x128xf32, #tpu.memory_space<vmem>>
        %get3A_220 = tpu.memref_squeeze %get3A_219 : memref<1x128xf32, #tpu.memory_space<vmem>> -> memref<128xf32, #tpu.memory_space<vmem>>
        %get3A_221 = arith.constant 16 : index
        %get3A_222 = tpu.vector_load %get3A_220[%get3A_221] {strides = array<i32>} : memref<128xf32, #tpu.memory_space<vmem>>, vector<16xf32>,
        %get3A_223 = vector.shape_cast %get3A_222 : vector<16xf32> to vector<16xf32>
        %add3A_224 = arith.addf %get3A_217, %get3A_223 : vector<16xf32>
        %mul3A_225 = arith.constant 2.000000e-01 : f32
        %mul3A_226 = vector.broadcast %mul3A_225 : f32 to vector<16xf32>
        %mul3A_227 = arith.mulf %add3A_224, %mul3A_226 : vector<16xf32>
        %max3A_228 = arith.maximumf %add3A_224, %mul3A_227 : vector<16xf32>
        %mul3A_229 = arith.mulf %max3A_228, %get3A_7 : vector<16xf32>
        %add3A_230 = arith.addf %mul3A_211, %mul3A_229 : vector<16xf32>
        %get3A_231 = arith.constant 0 : i32
        %get3A_232 = tpu.memref_slice %arg11[%add3A_194, %get3A_231] : memref<128x128xf32, #tpu.memory_space<vmem>> -> memref<1x128xf32, #tpu.memory_space<vmem>>
        %get3A_233 = tpu.memref_squeeze %get3A_232 : memref<1x128xf32, #tpu.memory_space<vmem>> -> memref<128xf32, #tpu.memory_space<vmem>>
        %get3A_234 = arith.constant 32 : index
        %get3A_235 = tpu.vector_load %get3A_233[%get3A_234] {strides = array<i32>} : memref<128xf32, #tpu.memory_space<vmem>>, vector<16xf32>,
        %get3A_236 = vector.shape_cast %get3A_235 : vector<16xf32> to vector<16xf32>
        %get3A_237 = arith.constant 0 : i32
        %get3A_238 = tpu.memref_slice %arg12[%add3A_194, %get3A_237] : memref<128x128xf32, #tpu.memory_space<vmem>> -> memref<1x128xf32, #tpu.memory_space<vmem>>
        %get3A_239 = tpu.memref_squeeze %get3A_238 : memref<1x128xf32, #tpu.memory_space<vmem>> -> memref<128xf32, #tpu.memory_space<vmem>>
        %get3A_240 = arith.constant 32 : index
        %get3A_241 = tpu.vector_load %get3A_239[%get3A_240] {strides = array<i32>} : memref<128xf32, #tpu.memory_space<vmem>>, vector<16xf32>,
        %get3A_242 = vector.shape_cast %get3A_241 : vector<16xf32> to vector<16xf32>
        %add3A_243 = arith.addf %get3A_236, %get3A_242 : vector<16xf32>
        %mul3A_244 = arith.constant 2.000000e-01 : f32
        %mul3A_245 = vector.broadcast %mul3A_244 : f32 to vector<16xf32>
        %mul3A_246 = arith.mulf %add3A_243, %mul3A_245 : vector<16xf32>
        %max3A_247 = arith.maximumf %add3A_243, %mul3A_246 : vector<16xf32>
        %mul3A_248 = arith.mulf %max3A_247, %get3A_10 : vector<16xf32>
        %add3A_249 = arith.addf %add3A_230, %mul3A_248 : vector<16xf32>
        %get3A_250 = arith.constant 0 : i32
        %get3A_251 = tpu.memref_slice %arg11[%add3A_194, %get3A_250] : memref<128x128xf32, #tpu.memory_space<vmem>> -> memref<1x128xf32, #tpu.memory_space<vmem>>
        %get3A_252 = tpu.memref_squeeze %get3A_251 : memref<1x128xf32, #tpu.memory_space<vmem>> -> memref<128xf32, #tpu.memory_space<vmem>>
        %get3A_253 = arith.constant 48 : index
        %get3A_254 = tpu.vector_load %get3A_252[%get3A_253] {strides = array<i32>} : memref<128xf32, #tpu.memory_space<vmem>>, vector<16xf32>,
        %get3A_255 = vector.shape_cast %get3A_254 : vector<16xf32> to vector<16xf32>
        %get3A_256 = arith.constant 0 : i32
        %get3A_257 = tpu.memref_slice %arg12[%add3A_194, %get3A_256] : memref<128x128xf32, #tpu.memory_space<vmem>> -> memref<1x128xf32, #tpu.memory_space<vmem>>
        %get3A_258 = tpu.memref_squeeze %get3A_257 : memref<1x128xf32, #tpu.memory_space<vmem>> -> memref<128xf32, #tpu.memory_space<vmem>>
        %get3A_259 = arith.constant 48 : index
        %get3A_260 = tpu.vector_load %get3A_258[%get3A_259] {strides = array<i32>} : memref<128xf32, #tpu.memory_space<vmem>>, vector<16xf32>,
        %get3A_261 = vector.shape_cast %get3A_260 : vector<16xf32> to vector<16xf32>
        %add3A_262 = arith.addf %get3A_255, %get3A_261 : vector<16xf32>
        %mul3A_263 = arith.constant 2.000000e-01 : f32
        %mul3A_264 = vector.broadcast %mul3A_263 : f32 to vector<16xf32>
        %mul3A_265 = arith.mulf %add3A_262, %mul3A_264 : vector<16xf32>
        %max3A_266 = arith.maximumf %add3A_262, %mul3A_265 : vector<16xf32>
        %mul3A_267 = arith.mulf %max3A_266, %get3A_13 : vector<16xf32>
        %add3A_268 = arith.addf %add3A_249, %mul3A_267 : vector<16xf32>
        %get3A_269 = arith.constant 0 : i32
        %get3A_270 = tpu.memref_slice %arg11[%add3A_194, %get3A_269] : memref<128x128xf32, #tpu.memory_space<vmem>> -> memref<1x128xf32, #tpu.memory_space<vmem>>
        %get3A_271 = tpu.memref_squeeze %get3A_270 : memref<1x128xf32, #tpu.memory_space<vmem>> -> memref<128xf32, #tpu.memory_space<vmem>>
        %get3A_272 = arith.constant 64 : index
        %get3A_273 = tpu.vector_load %get3A_271[%get3A_272] {strides = array<i32>} : memref<128xf32, #tpu.memory_space<vmem>>, vector<16xf32>,
        %get3A_274 = vector.shape_cast %get3A_273 : vector<16xf32> to vector<16xf32>
        %get3A_275 = arith.constant 0 : i32
        %get3A_276 = tpu.memref_slice %arg12[%add3A_194, %get3A_275] : memref<128x128xf32, #tpu.memory_space<vmem>> -> memref<1x128xf32, #tpu.memory_space<vmem>>
        %get3A_277 = tpu.memref_squeeze %get3A_276 : memref<1x128xf32, #tpu.memory_space<vmem>> -> memref<128xf32, #tpu.memory_space<vmem>>
        %get3A_278 = arith.constant 64 : index
        %get3A_279 = tpu.vector_load %get3A_277[%get3A_278] {strides = array<i32>} : memref<128xf32, #tpu.memory_space<vmem>>, vector<16xf32>,
        %get3A_280 = vector.shape_cast %get3A_279 : vector<16xf32> to vector<16xf32>
        %add3A_281 = arith.addf %get3A_274, %get3A_280 : vector<16xf32>
        %mul3A_282 = arith.constant 2.000000e-01 : f32
        %mul3A_283 = vector.broadcast %mul3A_282 : f32 to vector<16xf32>
        %mul3A_284 = arith.mulf %add3A_281, %mul3A_283 : vector<16xf32>
        %max3A_285 = arith.maximumf %add3A_281, %mul3A_284 : vector<16xf32>
        %mul3A_286 = arith.mulf %max3A_285, %get3A_16 : vector<16xf32>
        %add3A_287 = arith.addf %add3A_268, %mul3A_286 : vector<16xf32>
        %get3A_288 = arith.constant 0 : i32
        %get3A_289 = tpu.memref_slice %arg11[%add3A_194, %get3A_288] : memref<128x128xf32, #tpu.memory_space<vmem>> -> memref<1x128xf32, #tpu.memory_space<vmem>>
        %get3A_290 = tpu.memref_squeeze %get3A_289 : memref<1x128xf32, #tpu.memory_space<vmem>> -> memref<128xf32, #tpu.memory_space<vmem>>
        %get3A_291 = arith.constant 80 : index
        %get3A_292 = tpu.vector_load %get3A_290[%get3A_291] {strides = array<i32>} : memref<128xf32, #tpu.memory_space<vmem>>, vector<16xf32>,
        %get3A_293 = vector.shape_cast %get3A_292 : vector<16xf32> to vector<16xf32>
        %get3A_294 = arith.constant 0 : i32
        %get3A_295 = tpu.memref_slice %arg12[%add3A_194, %get3A_294] : memref<128x128xf32, #tpu.memory_space<vmem>> -> memref<1x128xf32, #tpu.memory_space<vmem>>
        %get3A_296 = tpu.memref_squeeze %get3A_295 : memref<1x128xf32, #tpu.memory_space<vmem>> -> memref<128xf32, #tpu.memory_space<vmem>>
        %get3A_297 = arith.constant 80 : index
        %get3A_298 = tpu.vector_load %get3A_296[%get3A_297] {strides = array<i32>} : memref<128xf32, #tpu.memory_space<vmem>>, vector<16xf32>,
        %get3A_299 = vector.shape_cast %get3A_298 : vector<16xf32> to vector<16xf32>
        %add3A_300 = arith.addf %get3A_293, %get3A_299 : vector<16xf32>
        %mul3A_301 = arith.constant 2.000000e-01 : f32
        %mul3A_302 = vector.broadcast %mul3A_301 : f32 to vector<16xf32>
        %mul3A_303 = arith.mulf %add3A_300, %mul3A_302 : vector<16xf32>
        %max3A_304 = arith.maximumf %add3A_300, %mul3A_303 : vector<16xf32>
        %mul3A_305 = arith.mulf %max3A_304, %get3A_19 : vector<16xf32>
        %add3A_306 = arith.addf %add3A_287, %mul3A_305 : vector<16xf32>
        %get3A_307 = arith.constant 0 : i32
        %get3A_308 = tpu.memref_slice %arg11[%add3A_194, %get3A_307] : memref<128x128xf32, #tpu.memory_space<vmem>> -> memref<1x128xf32, #tpu.memory_space<vmem>>
        %get3A_309 = tpu.memref_squeeze %get3A_308 : memref<1x128xf32, #tpu.memory_space<vmem>> -> memref<128xf32, #tpu.memory_space<vmem>>
        %get3A_310 = arith.constant 96 : index
        %get3A_311 = tpu.vector_load %get3A_309[%get3A_310] {strides = array<i32>} : memref<128xf32, #tpu.memory_space<vmem>>, vector<16xf32>,
        %get3A_312 = vector.shape_cast %get3A_311 : vector<16xf32> to vector<16xf32>
        %get3A_313 = arith.constant 0 : i32
        %get3A_314 = tpu.memref_slice %arg12[%add3A_194, %get3A_313] : memref<128x128xf32, #tpu.memory_space<vmem>> -> memref<1x128xf32, #tpu.memory_space<vmem>>
        %get3A_315 = tpu.memref_squeeze %get3A_314 : memref<1x128xf32, #tpu.memory_space<vmem>> -> memref<128xf32, #tpu.memory_space<vmem>>
        %get3A_316 = arith.constant 96 : index
        %get3A_317 = tpu.vector_load %get3A_315[%get3A_316] {strides = array<i32>} : memref<128xf32, #tpu.memory_space<vmem>>, vector<16xf32>,
        %get3A_318 = vector.shape_cast %get3A_317 : vector<16xf32> to vector<16xf32>
        %add3A_319 = arith.addf %get3A_312, %get3A_318 : vector<16xf32>
        %mul3A_320 = arith.constant 2.000000e-01 : f32
        %mul3A_321 = vector.broadcast %mul3A_320 : f32 to vector<16xf32>
        %mul3A_322 = arith.mulf %add3A_319, %mul3A_321 : vector<16xf32>
        %max3A_323 = arith.maximumf %add3A_319, %mul3A_322 : vector<16xf32>
        %mul3A_324 = arith.mulf %max3A_323, %get3A_22 : vector<16xf32>
        %add3A_325 = arith.addf %add3A_306, %mul3A_324 : vector<16xf32>
        %get3A_326 = arith.constant 0 : i32
        %get3A_327 = tpu.memref_slice %arg11[%add3A_194, %get3A_326] : memref<128x128xf32, #tpu.memory_space<vmem>> -> memref<1x128xf32, #tpu.memory_space<vmem>>
        %get3A_328 = tpu.memref_squeeze %get3A_327 : memref<1x128xf32, #tpu.memory_space<vmem>> -> memref<128xf32, #tpu.memory_space<vmem>>
        %get3A_329 = arith.constant 112 : index
        %get3A_330 = tpu.vector_load %get3A_328[%get3A_329] {strides = array<i32>} : memref<128xf32, #tpu.memory_space<vmem>>, vector<16xf32>,
        %get3A_331 = vector.shape_cast %get3A_330 : vector<16xf32> to vector<16xf32>
        %get3A_332 = arith.constant 0 : i32
        %get3A_333 = tpu.memref_slice %arg12[%add3A_194, %get3A_332] : memref<128x128xf32, #tpu.memory_space<vmem>> -> memref<1x128xf32, #tpu.memory_space<vmem>>
        %get3A_334 = tpu.memref_squeeze %get3A_333 : memref<1x128xf32, #tpu.memory_space<vmem>> -> memref<128xf32, #tpu.memory_space<vmem>>
        %get3A_335 = arith.constant 112 : index
        %get3A_336 = tpu.vector_load %get3A_334[%get3A_335] {strides = array<i32>} : memref<128xf32, #tpu.memory_space<vmem>>, vector<16xf32>,
        %get3A_337 = vector.shape_cast %get3A_336 : vector<16xf32> to vector<16xf32>
        %add3A_338 = arith.addf %get3A_331, %get3A_337 : vector<16xf32>
        %mul3A_339 = arith.constant 2.000000e-01 : f32
        %mul3A_340 = vector.broadcast %mul3A_339 : f32 to vector<16xf32>
        %mul3A_341 = arith.mulf %add3A_338, %mul3A_340 : vector<16xf32>
        %max3A_342 = arith.maximumf %add3A_338, %mul3A_341 : vector<16xf32>
        %mul3A_343 = arith.mulf %max3A_342, %get3A_25 : vector<16xf32>
        %add3A_344 = arith.addf %add3A_325, %mul3A_343 : vector<16xf32>
        %swap3A_345 = arith.index_cast %add3A_194 : i32 to index
        %swap3A_346 = arith.constant 0 : index
        %swap3A_347 = tpu.vector_load %arg13[%swap3A_345, %swap3A_346] {strides = array<i32>} : memref<128x16xf32, #tpu.memory_space<vmem>>, vector<1x16xf32>,
        %swap3A_348 = vector.shape_cast %swap3A_347 : vector<1x16xf32> to vector<16xf32>
        %swap3A_349 = vector.shape_cast %add3A_344 : vector<16xf32> to vector<1x16xf32>
        tpu.vector_store %arg13[%swap3A_345, %swap3A_346], %swap3A_349 {strides = array<i32>} : memref<128x16xf32, #tpu.memory_space<vmem>>, vector<1x16xf32>,
      }
      %scan3A_186 = arith.constant 128 : i32
      %mul3A_187 = arith.constant 172032 : i32
      %mul3A_188 = arith.muli %arg0, %mul3A_187 : i32
      %add3A_189 = arith.addi %mul3A_188, %add3A_38 : i32
      "tpu.region"() ({
        %run_scoped3A = tpu.sem_alloc : memref<!tpu.dma_semaphore, #tpu.memory_space<semaphore_mem>>
        %dma_start3A = arith.constant 0 : i32
        %dma_start3A_190 = tpu.memref_slice %arg7[%add3A_189, %dma_start3A] : memref<344064x16xf32, #tpu.memory_space<hbm>> -> memref<128x16xf32, #tpu.memory_space<hbm>>
        %dma_start3A_191 = arith.constant 0 : i32
        %dma_start3A_192 = tpu.memref_slice %arg7[%add3A_189, %dma_start3A_191] : memref<344064x16xf32, #tpu.memory_space<hbm>> -> memref<128x16xf32, #tpu.memory_space<hbm>>
        tpu.enqueue_dma source(%arg13 : memref<128x16xf32, #tpu.memory_space<vmem>>) target(%dma_start3A_192 : memref<128x16xf32, #tpu.memory_space<hbm>>) target_semaphore(%run_scoped3A : memref<!tpu.dma_semaphore, #tpu.memory_space<semaphore_mem>>)
        %dma_wait3A = arith.constant 0 : i32
        %dma_wait3A_193 = tpu.memref_slice %arg7[%add3A_189, %dma_wait3A] : memref<344064x16xf32, #tpu.memory_space<hbm>> -> memref<128x16xf32, #tpu.memory_space<hbm>>
        %dma_wait3A_194 = arith.constant 0 : i32
        %dma_wait3A_195 = tpu.memref_slice %arg7[%add3A_189, %dma_wait3A_194] : memref<344064x16xf32, #tpu.memory_space<hbm>> -> memref<128x16xf32, #tpu.memory_space<hbm>>
        tpu.wait_dma2 semaphore(%run_scoped3A : memref<!tpu.dma_semaphore, #tpu.memory_space<semaphore_mem>>) src(%arg13 : memref<128x16xf32, #tpu.memory_space<vmem>>) dst(%dma_wait3A_195 : memref<128x16xf32, #tpu.memory_space<hbm>>)
        tpu.yield
      }) : () -> ()
    }
    %scan3A_31 = arith.constant 84 : i32
    return
  }
}

#map = affine_map<(d0, d1) -> (0, 0)>
#map1 = affine_map<(d0, d1) -> (0)>
module attributes {stable_mosaic.version = 14 : i64} {
  func.func @_sc_aggregate(%arg0: i32, %arg1: i32, %arg2: memref<163840x16xf32, #tpu.memory_space<hbm>>, %arg3: memref<172032xi32, #tpu.memory_space<hbm>>, %arg4: memref<172032xi32, #tpu.memory_space<hbm>>, %arg5: memref<172032xf32, #tpu.memory_space<hbm>>, %arg6: memref<2621440xf32, #tpu.memory_space<hbm>>, %arg7: memref<10240xf32, #tpu.memory_space<hbm>>, %arg8: memref<128xi32, #tpu.memory_space<vmem>>, %arg9: memref<128xi32, #tpu.memory_space<vmem>>, %arg10: memref<128xi32, #tpu.memory_space<vmem>>, %arg11: memref<128xf32, #tpu.memory_space<vmem>>, %arg12: memref<128x16xf32, #tpu.memory_space<vmem>>, %arg13: memref<81920xf32, #tpu.memory_space<vmem>>, %arg14: memref<10240xf32, #tpu.memory_space<vmem>>) attributes {dimension_semantics = [#tpu.dimension_semantics<core_parallel>, #tpu.dimension_semantics<subcore_parallel>], iteration_bounds = array<i64: 2, 16>, scalar_prefetch = 0 : i64, scratch_operands = 7 : i64, tpu.core_type = #tpu.core_type<sc_vector_subcore>, window_params = [{transform_indices = #map}, {transform_indices = #map1}, {transform_indices = #map1}, {transform_indices = #map1}, {transform_indices = #map1}, {transform_indices = #map1}]} {
    %mul3A = arith.constant 16 : i32
    %mul3A_0 = arith.muli %arg0, %mul3A : i32
    %add3A = arith.addi %mul3A_0, %arg1 : i32
    %jit3A = arith.constant 2 : i32
    %div3A = arith.divsi %arg1, %jit3A : i32
    %sign3A = arith.constant 0 : i32
    %sign3A_1 = arith.cmpi sgt, %arg1, %sign3A : i32
    %sign3A_2 = arith.extui %sign3A_1 : i1 to i32
    %sign3A_3 = arith.constant 0 : i32
    %sign3A_4 = arith.cmpi slt, %arg1, %sign3A_3 : i32
    %sign3A_5 = arith.extui %sign3A_4 : i1 to i32
    %sign3A_6 = arith.subi %sign3A_2, %sign3A_5 : i32
    %sign3A_7 = arith.constant 0 : i32
    %sign3A_8 = arith.cmpi sgt, %jit3A, %sign3A_7 : i32
    %sign3A_9 = arith.extui %sign3A_8 : i1 to i32
    %sign3A_10 = arith.constant 0 : i32
    %sign3A_11 = arith.cmpi slt, %jit3A, %sign3A_10 : i32
    %sign3A_12 = arith.extui %sign3A_11 : i1 to i32
    %sign3A_13 = arith.subi %sign3A_9, %sign3A_12 : i32
    %ne3A = arith.cmpi ne, %sign3A_6, %sign3A_13 : i32
    %rem3A = arith.remsi %arg1, %jit3A : i32
    %ne3A_14 = arith.constant 0 : i32
    %ne3A_15 = arith.cmpi ne, %rem3A, %ne3A_14 : i32
    %and3A = arith.andi %ne3A, %ne3A_15 : i1
    %sub3A = arith.constant 1 : i32
    %sub3A_16 = arith.subi %div3A, %sub3A : i32
    %select_n3A = arith.select %and3A, %sub3A_16, %div3A : i32
    %jit3A_17 = arith.constant 2 : i32
    %eq3A = arith.constant 0 : i32
    %eq3A_18 = arith.cmpi eq, %jit3A_17, %eq3A : i32
    %jit3A_19 = arith.constant 1 : i32
    %select_n3A_20 = arith.select %eq3A_18, %jit3A_19, %jit3A_17 : i32
    %rem3A_21 = arith.remsi %arg1, %select_n3A_20 : i32
    %ne3A_22 = arith.constant 0 : i32
    %ne3A_23 = arith.cmpi ne, %rem3A_21, %ne3A_22 : i32
    %lt3A = arith.constant 0 : i32
    %lt3A_24 = arith.cmpi slt, %rem3A_21, %lt3A : i32
    %lt3A_25 = arith.constant 0 : i32
    %lt3A_26 = arith.cmpi slt, %select_n3A_20, %lt3A_25 : i32
    %ne3A_27 = arith.xori %lt3A_24, %lt3A_26 : i1
    %and3A_28 = arith.andi %ne3A_27, %ne3A_23 : i1
    %add3A_29 = arith.addi %rem3A_21, %select_n3A_20 : i32
    %select_n3A_30 = arith.select %and3A_28, %add3A_29, %rem3A_21 : i32
    %mul3A_31 = arith.constant 10240 : i32
    %mul3A_32 = arith.muli %arg0, %mul3A_31 : i32
    %mul3A_33 = arith.constant 8 : i32
    %mul3A_34 = arith.muli %mul3A_32, %mul3A_33 : i32
    %add3A_35 = arith.addi %mul3A_34, %select_n3A : i32
    %iota3A = tpu.iota {dimensions = array<i32: 0>} : vector<16xi32>
    %eq3A_36 = arith.constant 0 : i32
    %eq3A_37 = vector.broadcast %eq3A_36 : i32 to vector<16xi32>
    %eq3A_38 = arith.cmpi eq, %iota3A, %eq3A_37 : vector<16xi32>
    %jit3A_39 = arith.constant 8 : i32
    %div3A_40 = vector.broadcast %jit3A_39 : i32 to vector<16xi32>
    %div3A_41 = arith.divsi %iota3A, %div3A_40 : vector<16xi32>
    %sign3A_42 = arith.constant 0 : i32
    %sign3A_43 = vector.broadcast %sign3A_42 : i32 to vector<16xi32>
    %sign3A_44 = arith.cmpi sgt, %iota3A, %sign3A_43 : vector<16xi32>
    %sign3A_45 = arith.extui %sign3A_44 : vector<16xi1> to vector<16xi32>
    %sign3A_46 = arith.constant 0 : i32
    %sign3A_47 = vector.broadcast %sign3A_46 : i32 to vector<16xi32>
    %sign3A_48 = arith.cmpi slt, %iota3A, %sign3A_47 : vector<16xi32>
    %sign3A_49 = arith.extui %sign3A_48 : vector<16xi1> to vector<16xi32>
    %sign3A_50 = arith.subi %sign3A_45, %sign3A_49 : vector<16xi32>
    %sign3A_51 = arith.constant 0 : i32
    %sign3A_52 = arith.cmpi sgt, %jit3A_39, %sign3A_51 : i32
    %sign3A_53 = arith.extui %sign3A_52 : i1 to i32
    %sign3A_54 = arith.constant 0 : i32
    %sign3A_55 = arith.cmpi slt, %jit3A_39, %sign3A_54 : i32
    %sign3A_56 = arith.extui %sign3A_55 : i1 to i32
    %sign3A_57 = arith.subi %sign3A_53, %sign3A_56 : i32
    %ne3A_58 = vector.broadcast %sign3A_57 : i32 to vector<16xi32>
    %ne3A_59 = arith.cmpi ne, %sign3A_50, %ne3A_58 : vector<16xi32>
    %rem3A_60 = vector.broadcast %jit3A_39 : i32 to vector<16xi32>
    %rem3A_61 = arith.remsi %iota3A, %rem3A_60 : vector<16xi32>
    %ne3A_62 = arith.constant 0 : i32
    %ne3A_63 = vector.broadcast %ne3A_62 : i32 to vector<16xi32>
    %ne3A_64 = arith.cmpi ne, %rem3A_61, %ne3A_63 : vector<16xi32>
    %and3A_65 = arith.andi %ne3A_59, %ne3A_64 : vector<16xi1>
    %sub3A_66 = arith.constant 1 : i32
    %sub3A_67 = vector.broadcast %sub3A_66 : i32 to vector<16xi32>
    %sub3A_68 = arith.subi %div3A_41, %sub3A_67 : vector<16xi32>
    %select_n3A_69 = arith.select %and3A_65, %sub3A_68, %div3A_41 : vector<16xi1>, vector<16xi32>
    %eq3A_70 = vector.broadcast %select_n3A_30 : i32 to vector<16xi32>
    %eq3A_71 = arith.cmpi eq, %select_n3A_69, %eq3A_70 : vector<16xi32>
    %jit3A_72 = arith.constant 8 : i32
    %eq3A_73 = arith.constant 0 : i32
    %eq3A_74 = arith.cmpi eq, %jit3A_72, %eq3A_73 : i32
    %jit3A_75 = arith.constant 1 : i32
    %select_n3A_76 = arith.select %eq3A_74, %jit3A_75, %jit3A_72 : i32
    %rem3A_77 = vector.broadcast %select_n3A_76 : i32 to vector<16xi32>
    %rem3A_78 = arith.remsi %iota3A, %rem3A_77 : vector<16xi32>
    %ne3A_79 = arith.constant 0 : i32
    %ne3A_80 = vector.broadcast %ne3A_79 : i32 to vector<16xi32>
    %ne3A_81 = arith.cmpi ne, %rem3A_78, %ne3A_80 : vector<16xi32>
    %lt3A_82 = arith.constant 0 : i32
    %lt3A_83 = vector.broadcast %lt3A_82 : i32 to vector<16xi32>
    %lt3A_84 = arith.cmpi slt, %rem3A_78, %lt3A_83 : vector<16xi32>
    %lt3A_85 = arith.constant 0 : i32
    %lt3A_86 = arith.cmpi slt, %select_n3A_76, %lt3A_85 : i32
    %ne3A_87 = vector.broadcast %lt3A_86 : i1 to vector<16xi1>
    %ne3A_88 = vector.broadcast %ne3A_87 : vector<16xi1> to vector<16xi1>
    %ne3A_89 = arith.xori %lt3A_84, %ne3A_88 : vector<16xi1>
    %and3A_90 = arith.andi %ne3A_89, %ne3A_81 : vector<16xi1>
    %add3A_91 = vector.broadcast %select_n3A_76 : i32 to vector<16xi32>
    %add3A_92 = arith.addi %rem3A_78, %add3A_91 : vector<16xi32>
    %select_n3A_93 = arith.select %and3A_90, %add3A_92, %rem3A_78 : vector<16xi1>, vector<16xi32>
    %broadcast_in_dim3A = arith.constant 0.000000e+00 : f32
    %broadcast_in_dim3A_94 = vector.broadcast %broadcast_in_dim3A : f32 to vector<16xf32>
    %scan3A = arith.constant 0 : i32
    %scan3A_95 = arith.constant 5120 : i32
    %scan3A_96 = arith.addi %scan3A, %scan3A_95 : i32
    %scan3A_97 = arith.constant 1 : i32
    scf.for %scan3A_113 = %scan3A to %scan3A_96 step %scan3A_97  : i32 {
      %mul3A_114 = arith.constant 1 : i32
      %mul3A_115 = arith.muli %scan3A_113, %mul3A_114 : i32
      %add3A_116 = arith.constant 0 : i32
      %add3A_117 = arith.addi %add3A_116, %mul3A_115 : i32
      %mul3A_118 = arith.constant 16 : i32
      %mul3A_119 = arith.muli %add3A_117, %mul3A_118 : i32
      %swap3A = arith.index_cast %mul3A_119 : i32 to index
      %swap3A_120 = tpu.vector_load %arg13[%swap3A] {strides = array<i32>} : memref<81920xf32, #tpu.memory_space<vmem>>, vector<16xf32>,
      tpu.vector_store %arg13[%swap3A], %broadcast_in_dim3A_94 {strides = array<i32>} : memref<81920xf32, #tpu.memory_space<vmem>>, vector<16xf32>,
    }
    %scan3A_98 = arith.constant 5120 : i32
    %scan3A_99 = arith.constant 0 : i32
    %scan3A_100 = arith.constant 640 : i32
    %scan3A_101 = arith.addi %scan3A_99, %scan3A_100 : i32
    %scan3A_102 = arith.constant 1 : i32
    scf.for %scan3A_113 = %scan3A_99 to %scan3A_101 step %scan3A_102  : i32 {
      %mul3A_114 = arith.constant 1 : i32
      %mul3A_115 = arith.muli %scan3A_113, %mul3A_114 : i32
      %add3A_116 = arith.constant 0 : i32
      %add3A_117 = arith.addi %add3A_116, %mul3A_115 : i32
      %mul3A_118 = arith.constant 16 : i32
      %mul3A_119 = arith.muli %add3A_117, %mul3A_118 : i32
      %swap3A = arith.index_cast %mul3A_119 : i32 to index
      %swap3A_120 = tpu.vector_load %arg14[%swap3A] {strides = array<i32>} : memref<10240xf32, #tpu.memory_space<vmem>>, vector<16xf32>,
      tpu.vector_store %arg14[%swap3A], %broadcast_in_dim3A_94 {strides = array<i32>} : memref<10240xf32, #tpu.memory_space<vmem>>, vector<16xf32>,
    }
    %scan3A_103 = arith.constant 640 : i32
    %scan3A_104 = arith.constant 0 : i32
    %scan3A_105 = arith.constant 1344 : i32
    %scan3A_106 = arith.addi %scan3A_104, %scan3A_105 : i32
    %scan3A_107 = arith.constant 1 : i32
    scf.for %scan3A_113 = %scan3A_104 to %scan3A_106 step %scan3A_107  : i32 {
      %mul3A_114 = arith.constant 1 : i32
      %mul3A_115 = arith.muli %scan3A_113, %mul3A_114 : i32
      %add3A_116 = arith.constant 0 : i32
      %add3A_117 = arith.addi %add3A_116, %mul3A_115 : i32
      %mul3A_118 = arith.constant 128 : i32
      %mul3A_119 = arith.muli %add3A_117, %mul3A_118 : i32
      "tpu.region"() ({
        %run_scoped3A = tpu.sem_alloc : memref<!tpu.dma_semaphore, #tpu.memory_space<semaphore_mem>>
        %dma_start3A = tpu.memref_slice %arg3[%mul3A_119] : memref<172032xi32, #tpu.memory_space<hbm>> -> memref<128xi32, #tpu.memory_space<hbm>>
        %dma_start3A_219 = tpu.memref_slice %arg3[%mul3A_119] : memref<172032xi32, #tpu.memory_space<hbm>> -> memref<128xi32, #tpu.memory_space<hbm>>
        tpu.enqueue_dma source(%dma_start3A_219 : memref<128xi32, #tpu.memory_space<hbm>>) target(%arg8 : memref<128xi32, #tpu.memory_space<vmem>>) target_semaphore(%run_scoped3A : memref<!tpu.dma_semaphore, #tpu.memory_space<semaphore_mem>>)
        %dma_wait3A = tpu.memref_slice %arg3[%mul3A_119] : memref<172032xi32, #tpu.memory_space<hbm>> -> memref<128xi32, #tpu.memory_space<hbm>>
        %dma_wait3A_220 = tpu.memref_slice %arg3[%mul3A_119] : memref<172032xi32, #tpu.memory_space<hbm>> -> memref<128xi32, #tpu.memory_space<hbm>>
        tpu.wait_dma2 semaphore(%run_scoped3A : memref<!tpu.dma_semaphore, #tpu.memory_space<semaphore_mem>>) src(%dma_wait3A_220 : memref<128xi32, #tpu.memory_space<hbm>>) dst(%arg8 : memref<128xi32, #tpu.memory_space<vmem>>)
        tpu.yield
      }) : () -> ()
      "tpu.region"() ({
        %run_scoped3A = tpu.sem_alloc : memref<!tpu.dma_semaphore, #tpu.memory_space<semaphore_mem>>
        %dma_start3A = tpu.memref_slice %arg4[%mul3A_119] : memref<172032xi32, #tpu.memory_space<hbm>> -> memref<128xi32, #tpu.memory_space<hbm>>
        %dma_start3A_219 = tpu.memref_slice %arg4[%mul3A_119] : memref<172032xi32, #tpu.memory_space<hbm>> -> memref<128xi32, #tpu.memory_space<hbm>>
        tpu.enqueue_dma source(%dma_start3A_219 : memref<128xi32, #tpu.memory_space<hbm>>) target(%arg10 : memref<128xi32, #tpu.memory_space<vmem>>) target_semaphore(%run_scoped3A : memref<!tpu.dma_semaphore, #tpu.memory_space<semaphore_mem>>)
        %dma_wait3A = tpu.memref_slice %arg4[%mul3A_119] : memref<172032xi32, #tpu.memory_space<hbm>> -> memref<128xi32, #tpu.memory_space<hbm>>
        %dma_wait3A_220 = tpu.memref_slice %arg4[%mul3A_119] : memref<172032xi32, #tpu.memory_space<hbm>> -> memref<128xi32, #tpu.memory_space<hbm>>
        tpu.wait_dma2 semaphore(%run_scoped3A : memref<!tpu.dma_semaphore, #tpu.memory_space<semaphore_mem>>) src(%dma_wait3A_220 : memref<128xi32, #tpu.memory_space<hbm>>) dst(%arg10 : memref<128xi32, #tpu.memory_space<vmem>>)
        tpu.yield
      }) : () -> ()
      "tpu.region"() ({
        %run_scoped3A = tpu.sem_alloc : memref<!tpu.dma_semaphore, #tpu.memory_space<semaphore_mem>>
        %dma_start3A = tpu.memref_slice %arg5[%mul3A_119] : memref<172032xf32, #tpu.memory_space<hbm>> -> memref<128xf32, #tpu.memory_space<hbm>>
        %dma_start3A_219 = tpu.memref_slice %arg5[%mul3A_119] : memref<172032xf32, #tpu.memory_space<hbm>> -> memref<128xf32, #tpu.memory_space<hbm>>
        tpu.enqueue_dma source(%dma_start3A_219 : memref<128xf32, #tpu.memory_space<hbm>>) target(%arg11 : memref<128xf32, #tpu.memory_space<vmem>>) target_semaphore(%run_scoped3A : memref<!tpu.dma_semaphore, #tpu.memory_space<semaphore_mem>>)
        %dma_wait3A = tpu.memref_slice %arg5[%mul3A_119] : memref<172032xf32, #tpu.memory_space<hbm>> -> memref<128xf32, #tpu.memory_space<hbm>>
        %dma_wait3A_220 = tpu.memref_slice %arg5[%mul3A_119] : memref<172032xf32, #tpu.memory_space<hbm>> -> memref<128xf32, #tpu.memory_space<hbm>>
        tpu.wait_dma2 semaphore(%run_scoped3A : memref<!tpu.dma_semaphore, #tpu.memory_space<semaphore_mem>>) src(%dma_wait3A_220 : memref<128xf32, #tpu.memory_space<hbm>>) dst(%arg11 : memref<128xf32, #tpu.memory_space<vmem>>)
        tpu.yield
      }) : () -> ()
      %get3A = arith.constant 0 : index
      %get3A_120 = tpu.vector_load %arg8[%get3A] {strides = array<i32>} : memref<128xi32, #tpu.memory_space<vmem>>, vector<16xi32>,
      %get3A_121 = vector.shape_cast %get3A_120 : vector<16xi32> to vector<16xi32>
      %mul3A_122 = arith.constant 8 : i32
      %mul3A_123 = vector.broadcast %mul3A_122 : i32 to vector<16xi32>
      %mul3A_124 = arith.muli %get3A_121, %mul3A_123 : vector<16xi32>
      %add3A_125 = vector.broadcast %add3A_35 : i32 to vector<16xi32>
      %add3A_126 = arith.addi %mul3A_124, %add3A_125 : vector<16xi32>
      %swap3A = arith.constant 0 : index
      %swap3A_127 = tpu.vector_load %arg9[%swap3A] {strides = array<i32>} : memref<128xi32, #tpu.memory_space<vmem>>, vector<16xi32>,
      %swap3A_128 = vector.shape_cast %swap3A_127 : vector<16xi32> to vector<16xi32>
      %swap3A_129 = vector.shape_cast %add3A_126 : vector<16xi32> to vector<16xi32>
      tpu.vector_store %arg9[%swap3A], %swap3A_129 {strides = array<i32>} : memref<128xi32, #tpu.memory_space<vmem>>, vector<16xi32>,
      %get3A_130 = arith.constant 16 : index
      %get3A_131 = tpu.vector_load %arg8[%get3A_130] {strides = array<i32>} : memref<128xi32, #tpu.memory_space<vmem>>, vector<16xi32>,
      %get3A_132 = vector.shape_cast %get3A_131 : vector<16xi32> to vector<16xi32>
      %mul3A_133 = arith.constant 8 : i32
      %mul3A_134 = vector.broadcast %mul3A_133 : i32 to vector<16xi32>
      %mul3A_135 = arith.muli %get3A_132, %mul3A_134 : vector<16xi32>
      %add3A_136 = vector.broadcast %add3A_35 : i32 to vector<16xi32>
      %add3A_137 = arith.addi %mul3A_135, %add3A_136 : vector<16xi32>
      %swap3A_138 = arith.constant 16 : index
      %swap3A_139 = tpu.vector_load %arg9[%swap3A_138] {strides = array<i32>} : memref<128xi32, #tpu.memory_space<vmem>>, vector<16xi32>,
      %swap3A_140 = vector.shape_cast %swap3A_139 : vector<16xi32> to vector<16xi32>
      %swap3A_141 = vector.shape_cast %add3A_137 : vector<16xi32> to vector<16xi32>
      tpu.vector_store %arg9[%swap3A_138], %swap3A_141 {strides = array<i32>} : memref<128xi32, #tpu.memory_space<vmem>>, vector<16xi32>,
      %get3A_142 = arith.constant 32 : index
      %get3A_143 = tpu.vector_load %arg8[%get3A_142] {strides = array<i32>} : memref<128xi32, #tpu.memory_space<vmem>>, vector<16xi32>,
      %get3A_144 = vector.shape_cast %get3A_143 : vector<16xi32> to vector<16xi32>
      %mul3A_145 = arith.constant 8 : i32
      %mul3A_146 = vector.broadcast %mul3A_145 : i32 to vector<16xi32>
      %mul3A_147 = arith.muli %get3A_144, %mul3A_146 : vector<16xi32>
      %add3A_148 = vector.broadcast %add3A_35 : i32 to vector<16xi32>
      %add3A_149 = arith.addi %mul3A_147, %add3A_148 : vector<16xi32>
      %swap3A_150 = arith.constant 32 : index
      %swap3A_151 = tpu.vector_load %arg9[%swap3A_150] {strides = array<i32>} : memref<128xi32, #tpu.memory_space<vmem>>, vector<16xi32>,
      %swap3A_152 = vector.shape_cast %swap3A_151 : vector<16xi32> to vector<16xi32>
      %swap3A_153 = vector.shape_cast %add3A_149 : vector<16xi32> to vector<16xi32>
      tpu.vector_store %arg9[%swap3A_150], %swap3A_153 {strides = array<i32>} : memref<128xi32, #tpu.memory_space<vmem>>, vector<16xi32>,
      %get3A_154 = arith.constant 48 : index
      %get3A_155 = tpu.vector_load %arg8[%get3A_154] {strides = array<i32>} : memref<128xi32, #tpu.memory_space<vmem>>, vector<16xi32>,
      %get3A_156 = vector.shape_cast %get3A_155 : vector<16xi32> to vector<16xi32>
      %mul3A_157 = arith.constant 8 : i32
      %mul3A_158 = vector.broadcast %mul3A_157 : i32 to vector<16xi32>
      %mul3A_159 = arith.muli %get3A_156, %mul3A_158 : vector<16xi32>
      %add3A_160 = vector.broadcast %add3A_35 : i32 to vector<16xi32>
      %add3A_161 = arith.addi %mul3A_159, %add3A_160 : vector<16xi32>
      %swap3A_162 = arith.constant 48 : index
      %swap3A_163 = tpu.vector_load %arg9[%swap3A_162] {strides = array<i32>} : memref<128xi32, #tpu.memory_space<vmem>>, vector<16xi32>,
      %swap3A_164 = vector.shape_cast %swap3A_163 : vector<16xi32> to vector<16xi32>
      %swap3A_165 = vector.shape_cast %add3A_161 : vector<16xi32> to vector<16xi32>
      tpu.vector_store %arg9[%swap3A_162], %swap3A_165 {strides = array<i32>} : memref<128xi32, #tpu.memory_space<vmem>>, vector<16xi32>,
      %get3A_166 = arith.constant 64 : index
      %get3A_167 = tpu.vector_load %arg8[%get3A_166] {strides = array<i32>} : memref<128xi32, #tpu.memory_space<vmem>>, vector<16xi32>,
      %get3A_168 = vector.shape_cast %get3A_167 : vector<16xi32> to vector<16xi32>
      %mul3A_169 = arith.constant 8 : i32
      %mul3A_170 = vector.broadcast %mul3A_169 : i32 to vector<16xi32>
      %mul3A_171 = arith.muli %get3A_168, %mul3A_170 : vector<16xi32>
      %add3A_172 = vector.broadcast %add3A_35 : i32 to vector<16xi32>
      %add3A_173 = arith.addi %mul3A_171, %add3A_172 : vector<16xi32>
      %swap3A_174 = arith.constant 64 : index
      %swap3A_175 = tpu.vector_load %arg9[%swap3A_174] {strides = array<i32>} : memref<128xi32, #tpu.memory_space<vmem>>, vector<16xi32>,
      %swap3A_176 = vector.shape_cast %swap3A_175 : vector<16xi32> to vector<16xi32>
      %swap3A_177 = vector.shape_cast %add3A_173 : vector<16xi32> to vector<16xi32>
      tpu.vector_store %arg9[%swap3A_174], %swap3A_177 {strides = array<i32>} : memref<128xi32, #tpu.memory_space<vmem>>, vector<16xi32>,
      %get3A_178 = arith.constant 80 : index
      %get3A_179 = tpu.vector_load %arg8[%get3A_178] {strides = array<i32>} : memref<128xi32, #tpu.memory_space<vmem>>, vector<16xi32>,
      %get3A_180 = vector.shape_cast %get3A_179 : vector<16xi32> to vector<16xi32>
      %mul3A_181 = arith.constant 8 : i32
      %mul3A_182 = vector.broadcast %mul3A_181 : i32 to vector<16xi32>
      %mul3A_183 = arith.muli %get3A_180, %mul3A_182 : vector<16xi32>
      %add3A_184 = vector.broadcast %add3A_35 : i32 to vector<16xi32>
      %add3A_185 = arith.addi %mul3A_183, %add3A_184 : vector<16xi32>
      %swap3A_186 = arith.constant 80 : index
      %swap3A_187 = tpu.vector_load %arg9[%swap3A_186] {strides = array<i32>} : memref<128xi32, #tpu.memory_space<vmem>>, vector<16xi32>,
      %swap3A_188 = vector.shape_cast %swap3A_187 : vector<16xi32> to vector<16xi32>
      %swap3A_189 = vector.shape_cast %add3A_185 : vector<16xi32> to vector<16xi32>
      tpu.vector_store %arg9[%swap3A_186], %swap3A_189 {strides = array<i32>} : memref<128xi32, #tpu.memory_space<vmem>>, vector<16xi32>,
      %get3A_190 = arith.constant 96 : index
      %get3A_191 = tpu.vector_load %arg8[%get3A_190] {strides = array<i32>} : memref<128xi32, #tpu.memory_space<vmem>>, vector<16xi32>,
      %get3A_192 = vector.shape_cast %get3A_191 : vector<16xi32> to vector<16xi32>
      %mul3A_193 = arith.constant 8 : i32
      %mul3A_194 = vector.broadcast %mul3A_193 : i32 to vector<16xi32>
      %mul3A_195 = arith.muli %get3A_192, %mul3A_194 : vector<16xi32>
      %add3A_196 = vector.broadcast %add3A_35 : i32 to vector<16xi32>
      %add3A_197 = arith.addi %mul3A_195, %add3A_196 : vector<16xi32>
      %swap3A_198 = arith.constant 96 : index
      %swap3A_199 = tpu.vector_load %arg9[%swap3A_198] {strides = array<i32>} : memref<128xi32, #tpu.memory_space<vmem>>, vector<16xi32>,
      %swap3A_200 = vector.shape_cast %swap3A_199 : vector<16xi32> to vector<16xi32>
      %swap3A_201 = vector.shape_cast %add3A_197 : vector<16xi32> to vector<16xi32>
      tpu.vector_store %arg9[%swap3A_198], %swap3A_201 {strides = array<i32>} : memref<128xi32, #tpu.memory_space<vmem>>, vector<16xi32>,
      %get3A_202 = arith.constant 112 : index
      %get3A_203 = tpu.vector_load %arg8[%get3A_202] {strides = array<i32>} : memref<128xi32, #tpu.memory_space<vmem>>, vector<16xi32>,
      %get3A_204 = vector.shape_cast %get3A_203 : vector<16xi32> to vector<16xi32>
      %mul3A_205 = arith.constant 8 : i32
      %mul3A_206 = vector.broadcast %mul3A_205 : i32 to vector<16xi32>
      %mul3A_207 = arith.muli %get3A_204, %mul3A_206 : vector<16xi32>
      %add3A_208 = vector.broadcast %add3A_35 : i32 to vector<16xi32>
      %add3A_209 = arith.addi %mul3A_207, %add3A_208 : vector<16xi32>
      %swap3A_210 = arith.constant 112 : index
      %swap3A_211 = tpu.vector_load %arg9[%swap3A_210] {strides = array<i32>} : memref<128xi32, #tpu.memory_space<vmem>>, vector<16xi32>,
      %swap3A_212 = vector.shape_cast %swap3A_211 : vector<16xi32> to vector<16xi32>
      %swap3A_213 = vector.shape_cast %add3A_209 : vector<16xi32> to vector<16xi32>
      tpu.vector_store %arg9[%swap3A_210], %swap3A_213 {strides = array<i32>} : memref<128xi32, #tpu.memory_space<vmem>>, vector<16xi32>,
      "tpu.region"() ({
        %run_scoped3A = tpu.sem_alloc : memref<!tpu.dma_semaphore, #tpu.memory_space<semaphore_mem>>
        %dma_start3A = arith.constant 0 : i32
        %dma_start3A_219 = arith.constant 0 : i32
        %dma_start3A_220 = tpu.memref_slice %arg2[%dma_start3A, %dma_start3A_219] : memref<163840x16xf32, #tpu.memory_space<hbm>> -> memref<163840x16xf32, #tpu.memory_space<hbm>>
        tpu.enqueue_indirect_dma source(%dma_start3A_220 : memref<163840x16xf32, #tpu.memory_space<hbm>>) target(%arg12 : memref<128x16xf32, #tpu.memory_space<vmem>>) offsets(%arg9 : memref<128xi32, #tpu.memory_space<vmem>>) semaphore(%run_scoped3A : memref<!tpu.dma_semaphore, #tpu.memory_space<semaphore_mem>>)
        %dma_wait3A = arith.constant 0 : i32
        %dma_wait3A_221 = arith.constant 0 : i32
        %dma_wait3A_222 = tpu.memref_slice %arg2[%dma_wait3A, %dma_wait3A_221] : memref<163840x16xf32, #tpu.memory_space<hbm>> -> memref<163840x16xf32, #tpu.memory_space<hbm>>
        tpu.wait_indirect_dma semaphore(%run_scoped3A : memref<!tpu.dma_semaphore, #tpu.memory_space<semaphore_mem>>) src(%dma_wait3A_222 : memref<163840x16xf32, #tpu.memory_space<hbm>>) dst(%arg12 : memref<128x16xf32, #tpu.memory_space<vmem>>)
        tpu.yield
      }) : () -> ()
      %scan3A_214 = arith.constant 0 : i32
      %scan3A_215 = arith.constant 8 : i32
      %scan3A_216 = arith.addi %scan3A_214, %scan3A_215 : i32
      %scan3A_217 = arith.constant 1 : i32
      scf.for %scan3A_219 = %scan3A_214 to %scan3A_216 step %scan3A_217  : i32 {
        %mul3A_220 = arith.constant 1 : i32
        %mul3A_221 = arith.muli %scan3A_219, %mul3A_220 : i32
        %add3A_222 = arith.constant 0 : i32
        %add3A_223 = arith.addi %add3A_222, %mul3A_221 : i32
        %mul3A_224 = arith.constant 16 : i32
        %mul3A_225 = arith.muli %mul3A_224, %add3A_223 : i32
        %get3A_226 = arith.index_cast %mul3A_225 : i32 to index
        %get3A_227 = tpu.vector_load %arg10[%get3A_226] {strides = array<i32>} : memref<128xi32, #tpu.memory_space<vmem>>, vector<16xi32>,
        %mul3A_228 = arith.constant 16 : i32
        %mul3A_229 = arith.muli %mul3A_228, %add3A_223 : i32
        %get3A_230 = arith.index_cast %mul3A_229 : i32 to index
        %get3A_231 = tpu.vector_load %arg11[%get3A_230] {strides = array<i32>} : memref<128xf32, #tpu.memory_space<vmem>>, vector<16xf32>,
        %mul3A_232 = arith.constant 16 : i32
        %mul3A_233 = arith.muli %mul3A_232, %add3A_223 : i32
        %add3A_234 = arith.constant 0 : i32
        %add3A_235 = arith.addi %mul3A_233, %add3A_234 : i32
        %slice3A = vector.extract_strided_slice %get3A_227 {offsets = [0], sizes = [1], strides = [1]} : vector<16xi32> to vector<1xi32>
        %squeeze3A = vector.extract %slice3A[0] : i32 from vector<1xi32>
        %slice3A_236 = vector.extract_strided_slice %get3A_231 {offsets = [0], sizes = [1], strides = [1]} : vector<16xf32> to vector<1xf32>
        %squeeze3A_237 = vector.extract %slice3A_236[0] : f32 from vector<1xf32>
        %broadcast_in_dim3A_238 = vector.broadcast %squeeze3A_237 : f32 to vector<16xf32>
        %get3A_239 = arith.index_cast %add3A_235 : i32 to index
        %get3A_240 = arith.constant 0 : index
        %get3A_241 = tpu.vector_load %arg12[%get3A_239, %get3A_240] {strides = array<i32>} : memref<128x16xf32, #tpu.memory_space<vmem>>, vector<16xf32>,
        %mul3A_242 = arith.mulf %get3A_241, %broadcast_in_dim3A_238 : vector<16xf32>
        %mul3A_243 = arith.constant 8 : i32
        %mul3A_244 = arith.muli %squeeze3A, %mul3A_243 : i32
        %broadcast_in_dim3A_245 = vector.broadcast %mul3A_244 : i32 to vector<16xi32>
        %add3A_246 = arith.addi %broadcast_in_dim3A_245, %select_n3A_93 : vector<16xi32>
        tpu.vector_store_idx %arg13[%add3A_246], %mul3A_242 masked %eq3A_71 {add = true} : memref<81920xf32, #tpu.memory_space<vmem>>[vector<16xi32>], vector<16xf32>, vector<16xi1>
        %broadcast_in_dim3A_247 = vector.broadcast %squeeze3A : i32 to vector<16xi32>
        tpu.vector_store_idx %arg14[%broadcast_in_dim3A_247], %broadcast_in_dim3A_238 masked %eq3A_38 {add = true} : memref<10240xf32, #tpu.memory_space<vmem>>[vector<16xi32>], vector<16xf32>, vector<16xi1>
        %mul3A_248 = arith.constant 16 : i32
        %mul3A_249 = arith.muli %mul3A_248, %add3A_223 : i32
        %add3A_250 = arith.constant 1 : i32
        %add3A_251 = arith.addi %mul3A_249, %add3A_250 : i32
        %slice3A_252 = vector.extract_strided_slice %get3A_227 {offsets = [1], sizes = [1], strides = [1]} : vector<16xi32> to vector<1xi32>
        %squeeze3A_253 = vector.extract %slice3A_252[0] : i32 from vector<1xi32>
        %slice3A_254 = vector.extract_strided_slice %get3A_231 {offsets = [1], sizes = [1], strides = [1]} : vector<16xf32> to vector<1xf32>
        %squeeze3A_255 = vector.extract %slice3A_254[0] : f32 from vector<1xf32>
        %broadcast_in_dim3A_256 = vector.broadcast %squeeze3A_255 : f32 to vector<16xf32>
        %get3A_257 = arith.index_cast %add3A_251 : i32 to index
        %get3A_258 = arith.constant 0 : index
        %get3A_259 = tpu.vector_load %arg12[%get3A_257, %get3A_258] {strides = array<i32>} : memref<128x16xf32, #tpu.memory_space<vmem>>, vector<16xf32>,
        %mul3A_260 = arith.mulf %get3A_259, %broadcast_in_dim3A_256 : vector<16xf32>
        %mul3A_261 = arith.constant 8 : i32
        %mul3A_262 = arith.muli %squeeze3A_253, %mul3A_261 : i32
        %broadcast_in_dim3A_263 = vector.broadcast %mul3A_262 : i32 to vector<16xi32>
        %add3A_264 = arith.addi %broadcast_in_dim3A_263, %select_n3A_93 : vector<16xi32>
        tpu.vector_store_idx %arg13[%add3A_264], %mul3A_260 masked %eq3A_71 {add = true} : memref<81920xf32, #tpu.memory_space<vmem>>[vector<16xi32>], vector<16xf32>, vector<16xi1>
        %broadcast_in_dim3A_265 = vector.broadcast %squeeze3A_253 : i32 to vector<16xi32>
        tpu.vector_store_idx %arg14[%broadcast_in_dim3A_265], %broadcast_in_dim3A_256 masked %eq3A_38 {add = true} : memref<10240xf32, #tpu.memory_space<vmem>>[vector<16xi32>], vector<16xf32>, vector<16xi1>
        %mul3A_266 = arith.constant 16 : i32
        %mul3A_267 = arith.muli %mul3A_266, %add3A_223 : i32
        %add3A_268 = arith.constant 2 : i32
        %add3A_269 = arith.addi %mul3A_267, %add3A_268 : i32
        %slice3A_270 = vector.extract_strided_slice %get3A_227 {offsets = [2], sizes = [1], strides = [1]} : vector<16xi32> to vector<1xi32>
        %squeeze3A_271 = vector.extract %slice3A_270[0] : i32 from vector<1xi32>
        %slice3A_272 = vector.extract_strided_slice %get3A_231 {offsets = [2], sizes = [1], strides = [1]} : vector<16xf32> to vector<1xf32>
        %squeeze3A_273 = vector.extract %slice3A_272[0] : f32 from vector<1xf32>
        %broadcast_in_dim3A_274 = vector.broadcast %squeeze3A_273 : f32 to vector<16xf32>
        %get3A_275 = arith.index_cast %add3A_269 : i32 to index
        %get3A_276 = arith.constant 0 : index
        %get3A_277 = tpu.vector_load %arg12[%get3A_275, %get3A_276] {strides = array<i32>} : memref<128x16xf32, #tpu.memory_space<vmem>>, vector<16xf32>,
        %mul3A_278 = arith.mulf %get3A_277, %broadcast_in_dim3A_274 : vector<16xf32>
        %mul3A_279 = arith.constant 8 : i32
        %mul3A_280 = arith.muli %squeeze3A_271, %mul3A_279 : i32
        %broadcast_in_dim3A_281 = vector.broadcast %mul3A_280 : i32 to vector<16xi32>
        %add3A_282 = arith.addi %broadcast_in_dim3A_281, %select_n3A_93 : vector<16xi32>
        tpu.vector_store_idx %arg13[%add3A_282], %mul3A_278 masked %eq3A_71 {add = true} : memref<81920xf32, #tpu.memory_space<vmem>>[vector<16xi32>], vector<16xf32>, vector<16xi1>
        %broadcast_in_dim3A_283 = vector.broadcast %squeeze3A_271 : i32 to vector<16xi32>
        tpu.vector_store_idx %arg14[%broadcast_in_dim3A_283], %broadcast_in_dim3A_274 masked %eq3A_38 {add = true} : memref<10240xf32, #tpu.memory_space<vmem>>[vector<16xi32>], vector<16xf32>, vector<16xi1>
        %mul3A_284 = arith.constant 16 : i32
        %mul3A_285 = arith.muli %mul3A_284, %add3A_223 : i32
        %add3A_286 = arith.constant 3 : i32
        %add3A_287 = arith.addi %mul3A_285, %add3A_286 : i32
        %slice3A_288 = vector.extract_strided_slice %get3A_227 {offsets = [3], sizes = [1], strides = [1]} : vector<16xi32> to vector<1xi32>
        %squeeze3A_289 = vector.extract %slice3A_288[0] : i32 from vector<1xi32>
        %slice3A_290 = vector.extract_strided_slice %get3A_231 {offsets = [3], sizes = [1], strides = [1]} : vector<16xf32> to vector<1xf32>
        %squeeze3A_291 = vector.extract %slice3A_290[0] : f32 from vector<1xf32>
        %broadcast_in_dim3A_292 = vector.broadcast %squeeze3A_291 : f32 to vector<16xf32>
        %get3A_293 = arith.index_cast %add3A_287 : i32 to index
        %get3A_294 = arith.constant 0 : index
        %get3A_295 = tpu.vector_load %arg12[%get3A_293, %get3A_294] {strides = array<i32>} : memref<128x16xf32, #tpu.memory_space<vmem>>, vector<16xf32>,
        %mul3A_296 = arith.mulf %get3A_295, %broadcast_in_dim3A_292 : vector<16xf32>
        %mul3A_297 = arith.constant 8 : i32
        %mul3A_298 = arith.muli %squeeze3A_289, %mul3A_297 : i32
        %broadcast_in_dim3A_299 = vector.broadcast %mul3A_298 : i32 to vector<16xi32>
        %add3A_300 = arith.addi %broadcast_in_dim3A_299, %select_n3A_93 : vector<16xi32>
        tpu.vector_store_idx %arg13[%add3A_300], %mul3A_296 masked %eq3A_71 {add = true} : memref<81920xf32, #tpu.memory_space<vmem>>[vector<16xi32>], vector<16xf32>, vector<16xi1>
        %broadcast_in_dim3A_301 = vector.broadcast %squeeze3A_289 : i32 to vector<16xi32>
        tpu.vector_store_idx %arg14[%broadcast_in_dim3A_301], %broadcast_in_dim3A_292 masked %eq3A_38 {add = true} : memref<10240xf32, #tpu.memory_space<vmem>>[vector<16xi32>], vector<16xf32>, vector<16xi1>
        %mul3A_302 = arith.constant 16 : i32
        %mul3A_303 = arith.muli %mul3A_302, %add3A_223 : i32
        %add3A_304 = arith.constant 4 : i32
        %add3A_305 = arith.addi %mul3A_303, %add3A_304 : i32
        %slice3A_306 = vector.extract_strided_slice %get3A_227 {offsets = [4], sizes = [1], strides = [1]} : vector<16xi32> to vector<1xi32>
        %squeeze3A_307 = vector.extract %slice3A_306[0] : i32 from vector<1xi32>
        %slice3A_308 = vector.extract_strided_slice %get3A_231 {offsets = [4], sizes = [1], strides = [1]} : vector<16xf32> to vector<1xf32>
        %squeeze3A_309 = vector.extract %slice3A_308[0] : f32 from vector<1xf32>
        %broadcast_in_dim3A_310 = vector.broadcast %squeeze3A_309 : f32 to vector<16xf32>
        %get3A_311 = arith.index_cast %add3A_305 : i32 to index
        %get3A_312 = arith.constant 0 : index
        %get3A_313 = tpu.vector_load %arg12[%get3A_311, %get3A_312] {strides = array<i32>} : memref<128x16xf32, #tpu.memory_space<vmem>>, vector<16xf32>,
        %mul3A_314 = arith.mulf %get3A_313, %broadcast_in_dim3A_310 : vector<16xf32>
        %mul3A_315 = arith.constant 8 : i32
        %mul3A_316 = arith.muli %squeeze3A_307, %mul3A_315 : i32
        %broadcast_in_dim3A_317 = vector.broadcast %mul3A_316 : i32 to vector<16xi32>
        %add3A_318 = arith.addi %broadcast_in_dim3A_317, %select_n3A_93 : vector<16xi32>
        tpu.vector_store_idx %arg13[%add3A_318], %mul3A_314 masked %eq3A_71 {add = true} : memref<81920xf32, #tpu.memory_space<vmem>>[vector<16xi32>], vector<16xf32>, vector<16xi1>
        %broadcast_in_dim3A_319 = vector.broadcast %squeeze3A_307 : i32 to vector<16xi32>
        tpu.vector_store_idx %arg14[%broadcast_in_dim3A_319], %broadcast_in_dim3A_310 masked %eq3A_38 {add = true} : memref<10240xf32, #tpu.memory_space<vmem>>[vector<16xi32>], vector<16xf32>, vector<16xi1>
        %mul3A_320 = arith.constant 16 : i32
        %mul3A_321 = arith.muli %mul3A_320, %add3A_223 : i32
        %add3A_322 = arith.constant 5 : i32
        %add3A_323 = arith.addi %mul3A_321, %add3A_322 : i32
        %slice3A_324 = vector.extract_strided_slice %get3A_227 {offsets = [5], sizes = [1], strides = [1]} : vector<16xi32> to vector<1xi32>
        %squeeze3A_325 = vector.extract %slice3A_324[0] : i32 from vector<1xi32>
        %slice3A_326 = vector.extract_strided_slice %get3A_231 {offsets = [5], sizes = [1], strides = [1]} : vector<16xf32> to vector<1xf32>
        %squeeze3A_327 = vector.extract %slice3A_326[0] : f32 from vector<1xf32>
        %broadcast_in_dim3A_328 = vector.broadcast %squeeze3A_327 : f32 to vector<16xf32>
        %get3A_329 = arith.index_cast %add3A_323 : i32 to index
        %get3A_330 = arith.constant 0 : index
        %get3A_331 = tpu.vector_load %arg12[%get3A_329, %get3A_330] {strides = array<i32>} : memref<128x16xf32, #tpu.memory_space<vmem>>, vector<16xf32>,
        %mul3A_332 = arith.mulf %get3A_331, %broadcast_in_dim3A_328 : vector<16xf32>
        %mul3A_333 = arith.constant 8 : i32
        %mul3A_334 = arith.muli %squeeze3A_325, %mul3A_333 : i32
        %broadcast_in_dim3A_335 = vector.broadcast %mul3A_334 : i32 to vector<16xi32>
        %add3A_336 = arith.addi %broadcast_in_dim3A_335, %select_n3A_93 : vector<16xi32>
        tpu.vector_store_idx %arg13[%add3A_336], %mul3A_332 masked %eq3A_71 {add = true} : memref<81920xf32, #tpu.memory_space<vmem>>[vector<16xi32>], vector<16xf32>, vector<16xi1>
        %broadcast_in_dim3A_337 = vector.broadcast %squeeze3A_325 : i32 to vector<16xi32>
        tpu.vector_store_idx %arg14[%broadcast_in_dim3A_337], %broadcast_in_dim3A_328 masked %eq3A_38 {add = true} : memref<10240xf32, #tpu.memory_space<vmem>>[vector<16xi32>], vector<16xf32>, vector<16xi1>
        %mul3A_338 = arith.constant 16 : i32
        %mul3A_339 = arith.muli %mul3A_338, %add3A_223 : i32
        %add3A_340 = arith.constant 6 : i32
        %add3A_341 = arith.addi %mul3A_339, %add3A_340 : i32
        %slice3A_342 = vector.extract_strided_slice %get3A_227 {offsets = [6], sizes = [1], strides = [1]} : vector<16xi32> to vector<1xi32>
        %squeeze3A_343 = vector.extract %slice3A_342[0] : i32 from vector<1xi32>
        %slice3A_344 = vector.extract_strided_slice %get3A_231 {offsets = [6], sizes = [1], strides = [1]} : vector<16xf32> to vector<1xf32>
        %squeeze3A_345 = vector.extract %slice3A_344[0] : f32 from vector<1xf32>
        %broadcast_in_dim3A_346 = vector.broadcast %squeeze3A_345 : f32 to vector<16xf32>
        %get3A_347 = arith.index_cast %add3A_341 : i32 to index
        %get3A_348 = arith.constant 0 : index
        %get3A_349 = tpu.vector_load %arg12[%get3A_347, %get3A_348] {strides = array<i32>} : memref<128x16xf32, #tpu.memory_space<vmem>>, vector<16xf32>,
        %mul3A_350 = arith.mulf %get3A_349, %broadcast_in_dim3A_346 : vector<16xf32>
        %mul3A_351 = arith.constant 8 : i32
        %mul3A_352 = arith.muli %squeeze3A_343, %mul3A_351 : i32
        %broadcast_in_dim3A_353 = vector.broadcast %mul3A_352 : i32 to vector<16xi32>
        %add3A_354 = arith.addi %broadcast_in_dim3A_353, %select_n3A_93 : vector<16xi32>
        tpu.vector_store_idx %arg13[%add3A_354], %mul3A_350 masked %eq3A_71 {add = true} : memref<81920xf32, #tpu.memory_space<vmem>>[vector<16xi32>], vector<16xf32>, vector<16xi1>
        %broadcast_in_dim3A_355 = vector.broadcast %squeeze3A_343 : i32 to vector<16xi32>
        tpu.vector_store_idx %arg14[%broadcast_in_dim3A_355], %broadcast_in_dim3A_346 masked %eq3A_38 {add = true} : memref<10240xf32, #tpu.memory_space<vmem>>[vector<16xi32>], vector<16xf32>, vector<16xi1>
        %mul3A_356 = arith.constant 16 : i32
        %mul3A_357 = arith.muli %mul3A_356, %add3A_223 : i32
        %add3A_358 = arith.constant 7 : i32
        %add3A_359 = arith.addi %mul3A_357, %add3A_358 : i32
        %slice3A_360 = vector.extract_strided_slice %get3A_227 {offsets = [7], sizes = [1], strides = [1]} : vector<16xi32> to vector<1xi32>
        %squeeze3A_361 = vector.extract %slice3A_360[0] : i32 from vector<1xi32>
        %slice3A_362 = vector.extract_strided_slice %get3A_231 {offsets = [7], sizes = [1], strides = [1]} : vector<16xf32> to vector<1xf32>
        %squeeze3A_363 = vector.extract %slice3A_362[0] : f32 from vector<1xf32>
        %broadcast_in_dim3A_364 = vector.broadcast %squeeze3A_363 : f32 to vector<16xf32>
        %get3A_365 = arith.index_cast %add3A_359 : i32 to index
        %get3A_366 = arith.constant 0 : index
        %get3A_367 = tpu.vector_load %arg12[%get3A_365, %get3A_366] {strides = array<i32>} : memref<128x16xf32, #tpu.memory_space<vmem>>, vector<16xf32>,
        %mul3A_368 = arith.mulf %get3A_367, %broadcast_in_dim3A_364 : vector<16xf32>
        %mul3A_369 = arith.constant 8 : i32
        %mul3A_370 = arith.muli %squeeze3A_361, %mul3A_369 : i32
        %broadcast_in_dim3A_371 = vector.broadcast %mul3A_370 : i32 to vector<16xi32>
        %add3A_372 = arith.addi %broadcast_in_dim3A_371, %select_n3A_93 : vector<16xi32>
        tpu.vector_store_idx %arg13[%add3A_372], %mul3A_368 masked %eq3A_71 {add = true} : memref<81920xf32, #tpu.memory_space<vmem>>[vector<16xi32>], vector<16xf32>, vector<16xi1>
        %broadcast_in_dim3A_373 = vector.broadcast %squeeze3A_361 : i32 to vector<16xi32>
        tpu.vector_store_idx %arg14[%broadcast_in_dim3A_373], %broadcast_in_dim3A_364 masked %eq3A_38 {add = true} : memref<10240xf32, #tpu.memory_space<vmem>>[vector<16xi32>], vector<16xf32>, vector<16xi1>
        %mul3A_374 = arith.constant 16 : i32
        %mul3A_375 = arith.muli %mul3A_374, %add3A_223 : i32
        %add3A_376 = arith.constant 8 : i32
        %add3A_377 = arith.addi %mul3A_375, %add3A_376 : i32
        %slice3A_378 = vector.extract_strided_slice %get3A_227 {offsets = [8], sizes = [1], strides = [1]} : vector<16xi32> to vector<1xi32>
        %squeeze3A_379 = vector.extract %slice3A_378[0] : i32 from vector<1xi32>
        %slice3A_380 = vector.extract_strided_slice %get3A_231 {offsets = [8], sizes = [1], strides = [1]} : vector<16xf32> to vector<1xf32>
        %squeeze3A_381 = vector.extract %slice3A_380[0] : f32 from vector<1xf32>
        %broadcast_in_dim3A_382 = vector.broadcast %squeeze3A_381 : f32 to vector<16xf32>
        %get3A_383 = arith.index_cast %add3A_377 : i32 to index
        %get3A_384 = arith.constant 0 : index
        %get3A_385 = tpu.vector_load %arg12[%get3A_383, %get3A_384] {strides = array<i32>} : memref<128x16xf32, #tpu.memory_space<vmem>>, vector<16xf32>,
        %mul3A_386 = arith.mulf %get3A_385, %broadcast_in_dim3A_382 : vector<16xf32>
        %mul3A_387 = arith.constant 8 : i32
        %mul3A_388 = arith.muli %squeeze3A_379, %mul3A_387 : i32
        %broadcast_in_dim3A_389 = vector.broadcast %mul3A_388 : i32 to vector<16xi32>
        %add3A_390 = arith.addi %broadcast_in_dim3A_389, %select_n3A_93 : vector<16xi32>
        tpu.vector_store_idx %arg13[%add3A_390], %mul3A_386 masked %eq3A_71 {add = true} : memref<81920xf32, #tpu.memory_space<vmem>>[vector<16xi32>], vector<16xf32>, vector<16xi1>
        %broadcast_in_dim3A_391 = vector.broadcast %squeeze3A_379 : i32 to vector<16xi32>
        tpu.vector_store_idx %arg14[%broadcast_in_dim3A_391], %broadcast_in_dim3A_382 masked %eq3A_38 {add = true} : memref<10240xf32, #tpu.memory_space<vmem>>[vector<16xi32>], vector<16xf32>, vector<16xi1>
        %mul3A_392 = arith.constant 16 : i32
        %mul3A_393 = arith.muli %mul3A_392, %add3A_223 : i32
        %add3A_394 = arith.constant 9 : i32
        %add3A_395 = arith.addi %mul3A_393, %add3A_394 : i32
        %slice3A_396 = vector.extract_strided_slice %get3A_227 {offsets = [9], sizes = [1], strides = [1]} : vector<16xi32> to vector<1xi32>
        %squeeze3A_397 = vector.extract %slice3A_396[0] : i32 from vector<1xi32>
        %slice3A_398 = vector.extract_strided_slice %get3A_231 {offsets = [9], sizes = [1], strides = [1]} : vector<16xf32> to vector<1xf32>
        %squeeze3A_399 = vector.extract %slice3A_398[0] : f32 from vector<1xf32>
        %broadcast_in_dim3A_400 = vector.broadcast %squeeze3A_399 : f32 to vector<16xf32>
        %get3A_401 = arith.index_cast %add3A_395 : i32 to index
        %get3A_402 = arith.constant 0 : index
        %get3A_403 = tpu.vector_load %arg12[%get3A_401, %get3A_402] {strides = array<i32>} : memref<128x16xf32, #tpu.memory_space<vmem>>, vector<16xf32>,
        %mul3A_404 = arith.mulf %get3A_403, %broadcast_in_dim3A_400 : vector<16xf32>
        %mul3A_405 = arith.constant 8 : i32
        %mul3A_406 = arith.muli %squeeze3A_397, %mul3A_405 : i32
        %broadcast_in_dim3A_407 = vector.broadcast %mul3A_406 : i32 to vector<16xi32>
        %add3A_408 = arith.addi %broadcast_in_dim3A_407, %select_n3A_93 : vector<16xi32>
        tpu.vector_store_idx %arg13[%add3A_408], %mul3A_404 masked %eq3A_71 {add = true} : memref<81920xf32, #tpu.memory_space<vmem>>[vector<16xi32>], vector<16xf32>, vector<16xi1>
        %broadcast_in_dim3A_409 = vector.broadcast %squeeze3A_397 : i32 to vector<16xi32>
        tpu.vector_store_idx %arg14[%broadcast_in_dim3A_409], %broadcast_in_dim3A_400 masked %eq3A_38 {add = true} : memref<10240xf32, #tpu.memory_space<vmem>>[vector<16xi32>], vector<16xf32>, vector<16xi1>
        %mul3A_410 = arith.constant 16 : i32
        %mul3A_411 = arith.muli %mul3A_410, %add3A_223 : i32
        %add3A_412 = arith.constant 10 : i32
        %add3A_413 = arith.addi %mul3A_411, %add3A_412 : i32
        %slice3A_414 = vector.extract_strided_slice %get3A_227 {offsets = [10], sizes = [1], strides = [1]} : vector<16xi32> to vector<1xi32>
        %squeeze3A_415 = vector.extract %slice3A_414[0] : i32 from vector<1xi32>
        %slice3A_416 = vector.extract_strided_slice %get3A_231 {offsets = [10], sizes = [1], strides = [1]} : vector<16xf32> to vector<1xf32>
        %squeeze3A_417 = vector.extract %slice3A_416[0] : f32 from vector<1xf32>
        %broadcast_in_dim3A_418 = vector.broadcast %squeeze3A_417 : f32 to vector<16xf32>
        %get3A_419 = arith.index_cast %add3A_413 : i32 to index
        %get3A_420 = arith.constant 0 : index
        %get3A_421 = tpu.vector_load %arg12[%get3A_419, %get3A_420] {strides = array<i32>} : memref<128x16xf32, #tpu.memory_space<vmem>>, vector<16xf32>,
        %mul3A_422 = arith.mulf %get3A_421, %broadcast_in_dim3A_418 : vector<16xf32>
        %mul3A_423 = arith.constant 8 : i32
        %mul3A_424 = arith.muli %squeeze3A_415, %mul3A_423 : i32
        %broadcast_in_dim3A_425 = vector.broadcast %mul3A_424 : i32 to vector<16xi32>
        %add3A_426 = arith.addi %broadcast_in_dim3A_425, %select_n3A_93 : vector<16xi32>
        tpu.vector_store_idx %arg13[%add3A_426], %mul3A_422 masked %eq3A_71 {add = true} : memref<81920xf32, #tpu.memory_space<vmem>>[vector<16xi32>], vector<16xf32>, vector<16xi1>
        %broadcast_in_dim3A_427 = vector.broadcast %squeeze3A_415 : i32 to vector<16xi32>
        tpu.vector_store_idx %arg14[%broadcast_in_dim3A_427], %broadcast_in_dim3A_418 masked %eq3A_38 {add = true} : memref<10240xf32, #tpu.memory_space<vmem>>[vector<16xi32>], vector<16xf32>, vector<16xi1>
        %mul3A_428 = arith.constant 16 : i32
        %mul3A_429 = arith.muli %mul3A_428, %add3A_223 : i32
        %add3A_430 = arith.constant 11 : i32
        %add3A_431 = arith.addi %mul3A_429, %add3A_430 : i32
        %slice3A_432 = vector.extract_strided_slice %get3A_227 {offsets = [11], sizes = [1], strides = [1]} : vector<16xi32> to vector<1xi32>
        %squeeze3A_433 = vector.extract %slice3A_432[0] : i32 from vector<1xi32>
        %slice3A_434 = vector.extract_strided_slice %get3A_231 {offsets = [11], sizes = [1], strides = [1]} : vector<16xf32> to vector<1xf32>
        %squeeze3A_435 = vector.extract %slice3A_434[0] : f32 from vector<1xf32>
        %broadcast_in_dim3A_436 = vector.broadcast %squeeze3A_435 : f32 to vector<16xf32>
        %get3A_437 = arith.index_cast %add3A_431 : i32 to index
        %get3A_438 = arith.constant 0 : index
        %get3A_439 = tpu.vector_load %arg12[%get3A_437, %get3A_438] {strides = array<i32>} : memref<128x16xf32, #tpu.memory_space<vmem>>, vector<16xf32>,
        %mul3A_440 = arith.mulf %get3A_439, %broadcast_in_dim3A_436 : vector<16xf32>
        %mul3A_441 = arith.constant 8 : i32
        %mul3A_442 = arith.muli %squeeze3A_433, %mul3A_441 : i32
        %broadcast_in_dim3A_443 = vector.broadcast %mul3A_442 : i32 to vector<16xi32>
        %add3A_444 = arith.addi %broadcast_in_dim3A_443, %select_n3A_93 : vector<16xi32>
        tpu.vector_store_idx %arg13[%add3A_444], %mul3A_440 masked %eq3A_71 {add = true} : memref<81920xf32, #tpu.memory_space<vmem>>[vector<16xi32>], vector<16xf32>, vector<16xi1>
        %broadcast_in_dim3A_445 = vector.broadcast %squeeze3A_433 : i32 to vector<16xi32>
        tpu.vector_store_idx %arg14[%broadcast_in_dim3A_445], %broadcast_in_dim3A_436 masked %eq3A_38 {add = true} : memref<10240xf32, #tpu.memory_space<vmem>>[vector<16xi32>], vector<16xf32>, vector<16xi1>
        %mul3A_446 = arith.constant 16 : i32
        %mul3A_447 = arith.muli %mul3A_446, %add3A_223 : i32
        %add3A_448 = arith.constant 12 : i32
        %add3A_449 = arith.addi %mul3A_447, %add3A_448 : i32
        %slice3A_450 = vector.extract_strided_slice %get3A_227 {offsets = [12], sizes = [1], strides = [1]} : vector<16xi32> to vector<1xi32>
        %squeeze3A_451 = vector.extract %slice3A_450[0] : i32 from vector<1xi32>
        %slice3A_452 = vector.extract_strided_slice %get3A_231 {offsets = [12], sizes = [1], strides = [1]} : vector<16xf32> to vector<1xf32>
        %squeeze3A_453 = vector.extract %slice3A_452[0] : f32 from vector<1xf32>
        %broadcast_in_dim3A_454 = vector.broadcast %squeeze3A_453 : f32 to vector<16xf32>
        %get3A_455 = arith.index_cast %add3A_449 : i32 to index
        %get3A_456 = arith.constant 0 : index
        %get3A_457 = tpu.vector_load %arg12[%get3A_455, %get3A_456] {strides = array<i32>} : memref<128x16xf32, #tpu.memory_space<vmem>>, vector<16xf32>,
        %mul3A_458 = arith.mulf %get3A_457, %broadcast_in_dim3A_454 : vector<16xf32>
        %mul3A_459 = arith.constant 8 : i32
        %mul3A_460 = arith.muli %squeeze3A_451, %mul3A_459 : i32
        %broadcast_in_dim3A_461 = vector.broadcast %mul3A_460 : i32 to vector<16xi32>
        %add3A_462 = arith.addi %broadcast_in_dim3A_461, %select_n3A_93 : vector<16xi32>
        tpu.vector_store_idx %arg13[%add3A_462], %mul3A_458 masked %eq3A_71 {add = true} : memref<81920xf32, #tpu.memory_space<vmem>>[vector<16xi32>], vector<16xf32>, vector<16xi1>
        %broadcast_in_dim3A_463 = vector.broadcast %squeeze3A_451 : i32 to vector<16xi32>
        tpu.vector_store_idx %arg14[%broadcast_in_dim3A_463], %broadcast_in_dim3A_454 masked %eq3A_38 {add = true} : memref<10240xf32, #tpu.memory_space<vmem>>[vector<16xi32>], vector<16xf32>, vector<16xi1>
        %mul3A_464 = arith.constant 16 : i32
        %mul3A_465 = arith.muli %mul3A_464, %add3A_223 : i32
        %add3A_466 = arith.constant 13 : i32
        %add3A_467 = arith.addi %mul3A_465, %add3A_466 : i32
        %slice3A_468 = vector.extract_strided_slice %get3A_227 {offsets = [13], sizes = [1], strides = [1]} : vector<16xi32> to vector<1xi32>
        %squeeze3A_469 = vector.extract %slice3A_468[0] : i32 from vector<1xi32>
        %slice3A_470 = vector.extract_strided_slice %get3A_231 {offsets = [13], sizes = [1], strides = [1]} : vector<16xf32> to vector<1xf32>
        %squeeze3A_471 = vector.extract %slice3A_470[0] : f32 from vector<1xf32>
        %broadcast_in_dim3A_472 = vector.broadcast %squeeze3A_471 : f32 to vector<16xf32>
        %get3A_473 = arith.index_cast %add3A_467 : i32 to index
        %get3A_474 = arith.constant 0 : index
        %get3A_475 = tpu.vector_load %arg12[%get3A_473, %get3A_474] {strides = array<i32>} : memref<128x16xf32, #tpu.memory_space<vmem>>, vector<16xf32>,
        %mul3A_476 = arith.mulf %get3A_475, %broadcast_in_dim3A_472 : vector<16xf32>
        %mul3A_477 = arith.constant 8 : i32
        %mul3A_478 = arith.muli %squeeze3A_469, %mul3A_477 : i32
        %broadcast_in_dim3A_479 = vector.broadcast %mul3A_478 : i32 to vector<16xi32>
        %add3A_480 = arith.addi %broadcast_in_dim3A_479, %select_n3A_93 : vector<16xi32>
        tpu.vector_store_idx %arg13[%add3A_480], %mul3A_476 masked %eq3A_71 {add = true} : memref<81920xf32, #tpu.memory_space<vmem>>[vector<16xi32>], vector<16xf32>, vector<16xi1>
        %broadcast_in_dim3A_481 = vector.broadcast %squeeze3A_469 : i32 to vector<16xi32>
        tpu.vector_store_idx %arg14[%broadcast_in_dim3A_481], %broadcast_in_dim3A_472 masked %eq3A_38 {add = true} : memref<10240xf32, #tpu.memory_space<vmem>>[vector<16xi32>], vector<16xf32>, vector<16xi1>
        %mul3A_482 = arith.constant 16 : i32
        %mul3A_483 = arith.muli %mul3A_482, %add3A_223 : i32
        %add3A_484 = arith.constant 14 : i32
        %add3A_485 = arith.addi %mul3A_483, %add3A_484 : i32
        %slice3A_486 = vector.extract_strided_slice %get3A_227 {offsets = [14], sizes = [1], strides = [1]} : vector<16xi32> to vector<1xi32>
        %squeeze3A_487 = vector.extract %slice3A_486[0] : i32 from vector<1xi32>
        %slice3A_488 = vector.extract_strided_slice %get3A_231 {offsets = [14], sizes = [1], strides = [1]} : vector<16xf32> to vector<1xf32>
        %squeeze3A_489 = vector.extract %slice3A_488[0] : f32 from vector<1xf32>
        %broadcast_in_dim3A_490 = vector.broadcast %squeeze3A_489 : f32 to vector<16xf32>
        %get3A_491 = arith.index_cast %add3A_485 : i32 to index
        %get3A_492 = arith.constant 0 : index
        %get3A_493 = tpu.vector_load %arg12[%get3A_491, %get3A_492] {strides = array<i32>} : memref<128x16xf32, #tpu.memory_space<vmem>>, vector<16xf32>,
        %mul3A_494 = arith.mulf %get3A_493, %broadcast_in_dim3A_490 : vector<16xf32>
        %mul3A_495 = arith.constant 8 : i32
        %mul3A_496 = arith.muli %squeeze3A_487, %mul3A_495 : i32
        %broadcast_in_dim3A_497 = vector.broadcast %mul3A_496 : i32 to vector<16xi32>
        %add3A_498 = arith.addi %broadcast_in_dim3A_497, %select_n3A_93 : vector<16xi32>
        tpu.vector_store_idx %arg13[%add3A_498], %mul3A_494 masked %eq3A_71 {add = true} : memref<81920xf32, #tpu.memory_space<vmem>>[vector<16xi32>], vector<16xf32>, vector<16xi1>
        %broadcast_in_dim3A_499 = vector.broadcast %squeeze3A_487 : i32 to vector<16xi32>
        tpu.vector_store_idx %arg14[%broadcast_in_dim3A_499], %broadcast_in_dim3A_490 masked %eq3A_38 {add = true} : memref<10240xf32, #tpu.memory_space<vmem>>[vector<16xi32>], vector<16xf32>, vector<16xi1>
        %mul3A_500 = arith.constant 16 : i32
        %mul3A_501 = arith.muli %mul3A_500, %add3A_223 : i32
        %add3A_502 = arith.constant 15 : i32
        %add3A_503 = arith.addi %mul3A_501, %add3A_502 : i32
        %slice3A_504 = vector.extract_strided_slice %get3A_227 {offsets = [15], sizes = [1], strides = [1]} : vector<16xi32> to vector<1xi32>
        %squeeze3A_505 = vector.extract %slice3A_504[0] : i32 from vector<1xi32>
        %slice3A_506 = vector.extract_strided_slice %get3A_231 {offsets = [15], sizes = [1], strides = [1]} : vector<16xf32> to vector<1xf32>
        %squeeze3A_507 = vector.extract %slice3A_506[0] : f32 from vector<1xf32>
        %broadcast_in_dim3A_508 = vector.broadcast %squeeze3A_507 : f32 to vector<16xf32>
        %get3A_509 = arith.index_cast %add3A_503 : i32 to index
        %get3A_510 = arith.constant 0 : index
        %get3A_511 = tpu.vector_load %arg12[%get3A_509, %get3A_510] {strides = array<i32>} : memref<128x16xf32, #tpu.memory_space<vmem>>, vector<16xf32>,
        %mul3A_512 = arith.mulf %get3A_511, %broadcast_in_dim3A_508 : vector<16xf32>
        %mul3A_513 = arith.constant 8 : i32
        %mul3A_514 = arith.muli %squeeze3A_505, %mul3A_513 : i32
        %broadcast_in_dim3A_515 = vector.broadcast %mul3A_514 : i32 to vector<16xi32>
        %add3A_516 = arith.addi %broadcast_in_dim3A_515, %select_n3A_93 : vector<16xi32>
        tpu.vector_store_idx %arg13[%add3A_516], %mul3A_512 masked %eq3A_71 {add = true} : memref<81920xf32, #tpu.memory_space<vmem>>[vector<16xi32>], vector<16xf32>, vector<16xi1>
        %broadcast_in_dim3A_517 = vector.broadcast %squeeze3A_505 : i32 to vector<16xi32>
        tpu.vector_store_idx %arg14[%broadcast_in_dim3A_517], %broadcast_in_dim3A_508 masked %eq3A_38 {add = true} : memref<10240xf32, #tpu.memory_space<vmem>>[vector<16xi32>], vector<16xf32>, vector<16xi1>
      }
      %scan3A_218 = arith.constant 8 : i32
    }
    %scan3A_108 = arith.constant 1344 : i32
    %mul3A_109 = arith.constant 10240 : i32
    %mul3A_110 = arith.muli %add3A, %mul3A_109 : i32
    %mul3A_111 = arith.constant 8 : i32
    %mul3A_112 = arith.muli %mul3A_110, %mul3A_111 : i32
    "tpu.region"() ({
      %run_scoped3A = tpu.sem_alloc : memref<!tpu.dma_semaphore, #tpu.memory_space<semaphore_mem>>
      %dma_start3A = tpu.memref_slice %arg6[%mul3A_112] : memref<2621440xf32, #tpu.memory_space<hbm>> -> memref<81920xf32, #tpu.memory_space<hbm>>
      %dma_start3A_113 = tpu.memref_slice %arg6[%mul3A_112] : memref<2621440xf32, #tpu.memory_space<hbm>> -> memref<81920xf32, #tpu.memory_space<hbm>>
      tpu.enqueue_dma source(%arg13 : memref<81920xf32, #tpu.memory_space<vmem>>) target(%dma_start3A_113 : memref<81920xf32, #tpu.memory_space<hbm>>) target_semaphore(%run_scoped3A : memref<!tpu.dma_semaphore, #tpu.memory_space<semaphore_mem>>)
      %dma_wait3A = tpu.memref_slice %arg6[%mul3A_112] : memref<2621440xf32, #tpu.memory_space<hbm>> -> memref<81920xf32, #tpu.memory_space<hbm>>
      %dma_wait3A_114 = tpu.memref_slice %arg6[%mul3A_112] : memref<2621440xf32, #tpu.memory_space<hbm>> -> memref<81920xf32, #tpu.memory_space<hbm>>
      tpu.wait_dma2 semaphore(%run_scoped3A : memref<!tpu.dma_semaphore, #tpu.memory_space<semaphore_mem>>) src(%arg13 : memref<81920xf32, #tpu.memory_space<vmem>>) dst(%dma_wait3A_114 : memref<81920xf32, #tpu.memory_space<hbm>>)
      tpu.yield
    }) : () -> ()
    "tpu.region"() ({
      %run_scoped3A = tpu.sem_alloc : memref<!tpu.dma_semaphore, #tpu.memory_space<semaphore_mem>>
      tpu.enqueue_dma source(%arg14 : memref<10240xf32, #tpu.memory_space<vmem>>) target(%arg7 : memref<10240xf32, #tpu.memory_space<hbm>>) target_semaphore(%run_scoped3A : memref<!tpu.dma_semaphore, #tpu.memory_space<semaphore_mem>>)
      tpu.wait_dma2 semaphore(%run_scoped3A : memref<!tpu.dma_semaphore, #tpu.memory_space<semaphore_mem>>) src(%arg14 : memref<10240xf32, #tpu.memory_space<vmem>>) dst(%arg7 : memref<10240xf32, #tpu.memory_space<hbm>>)
      tpu.yield
    }) : () -> ()
    return
  }
}

#map = affine_map<(d0, d1) -> (0, 0)>
#map1 = affine_map<(d0, d1) -> (0)>
module attributes {stable_mosaic.version = 14 : i64} {
  func.func @_sc_logits(%arg0: i32, %arg1: i32, %arg2: memref<20480x128xf32, #tpu.memory_space<hbm>>, %arg3: memref<20480x128xf32, #tpu.memory_space<hbm>>, %arg4: memref<172032xi32, #tpu.memory_space<hbm>>, %arg5: memref<172032xi32, #tpu.memory_space<hbm>>, %arg6: memref<256xf32, #tpu.memory_space<hbm>>, %arg7: memref<344064x16xf32, #tpu.memory_space<hbm>>, %arg8: memref<128xi32, #tpu.memory_space<vmem>>, %arg9: memref<128xi32, #tpu.memory_space<vmem>>, %arg10: memref<128xi32, #tpu.memory_space<vmem>>, %arg11: memref<128x128xf32, #tpu.memory_space<vmem>>, %arg12: memref<128x128xf32, #tpu.memory_space<vmem>>, %arg13: memref<128x16xf32, #tpu.memory_space<vmem>>, %arg14: memref<128xf32, #tpu.memory_space<vmem>>) attributes {dimension_semantics = [#tpu.dimension_semantics<core_parallel>, #tpu.dimension_semantics<subcore_parallel>], iteration_bounds = array<i64: 2, 16>, scalar_prefetch = 0 : i64, scratch_operands = 7 : i64, tpu.core_type = #tpu.core_type<sc_vector_subcore>, window_params = [{transform_indices = #map}, {transform_indices = #map}, {transform_indices = #map1}, {transform_indices = #map1}, {transform_indices = #map1}, {transform_indices = #map}]} {
    %mul3A = arith.constant 10240 : i32
    %mul3A_0 = arith.muli %arg0, %mul3A : i32
    %mul3A_1 = arith.constant 128 : i32
    %mul3A_2 = arith.muli %arg0, %mul3A_1 : i32
    "tpu.region"() ({
      %run_scoped3A = tpu.sem_alloc : memref<!tpu.dma_semaphore, #tpu.memory_space<semaphore_mem>>
      %dma_start3A = tpu.memref_slice %arg6[%mul3A_2] : memref<256xf32, #tpu.memory_space<hbm>> -> memref<128xf32, #tpu.memory_space<hbm>>
      %dma_start3A_32 = tpu.memref_slice %arg6[%mul3A_2] : memref<256xf32, #tpu.memory_space<hbm>> -> memref<128xf32, #tpu.memory_space<hbm>>
      tpu.enqueue_dma source(%dma_start3A_32 : memref<128xf32, #tpu.memory_space<hbm>>) target(%arg14 : memref<128xf32, #tpu.memory_space<vmem>>) target_semaphore(%run_scoped3A : memref<!tpu.dma_semaphore, #tpu.memory_space<semaphore_mem>>)
      %dma_wait3A = tpu.memref_slice %arg6[%mul3A_2] : memref<256xf32, #tpu.memory_space<hbm>> -> memref<128xf32, #tpu.memory_space<hbm>>
      %dma_wait3A_33 = tpu.memref_slice %arg6[%mul3A_2] : memref<256xf32, #tpu.memory_space<hbm>> -> memref<128xf32, #tpu.memory_space<hbm>>
      tpu.wait_dma2 semaphore(%run_scoped3A : memref<!tpu.dma_semaphore, #tpu.memory_space<semaphore_mem>>) src(%dma_wait3A_33 : memref<128xf32, #tpu.memory_space<hbm>>) dst(%arg14 : memref<128xf32, #tpu.memory_space<vmem>>)
      tpu.yield
    }) : () -> ()
    %get3A = arith.constant 0 : index
    %get3A_3 = tpu.vector_load %arg14[%get3A] {strides = array<i32>} : memref<128xf32, #tpu.memory_space<vmem>>, vector<16xf32>,
    %get3A_4 = vector.shape_cast %get3A_3 : vector<16xf32> to vector<16xf32>
    %get3A_5 = arith.constant 16 : index
    %get3A_6 = tpu.vector_load %arg14[%get3A_5] {strides = array<i32>} : memref<128xf32, #tpu.memory_space<vmem>>, vector<16xf32>,
    %get3A_7 = vector.shape_cast %get3A_6 : vector<16xf32> to vector<16xf32>
    %get3A_8 = arith.constant 32 : index
    %get3A_9 = tpu.vector_load %arg14[%get3A_8] {strides = array<i32>} : memref<128xf32, #tpu.memory_space<vmem>>, vector<16xf32>,
    %get3A_10 = vector.shape_cast %get3A_9 : vector<16xf32> to vector<16xf32>
    %get3A_11 = arith.constant 48 : index
    %get3A_12 = tpu.vector_load %arg14[%get3A_11] {strides = array<i32>} : memref<128xf32, #tpu.memory_space<vmem>>, vector<16xf32>,
    %get3A_13 = vector.shape_cast %get3A_12 : vector<16xf32> to vector<16xf32>
    %get3A_14 = arith.constant 64 : index
    %get3A_15 = tpu.vector_load %arg14[%get3A_14] {strides = array<i32>} : memref<128xf32, #tpu.memory_space<vmem>>, vector<16xf32>,
    %get3A_16 = vector.shape_cast %get3A_15 : vector<16xf32> to vector<16xf32>
    %get3A_17 = arith.constant 80 : index
    %get3A_18 = tpu.vector_load %arg14[%get3A_17] {strides = array<i32>} : memref<128xf32, #tpu.memory_space<vmem>>, vector<16xf32>,
    %get3A_19 = vector.shape_cast %get3A_18 : vector<16xf32> to vector<16xf32>
    %get3A_20 = arith.constant 96 : index
    %get3A_21 = tpu.vector_load %arg14[%get3A_20] {strides = array<i32>} : memref<128xf32, #tpu.memory_space<vmem>>, vector<16xf32>,
    %get3A_22 = vector.shape_cast %get3A_21 : vector<16xf32> to vector<16xf32>
    %get3A_23 = arith.constant 112 : index
    %get3A_24 = tpu.vector_load %arg14[%get3A_23] {strides = array<i32>} : memref<128xf32, #tpu.memory_space<vmem>>, vector<16xf32>,
    %get3A_25 = vector.shape_cast %get3A_24 : vector<16xf32> to vector<16xf32>
    %mul3A_26 = arith.constant 10752 : i32
    %mul3A_27 = arith.muli %arg1, %mul3A_26 : i32
    %scan3A = arith.constant 0 : i32
    %scan3A_28 = arith.constant 84 : i32
    %scan3A_29 = arith.addi %scan3A, %scan3A_28 : i32
    %scan3A_30 = arith.constant 1 : i32
    scf.for %scan3A_32 = %scan3A to %scan3A_29 step %scan3A_30  : i32 {
      %mul3A_33 = arith.constant 1 : i32
      %mul3A_34 = arith.muli %scan3A_32, %mul3A_33 : i32
      %add3A = arith.constant 0 : i32
      %add3A_35 = arith.addi %add3A, %mul3A_34 : i32
      %mul3A_36 = arith.constant 128 : i32
      %mul3A_37 = arith.muli %add3A_35, %mul3A_36 : i32
      %add3A_38 = arith.addi %mul3A_27, %mul3A_37 : i32
      "tpu.region"() ({
        %run_scoped3A = tpu.sem_alloc : memref<!tpu.dma_semaphore, #tpu.memory_space<semaphore_mem>>
        %dma_start3A = tpu.memref_slice %arg4[%add3A_38] : memref<172032xi32, #tpu.memory_space<hbm>> -> memref<128xi32, #tpu.memory_space<hbm>>
        %dma_start3A_190 = tpu.memref_slice %arg4[%add3A_38] : memref<172032xi32, #tpu.memory_space<hbm>> -> memref<128xi32, #tpu.memory_space<hbm>>
        tpu.enqueue_dma source(%dma_start3A_190 : memref<128xi32, #tpu.memory_space<hbm>>) target(%arg8 : memref<128xi32, #tpu.memory_space<vmem>>) target_semaphore(%run_scoped3A : memref<!tpu.dma_semaphore, #tpu.memory_space<semaphore_mem>>)
        %dma_wait3A = tpu.memref_slice %arg4[%add3A_38] : memref<172032xi32, #tpu.memory_space<hbm>> -> memref<128xi32, #tpu.memory_space<hbm>>
        %dma_wait3A_191 = tpu.memref_slice %arg4[%add3A_38] : memref<172032xi32, #tpu.memory_space<hbm>> -> memref<128xi32, #tpu.memory_space<hbm>>
        tpu.wait_dma2 semaphore(%run_scoped3A : memref<!tpu.dma_semaphore, #tpu.memory_space<semaphore_mem>>) src(%dma_wait3A_191 : memref<128xi32, #tpu.memory_space<hbm>>) dst(%arg8 : memref<128xi32, #tpu.memory_space<vmem>>)
        tpu.yield
      }) : () -> ()
      "tpu.region"() ({
        %run_scoped3A = tpu.sem_alloc : memref<!tpu.dma_semaphore, #tpu.memory_space<semaphore_mem>>
        %dma_start3A = tpu.memref_slice %arg5[%add3A_38] : memref<172032xi32, #tpu.memory_space<hbm>> -> memref<128xi32, #tpu.memory_space<hbm>>
        %dma_start3A_190 = tpu.memref_slice %arg5[%add3A_38] : memref<172032xi32, #tpu.memory_space<hbm>> -> memref<128xi32, #tpu.memory_space<hbm>>
        tpu.enqueue_dma source(%dma_start3A_190 : memref<128xi32, #tpu.memory_space<hbm>>) target(%arg10 : memref<128xi32, #tpu.memory_space<vmem>>) target_semaphore(%run_scoped3A : memref<!tpu.dma_semaphore, #tpu.memory_space<semaphore_mem>>)
        %dma_wait3A = tpu.memref_slice %arg5[%add3A_38] : memref<172032xi32, #tpu.memory_space<hbm>> -> memref<128xi32, #tpu.memory_space<hbm>>
        %dma_wait3A_191 = tpu.memref_slice %arg5[%add3A_38] : memref<172032xi32, #tpu.memory_space<hbm>> -> memref<128xi32, #tpu.memory_space<hbm>>
        tpu.wait_dma2 semaphore(%run_scoped3A : memref<!tpu.dma_semaphore, #tpu.memory_space<semaphore_mem>>) src(%dma_wait3A_191 : memref<128xi32, #tpu.memory_space<hbm>>) dst(%arg10 : memref<128xi32, #tpu.memory_space<vmem>>)
        tpu.yield
      }) : () -> ()
      %get3A_39 = arith.constant 0 : index
      %get3A_40 = tpu.vector_load %arg8[%get3A_39] {strides = array<i32>} : memref<128xi32, #tpu.memory_space<vmem>>, vector<16xi32>,
      %get3A_41 = vector.shape_cast %get3A_40 : vector<16xi32> to vector<16xi32>
      %add3A_42 = vector.broadcast %mul3A_0 : i32 to vector<16xi32>
      %add3A_43 = arith.addi %get3A_41, %add3A_42 : vector<16xi32>
      %swap3A = arith.constant 0 : index
      %swap3A_44 = tpu.vector_load %arg9[%swap3A] {strides = array<i32>} : memref<128xi32, #tpu.memory_space<vmem>>, vector<16xi32>,
      %swap3A_45 = vector.shape_cast %swap3A_44 : vector<16xi32> to vector<16xi32>
      %swap3A_46 = vector.shape_cast %add3A_43 : vector<16xi32> to vector<16xi32>
      tpu.vector_store %arg9[%swap3A], %swap3A_46 {strides = array<i32>} : memref<128xi32, #tpu.memory_space<vmem>>, vector<16xi32>,
      %get3A_47 = arith.constant 0 : index
      %get3A_48 = tpu.vector_load %arg10[%get3A_47] {strides = array<i32>} : memref<128xi32, #tpu.memory_space<vmem>>, vector<16xi32>,
      %get3A_49 = vector.shape_cast %get3A_48 : vector<16xi32> to vector<16xi32>
      %add3A_50 = vector.broadcast %mul3A_0 : i32 to vector<16xi32>
      %add3A_51 = arith.addi %get3A_49, %add3A_50 : vector<16xi32>
      %swap3A_52 = arith.constant 0 : index
      %swap3A_53 = tpu.vector_load %arg10[%swap3A_52] {strides = array<i32>} : memref<128xi32, #tpu.memory_space<vmem>>, vector<16xi32>,
      %swap3A_54 = vector.shape_cast %swap3A_53 : vector<16xi32> to vector<16xi32>
      %swap3A_55 = vector.shape_cast %add3A_51 : vector<16xi32> to vector<16xi32>
      tpu.vector_store %arg10[%swap3A_52], %swap3A_55 {strides = array<i32>} : memref<128xi32, #tpu.memory_space<vmem>>, vector<16xi32>,
      %get3A_56 = arith.constant 16 : index
      %get3A_57 = tpu.vector_load %arg8[%get3A_56] {strides = array<i32>} : memref<128xi32, #tpu.memory_space<vmem>>, vector<16xi32>,
      %get3A_58 = vector.shape_cast %get3A_57 : vector<16xi32> to vector<16xi32>
      %add3A_59 = vector.broadcast %mul3A_0 : i32 to vector<16xi32>
      %add3A_60 = arith.addi %get3A_58, %add3A_59 : vector<16xi32>
      %swap3A_61 = arith.constant 16 : index
      %swap3A_62 = tpu.vector_load %arg9[%swap3A_61] {strides = array<i32>} : memref<128xi32, #tpu.memory_space<vmem>>, vector<16xi32>,
      %swap3A_63 = vector.shape_cast %swap3A_62 : vector<16xi32> to vector<16xi32>
      %swap3A_64 = vector.shape_cast %add3A_60 : vector<16xi32> to vector<16xi32>
      tpu.vector_store %arg9[%swap3A_61], %swap3A_64 {strides = array<i32>} : memref<128xi32, #tpu.memory_space<vmem>>, vector<16xi32>,
      %get3A_65 = arith.constant 16 : index
      %get3A_66 = tpu.vector_load %arg10[%get3A_65] {strides = array<i32>} : memref<128xi32, #tpu.memory_space<vmem>>, vector<16xi32>,
      %get3A_67 = vector.shape_cast %get3A_66 : vector<16xi32> to vector<16xi32>
      %add3A_68 = vector.broadcast %mul3A_0 : i32 to vector<16xi32>
      %add3A_69 = arith.addi %get3A_67, %add3A_68 : vector<16xi32>
      %swap3A_70 = arith.constant 16 : index
      %swap3A_71 = tpu.vector_load %arg10[%swap3A_70] {strides = array<i32>} : memref<128xi32, #tpu.memory_space<vmem>>, vector<16xi32>,
      %swap3A_72 = vector.shape_cast %swap3A_71 : vector<16xi32> to vector<16xi32>
      %swap3A_73 = vector.shape_cast %add3A_69 : vector<16xi32> to vector<16xi32>
      tpu.vector_store %arg10[%swap3A_70], %swap3A_73 {strides = array<i32>} : memref<128xi32, #tpu.memory_space<vmem>>, vector<16xi32>,
      %get3A_74 = arith.constant 32 : index
      %get3A_75 = tpu.vector_load %arg8[%get3A_74] {strides = array<i32>} : memref<128xi32, #tpu.memory_space<vmem>>, vector<16xi32>,
      %get3A_76 = vector.shape_cast %get3A_75 : vector<16xi32> to vector<16xi32>
      %add3A_77 = vector.broadcast %mul3A_0 : i32 to vector<16xi32>
      %add3A_78 = arith.addi %get3A_76, %add3A_77 : vector<16xi32>
      %swap3A_79 = arith.constant 32 : index
      %swap3A_80 = tpu.vector_load %arg9[%swap3A_79] {strides = array<i32>} : memref<128xi32, #tpu.memory_space<vmem>>, vector<16xi32>,
      %swap3A_81 = vector.shape_cast %swap3A_80 : vector<16xi32> to vector<16xi32>
      %swap3A_82 = vector.shape_cast %add3A_78 : vector<16xi32> to vector<16xi32>
      tpu.vector_store %arg9[%swap3A_79], %swap3A_82 {strides = array<i32>} : memref<128xi32, #tpu.memory_space<vmem>>, vector<16xi32>,
      %get3A_83 = arith.constant 32 : index
      %get3A_84 = tpu.vector_load %arg10[%get3A_83] {strides = array<i32>} : memref<128xi32, #tpu.memory_space<vmem>>, vector<16xi32>,
      %get3A_85 = vector.shape_cast %get3A_84 : vector<16xi32> to vector<16xi32>
      %add3A_86 = vector.broadcast %mul3A_0 : i32 to vector<16xi32>
      %add3A_87 = arith.addi %get3A_85, %add3A_86 : vector<16xi32>
      %swap3A_88 = arith.constant 32 : index
      %swap3A_89 = tpu.vector_load %arg10[%swap3A_88] {strides = array<i32>} : memref<128xi32, #tpu.memory_space<vmem>>, vector<16xi32>,
      %swap3A_90 = vector.shape_cast %swap3A_89 : vector<16xi32> to vector<16xi32>
      %swap3A_91 = vector.shape_cast %add3A_87 : vector<16xi32> to vector<16xi32>
      tpu.vector_store %arg10[%swap3A_88], %swap3A_91 {strides = array<i32>} : memref<128xi32, #tpu.memory_space<vmem>>, vector<16xi32>,
      %get3A_92 = arith.constant 48 : index
      %get3A_93 = tpu.vector_load %arg8[%get3A_92] {strides = array<i32>} : memref<128xi32, #tpu.memory_space<vmem>>, vector<16xi32>,
      %get3A_94 = vector.shape_cast %get3A_93 : vector<16xi32> to vector<16xi32>
      %add3A_95 = vector.broadcast %mul3A_0 : i32 to vector<16xi32>
      %add3A_96 = arith.addi %get3A_94, %add3A_95 : vector<16xi32>
      %swap3A_97 = arith.constant 48 : index
      %swap3A_98 = tpu.vector_load %arg9[%swap3A_97] {strides = array<i32>} : memref<128xi32, #tpu.memory_space<vmem>>, vector<16xi32>,
      %swap3A_99 = vector.shape_cast %swap3A_98 : vector<16xi32> to vector<16xi32>
      %swap3A_100 = vector.shape_cast %add3A_96 : vector<16xi32> to vector<16xi32>
      tpu.vector_store %arg9[%swap3A_97], %swap3A_100 {strides = array<i32>} : memref<128xi32, #tpu.memory_space<vmem>>, vector<16xi32>,
      %get3A_101 = arith.constant 48 : index
      %get3A_102 = tpu.vector_load %arg10[%get3A_101] {strides = array<i32>} : memref<128xi32, #tpu.memory_space<vmem>>, vector<16xi32>,
      %get3A_103 = vector.shape_cast %get3A_102 : vector<16xi32> to vector<16xi32>
      %add3A_104 = vector.broadcast %mul3A_0 : i32 to vector<16xi32>
      %add3A_105 = arith.addi %get3A_103, %add3A_104 : vector<16xi32>
      %swap3A_106 = arith.constant 48 : index
      %swap3A_107 = tpu.vector_load %arg10[%swap3A_106] {strides = array<i32>} : memref<128xi32, #tpu.memory_space<vmem>>, vector<16xi32>,
      %swap3A_108 = vector.shape_cast %swap3A_107 : vector<16xi32> to vector<16xi32>
      %swap3A_109 = vector.shape_cast %add3A_105 : vector<16xi32> to vector<16xi32>
      tpu.vector_store %arg10[%swap3A_106], %swap3A_109 {strides = array<i32>} : memref<128xi32, #tpu.memory_space<vmem>>, vector<16xi32>,
      %get3A_110 = arith.constant 64 : index
      %get3A_111 = tpu.vector_load %arg8[%get3A_110] {strides = array<i32>} : memref<128xi32, #tpu.memory_space<vmem>>, vector<16xi32>,
      %get3A_112 = vector.shape_cast %get3A_111 : vector<16xi32> to vector<16xi32>
      %add3A_113 = vector.broadcast %mul3A_0 : i32 to vector<16xi32>
      %add3A_114 = arith.addi %get3A_112, %add3A_113 : vector<16xi32>
      %swap3A_115 = arith.constant 64 : index
      %swap3A_116 = tpu.vector_load %arg9[%swap3A_115] {strides = array<i32>} : memref<128xi32, #tpu.memory_space<vmem>>, vector<16xi32>,
      %swap3A_117 = vector.shape_cast %swap3A_116 : vector<16xi32> to vector<16xi32>
      %swap3A_118 = vector.shape_cast %add3A_114 : vector<16xi32> to vector<16xi32>
      tpu.vector_store %arg9[%swap3A_115], %swap3A_118 {strides = array<i32>} : memref<128xi32, #tpu.memory_space<vmem>>, vector<16xi32>,
      %get3A_119 = arith.constant 64 : index
      %get3A_120 = tpu.vector_load %arg10[%get3A_119] {strides = array<i32>} : memref<128xi32, #tpu.memory_space<vmem>>, vector<16xi32>,
      %get3A_121 = vector.shape_cast %get3A_120 : vector<16xi32> to vector<16xi32>
      %add3A_122 = vector.broadcast %mul3A_0 : i32 to vector<16xi32>
      %add3A_123 = arith.addi %get3A_121, %add3A_122 : vector<16xi32>
      %swap3A_124 = arith.constant 64 : index
      %swap3A_125 = tpu.vector_load %arg10[%swap3A_124] {strides = array<i32>} : memref<128xi32, #tpu.memory_space<vmem>>, vector<16xi32>,
      %swap3A_126 = vector.shape_cast %swap3A_125 : vector<16xi32> to vector<16xi32>
      %swap3A_127 = vector.shape_cast %add3A_123 : vector<16xi32> to vector<16xi32>
      tpu.vector_store %arg10[%swap3A_124], %swap3A_127 {strides = array<i32>} : memref<128xi32, #tpu.memory_space<vmem>>, vector<16xi32>,
      %get3A_128 = arith.constant 80 : index
      %get3A_129 = tpu.vector_load %arg8[%get3A_128] {strides = array<i32>} : memref<128xi32, #tpu.memory_space<vmem>>, vector<16xi32>,
      %get3A_130 = vector.shape_cast %get3A_129 : vector<16xi32> to vector<16xi32>
      %add3A_131 = vector.broadcast %mul3A_0 : i32 to vector<16xi32>
      %add3A_132 = arith.addi %get3A_130, %add3A_131 : vector<16xi32>
      %swap3A_133 = arith.constant 80 : index
      %swap3A_134 = tpu.vector_load %arg9[%swap3A_133] {strides = array<i32>} : memref<128xi32, #tpu.memory_space<vmem>>, vector<16xi32>,
      %swap3A_135 = vector.shape_cast %swap3A_134 : vector<16xi32> to vector<16xi32>
      %swap3A_136 = vector.shape_cast %add3A_132 : vector<16xi32> to vector<16xi32>
      tpu.vector_store %arg9[%swap3A_133], %swap3A_136 {strides = array<i32>} : memref<128xi32, #tpu.memory_space<vmem>>, vector<16xi32>,
      %get3A_137 = arith.constant 80 : index
      %get3A_138 = tpu.vector_load %arg10[%get3A_137] {strides = array<i32>} : memref<128xi32, #tpu.memory_space<vmem>>, vector<16xi32>,
      %get3A_139 = vector.shape_cast %get3A_138 : vector<16xi32> to vector<16xi32>
      %add3A_140 = vector.broadcast %mul3A_0 : i32 to vector<16xi32>
      %add3A_141 = arith.addi %get3A_139, %add3A_140 : vector<16xi32>
      %swap3A_142 = arith.constant 80 : index
      %swap3A_143 = tpu.vector_load %arg10[%swap3A_142] {strides = array<i32>} : memref<128xi32, #tpu.memory_space<vmem>>, vector<16xi32>,
      %swap3A_144 = vector.shape_cast %swap3A_143 : vector<16xi32> to vector<16xi32>
      %swap3A_145 = vector.shape_cast %add3A_141 : vector<16xi32> to vector<16xi32>
      tpu.vector_store %arg10[%swap3A_142], %swap3A_145 {strides = array<i32>} : memref<128xi32, #tpu.memory_space<vmem>>, vector<16xi32>,
      %get3A_146 = arith.constant 96 : index
      %get3A_147 = tpu.vector_load %arg8[%get3A_146] {strides = array<i32>} : memref<128xi32, #tpu.memory_space<vmem>>, vector<16xi32>,
      %get3A_148 = vector.shape_cast %get3A_147 : vector<16xi32> to vector<16xi32>
      %add3A_149 = vector.broadcast %mul3A_0 : i32 to vector<16xi32>
      %add3A_150 = arith.addi %get3A_148, %add3A_149 : vector<16xi32>
      %swap3A_151 = arith.constant 96 : index
      %swap3A_152 = tpu.vector_load %arg9[%swap3A_151] {strides = array<i32>} : memref<128xi32, #tpu.memory_space<vmem>>, vector<16xi32>,
      %swap3A_153 = vector.shape_cast %swap3A_152 : vector<16xi32> to vector<16xi32>
      %swap3A_154 = vector.shape_cast %add3A_150 : vector<16xi32> to vector<16xi32>
      tpu.vector_store %arg9[%swap3A_151], %swap3A_154 {strides = array<i32>} : memref<128xi32, #tpu.memory_space<vmem>>, vector<16xi32>,
      %get3A_155 = arith.constant 96 : index
      %get3A_156 = tpu.vector_load %arg10[%get3A_155] {strides = array<i32>} : memref<128xi32, #tpu.memory_space<vmem>>, vector<16xi32>,
      %get3A_157 = vector.shape_cast %get3A_156 : vector<16xi32> to vector<16xi32>
      %add3A_158 = vector.broadcast %mul3A_0 : i32 to vector<16xi32>
      %add3A_159 = arith.addi %get3A_157, %add3A_158 : vector<16xi32>
      %swap3A_160 = arith.constant 96 : index
      %swap3A_161 = tpu.vector_load %arg10[%swap3A_160] {strides = array<i32>} : memref<128xi32, #tpu.memory_space<vmem>>, vector<16xi32>,
      %swap3A_162 = vector.shape_cast %swap3A_161 : vector<16xi32> to vector<16xi32>
      %swap3A_163 = vector.shape_cast %add3A_159 : vector<16xi32> to vector<16xi32>
      tpu.vector_store %arg10[%swap3A_160], %swap3A_163 {strides = array<i32>} : memref<128xi32, #tpu.memory_space<vmem>>, vector<16xi32>,
      %get3A_164 = arith.constant 112 : index
      %get3A_165 = tpu.vector_load %arg8[%get3A_164] {strides = array<i32>} : memref<128xi32, #tpu.memory_space<vmem>>, vector<16xi32>,
      %get3A_166 = vector.shape_cast %get3A_165 : vector<16xi32> to vector<16xi32>
      %add3A_167 = vector.broadcast %mul3A_0 : i32 to vector<16xi32>
      %add3A_168 = arith.addi %get3A_166, %add3A_167 : vector<16xi32>
      %swap3A_169 = arith.constant 112 : index
      %swap3A_170 = tpu.vector_load %arg9[%swap3A_169] {strides = array<i32>} : memref<128xi32, #tpu.memory_space<vmem>>, vector<16xi32>,
      %swap3A_171 = vector.shape_cast %swap3A_170 : vector<16xi32> to vector<16xi32>
      %swap3A_172 = vector.shape_cast %add3A_168 : vector<16xi32> to vector<16xi32>
      tpu.vector_store %arg9[%swap3A_169], %swap3A_172 {strides = array<i32>} : memref<128xi32, #tpu.memory_space<vmem>>, vector<16xi32>,
      %get3A_173 = arith.constant 112 : index
      %get3A_174 = tpu.vector_load %arg10[%get3A_173] {strides = array<i32>} : memref<128xi32, #tpu.memory_space<vmem>>, vector<16xi32>,
      %get3A_175 = vector.shape_cast %get3A_174 : vector<16xi32> to vector<16xi32>
      %add3A_176 = vector.broadcast %mul3A_0 : i32 to vector<16xi32>
      %add3A_177 = arith.addi %get3A_175, %add3A_176 : vector<16xi32>
      %swap3A_178 = arith.constant 112 : index
      %swap3A_179 = tpu.vector_load %arg10[%swap3A_178] {strides = array<i32>} : memref<128xi32, #tpu.memory_space<vmem>>, vector<16xi32>,
      %swap3A_180 = vector.shape_cast %swap3A_179 : vector<16xi32> to vector<16xi32>
      %swap3A_181 = vector.shape_cast %add3A_177 : vector<16xi32> to vector<16xi32>
      tpu.vector_store %arg10[%swap3A_178], %swap3A_181 {strides = array<i32>} : memref<128xi32, #tpu.memory_space<vmem>>, vector<16xi32>,
      "tpu.region"() ({
        %run_scoped3A = tpu.sem_alloc : memref<!tpu.dma_semaphore, #tpu.memory_space<semaphore_mem>>
        %dma_start3A = arith.constant 0 : i32
        %dma_start3A_190 = arith.constant 0 : i32
        %dma_start3A_191 = tpu.memref_slice %arg2[%dma_start3A, %dma_start3A_190] : memref<20480x128xf32, #tpu.memory_space<hbm>> -> memref<20480x128xf32, #tpu.memory_space<hbm>>
        tpu.enqueue_indirect_dma source(%dma_start3A_191 : memref<20480x128xf32, #tpu.memory_space<hbm>>) target(%arg11 : memref<128x128xf32, #tpu.memory_space<vmem>>) offsets(%arg9 : memref<128xi32, #tpu.memory_space<vmem>>) semaphore(%run_scoped3A : memref<!tpu.dma_semaphore, #tpu.memory_space<semaphore_mem>>)
        %dma_wait3A = arith.constant 0 : i32
        %dma_wait3A_192 = arith.constant 0 : i32
        %dma_wait3A_193 = tpu.memref_slice %arg2[%dma_wait3A, %dma_wait3A_192] : memref<20480x128xf32, #tpu.memory_space<hbm>> -> memref<20480x128xf32, #tpu.memory_space<hbm>>
        tpu.wait_indirect_dma semaphore(%run_scoped3A : memref<!tpu.dma_semaphore, #tpu.memory_space<semaphore_mem>>) src(%dma_wait3A_193 : memref<20480x128xf32, #tpu.memory_space<hbm>>) dst(%arg11 : memref<128x128xf32, #tpu.memory_space<vmem>>)
        tpu.yield
      }) : () -> ()
      "tpu.region"() ({
        %run_scoped3A = tpu.sem_alloc : memref<!tpu.dma_semaphore, #tpu.memory_space<semaphore_mem>>
        %dma_start3A = arith.constant 0 : i32
        %dma_start3A_190 = arith.constant 0 : i32
        %dma_start3A_191 = tpu.memref_slice %arg3[%dma_start3A, %dma_start3A_190] : memref<20480x128xf32, #tpu.memory_space<hbm>> -> memref<20480x128xf32, #tpu.memory_space<hbm>>
        tpu.enqueue_indirect_dma source(%dma_start3A_191 : memref<20480x128xf32, #tpu.memory_space<hbm>>) target(%arg12 : memref<128x128xf32, #tpu.memory_space<vmem>>) offsets(%arg10 : memref<128xi32, #tpu.memory_space<vmem>>) semaphore(%run_scoped3A : memref<!tpu.dma_semaphore, #tpu.memory_space<semaphore_mem>>)
        %dma_wait3A = arith.constant 0 : i32
        %dma_wait3A_192 = arith.constant 0 : i32
        %dma_wait3A_193 = tpu.memref_slice %arg3[%dma_wait3A, %dma_wait3A_192] : memref<20480x128xf32, #tpu.memory_space<hbm>> -> memref<20480x128xf32, #tpu.memory_space<hbm>>
        tpu.wait_indirect_dma semaphore(%run_scoped3A : memref<!tpu.dma_semaphore, #tpu.memory_space<semaphore_mem>>) src(%dma_wait3A_193 : memref<20480x128xf32, #tpu.memory_space<hbm>>) dst(%arg12 : memref<128x128xf32, #tpu.memory_space<vmem>>)
        tpu.yield
      }) : () -> ()
      %scan3A_182 = arith.constant 0 : i32
      %scan3A_183 = arith.constant 128 : i32
      %scan3A_184 = arith.addi %scan3A_182, %scan3A_183 : i32
      %scan3A_185 = arith.constant 1 : i32
      scf.for %scan3A_190 = %scan3A_182 to %scan3A_184 step %scan3A_185  : i32 {
        %mul3A_191 = arith.constant 1 : i32
        %mul3A_192 = arith.muli %scan3A_190, %mul3A_191 : i32
        %add3A_193 = arith.constant 0 : i32
        %add3A_194 = arith.addi %add3A_193, %mul3A_192 : i32
        %get3A_195 = arith.constant 0 : i32
        %get3A_196 = tpu.memref_slice %arg11[%add3A_194, %get3A_195] : memref<128x128xf32, #tpu.memory_space<vmem>> -> memref<1x128xf32, #tpu.memory_space<vmem>>
        %get3A_197 = tpu.memref_squeeze %get3A_196 : memref<1x128xf32, #tpu.memory_space<vmem>> -> memref<128xf32, #tpu.memory_space<vmem>>
        %get3A_198 = arith.constant 0 : index
        %get3A_199 = tpu.vector_load %get3A_197[%get3A_198] {strides = array<i32>} : memref<128xf32, #tpu.memory_space<vmem>>, vector<16xf32>,
        %get3A_200 = vector.shape_cast %get3A_199 : vector<16xf32> to vector<16xf32>
        %get3A_201 = arith.constant 0 : i32
        %get3A_202 = tpu.memref_slice %arg12[%add3A_194, %get3A_201] : memref<128x128xf32, #tpu.memory_space<vmem>> -> memref<1x128xf32, #tpu.memory_space<vmem>>
        %get3A_203 = tpu.memref_squeeze %get3A_202 : memref<1x128xf32, #tpu.memory_space<vmem>> -> memref<128xf32, #tpu.memory_space<vmem>>
        %get3A_204 = arith.constant 0 : index
        %get3A_205 = tpu.vector_load %get3A_203[%get3A_204] {strides = array<i32>} : memref<128xf32, #tpu.memory_space<vmem>>, vector<16xf32>,
        %get3A_206 = vector.shape_cast %get3A_205 : vector<16xf32> to vector<16xf32>
        %add3A_207 = arith.addf %get3A_200, %get3A_206 : vector<16xf32>
        %mul3A_208 = arith.constant 2.000000e-01 : f32
        %mul3A_209 = vector.broadcast %mul3A_208 : f32 to vector<16xf32>
        %mul3A_210 = arith.mulf %add3A_207, %mul3A_209 : vector<16xf32>
        %max3A = arith.maximumf %add3A_207, %mul3A_210 : vector<16xf32>
        %mul3A_211 = arith.mulf %max3A, %get3A_4 : vector<16xf32>
        %get3A_212 = arith.constant 0 : i32
        %get3A_213 = tpu.memref_slice %arg11[%add3A_194, %get3A_212] : memref<128x128xf32, #tpu.memory_space<vmem>> -> memref<1x128xf32, #tpu.memory_space<vmem>>
        %get3A_214 = tpu.memref_squeeze %get3A_213 : memref<1x128xf32, #tpu.memory_space<vmem>> -> memref<128xf32, #tpu.memory_space<vmem>>
        %get3A_215 = arith.constant 16 : index
        %get3A_216 = tpu.vector_load %get3A_214[%get3A_215] {strides = array<i32>} : memref<128xf32, #tpu.memory_space<vmem>>, vector<16xf32>,
        %get3A_217 = vector.shape_cast %get3A_216 : vector<16xf32> to vector<16xf32>
        %get3A_218 = arith.constant 0 : i32
        %get3A_219 = tpu.memref_slice %arg12[%add3A_194, %get3A_218] : memref<128x128xf32, #tpu.memory_space<vmem>> -> memref<1x128xf32, #tpu.memory_space<vmem>>
        %get3A_220 = tpu.memref_squeeze %get3A_219 : memref<1x128xf32, #tpu.memory_space<vmem>> -> memref<128xf32, #tpu.memory_space<vmem>>
        %get3A_221 = arith.constant 16 : index
        %get3A_222 = tpu.vector_load %get3A_220[%get3A_221] {strides = array<i32>} : memref<128xf32, #tpu.memory_space<vmem>>, vector<16xf32>,
        %get3A_223 = vector.shape_cast %get3A_222 : vector<16xf32> to vector<16xf32>
        %add3A_224 = arith.addf %get3A_217, %get3A_223 : vector<16xf32>
        %mul3A_225 = arith.constant 2.000000e-01 : f32
        %mul3A_226 = vector.broadcast %mul3A_225 : f32 to vector<16xf32>
        %mul3A_227 = arith.mulf %add3A_224, %mul3A_226 : vector<16xf32>
        %max3A_228 = arith.maximumf %add3A_224, %mul3A_227 : vector<16xf32>
        %mul3A_229 = arith.mulf %max3A_228, %get3A_7 : vector<16xf32>
        %add3A_230 = arith.addf %mul3A_211, %mul3A_229 : vector<16xf32>
        %get3A_231 = arith.constant 0 : i32
        %get3A_232 = tpu.memref_slice %arg11[%add3A_194, %get3A_231] : memref<128x128xf32, #tpu.memory_space<vmem>> -> memref<1x128xf32, #tpu.memory_space<vmem>>
        %get3A_233 = tpu.memref_squeeze %get3A_232 : memref<1x128xf32, #tpu.memory_space<vmem>> -> memref<128xf32, #tpu.memory_space<vmem>>
        %get3A_234 = arith.constant 32 : index
        %get3A_235 = tpu.vector_load %get3A_233[%get3A_234] {strides = array<i32>} : memref<128xf32, #tpu.memory_space<vmem>>, vector<16xf32>,
        %get3A_236 = vector.shape_cast %get3A_235 : vector<16xf32> to vector<16xf32>
        %get3A_237 = arith.constant 0 : i32
        %get3A_238 = tpu.memref_slice %arg12[%add3A_194, %get3A_237] : memref<128x128xf32, #tpu.memory_space<vmem>> -> memref<1x128xf32, #tpu.memory_space<vmem>>
        %get3A_239 = tpu.memref_squeeze %get3A_238 : memref<1x128xf32, #tpu.memory_space<vmem>> -> memref<128xf32, #tpu.memory_space<vmem>>
        %get3A_240 = arith.constant 32 : index
        %get3A_241 = tpu.vector_load %get3A_239[%get3A_240] {strides = array<i32>} : memref<128xf32, #tpu.memory_space<vmem>>, vector<16xf32>,
        %get3A_242 = vector.shape_cast %get3A_241 : vector<16xf32> to vector<16xf32>
        %add3A_243 = arith.addf %get3A_236, %get3A_242 : vector<16xf32>
        %mul3A_244 = arith.constant 2.000000e-01 : f32
        %mul3A_245 = vector.broadcast %mul3A_244 : f32 to vector<16xf32>
        %mul3A_246 = arith.mulf %add3A_243, %mul3A_245 : vector<16xf32>
        %max3A_247 = arith.maximumf %add3A_243, %mul3A_246 : vector<16xf32>
        %mul3A_248 = arith.mulf %max3A_247, %get3A_10 : vector<16xf32>
        %add3A_249 = arith.addf %add3A_230, %mul3A_248 : vector<16xf32>
        %get3A_250 = arith.constant 0 : i32
        %get3A_251 = tpu.memref_slice %arg11[%add3A_194, %get3A_250] : memref<128x128xf32, #tpu.memory_space<vmem>> -> memref<1x128xf32, #tpu.memory_space<vmem>>
        %get3A_252 = tpu.memref_squeeze %get3A_251 : memref<1x128xf32, #tpu.memory_space<vmem>> -> memref<128xf32, #tpu.memory_space<vmem>>
        %get3A_253 = arith.constant 48 : index
        %get3A_254 = tpu.vector_load %get3A_252[%get3A_253] {strides = array<i32>} : memref<128xf32, #tpu.memory_space<vmem>>, vector<16xf32>,
        %get3A_255 = vector.shape_cast %get3A_254 : vector<16xf32> to vector<16xf32>
        %get3A_256 = arith.constant 0 : i32
        %get3A_257 = tpu.memref_slice %arg12[%add3A_194, %get3A_256] : memref<128x128xf32, #tpu.memory_space<vmem>> -> memref<1x128xf32, #tpu.memory_space<vmem>>
        %get3A_258 = tpu.memref_squeeze %get3A_257 : memref<1x128xf32, #tpu.memory_space<vmem>> -> memref<128xf32, #tpu.memory_space<vmem>>
        %get3A_259 = arith.constant 48 : index
        %get3A_260 = tpu.vector_load %get3A_258[%get3A_259] {strides = array<i32>} : memref<128xf32, #tpu.memory_space<vmem>>, vector<16xf32>,
        %get3A_261 = vector.shape_cast %get3A_260 : vector<16xf32> to vector<16xf32>
        %add3A_262 = arith.addf %get3A_255, %get3A_261 : vector<16xf32>
        %mul3A_263 = arith.constant 2.000000e-01 : f32
        %mul3A_264 = vector.broadcast %mul3A_263 : f32 to vector<16xf32>
        %mul3A_265 = arith.mulf %add3A_262, %mul3A_264 : vector<16xf32>
        %max3A_266 = arith.maximumf %add3A_262, %mul3A_265 : vector<16xf32>
        %mul3A_267 = arith.mulf %max3A_266, %get3A_13 : vector<16xf32>
        %add3A_268 = arith.addf %add3A_249, %mul3A_267 : vector<16xf32>
        %get3A_269 = arith.constant 0 : i32
        %get3A_270 = tpu.memref_slice %arg11[%add3A_194, %get3A_269] : memref<128x128xf32, #tpu.memory_space<vmem>> -> memref<1x128xf32, #tpu.memory_space<vmem>>
        %get3A_271 = tpu.memref_squeeze %get3A_270 : memref<1x128xf32, #tpu.memory_space<vmem>> -> memref<128xf32, #tpu.memory_space<vmem>>
        %get3A_272 = arith.constant 64 : index
        %get3A_273 = tpu.vector_load %get3A_271[%get3A_272] {strides = array<i32>} : memref<128xf32, #tpu.memory_space<vmem>>, vector<16xf32>,
        %get3A_274 = vector.shape_cast %get3A_273 : vector<16xf32> to vector<16xf32>
        %get3A_275 = arith.constant 0 : i32
        %get3A_276 = tpu.memref_slice %arg12[%add3A_194, %get3A_275] : memref<128x128xf32, #tpu.memory_space<vmem>> -> memref<1x128xf32, #tpu.memory_space<vmem>>
        %get3A_277 = tpu.memref_squeeze %get3A_276 : memref<1x128xf32, #tpu.memory_space<vmem>> -> memref<128xf32, #tpu.memory_space<vmem>>
        %get3A_278 = arith.constant 64 : index
        %get3A_279 = tpu.vector_load %get3A_277[%get3A_278] {strides = array<i32>} : memref<128xf32, #tpu.memory_space<vmem>>, vector<16xf32>,
        %get3A_280 = vector.shape_cast %get3A_279 : vector<16xf32> to vector<16xf32>
        %add3A_281 = arith.addf %get3A_274, %get3A_280 : vector<16xf32>
        %mul3A_282 = arith.constant 2.000000e-01 : f32
        %mul3A_283 = vector.broadcast %mul3A_282 : f32 to vector<16xf32>
        %mul3A_284 = arith.mulf %add3A_281, %mul3A_283 : vector<16xf32>
        %max3A_285 = arith.maximumf %add3A_281, %mul3A_284 : vector<16xf32>
        %mul3A_286 = arith.mulf %max3A_285, %get3A_16 : vector<16xf32>
        %add3A_287 = arith.addf %add3A_268, %mul3A_286 : vector<16xf32>
        %get3A_288 = arith.constant 0 : i32
        %get3A_289 = tpu.memref_slice %arg11[%add3A_194, %get3A_288] : memref<128x128xf32, #tpu.memory_space<vmem>> -> memref<1x128xf32, #tpu.memory_space<vmem>>
        %get3A_290 = tpu.memref_squeeze %get3A_289 : memref<1x128xf32, #tpu.memory_space<vmem>> -> memref<128xf32, #tpu.memory_space<vmem>>
        %get3A_291 = arith.constant 80 : index
        %get3A_292 = tpu.vector_load %get3A_290[%get3A_291] {strides = array<i32>} : memref<128xf32, #tpu.memory_space<vmem>>, vector<16xf32>,
        %get3A_293 = vector.shape_cast %get3A_292 : vector<16xf32> to vector<16xf32>
        %get3A_294 = arith.constant 0 : i32
        %get3A_295 = tpu.memref_slice %arg12[%add3A_194, %get3A_294] : memref<128x128xf32, #tpu.memory_space<vmem>> -> memref<1x128xf32, #tpu.memory_space<vmem>>
        %get3A_296 = tpu.memref_squeeze %get3A_295 : memref<1x128xf32, #tpu.memory_space<vmem>> -> memref<128xf32, #tpu.memory_space<vmem>>
        %get3A_297 = arith.constant 80 : index
        %get3A_298 = tpu.vector_load %get3A_296[%get3A_297] {strides = array<i32>} : memref<128xf32, #tpu.memory_space<vmem>>, vector<16xf32>,
        %get3A_299 = vector.shape_cast %get3A_298 : vector<16xf32> to vector<16xf32>
        %add3A_300 = arith.addf %get3A_293, %get3A_299 : vector<16xf32>
        %mul3A_301 = arith.constant 2.000000e-01 : f32
        %mul3A_302 = vector.broadcast %mul3A_301 : f32 to vector<16xf32>
        %mul3A_303 = arith.mulf %add3A_300, %mul3A_302 : vector<16xf32>
        %max3A_304 = arith.maximumf %add3A_300, %mul3A_303 : vector<16xf32>
        %mul3A_305 = arith.mulf %max3A_304, %get3A_19 : vector<16xf32>
        %add3A_306 = arith.addf %add3A_287, %mul3A_305 : vector<16xf32>
        %get3A_307 = arith.constant 0 : i32
        %get3A_308 = tpu.memref_slice %arg11[%add3A_194, %get3A_307] : memref<128x128xf32, #tpu.memory_space<vmem>> -> memref<1x128xf32, #tpu.memory_space<vmem>>
        %get3A_309 = tpu.memref_squeeze %get3A_308 : memref<1x128xf32, #tpu.memory_space<vmem>> -> memref<128xf32, #tpu.memory_space<vmem>>
        %get3A_310 = arith.constant 96 : index
        %get3A_311 = tpu.vector_load %get3A_309[%get3A_310] {strides = array<i32>} : memref<128xf32, #tpu.memory_space<vmem>>, vector<16xf32>,
        %get3A_312 = vector.shape_cast %get3A_311 : vector<16xf32> to vector<16xf32>
        %get3A_313 = arith.constant 0 : i32
        %get3A_314 = tpu.memref_slice %arg12[%add3A_194, %get3A_313] : memref<128x128xf32, #tpu.memory_space<vmem>> -> memref<1x128xf32, #tpu.memory_space<vmem>>
        %get3A_315 = tpu.memref_squeeze %get3A_314 : memref<1x128xf32, #tpu.memory_space<vmem>> -> memref<128xf32, #tpu.memory_space<vmem>>
        %get3A_316 = arith.constant 96 : index
        %get3A_317 = tpu.vector_load %get3A_315[%get3A_316] {strides = array<i32>} : memref<128xf32, #tpu.memory_space<vmem>>, vector<16xf32>,
        %get3A_318 = vector.shape_cast %get3A_317 : vector<16xf32> to vector<16xf32>
        %add3A_319 = arith.addf %get3A_312, %get3A_318 : vector<16xf32>
        %mul3A_320 = arith.constant 2.000000e-01 : f32
        %mul3A_321 = vector.broadcast %mul3A_320 : f32 to vector<16xf32>
        %mul3A_322 = arith.mulf %add3A_319, %mul3A_321 : vector<16xf32>
        %max3A_323 = arith.maximumf %add3A_319, %mul3A_322 : vector<16xf32>
        %mul3A_324 = arith.mulf %max3A_323, %get3A_22 : vector<16xf32>
        %add3A_325 = arith.addf %add3A_306, %mul3A_324 : vector<16xf32>
        %get3A_326 = arith.constant 0 : i32
        %get3A_327 = tpu.memref_slice %arg11[%add3A_194, %get3A_326] : memref<128x128xf32, #tpu.memory_space<vmem>> -> memref<1x128xf32, #tpu.memory_space<vmem>>
        %get3A_328 = tpu.memref_squeeze %get3A_327 : memref<1x128xf32, #tpu.memory_space<vmem>> -> memref<128xf32, #tpu.memory_space<vmem>>
        %get3A_329 = arith.constant 112 : index
        %get3A_330 = tpu.vector_load %get3A_328[%get3A_329] {strides = array<i32>} : memref<128xf32, #tpu.memory_space<vmem>>, vector<16xf32>,
        %get3A_331 = vector.shape_cast %get3A_330 : vector<16xf32> to vector<16xf32>
        %get3A_332 = arith.constant 0 : i32
        %get3A_333 = tpu.memref_slice %arg12[%add3A_194, %get3A_332] : memref<128x128xf32, #tpu.memory_space<vmem>> -> memref<1x128xf32, #tpu.memory_space<vmem>>
        %get3A_334 = tpu.memref_squeeze %get3A_333 : memref<1x128xf32, #tpu.memory_space<vmem>> -> memref<128xf32, #tpu.memory_space<vmem>>
        %get3A_335 = arith.constant 112 : index
        %get3A_336 = tpu.vector_load %get3A_334[%get3A_335] {strides = array<i32>} : memref<128xf32, #tpu.memory_space<vmem>>, vector<16xf32>,
        %get3A_337 = vector.shape_cast %get3A_336 : vector<16xf32> to vector<16xf32>
        %add3A_338 = arith.addf %get3A_331, %get3A_337 : vector<16xf32>
        %mul3A_339 = arith.constant 2.000000e-01 : f32
        %mul3A_340 = vector.broadcast %mul3A_339 : f32 to vector<16xf32>
        %mul3A_341 = arith.mulf %add3A_338, %mul3A_340 : vector<16xf32>
        %max3A_342 = arith.maximumf %add3A_338, %mul3A_341 : vector<16xf32>
        %mul3A_343 = arith.mulf %max3A_342, %get3A_25 : vector<16xf32>
        %add3A_344 = arith.addf %add3A_325, %mul3A_343 : vector<16xf32>
        %swap3A_345 = arith.index_cast %add3A_194 : i32 to index
        %swap3A_346 = arith.constant 0 : index
        %swap3A_347 = tpu.vector_load %arg13[%swap3A_345, %swap3A_346] {strides = array<i32>} : memref<128x16xf32, #tpu.memory_space<vmem>>, vector<1x16xf32>,
        %swap3A_348 = vector.shape_cast %swap3A_347 : vector<1x16xf32> to vector<16xf32>
        %swap3A_349 = vector.shape_cast %add3A_344 : vector<16xf32> to vector<1x16xf32>
        tpu.vector_store %arg13[%swap3A_345, %swap3A_346], %swap3A_349 {strides = array<i32>} : memref<128x16xf32, #tpu.memory_space<vmem>>, vector<1x16xf32>,
      }
      %scan3A_186 = arith.constant 128 : i32
      %mul3A_187 = arith.constant 172032 : i32
      %mul3A_188 = arith.muli %arg0, %mul3A_187 : i32
      %add3A_189 = arith.addi %mul3A_188, %add3A_38 : i32
      "tpu.region"() ({
        %run_scoped3A = tpu.sem_alloc : memref<!tpu.dma_semaphore, #tpu.memory_space<semaphore_mem>>
        %dma_start3A = arith.constant 0 : i32
        %dma_start3A_190 = tpu.memref_slice %arg7[%add3A_189, %dma_start3A] : memref<344064x16xf32, #tpu.memory_space<hbm>> -> memref<128x16xf32, #tpu.memory_space<hbm>>
        %dma_start3A_191 = arith.constant 0 : i32
        %dma_start3A_192 = tpu.memref_slice %arg7[%add3A_189, %dma_start3A_191] : memref<344064x16xf32, #tpu.memory_space<hbm>> -> memref<128x16xf32, #tpu.memory_space<hbm>>
        tpu.enqueue_dma source(%arg13 : memref<128x16xf32, #tpu.memory_space<vmem>>) target(%dma_start3A_192 : memref<128x16xf32, #tpu.memory_space<hbm>>) target_semaphore(%run_scoped3A : memref<!tpu.dma_semaphore, #tpu.memory_space<semaphore_mem>>)
        %dma_wait3A = arith.constant 0 : i32
        %dma_wait3A_193 = tpu.memref_slice %arg7[%add3A_189, %dma_wait3A] : memref<344064x16xf32, #tpu.memory_space<hbm>> -> memref<128x16xf32, #tpu.memory_space<hbm>>
        %dma_wait3A_194 = arith.constant 0 : i32
        %dma_wait3A_195 = tpu.memref_slice %arg7[%add3A_189, %dma_wait3A_194] : memref<344064x16xf32, #tpu.memory_space<hbm>> -> memref<128x16xf32, #tpu.memory_space<hbm>>
        tpu.wait_dma2 semaphore(%run_scoped3A : memref<!tpu.dma_semaphore, #tpu.memory_space<semaphore_mem>>) src(%arg13 : memref<128x16xf32, #tpu.memory_space<vmem>>) dst(%dma_wait3A_195 : memref<128x16xf32, #tpu.memory_space<hbm>>)
        tpu.yield
      }) : () -> ()
    }
    %scan3A_31 = arith.constant 84 : i32
    return
  }
}

#map = affine_map<(d0, d1) -> (0, 0)>
#map1 = affine_map<(d0, d1) -> (0)>
module attributes {stable_mosaic.version = 14 : i64} {
  func.func @_sc_logits(%arg0: i32, %arg1: i32, %arg2: memref<20480x128xf32, #tpu.memory_space<hbm>>, %arg3: memref<20480x128xf32, #tpu.memory_space<hbm>>, %arg4: memref<172032xi32, #tpu.memory_space<hbm>>, %arg5: memref<172032xi32, #tpu.memory_space<hbm>>, %arg6: memref<256xf32, #tpu.memory_space<hbm>>, %arg7: memref<344064x16xf32, #tpu.memory_space<hbm>>, %arg8: memref<128xi32, #tpu.memory_space<vmem>>, %arg9: memref<128xi32, #tpu.memory_space<vmem>>, %arg10: memref<128xi32, #tpu.memory_space<vmem>>, %arg11: memref<128x128xf32, #tpu.memory_space<vmem>>, %arg12: memref<128x128xf32, #tpu.memory_space<vmem>>, %arg13: memref<128x16xf32, #tpu.memory_space<vmem>>, %arg14: memref<128xf32, #tpu.memory_space<vmem>>) attributes {dimension_semantics = [#tpu.dimension_semantics<core_parallel>, #tpu.dimension_semantics<subcore_parallel>], iteration_bounds = array<i64: 2, 16>, scalar_prefetch = 0 : i64, scratch_operands = 7 : i64, tpu.core_type = #tpu.core_type<sc_vector_subcore>, window_params = [{transform_indices = #map}, {transform_indices = #map}, {transform_indices = #map1}, {transform_indices = #map1}, {transform_indices = #map1}, {transform_indices = #map}]} {
    %mul3A = arith.constant 10240 : i32
    %mul3A_0 = arith.muli %arg0, %mul3A : i32
    %mul3A_1 = arith.constant 128 : i32
    %mul3A_2 = arith.muli %arg0, %mul3A_1 : i32
    "tpu.region"() ({
      %run_scoped3A = tpu.sem_alloc : memref<!tpu.dma_semaphore, #tpu.memory_space<semaphore_mem>>
      %dma_start3A = tpu.memref_slice %arg6[%mul3A_2] : memref<256xf32, #tpu.memory_space<hbm>> -> memref<128xf32, #tpu.memory_space<hbm>>
      %dma_start3A_32 = tpu.memref_slice %arg6[%mul3A_2] : memref<256xf32, #tpu.memory_space<hbm>> -> memref<128xf32, #tpu.memory_space<hbm>>
      tpu.enqueue_dma source(%dma_start3A_32 : memref<128xf32, #tpu.memory_space<hbm>>) target(%arg14 : memref<128xf32, #tpu.memory_space<vmem>>) target_semaphore(%run_scoped3A : memref<!tpu.dma_semaphore, #tpu.memory_space<semaphore_mem>>)
      %dma_wait3A = tpu.memref_slice %arg6[%mul3A_2] : memref<256xf32, #tpu.memory_space<hbm>> -> memref<128xf32, #tpu.memory_space<hbm>>
      %dma_wait3A_33 = tpu.memref_slice %arg6[%mul3A_2] : memref<256xf32, #tpu.memory_space<hbm>> -> memref<128xf32, #tpu.memory_space<hbm>>
      tpu.wait_dma2 semaphore(%run_scoped3A : memref<!tpu.dma_semaphore, #tpu.memory_space<semaphore_mem>>) src(%dma_wait3A_33 : memref<128xf32, #tpu.memory_space<hbm>>) dst(%arg14 : memref<128xf32, #tpu.memory_space<vmem>>)
      tpu.yield
    }) : () -> ()
    %get3A = arith.constant 0 : index
    %get3A_3 = tpu.vector_load %arg14[%get3A] {strides = array<i32>} : memref<128xf32, #tpu.memory_space<vmem>>, vector<16xf32>,
    %get3A_4 = vector.shape_cast %get3A_3 : vector<16xf32> to vector<16xf32>
    %get3A_5 = arith.constant 16 : index
    %get3A_6 = tpu.vector_load %arg14[%get3A_5] {strides = array<i32>} : memref<128xf32, #tpu.memory_space<vmem>>, vector<16xf32>,
    %get3A_7 = vector.shape_cast %get3A_6 : vector<16xf32> to vector<16xf32>
    %get3A_8 = arith.constant 32 : index
    %get3A_9 = tpu.vector_load %arg14[%get3A_8] {strides = array<i32>} : memref<128xf32, #tpu.memory_space<vmem>>, vector<16xf32>,
    %get3A_10 = vector.shape_cast %get3A_9 : vector<16xf32> to vector<16xf32>
    %get3A_11 = arith.constant 48 : index
    %get3A_12 = tpu.vector_load %arg14[%get3A_11] {strides = array<i32>} : memref<128xf32, #tpu.memory_space<vmem>>, vector<16xf32>,
    %get3A_13 = vector.shape_cast %get3A_12 : vector<16xf32> to vector<16xf32>
    %get3A_14 = arith.constant 64 : index
    %get3A_15 = tpu.vector_load %arg14[%get3A_14] {strides = array<i32>} : memref<128xf32, #tpu.memory_space<vmem>>, vector<16xf32>,
    %get3A_16 = vector.shape_cast %get3A_15 : vector<16xf32> to vector<16xf32>
    %get3A_17 = arith.constant 80 : index
    %get3A_18 = tpu.vector_load %arg14[%get3A_17] {strides = array<i32>} : memref<128xf32, #tpu.memory_space<vmem>>, vector<16xf32>,
    %get3A_19 = vector.shape_cast %get3A_18 : vector<16xf32> to vector<16xf32>
    %get3A_20 = arith.constant 96 : index
    %get3A_21 = tpu.vector_load %arg14[%get3A_20] {strides = array<i32>} : memref<128xf32, #tpu.memory_space<vmem>>, vector<16xf32>,
    %get3A_22 = vector.shape_cast %get3A_21 : vector<16xf32> to vector<16xf32>
    %get3A_23 = arith.constant 112 : index
    %get3A_24 = tpu.vector_load %arg14[%get3A_23] {strides = array<i32>} : memref<128xf32, #tpu.memory_space<vmem>>, vector<16xf32>,
    %get3A_25 = vector.shape_cast %get3A_24 : vector<16xf32> to vector<16xf32>
    %mul3A_26 = arith.constant 10752 : i32
    %mul3A_27 = arith.muli %arg1, %mul3A_26 : i32
    %scan3A = arith.constant 0 : i32
    %scan3A_28 = arith.constant 84 : i32
    %scan3A_29 = arith.addi %scan3A, %scan3A_28 : i32
    %scan3A_30 = arith.constant 1 : i32
    scf.for %scan3A_32 = %scan3A to %scan3A_29 step %scan3A_30  : i32 {
      %mul3A_33 = arith.constant 1 : i32
      %mul3A_34 = arith.muli %scan3A_32, %mul3A_33 : i32
      %add3A = arith.constant 0 : i32
      %add3A_35 = arith.addi %add3A, %mul3A_34 : i32
      %mul3A_36 = arith.constant 128 : i32
      %mul3A_37 = arith.muli %add3A_35, %mul3A_36 : i32
      %add3A_38 = arith.addi %mul3A_27, %mul3A_37 : i32
      "tpu.region"() ({
        %run_scoped3A = tpu.sem_alloc : memref<!tpu.dma_semaphore, #tpu.memory_space<semaphore_mem>>
        %dma_start3A = tpu.memref_slice %arg4[%add3A_38] : memref<172032xi32, #tpu.memory_space<hbm>> -> memref<128xi32, #tpu.memory_space<hbm>>
        %dma_start3A_190 = tpu.memref_slice %arg4[%add3A_38] : memref<172032xi32, #tpu.memory_space<hbm>> -> memref<128xi32, #tpu.memory_space<hbm>>
        tpu.enqueue_dma source(%dma_start3A_190 : memref<128xi32, #tpu.memory_space<hbm>>) target(%arg8 : memref<128xi32, #tpu.memory_space<vmem>>) target_semaphore(%run_scoped3A : memref<!tpu.dma_semaphore, #tpu.memory_space<semaphore_mem>>)
        %dma_wait3A = tpu.memref_slice %arg4[%add3A_38] : memref<172032xi32, #tpu.memory_space<hbm>> -> memref<128xi32, #tpu.memory_space<hbm>>
        %dma_wait3A_191 = tpu.memref_slice %arg4[%add3A_38] : memref<172032xi32, #tpu.memory_space<hbm>> -> memref<128xi32, #tpu.memory_space<hbm>>
        tpu.wait_dma2 semaphore(%run_scoped3A : memref<!tpu.dma_semaphore, #tpu.memory_space<semaphore_mem>>) src(%dma_wait3A_191 : memref<128xi32, #tpu.memory_space<hbm>>) dst(%arg8 : memref<128xi32, #tpu.memory_space<vmem>>)
        tpu.yield
      }) : () -> ()
      "tpu.region"() ({
        %run_scoped3A = tpu.sem_alloc : memref<!tpu.dma_semaphore, #tpu.memory_space<semaphore_mem>>
        %dma_start3A = tpu.memref_slice %arg5[%add3A_38] : memref<172032xi32, #tpu.memory_space<hbm>> -> memref<128xi32, #tpu.memory_space<hbm>>
        %dma_start3A_190 = tpu.memref_slice %arg5[%add3A_38] : memref<172032xi32, #tpu.memory_space<hbm>> -> memref<128xi32, #tpu.memory_space<hbm>>
        tpu.enqueue_dma source(%dma_start3A_190 : memref<128xi32, #tpu.memory_space<hbm>>) target(%arg10 : memref<128xi32, #tpu.memory_space<vmem>>) target_semaphore(%run_scoped3A : memref<!tpu.dma_semaphore, #tpu.memory_space<semaphore_mem>>)
        %dma_wait3A = tpu.memref_slice %arg5[%add3A_38] : memref<172032xi32, #tpu.memory_space<hbm>> -> memref<128xi32, #tpu.memory_space<hbm>>
        %dma_wait3A_191 = tpu.memref_slice %arg5[%add3A_38] : memref<172032xi32, #tpu.memory_space<hbm>> -> memref<128xi32, #tpu.memory_space<hbm>>
        tpu.wait_dma2 semaphore(%run_scoped3A : memref<!tpu.dma_semaphore, #tpu.memory_space<semaphore_mem>>) src(%dma_wait3A_191 : memref<128xi32, #tpu.memory_space<hbm>>) dst(%arg10 : memref<128xi32, #tpu.memory_space<vmem>>)
        tpu.yield
      }) : () -> ()
      %get3A_39 = arith.constant 0 : index
      %get3A_40 = tpu.vector_load %arg8[%get3A_39] {strides = array<i32>} : memref<128xi32, #tpu.memory_space<vmem>>, vector<16xi32>,
      %get3A_41 = vector.shape_cast %get3A_40 : vector<16xi32> to vector<16xi32>
      %add3A_42 = vector.broadcast %mul3A_0 : i32 to vector<16xi32>
      %add3A_43 = arith.addi %get3A_41, %add3A_42 : vector<16xi32>
      %swap3A = arith.constant 0 : index
      %swap3A_44 = tpu.vector_load %arg9[%swap3A] {strides = array<i32>} : memref<128xi32, #tpu.memory_space<vmem>>, vector<16xi32>,
      %swap3A_45 = vector.shape_cast %swap3A_44 : vector<16xi32> to vector<16xi32>
      %swap3A_46 = vector.shape_cast %add3A_43 : vector<16xi32> to vector<16xi32>
      tpu.vector_store %arg9[%swap3A], %swap3A_46 {strides = array<i32>} : memref<128xi32, #tpu.memory_space<vmem>>, vector<16xi32>,
      %get3A_47 = arith.constant 0 : index
      %get3A_48 = tpu.vector_load %arg10[%get3A_47] {strides = array<i32>} : memref<128xi32, #tpu.memory_space<vmem>>, vector<16xi32>,
      %get3A_49 = vector.shape_cast %get3A_48 : vector<16xi32> to vector<16xi32>
      %add3A_50 = vector.broadcast %mul3A_0 : i32 to vector<16xi32>
      %add3A_51 = arith.addi %get3A_49, %add3A_50 : vector<16xi32>
      %swap3A_52 = arith.constant 0 : index
      %swap3A_53 = tpu.vector_load %arg10[%swap3A_52] {strides = array<i32>} : memref<128xi32, #tpu.memory_space<vmem>>, vector<16xi32>,
      %swap3A_54 = vector.shape_cast %swap3A_53 : vector<16xi32> to vector<16xi32>
      %swap3A_55 = vector.shape_cast %add3A_51 : vector<16xi32> to vector<16xi32>
      tpu.vector_store %arg10[%swap3A_52], %swap3A_55 {strides = array<i32>} : memref<128xi32, #tpu.memory_space<vmem>>, vector<16xi32>,
      %get3A_56 = arith.constant 16 : index
      %get3A_57 = tpu.vector_load %arg8[%get3A_56] {strides = array<i32>} : memref<128xi32, #tpu.memory_space<vmem>>, vector<16xi32>,
      %get3A_58 = vector.shape_cast %get3A_57 : vector<16xi32> to vector<16xi32>
      %add3A_59 = vector.broadcast %mul3A_0 : i32 to vector<16xi32>
      %add3A_60 = arith.addi %get3A_58, %add3A_59 : vector<16xi32>
      %swap3A_61 = arith.constant 16 : index
      %swap3A_62 = tpu.vector_load %arg9[%swap3A_61] {strides = array<i32>} : memref<128xi32, #tpu.memory_space<vmem>>, vector<16xi32>,
      %swap3A_63 = vector.shape_cast %swap3A_62 : vector<16xi32> to vector<16xi32>
      %swap3A_64 = vector.shape_cast %add3A_60 : vector<16xi32> to vector<16xi32>
      tpu.vector_store %arg9[%swap3A_61], %swap3A_64 {strides = array<i32>} : memref<128xi32, #tpu.memory_space<vmem>>, vector<16xi32>,
      %get3A_65 = arith.constant 16 : index
      %get3A_66 = tpu.vector_load %arg10[%get3A_65] {strides = array<i32>} : memref<128xi32, #tpu.memory_space<vmem>>, vector<16xi32>,
      %get3A_67 = vector.shape_cast %get3A_66 : vector<16xi32> to vector<16xi32>
      %add3A_68 = vector.broadcast %mul3A_0 : i32 to vector<16xi32>
      %add3A_69 = arith.addi %get3A_67, %add3A_68 : vector<16xi32>
      %swap3A_70 = arith.constant 16 : index
      %swap3A_71 = tpu.vector_load %arg10[%swap3A_70] {strides = array<i32>} : memref<128xi32, #tpu.memory_space<vmem>>, vector<16xi32>,
      %swap3A_72 = vector.shape_cast %swap3A_71 : vector<16xi32> to vector<16xi32>
      %swap3A_73 = vector.shape_cast %add3A_69 : vector<16xi32> to vector<16xi32>
      tpu.vector_store %arg10[%swap3A_70], %swap3A_73 {strides = array<i32>} : memref<128xi32, #tpu.memory_space<vmem>>, vector<16xi32>,
      %get3A_74 = arith.constant 32 : index
      %get3A_75 = tpu.vector_load %arg8[%get3A_74] {strides = array<i32>} : memref<128xi32, #tpu.memory_space<vmem>>, vector<16xi32>,
      %get3A_76 = vector.shape_cast %get3A_75 : vector<16xi32> to vector<16xi32>
      %add3A_77 = vector.broadcast %mul3A_0 : i32 to vector<16xi32>
      %add3A_78 = arith.addi %get3A_76, %add3A_77 : vector<16xi32>
      %swap3A_79 = arith.constant 32 : index
      %swap3A_80 = tpu.vector_load %arg9[%swap3A_79] {strides = array<i32>} : memref<128xi32, #tpu.memory_space<vmem>>, vector<16xi32>,
      %swap3A_81 = vector.shape_cast %swap3A_80 : vector<16xi32> to vector<16xi32>
      %swap3A_82 = vector.shape_cast %add3A_78 : vector<16xi32> to vector<16xi32>
      tpu.vector_store %arg9[%swap3A_79], %swap3A_82 {strides = array<i32>} : memref<128xi32, #tpu.memory_space<vmem>>, vector<16xi32>,
      %get3A_83 = arith.constant 32 : index
      %get3A_84 = tpu.vector_load %arg10[%get3A_83] {strides = array<i32>} : memref<128xi32, #tpu.memory_space<vmem>>, vector<16xi32>,
      %get3A_85 = vector.shape_cast %get3A_84 : vector<16xi32> to vector<16xi32>
      %add3A_86 = vector.broadcast %mul3A_0 : i32 to vector<16xi32>
      %add3A_87 = arith.addi %get3A_85, %add3A_86 : vector<16xi32>
      %swap3A_88 = arith.constant 32 : index
      %swap3A_89 = tpu.vector_load %arg10[%swap3A_88] {strides = array<i32>} : memref<128xi32, #tpu.memory_space<vmem>>, vector<16xi32>,
      %swap3A_90 = vector.shape_cast %swap3A_89 : vector<16xi32> to vector<16xi32>
      %swap3A_91 = vector.shape_cast %add3A_87 : vector<16xi32> to vector<16xi32>
      tpu.vector_store %arg10[%swap3A_88], %swap3A_91 {strides = array<i32>} : memref<128xi32, #tpu.memory_space<vmem>>, vector<16xi32>,
      %get3A_92 = arith.constant 48 : index
      %get3A_93 = tpu.vector_load %arg8[%get3A_92] {strides = array<i32>} : memref<128xi32, #tpu.memory_space<vmem>>, vector<16xi32>,
      %get3A_94 = vector.shape_cast %get3A_93 : vector<16xi32> to vector<16xi32>
      %add3A_95 = vector.broadcast %mul3A_0 : i32 to vector<16xi32>
      %add3A_96 = arith.addi %get3A_94, %add3A_95 : vector<16xi32>
      %swap3A_97 = arith.constant 48 : index
      %swap3A_98 = tpu.vector_load %arg9[%swap3A_97] {strides = array<i32>} : memref<128xi32, #tpu.memory_space<vmem>>, vector<16xi32>,
      %swap3A_99 = vector.shape_cast %swap3A_98 : vector<16xi32> to vector<16xi32>
      %swap3A_100 = vector.shape_cast %add3A_96 : vector<16xi32> to vector<16xi32>
      tpu.vector_store %arg9[%swap3A_97], %swap3A_100 {strides = array<i32>} : memref<128xi32, #tpu.memory_space<vmem>>, vector<16xi32>,
      %get3A_101 = arith.constant 48 : index
      %get3A_102 = tpu.vector_load %arg10[%get3A_101] {strides = array<i32>} : memref<128xi32, #tpu.memory_space<vmem>>, vector<16xi32>,
      %get3A_103 = vector.shape_cast %get3A_102 : vector<16xi32> to vector<16xi32>
      %add3A_104 = vector.broadcast %mul3A_0 : i32 to vector<16xi32>
      %add3A_105 = arith.addi %get3A_103, %add3A_104 : vector<16xi32>
      %swap3A_106 = arith.constant 48 : index
      %swap3A_107 = tpu.vector_load %arg10[%swap3A_106] {strides = array<i32>} : memref<128xi32, #tpu.memory_space<vmem>>, vector<16xi32>,
      %swap3A_108 = vector.shape_cast %swap3A_107 : vector<16xi32> to vector<16xi32>
      %swap3A_109 = vector.shape_cast %add3A_105 : vector<16xi32> to vector<16xi32>
      tpu.vector_store %arg10[%swap3A_106], %swap3A_109 {strides = array<i32>} : memref<128xi32, #tpu.memory_space<vmem>>, vector<16xi32>,
      %get3A_110 = arith.constant 64 : index
      %get3A_111 = tpu.vector_load %arg8[%get3A_110] {strides = array<i32>} : memref<128xi32, #tpu.memory_space<vmem>>, vector<16xi32>,
      %get3A_112 = vector.shape_cast %get3A_111 : vector<16xi32> to vector<16xi32>
      %add3A_113 = vector.broadcast %mul3A_0 : i32 to vector<16xi32>
      %add3A_114 = arith.addi %get3A_112, %add3A_113 : vector<16xi32>
      %swap3A_115 = arith.constant 64 : index
      %swap3A_116 = tpu.vector_load %arg9[%swap3A_115] {strides = array<i32>} : memref<128xi32, #tpu.memory_space<vmem>>, vector<16xi32>,
      %swap3A_117 = vector.shape_cast %swap3A_116 : vector<16xi32> to vector<16xi32>
      %swap3A_118 = vector.shape_cast %add3A_114 : vector<16xi32> to vector<16xi32>
      tpu.vector_store %arg9[%swap3A_115], %swap3A_118 {strides = array<i32>} : memref<128xi32, #tpu.memory_space<vmem>>, vector<16xi32>,
      %get3A_119 = arith.constant 64 : index
      %get3A_120 = tpu.vector_load %arg10[%get3A_119] {strides = array<i32>} : memref<128xi32, #tpu.memory_space<vmem>>, vector<16xi32>,
      %get3A_121 = vector.shape_cast %get3A_120 : vector<16xi32> to vector<16xi32>
      %add3A_122 = vector.broadcast %mul3A_0 : i32 to vector<16xi32>
      %add3A_123 = arith.addi %get3A_121, %add3A_122 : vector<16xi32>
      %swap3A_124 = arith.constant 64 : index
      %swap3A_125 = tpu.vector_load %arg10[%swap3A_124] {strides = array<i32>} : memref<128xi32, #tpu.memory_space<vmem>>, vector<16xi32>,
      %swap3A_126 = vector.shape_cast %swap3A_125 : vector<16xi32> to vector<16xi32>
      %swap3A_127 = vector.shape_cast %add3A_123 : vector<16xi32> to vector<16xi32>
      tpu.vector_store %arg10[%swap3A_124], %swap3A_127 {strides = array<i32>} : memref<128xi32, #tpu.memory_space<vmem>>, vector<16xi32>,
      %get3A_128 = arith.constant 80 : index
      %get3A_129 = tpu.vector_load %arg8[%get3A_128] {strides = array<i32>} : memref<128xi32, #tpu.memory_space<vmem>>, vector<16xi32>,
      %get3A_130 = vector.shape_cast %get3A_129 : vector<16xi32> to vector<16xi32>
      %add3A_131 = vector.broadcast %mul3A_0 : i32 to vector<16xi32>
      %add3A_132 = arith.addi %get3A_130, %add3A_131 : vector<16xi32>
      %swap3A_133 = arith.constant 80 : index
      %swap3A_134 = tpu.vector_load %arg9[%swap3A_133] {strides = array<i32>} : memref<128xi32, #tpu.memory_space<vmem>>, vector<16xi32>,
      %swap3A_135 = vector.shape_cast %swap3A_134 : vector<16xi32> to vector<16xi32>
      %swap3A_136 = vector.shape_cast %add3A_132 : vector<16xi32> to vector<16xi32>
      tpu.vector_store %arg9[%swap3A_133], %swap3A_136 {strides = array<i32>} : memref<128xi32, #tpu.memory_space<vmem>>, vector<16xi32>,
      %get3A_137 = arith.constant 80 : index
      %get3A_138 = tpu.vector_load %arg10[%get3A_137] {strides = array<i32>} : memref<128xi32, #tpu.memory_space<vmem>>, vector<16xi32>,
      %get3A_139 = vector.shape_cast %get3A_138 : vector<16xi32> to vector<16xi32>
      %add3A_140 = vector.broadcast %mul3A_0 : i32 to vector<16xi32>
      %add3A_141 = arith.addi %get3A_139, %add3A_140 : vector<16xi32>
      %swap3A_142 = arith.constant 80 : index
      %swap3A_143 = tpu.vector_load %arg10[%swap3A_142] {strides = array<i32>} : memref<128xi32, #tpu.memory_space<vmem>>, vector<16xi32>,
      %swap3A_144 = vector.shape_cast %swap3A_143 : vector<16xi32> to vector<16xi32>
      %swap3A_145 = vector.shape_cast %add3A_141 : vector<16xi32> to vector<16xi32>
      tpu.vector_store %arg10[%swap3A_142], %swap3A_145 {strides = array<i32>} : memref<128xi32, #tpu.memory_space<vmem>>, vector<16xi32>,
      %get3A_146 = arith.constant 96 : index
      %get3A_147 = tpu.vector_load %arg8[%get3A_146] {strides = array<i32>} : memref<128xi32, #tpu.memory_space<vmem>>, vector<16xi32>,
      %get3A_148 = vector.shape_cast %get3A_147 : vector<16xi32> to vector<16xi32>
      %add3A_149 = vector.broadcast %mul3A_0 : i32 to vector<16xi32>
      %add3A_150 = arith.addi %get3A_148, %add3A_149 : vector<16xi32>
      %swap3A_151 = arith.constant 96 : index
      %swap3A_152 = tpu.vector_load %arg9[%swap3A_151] {strides = array<i32>} : memref<128xi32, #tpu.memory_space<vmem>>, vector<16xi32>,
      %swap3A_153 = vector.shape_cast %swap3A_152 : vector<16xi32> to vector<16xi32>
      %swap3A_154 = vector.shape_cast %add3A_150 : vector<16xi32> to vector<16xi32>
      tpu.vector_store %arg9[%swap3A_151], %swap3A_154 {strides = array<i32>} : memref<128xi32, #tpu.memory_space<vmem>>, vector<16xi32>,
      %get3A_155 = arith.constant 96 : index
      %get3A_156 = tpu.vector_load %arg10[%get3A_155] {strides = array<i32>} : memref<128xi32, #tpu.memory_space<vmem>>, vector<16xi32>,
      %get3A_157 = vector.shape_cast %get3A_156 : vector<16xi32> to vector<16xi32>
      %add3A_158 = vector.broadcast %mul3A_0 : i32 to vector<16xi32>
      %add3A_159 = arith.addi %get3A_157, %add3A_158 : vector<16xi32>
      %swap3A_160 = arith.constant 96 : index
      %swap3A_161 = tpu.vector_load %arg10[%swap3A_160] {strides = array<i32>} : memref<128xi32, #tpu.memory_space<vmem>>, vector<16xi32>,
      %swap3A_162 = vector.shape_cast %swap3A_161 : vector<16xi32> to vector<16xi32>
      %swap3A_163 = vector.shape_cast %add3A_159 : vector<16xi32> to vector<16xi32>
      tpu.vector_store %arg10[%swap3A_160], %swap3A_163 {strides = array<i32>} : memref<128xi32, #tpu.memory_space<vmem>>, vector<16xi32>,
      %get3A_164 = arith.constant 112 : index
      %get3A_165 = tpu.vector_load %arg8[%get3A_164] {strides = array<i32>} : memref<128xi32, #tpu.memory_space<vmem>>, vector<16xi32>,
      %get3A_166 = vector.shape_cast %get3A_165 : vector<16xi32> to vector<16xi32>
      %add3A_167 = vector.broadcast %mul3A_0 : i32 to vector<16xi32>
      %add3A_168 = arith.addi %get3A_166, %add3A_167 : vector<16xi32>
      %swap3A_169 = arith.constant 112 : index
      %swap3A_170 = tpu.vector_load %arg9[%swap3A_169] {strides = array<i32>} : memref<128xi32, #tpu.memory_space<vmem>>, vector<16xi32>,
      %swap3A_171 = vector.shape_cast %swap3A_170 : vector<16xi32> to vector<16xi32>
      %swap3A_172 = vector.shape_cast %add3A_168 : vector<16xi32> to vector<16xi32>
      tpu.vector_store %arg9[%swap3A_169], %swap3A_172 {strides = array<i32>} : memref<128xi32, #tpu.memory_space<vmem>>, vector<16xi32>,
      %get3A_173 = arith.constant 112 : index
      %get3A_174 = tpu.vector_load %arg10[%get3A_173] {strides = array<i32>} : memref<128xi32, #tpu.memory_space<vmem>>, vector<16xi32>,
      %get3A_175 = vector.shape_cast %get3A_174 : vector<16xi32> to vector<16xi32>
      %add3A_176 = vector.broadcast %mul3A_0 : i32 to vector<16xi32>
      %add3A_177 = arith.addi %get3A_175, %add3A_176 : vector<16xi32>
      %swap3A_178 = arith.constant 112 : index
      %swap3A_179 = tpu.vector_load %arg10[%swap3A_178] {strides = array<i32>} : memref<128xi32, #tpu.memory_space<vmem>>, vector<16xi32>,
      %swap3A_180 = vector.shape_cast %swap3A_179 : vector<16xi32> to vector<16xi32>
      %swap3A_181 = vector.shape_cast %add3A_177 : vector<16xi32> to vector<16xi32>
      tpu.vector_store %arg10[%swap3A_178], %swap3A_181 {strides = array<i32>} : memref<128xi32, #tpu.memory_space<vmem>>, vector<16xi32>,
      "tpu.region"() ({
        %run_scoped3A = tpu.sem_alloc : memref<!tpu.dma_semaphore, #tpu.memory_space<semaphore_mem>>
        %dma_start3A = arith.constant 0 : i32
        %dma_start3A_190 = arith.constant 0 : i32
        %dma_start3A_191 = tpu.memref_slice %arg2[%dma_start3A, %dma_start3A_190] : memref<20480x128xf32, #tpu.memory_space<hbm>> -> memref<20480x128xf32, #tpu.memory_space<hbm>>
        tpu.enqueue_indirect_dma source(%dma_start3A_191 : memref<20480x128xf32, #tpu.memory_space<hbm>>) target(%arg11 : memref<128x128xf32, #tpu.memory_space<vmem>>) offsets(%arg9 : memref<128xi32, #tpu.memory_space<vmem>>) semaphore(%run_scoped3A : memref<!tpu.dma_semaphore, #tpu.memory_space<semaphore_mem>>)
        %dma_wait3A = arith.constant 0 : i32
        %dma_wait3A_192 = arith.constant 0 : i32
        %dma_wait3A_193 = tpu.memref_slice %arg2[%dma_wait3A, %dma_wait3A_192] : memref<20480x128xf32, #tpu.memory_space<hbm>> -> memref<20480x128xf32, #tpu.memory_space<hbm>>
        tpu.wait_indirect_dma semaphore(%run_scoped3A : memref<!tpu.dma_semaphore, #tpu.memory_space<semaphore_mem>>) src(%dma_wait3A_193 : memref<20480x128xf32, #tpu.memory_space<hbm>>) dst(%arg11 : memref<128x128xf32, #tpu.memory_space<vmem>>)
        tpu.yield
      }) : () -> ()
      "tpu.region"() ({
        %run_scoped3A = tpu.sem_alloc : memref<!tpu.dma_semaphore, #tpu.memory_space<semaphore_mem>>
        %dma_start3A = arith.constant 0 : i32
        %dma_start3A_190 = arith.constant 0 : i32
        %dma_start3A_191 = tpu.memref_slice %arg3[%dma_start3A, %dma_start3A_190] : memref<20480x128xf32, #tpu.memory_space<hbm>> -> memref<20480x128xf32, #tpu.memory_space<hbm>>
        tpu.enqueue_indirect_dma source(%dma_start3A_191 : memref<20480x128xf32, #tpu.memory_space<hbm>>) target(%arg12 : memref<128x128xf32, #tpu.memory_space<vmem>>) offsets(%arg10 : memref<128xi32, #tpu.memory_space<vmem>>) semaphore(%run_scoped3A : memref<!tpu.dma_semaphore, #tpu.memory_space<semaphore_mem>>)
        %dma_wait3A = arith.constant 0 : i32
        %dma_wait3A_192 = arith.constant 0 : i32
        %dma_wait3A_193 = tpu.memref_slice %arg3[%dma_wait3A, %dma_wait3A_192] : memref<20480x128xf32, #tpu.memory_space<hbm>> -> memref<20480x128xf32, #tpu.memory_space<hbm>>
        tpu.wait_indirect_dma semaphore(%run_scoped3A : memref<!tpu.dma_semaphore, #tpu.memory_space<semaphore_mem>>) src(%dma_wait3A_193 : memref<20480x128xf32, #tpu.memory_space<hbm>>) dst(%arg12 : memref<128x128xf32, #tpu.memory_space<vmem>>)
        tpu.yield
      }) : () -> ()
      %scan3A_182 = arith.constant 0 : i32
      %scan3A_183 = arith.constant 128 : i32
      %scan3A_184 = arith.addi %scan3A_182, %scan3A_183 : i32
      %scan3A_185 = arith.constant 1 : i32
      scf.for %scan3A_190 = %scan3A_182 to %scan3A_184 step %scan3A_185  : i32 {
        %mul3A_191 = arith.constant 1 : i32
        %mul3A_192 = arith.muli %scan3A_190, %mul3A_191 : i32
        %add3A_193 = arith.constant 0 : i32
        %add3A_194 = arith.addi %add3A_193, %mul3A_192 : i32
        %get3A_195 = arith.constant 0 : i32
        %get3A_196 = tpu.memref_slice %arg11[%add3A_194, %get3A_195] : memref<128x128xf32, #tpu.memory_space<vmem>> -> memref<1x128xf32, #tpu.memory_space<vmem>>
        %get3A_197 = tpu.memref_squeeze %get3A_196 : memref<1x128xf32, #tpu.memory_space<vmem>> -> memref<128xf32, #tpu.memory_space<vmem>>
        %get3A_198 = arith.constant 0 : index
        %get3A_199 = tpu.vector_load %get3A_197[%get3A_198] {strides = array<i32>} : memref<128xf32, #tpu.memory_space<vmem>>, vector<16xf32>,
        %get3A_200 = vector.shape_cast %get3A_199 : vector<16xf32> to vector<16xf32>
        %get3A_201 = arith.constant 0 : i32
        %get3A_202 = tpu.memref_slice %arg12[%add3A_194, %get3A_201] : memref<128x128xf32, #tpu.memory_space<vmem>> -> memref<1x128xf32, #tpu.memory_space<vmem>>
        %get3A_203 = tpu.memref_squeeze %get3A_202 : memref<1x128xf32, #tpu.memory_space<vmem>> -> memref<128xf32, #tpu.memory_space<vmem>>
        %get3A_204 = arith.constant 0 : index
        %get3A_205 = tpu.vector_load %get3A_203[%get3A_204] {strides = array<i32>} : memref<128xf32, #tpu.memory_space<vmem>>, vector<16xf32>,
        %get3A_206 = vector.shape_cast %get3A_205 : vector<16xf32> to vector<16xf32>
        %add3A_207 = arith.addf %get3A_200, %get3A_206 : vector<16xf32>
        %mul3A_208 = arith.constant 2.000000e-01 : f32
        %mul3A_209 = vector.broadcast %mul3A_208 : f32 to vector<16xf32>
        %mul3A_210 = arith.mulf %add3A_207, %mul3A_209 : vector<16xf32>
        %max3A = arith.maximumf %add3A_207, %mul3A_210 : vector<16xf32>
        %mul3A_211 = arith.mulf %max3A, %get3A_4 : vector<16xf32>
        %get3A_212 = arith.constant 0 : i32
        %get3A_213 = tpu.memref_slice %arg11[%add3A_194, %get3A_212] : memref<128x128xf32, #tpu.memory_space<vmem>> -> memref<1x128xf32, #tpu.memory_space<vmem>>
        %get3A_214 = tpu.memref_squeeze %get3A_213 : memref<1x128xf32, #tpu.memory_space<vmem>> -> memref<128xf32, #tpu.memory_space<vmem>>
        %get3A_215 = arith.constant 16 : index
        %get3A_216 = tpu.vector_load %get3A_214[%get3A_215] {strides = array<i32>} : memref<128xf32, #tpu.memory_space<vmem>>, vector<16xf32>,
        %get3A_217 = vector.shape_cast %get3A_216 : vector<16xf32> to vector<16xf32>
        %get3A_218 = arith.constant 0 : i32
        %get3A_219 = tpu.memref_slice %arg12[%add3A_194, %get3A_218] : memref<128x128xf32, #tpu.memory_space<vmem>> -> memref<1x128xf32, #tpu.memory_space<vmem>>
        %get3A_220 = tpu.memref_squeeze %get3A_219 : memref<1x128xf32, #tpu.memory_space<vmem>> -> memref<128xf32, #tpu.memory_space<vmem>>
        %get3A_221 = arith.constant 16 : index
        %get3A_222 = tpu.vector_load %get3A_220[%get3A_221] {strides = array<i32>} : memref<128xf32, #tpu.memory_space<vmem>>, vector<16xf32>,
        %get3A_223 = vector.shape_cast %get3A_222 : vector<16xf32> to vector<16xf32>
        %add3A_224 = arith.addf %get3A_217, %get3A_223 : vector<16xf32>
        %mul3A_225 = arith.constant 2.000000e-01 : f32
        %mul3A_226 = vector.broadcast %mul3A_225 : f32 to vector<16xf32>
        %mul3A_227 = arith.mulf %add3A_224, %mul3A_226 : vector<16xf32>
        %max3A_228 = arith.maximumf %add3A_224, %mul3A_227 : vector<16xf32>
        %mul3A_229 = arith.mulf %max3A_228, %get3A_7 : vector<16xf32>
        %add3A_230 = arith.addf %mul3A_211, %mul3A_229 : vector<16xf32>
        %get3A_231 = arith.constant 0 : i32
        %get3A_232 = tpu.memref_slice %arg11[%add3A_194, %get3A_231] : memref<128x128xf32, #tpu.memory_space<vmem>> -> memref<1x128xf32, #tpu.memory_space<vmem>>
        %get3A_233 = tpu.memref_squeeze %get3A_232 : memref<1x128xf32, #tpu.memory_space<vmem>> -> memref<128xf32, #tpu.memory_space<vmem>>
        %get3A_234 = arith.constant 32 : index
        %get3A_235 = tpu.vector_load %get3A_233[%get3A_234] {strides = array<i32>} : memref<128xf32, #tpu.memory_space<vmem>>, vector<16xf32>,
        %get3A_236 = vector.shape_cast %get3A_235 : vector<16xf32> to vector<16xf32>
        %get3A_237 = arith.constant 0 : i32
        %get3A_238 = tpu.memref_slice %arg12[%add3A_194, %get3A_237] : memref<128x128xf32, #tpu.memory_space<vmem>> -> memref<1x128xf32, #tpu.memory_space<vmem>>
        %get3A_239 = tpu.memref_squeeze %get3A_238 : memref<1x128xf32, #tpu.memory_space<vmem>> -> memref<128xf32, #tpu.memory_space<vmem>>
        %get3A_240 = arith.constant 32 : index
        %get3A_241 = tpu.vector_load %get3A_239[%get3A_240] {strides = array<i32>} : memref<128xf32, #tpu.memory_space<vmem>>, vector<16xf32>,
        %get3A_242 = vector.shape_cast %get3A_241 : vector<16xf32> to vector<16xf32>
        %add3A_243 = arith.addf %get3A_236, %get3A_242 : vector<16xf32>
        %mul3A_244 = arith.constant 2.000000e-01 : f32
        %mul3A_245 = vector.broadcast %mul3A_244 : f32 to vector<16xf32>
        %mul3A_246 = arith.mulf %add3A_243, %mul3A_245 : vector<16xf32>
        %max3A_247 = arith.maximumf %add3A_243, %mul3A_246 : vector<16xf32>
        %mul3A_248 = arith.mulf %max3A_247, %get3A_10 : vector<16xf32>
        %add3A_249 = arith.addf %add3A_230, %mul3A_248 : vector<16xf32>
        %get3A_250 = arith.constant 0 : i32
        %get3A_251 = tpu.memref_slice %arg11[%add3A_194, %get3A_250] : memref<128x128xf32, #tpu.memory_space<vmem>> -> memref<1x128xf32, #tpu.memory_space<vmem>>
        %get3A_252 = tpu.memref_squeeze %get3A_251 : memref<1x128xf32, #tpu.memory_space<vmem>> -> memref<128xf32, #tpu.memory_space<vmem>>
        %get3A_253 = arith.constant 48 : index
        %get3A_254 = tpu.vector_load %get3A_252[%get3A_253] {strides = array<i32>} : memref<128xf32, #tpu.memory_space<vmem>>, vector<16xf32>,
        %get3A_255 = vector.shape_cast %get3A_254 : vector<16xf32> to vector<16xf32>
        %get3A_256 = arith.constant 0 : i32
        %get3A_257 = tpu.memref_slice %arg12[%add3A_194, %get3A_256] : memref<128x128xf32, #tpu.memory_space<vmem>> -> memref<1x128xf32, #tpu.memory_space<vmem>>
        %get3A_258 = tpu.memref_squeeze %get3A_257 : memref<1x128xf32, #tpu.memory_space<vmem>> -> memref<128xf32, #tpu.memory_space<vmem>>
        %get3A_259 = arith.constant 48 : index
        %get3A_260 = tpu.vector_load %get3A_258[%get3A_259] {strides = array<i32>} : memref<128xf32, #tpu.memory_space<vmem>>, vector<16xf32>,
        %get3A_261 = vector.shape_cast %get3A_260 : vector<16xf32> to vector<16xf32>
        %add3A_262 = arith.addf %get3A_255, %get3A_261 : vector<16xf32>
        %mul3A_263 = arith.constant 2.000000e-01 : f32
        %mul3A_264 = vector.broadcast %mul3A_263 : f32 to vector<16xf32>
        %mul3A_265 = arith.mulf %add3A_262, %mul3A_264 : vector<16xf32>
        %max3A_266 = arith.maximumf %add3A_262, %mul3A_265 : vector<16xf32>
        %mul3A_267 = arith.mulf %max3A_266, %get3A_13 : vector<16xf32>
        %add3A_268 = arith.addf %add3A_249, %mul3A_267 : vector<16xf32>
        %get3A_269 = arith.constant 0 : i32
        %get3A_270 = tpu.memref_slice %arg11[%add3A_194, %get3A_269] : memref<128x128xf32, #tpu.memory_space<vmem>> -> memref<1x128xf32, #tpu.memory_space<vmem>>
        %get3A_271 = tpu.memref_squeeze %get3A_270 : memref<1x128xf32, #tpu.memory_space<vmem>> -> memref<128xf32, #tpu.memory_space<vmem>>
        %get3A_272 = arith.constant 64 : index
        %get3A_273 = tpu.vector_load %get3A_271[%get3A_272] {strides = array<i32>} : memref<128xf32, #tpu.memory_space<vmem>>, vector<16xf32>,
        %get3A_274 = vector.shape_cast %get3A_273 : vector<16xf32> to vector<16xf32>
        %get3A_275 = arith.constant 0 : i32
        %get3A_276 = tpu.memref_slice %arg12[%add3A_194, %get3A_275] : memref<128x128xf32, #tpu.memory_space<vmem>> -> memref<1x128xf32, #tpu.memory_space<vmem>>
        %get3A_277 = tpu.memref_squeeze %get3A_276 : memref<1x128xf32, #tpu.memory_space<vmem>> -> memref<128xf32, #tpu.memory_space<vmem>>
        %get3A_278 = arith.constant 64 : index
        %get3A_279 = tpu.vector_load %get3A_277[%get3A_278] {strides = array<i32>} : memref<128xf32, #tpu.memory_space<vmem>>, vector<16xf32>,
        %get3A_280 = vector.shape_cast %get3A_279 : vector<16xf32> to vector<16xf32>
        %add3A_281 = arith.addf %get3A_274, %get3A_280 : vector<16xf32>
        %mul3A_282 = arith.constant 2.000000e-01 : f32
        %mul3A_283 = vector.broadcast %mul3A_282 : f32 to vector<16xf32>
        %mul3A_284 = arith.mulf %add3A_281, %mul3A_283 : vector<16xf32>
        %max3A_285 = arith.maximumf %add3A_281, %mul3A_284 : vector<16xf32>
        %mul3A_286 = arith.mulf %max3A_285, %get3A_16 : vector<16xf32>
        %add3A_287 = arith.addf %add3A_268, %mul3A_286 : vector<16xf32>
        %get3A_288 = arith.constant 0 : i32
        %get3A_289 = tpu.memref_slice %arg11[%add3A_194, %get3A_288] : memref<128x128xf32, #tpu.memory_space<vmem>> -> memref<1x128xf32, #tpu.memory_space<vmem>>
        %get3A_290 = tpu.memref_squeeze %get3A_289 : memref<1x128xf32, #tpu.memory_space<vmem>> -> memref<128xf32, #tpu.memory_space<vmem>>
        %get3A_291 = arith.constant 80 : index
        %get3A_292 = tpu.vector_load %get3A_290[%get3A_291] {strides = array<i32>} : memref<128xf32, #tpu.memory_space<vmem>>, vector<16xf32>,
        %get3A_293 = vector.shape_cast %get3A_292 : vector<16xf32> to vector<16xf32>
        %get3A_294 = arith.constant 0 : i32
        %get3A_295 = tpu.memref_slice %arg12[%add3A_194, %get3A_294] : memref<128x128xf32, #tpu.memory_space<vmem>> -> memref<1x128xf32, #tpu.memory_space<vmem>>
        %get3A_296 = tpu.memref_squeeze %get3A_295 : memref<1x128xf32, #tpu.memory_space<vmem>> -> memref<128xf32, #tpu.memory_space<vmem>>
        %get3A_297 = arith.constant 80 : index
        %get3A_298 = tpu.vector_load %get3A_296[%get3A_297] {strides = array<i32>} : memref<128xf32, #tpu.memory_space<vmem>>, vector<16xf32>,
        %get3A_299 = vector.shape_cast %get3A_298 : vector<16xf32> to vector<16xf32>
        %add3A_300 = arith.addf %get3A_293, %get3A_299 : vector<16xf32>
        %mul3A_301 = arith.constant 2.000000e-01 : f32
        %mul3A_302 = vector.broadcast %mul3A_301 : f32 to vector<16xf32>
        %mul3A_303 = arith.mulf %add3A_300, %mul3A_302 : vector<16xf32>
        %max3A_304 = arith.maximumf %add3A_300, %mul3A_303 : vector<16xf32>
        %mul3A_305 = arith.mulf %max3A_304, %get3A_19 : vector<16xf32>
        %add3A_306 = arith.addf %add3A_287, %mul3A_305 : vector<16xf32>
        %get3A_307 = arith.constant 0 : i32
        %get3A_308 = tpu.memref_slice %arg11[%add3A_194, %get3A_307] : memref<128x128xf32, #tpu.memory_space<vmem>> -> memref<1x128xf32, #tpu.memory_space<vmem>>
        %get3A_309 = tpu.memref_squeeze %get3A_308 : memref<1x128xf32, #tpu.memory_space<vmem>> -> memref<128xf32, #tpu.memory_space<vmem>>
        %get3A_310 = arith.constant 96 : index
        %get3A_311 = tpu.vector_load %get3A_309[%get3A_310] {strides = array<i32>} : memref<128xf32, #tpu.memory_space<vmem>>, vector<16xf32>,
        %get3A_312 = vector.shape_cast %get3A_311 : vector<16xf32> to vector<16xf32>
        %get3A_313 = arith.constant 0 : i32
        %get3A_314 = tpu.memref_slice %arg12[%add3A_194, %get3A_313] : memref<128x128xf32, #tpu.memory_space<vmem>> -> memref<1x128xf32, #tpu.memory_space<vmem>>
        %get3A_315 = tpu.memref_squeeze %get3A_314 : memref<1x128xf32, #tpu.memory_space<vmem>> -> memref<128xf32, #tpu.memory_space<vmem>>
        %get3A_316 = arith.constant 96 : index
        %get3A_317 = tpu.vector_load %get3A_315[%get3A_316] {strides = array<i32>} : memref<128xf32, #tpu.memory_space<vmem>>, vector<16xf32>,
        %get3A_318 = vector.shape_cast %get3A_317 : vector<16xf32> to vector<16xf32>
        %add3A_319 = arith.addf %get3A_312, %get3A_318 : vector<16xf32>
        %mul3A_320 = arith.constant 2.000000e-01 : f32
        %mul3A_321 = vector.broadcast %mul3A_320 : f32 to vector<16xf32>
        %mul3A_322 = arith.mulf %add3A_319, %mul3A_321 : vector<16xf32>
        %max3A_323 = arith.maximumf %add3A_319, %mul3A_322 : vector<16xf32>
        %mul3A_324 = arith.mulf %max3A_323, %get3A_22 : vector<16xf32>
        %add3A_325 = arith.addf %add3A_306, %mul3A_324 : vector<16xf32>
        %get3A_326 = arith.constant 0 : i32
        %get3A_327 = tpu.memref_slice %arg11[%add3A_194, %get3A_326] : memref<128x128xf32, #tpu.memory_space<vmem>> -> memref<1x128xf32, #tpu.memory_space<vmem>>
        %get3A_328 = tpu.memref_squeeze %get3A_327 : memref<1x128xf32, #tpu.memory_space<vmem>> -> memref<128xf32, #tpu.memory_space<vmem>>
        %get3A_329 = arith.constant 112 : index
        %get3A_330 = tpu.vector_load %get3A_328[%get3A_329] {strides = array<i32>} : memref<128xf32, #tpu.memory_space<vmem>>, vector<16xf32>,
        %get3A_331 = vector.shape_cast %get3A_330 : vector<16xf32> to vector<16xf32>
        %get3A_332 = arith.constant 0 : i32
        %get3A_333 = tpu.memref_slice %arg12[%add3A_194, %get3A_332] : memref<128x128xf32, #tpu.memory_space<vmem>> -> memref<1x128xf32, #tpu.memory_space<vmem>>
        %get3A_334 = tpu.memref_squeeze %get3A_333 : memref<1x128xf32, #tpu.memory_space<vmem>> -> memref<128xf32, #tpu.memory_space<vmem>>
        %get3A_335 = arith.constant 112 : index
        %get3A_336 = tpu.vector_load %get3A_334[%get3A_335] {strides = array<i32>} : memref<128xf32, #tpu.memory_space<vmem>>, vector<16xf32>,
        %get3A_337 = vector.shape_cast %get3A_336 : vector<16xf32> to vector<16xf32>
        %add3A_338 = arith.addf %get3A_331, %get3A_337 : vector<16xf32>
        %mul3A_339 = arith.constant 2.000000e-01 : f32
        %mul3A_340 = vector.broadcast %mul3A_339 : f32 to vector<16xf32>
        %mul3A_341 = arith.mulf %add3A_338, %mul3A_340 : vector<16xf32>
        %max3A_342 = arith.maximumf %add3A_338, %mul3A_341 : vector<16xf32>
        %mul3A_343 = arith.mulf %max3A_342, %get3A_25 : vector<16xf32>
        %add3A_344 = arith.addf %add3A_325, %mul3A_343 : vector<16xf32>
        %swap3A_345 = arith.index_cast %add3A_194 : i32 to index
        %swap3A_346 = arith.constant 0 : index
        %swap3A_347 = tpu.vector_load %arg13[%swap3A_345, %swap3A_346] {strides = array<i32>} : memref<128x16xf32, #tpu.memory_space<vmem>>, vector<1x16xf32>,
        %swap3A_348 = vector.shape_cast %swap3A_347 : vector<1x16xf32> to vector<16xf32>
        %swap3A_349 = vector.shape_cast %add3A_344 : vector<16xf32> to vector<1x16xf32>
        tpu.vector_store %arg13[%swap3A_345, %swap3A_346], %swap3A_349 {strides = array<i32>} : memref<128x16xf32, #tpu.memory_space<vmem>>, vector<1x16xf32>,
      }
      %scan3A_186 = arith.constant 128 : i32
      %mul3A_187 = arith.constant 172032 : i32
      %mul3A_188 = arith.muli %arg0, %mul3A_187 : i32
      %add3A_189 = arith.addi %mul3A_188, %add3A_38 : i32
      "tpu.region"() ({
        %run_scoped3A = tpu.sem_alloc : memref<!tpu.dma_semaphore, #tpu.memory_space<semaphore_mem>>
        %dma_start3A = arith.constant 0 : i32
        %dma_start3A_190 = tpu.memref_slice %arg7[%add3A_189, %dma_start3A] : memref<344064x16xf32, #tpu.memory_space<hbm>> -> memref<128x16xf32, #tpu.memory_space<hbm>>
        %dma_start3A_191 = arith.constant 0 : i32
        %dma_start3A_192 = tpu.memref_slice %arg7[%add3A_189, %dma_start3A_191] : memref<344064x16xf32, #tpu.memory_space<hbm>> -> memref<128x16xf32, #tpu.memory_space<hbm>>
        tpu.enqueue_dma source(%arg13 : memref<128x16xf32, #tpu.memory_space<vmem>>) target(%dma_start3A_192 : memref<128x16xf32, #tpu.memory_space<hbm>>) target_semaphore(%run_scoped3A : memref<!tpu.dma_semaphore, #tpu.memory_space<semaphore_mem>>)
        %dma_wait3A = arith.constant 0 : i32
        %dma_wait3A_193 = tpu.memref_slice %arg7[%add3A_189, %dma_wait3A] : memref<344064x16xf32, #tpu.memory_space<hbm>> -> memref<128x16xf32, #tpu.memory_space<hbm>>
        %dma_wait3A_194 = arith.constant 0 : i32
        %dma_wait3A_195 = tpu.memref_slice %arg7[%add3A_189, %dma_wait3A_194] : memref<344064x16xf32, #tpu.memory_space<hbm>> -> memref<128x16xf32, #tpu.memory_space<hbm>>
        tpu.wait_dma2 semaphore(%run_scoped3A : memref<!tpu.dma_semaphore, #tpu.memory_space<semaphore_mem>>) src(%arg13 : memref<128x16xf32, #tpu.memory_space<vmem>>) dst(%dma_wait3A_195 : memref<128x16xf32, #tpu.memory_space<hbm>>)
        tpu.yield
      }) : () -> ()
    }
    %scan3A_31 = arith.constant 84 : i32
    return
  }
}

#map = affine_map<(d0, d1) -> (0, 0)>
#map1 = affine_map<(d0, d1) -> (0)>
module attributes {stable_mosaic.version = 14 : i64} {
  func.func @_sc_aggregate(%arg0: i32, %arg1: i32, %arg2: memref<163840x16xf32, #tpu.memory_space<hbm>>, %arg3: memref<172032xi32, #tpu.memory_space<hbm>>, %arg4: memref<172032xi32, #tpu.memory_space<hbm>>, %arg5: memref<172032xf32, #tpu.memory_space<hbm>>, %arg6: memref<2621440xf32, #tpu.memory_space<hbm>>, %arg7: memref<10240xf32, #tpu.memory_space<hbm>>, %arg8: memref<128xi32, #tpu.memory_space<vmem>>, %arg9: memref<128xi32, #tpu.memory_space<vmem>>, %arg10: memref<128xi32, #tpu.memory_space<vmem>>, %arg11: memref<128xf32, #tpu.memory_space<vmem>>, %arg12: memref<128x16xf32, #tpu.memory_space<vmem>>, %arg13: memref<81920xf32, #tpu.memory_space<vmem>>, %arg14: memref<10240xf32, #tpu.memory_space<vmem>>) attributes {dimension_semantics = [#tpu.dimension_semantics<core_parallel>, #tpu.dimension_semantics<subcore_parallel>], iteration_bounds = array<i64: 2, 16>, scalar_prefetch = 0 : i64, scratch_operands = 7 : i64, tpu.core_type = #tpu.core_type<sc_vector_subcore>, window_params = [{transform_indices = #map}, {transform_indices = #map1}, {transform_indices = #map1}, {transform_indices = #map1}, {transform_indices = #map1}, {transform_indices = #map1}]} {
    %mul3A = arith.constant 16 : i32
    %mul3A_0 = arith.muli %arg0, %mul3A : i32
    %add3A = arith.addi %mul3A_0, %arg1 : i32
    %jit3A = arith.constant 2 : i32
    %div3A = arith.divsi %arg1, %jit3A : i32
    %sign3A = arith.constant 0 : i32
    %sign3A_1 = arith.cmpi sgt, %arg1, %sign3A : i32
    %sign3A_2 = arith.extui %sign3A_1 : i1 to i32
    %sign3A_3 = arith.constant 0 : i32
    %sign3A_4 = arith.cmpi slt, %arg1, %sign3A_3 : i32
    %sign3A_5 = arith.extui %sign3A_4 : i1 to i32
    %sign3A_6 = arith.subi %sign3A_2, %sign3A_5 : i32
    %sign3A_7 = arith.constant 0 : i32
    %sign3A_8 = arith.cmpi sgt, %jit3A, %sign3A_7 : i32
    %sign3A_9 = arith.extui %sign3A_8 : i1 to i32
    %sign3A_10 = arith.constant 0 : i32
    %sign3A_11 = arith.cmpi slt, %jit3A, %sign3A_10 : i32
    %sign3A_12 = arith.extui %sign3A_11 : i1 to i32
    %sign3A_13 = arith.subi %sign3A_9, %sign3A_12 : i32
    %ne3A = arith.cmpi ne, %sign3A_6, %sign3A_13 : i32
    %rem3A = arith.remsi %arg1, %jit3A : i32
    %ne3A_14 = arith.constant 0 : i32
    %ne3A_15 = arith.cmpi ne, %rem3A, %ne3A_14 : i32
    %and3A = arith.andi %ne3A, %ne3A_15 : i1
    %sub3A = arith.constant 1 : i32
    %sub3A_16 = arith.subi %div3A, %sub3A : i32
    %select_n3A = arith.select %and3A, %sub3A_16, %div3A : i32
    %jit3A_17 = arith.constant 2 : i32
    %eq3A = arith.constant 0 : i32
    %eq3A_18 = arith.cmpi eq, %jit3A_17, %eq3A : i32
    %jit3A_19 = arith.constant 1 : i32
    %select_n3A_20 = arith.select %eq3A_18, %jit3A_19, %jit3A_17 : i32
    %rem3A_21 = arith.remsi %arg1, %select_n3A_20 : i32
    %ne3A_22 = arith.constant 0 : i32
    %ne3A_23 = arith.cmpi ne, %rem3A_21, %ne3A_22 : i32
    %lt3A = arith.constant 0 : i32
    %lt3A_24 = arith.cmpi slt, %rem3A_21, %lt3A : i32
    %lt3A_25 = arith.constant 0 : i32
    %lt3A_26 = arith.cmpi slt, %select_n3A_20, %lt3A_25 : i32
    %ne3A_27 = arith.xori %lt3A_24, %lt3A_26 : i1
    %and3A_28 = arith.andi %ne3A_27, %ne3A_23 : i1
    %add3A_29 = arith.addi %rem3A_21, %select_n3A_20 : i32
    %select_n3A_30 = arith.select %and3A_28, %add3A_29, %rem3A_21 : i32
    %mul3A_31 = arith.constant 10240 : i32
    %mul3A_32 = arith.muli %arg0, %mul3A_31 : i32
    %mul3A_33 = arith.constant 8 : i32
    %mul3A_34 = arith.muli %mul3A_32, %mul3A_33 : i32
    %add3A_35 = arith.addi %mul3A_34, %select_n3A : i32
    %iota3A = tpu.iota {dimensions = array<i32: 0>} : vector<16xi32>
    %eq3A_36 = arith.constant 0 : i32
    %eq3A_37 = vector.broadcast %eq3A_36 : i32 to vector<16xi32>
    %eq3A_38 = arith.cmpi eq, %iota3A, %eq3A_37 : vector<16xi32>
    %jit3A_39 = arith.constant 8 : i32
    %div3A_40 = vector.broadcast %jit3A_39 : i32 to vector<16xi32>
    %div3A_41 = arith.divsi %iota3A, %div3A_40 : vector<16xi32>
    %sign3A_42 = arith.constant 0 : i32
    %sign3A_43 = vector.broadcast %sign3A_42 : i32 to vector<16xi32>
    %sign3A_44 = arith.cmpi sgt, %iota3A, %sign3A_43 : vector<16xi32>
    %sign3A_45 = arith.extui %sign3A_44 : vector<16xi1> to vector<16xi32>
    %sign3A_46 = arith.constant 0 : i32
    %sign3A_47 = vector.broadcast %sign3A_46 : i32 to vector<16xi32>
    %sign3A_48 = arith.cmpi slt, %iota3A, %sign3A_47 : vector<16xi32>
    %sign3A_49 = arith.extui %sign3A_48 : vector<16xi1> to vector<16xi32>
    %sign3A_50 = arith.subi %sign3A_45, %sign3A_49 : vector<16xi32>
    %sign3A_51 = arith.constant 0 : i32
    %sign3A_52 = arith.cmpi sgt, %jit3A_39, %sign3A_51 : i32
    %sign3A_53 = arith.extui %sign3A_52 : i1 to i32
    %sign3A_54 = arith.constant 0 : i32
    %sign3A_55 = arith.cmpi slt, %jit3A_39, %sign3A_54 : i32
    %sign3A_56 = arith.extui %sign3A_55 : i1 to i32
    %sign3A_57 = arith.subi %sign3A_53, %sign3A_56 : i32
    %ne3A_58 = vector.broadcast %sign3A_57 : i32 to vector<16xi32>
    %ne3A_59 = arith.cmpi ne, %sign3A_50, %ne3A_58 : vector<16xi32>
    %rem3A_60 = vector.broadcast %jit3A_39 : i32 to vector<16xi32>
    %rem3A_61 = arith.remsi %iota3A, %rem3A_60 : vector<16xi32>
    %ne3A_62 = arith.constant 0 : i32
    %ne3A_63 = vector.broadcast %ne3A_62 : i32 to vector<16xi32>
    %ne3A_64 = arith.cmpi ne, %rem3A_61, %ne3A_63 : vector<16xi32>
    %and3A_65 = arith.andi %ne3A_59, %ne3A_64 : vector<16xi1>
    %sub3A_66 = arith.constant 1 : i32
    %sub3A_67 = vector.broadcast %sub3A_66 : i32 to vector<16xi32>
    %sub3A_68 = arith.subi %div3A_41, %sub3A_67 : vector<16xi32>
    %select_n3A_69 = arith.select %and3A_65, %sub3A_68, %div3A_41 : vector<16xi1>, vector<16xi32>
    %eq3A_70 = vector.broadcast %select_n3A_30 : i32 to vector<16xi32>
    %eq3A_71 = arith.cmpi eq, %select_n3A_69, %eq3A_70 : vector<16xi32>
    %jit3A_72 = arith.constant 8 : i32
    %eq3A_73 = arith.constant 0 : i32
    %eq3A_74 = arith.cmpi eq, %jit3A_72, %eq3A_73 : i32
    %jit3A_75 = arith.constant 1 : i32
    %select_n3A_76 = arith.select %eq3A_74, %jit3A_75, %jit3A_72 : i32
    %rem3A_77 = vector.broadcast %select_n3A_76 : i32 to vector<16xi32>
    %rem3A_78 = arith.remsi %iota3A, %rem3A_77 : vector<16xi32>
    %ne3A_79 = arith.constant 0 : i32
    %ne3A_80 = vector.broadcast %ne3A_79 : i32 to vector<16xi32>
    %ne3A_81 = arith.cmpi ne, %rem3A_78, %ne3A_80 : vector<16xi32>
    %lt3A_82 = arith.constant 0 : i32
    %lt3A_83 = vector.broadcast %lt3A_82 : i32 to vector<16xi32>
    %lt3A_84 = arith.cmpi slt, %rem3A_78, %lt3A_83 : vector<16xi32>
    %lt3A_85 = arith.constant 0 : i32
    %lt3A_86 = arith.cmpi slt, %select_n3A_76, %lt3A_85 : i32
    %ne3A_87 = vector.broadcast %lt3A_86 : i1 to vector<16xi1>
    %ne3A_88 = vector.broadcast %ne3A_87 : vector<16xi1> to vector<16xi1>
    %ne3A_89 = arith.xori %lt3A_84, %ne3A_88 : vector<16xi1>
    %and3A_90 = arith.andi %ne3A_89, %ne3A_81 : vector<16xi1>
    %add3A_91 = vector.broadcast %select_n3A_76 : i32 to vector<16xi32>
    %add3A_92 = arith.addi %rem3A_78, %add3A_91 : vector<16xi32>
    %select_n3A_93 = arith.select %and3A_90, %add3A_92, %rem3A_78 : vector<16xi1>, vector<16xi32>
    %broadcast_in_dim3A = arith.constant 0.000000e+00 : f32
    %broadcast_in_dim3A_94 = vector.broadcast %broadcast_in_dim3A : f32 to vector<16xf32>
    %scan3A = arith.constant 0 : i32
    %scan3A_95 = arith.constant 5120 : i32
    %scan3A_96 = arith.addi %scan3A, %scan3A_95 : i32
    %scan3A_97 = arith.constant 1 : i32
    scf.for %scan3A_113 = %scan3A to %scan3A_96 step %scan3A_97  : i32 {
      %mul3A_114 = arith.constant 1 : i32
      %mul3A_115 = arith.muli %scan3A_113, %mul3A_114 : i32
      %add3A_116 = arith.constant 0 : i32
      %add3A_117 = arith.addi %add3A_116, %mul3A_115 : i32
      %mul3A_118 = arith.constant 16 : i32
      %mul3A_119 = arith.muli %add3A_117, %mul3A_118 : i32
      %swap3A = arith.index_cast %mul3A_119 : i32 to index
      %swap3A_120 = tpu.vector_load %arg13[%swap3A] {strides = array<i32>} : memref<81920xf32, #tpu.memory_space<vmem>>, vector<16xf32>,
      tpu.vector_store %arg13[%swap3A], %broadcast_in_dim3A_94 {strides = array<i32>} : memref<81920xf32, #tpu.memory_space<vmem>>, vector<16xf32>,
    }
    %scan3A_98 = arith.constant 5120 : i32
    %scan3A_99 = arith.constant 0 : i32
    %scan3A_100 = arith.constant 640 : i32
    %scan3A_101 = arith.addi %scan3A_99, %scan3A_100 : i32
    %scan3A_102 = arith.constant 1 : i32
    scf.for %scan3A_113 = %scan3A_99 to %scan3A_101 step %scan3A_102  : i32 {
      %mul3A_114 = arith.constant 1 : i32
      %mul3A_115 = arith.muli %scan3A_113, %mul3A_114 : i32
      %add3A_116 = arith.constant 0 : i32
      %add3A_117 = arith.addi %add3A_116, %mul3A_115 : i32
      %mul3A_118 = arith.constant 16 : i32
      %mul3A_119 = arith.muli %add3A_117, %mul3A_118 : i32
      %swap3A = arith.index_cast %mul3A_119 : i32 to index
      %swap3A_120 = tpu.vector_load %arg14[%swap3A] {strides = array<i32>} : memref<10240xf32, #tpu.memory_space<vmem>>, vector<16xf32>,
      tpu.vector_store %arg14[%swap3A], %broadcast_in_dim3A_94 {strides = array<i32>} : memref<10240xf32, #tpu.memory_space<vmem>>, vector<16xf32>,
    }
    %scan3A_103 = arith.constant 640 : i32
    %scan3A_104 = arith.constant 0 : i32
    %scan3A_105 = arith.constant 1344 : i32
    %scan3A_106 = arith.addi %scan3A_104, %scan3A_105 : i32
    %scan3A_107 = arith.constant 1 : i32
    scf.for %scan3A_113 = %scan3A_104 to %scan3A_106 step %scan3A_107  : i32 {
      %mul3A_114 = arith.constant 1 : i32
      %mul3A_115 = arith.muli %scan3A_113, %mul3A_114 : i32
      %add3A_116 = arith.constant 0 : i32
      %add3A_117 = arith.addi %add3A_116, %mul3A_115 : i32
      %mul3A_118 = arith.constant 128 : i32
      %mul3A_119 = arith.muli %add3A_117, %mul3A_118 : i32
      "tpu.region"() ({
        %run_scoped3A = tpu.sem_alloc : memref<!tpu.dma_semaphore, #tpu.memory_space<semaphore_mem>>
        %dma_start3A = tpu.memref_slice %arg3[%mul3A_119] : memref<172032xi32, #tpu.memory_space<hbm>> -> memref<128xi32, #tpu.memory_space<hbm>>
        %dma_start3A_219 = tpu.memref_slice %arg3[%mul3A_119] : memref<172032xi32, #tpu.memory_space<hbm>> -> memref<128xi32, #tpu.memory_space<hbm>>
        tpu.enqueue_dma source(%dma_start3A_219 : memref<128xi32, #tpu.memory_space<hbm>>) target(%arg8 : memref<128xi32, #tpu.memory_space<vmem>>) target_semaphore(%run_scoped3A : memref<!tpu.dma_semaphore, #tpu.memory_space<semaphore_mem>>)
        %dma_wait3A = tpu.memref_slice %arg3[%mul3A_119] : memref<172032xi32, #tpu.memory_space<hbm>> -> memref<128xi32, #tpu.memory_space<hbm>>
        %dma_wait3A_220 = tpu.memref_slice %arg3[%mul3A_119] : memref<172032xi32, #tpu.memory_space<hbm>> -> memref<128xi32, #tpu.memory_space<hbm>>
        tpu.wait_dma2 semaphore(%run_scoped3A : memref<!tpu.dma_semaphore, #tpu.memory_space<semaphore_mem>>) src(%dma_wait3A_220 : memref<128xi32, #tpu.memory_space<hbm>>) dst(%arg8 : memref<128xi32, #tpu.memory_space<vmem>>)
        tpu.yield
      }) : () -> ()
      "tpu.region"() ({
        %run_scoped3A = tpu.sem_alloc : memref<!tpu.dma_semaphore, #tpu.memory_space<semaphore_mem>>
        %dma_start3A = tpu.memref_slice %arg4[%mul3A_119] : memref<172032xi32, #tpu.memory_space<hbm>> -> memref<128xi32, #tpu.memory_space<hbm>>
        %dma_start3A_219 = tpu.memref_slice %arg4[%mul3A_119] : memref<172032xi32, #tpu.memory_space<hbm>> -> memref<128xi32, #tpu.memory_space<hbm>>
        tpu.enqueue_dma source(%dma_start3A_219 : memref<128xi32, #tpu.memory_space<hbm>>) target(%arg10 : memref<128xi32, #tpu.memory_space<vmem>>) target_semaphore(%run_scoped3A : memref<!tpu.dma_semaphore, #tpu.memory_space<semaphore_mem>>)
        %dma_wait3A = tpu.memref_slice %arg4[%mul3A_119] : memref<172032xi32, #tpu.memory_space<hbm>> -> memref<128xi32, #tpu.memory_space<hbm>>
        %dma_wait3A_220 = tpu.memref_slice %arg4[%mul3A_119] : memref<172032xi32, #tpu.memory_space<hbm>> -> memref<128xi32, #tpu.memory_space<hbm>>
        tpu.wait_dma2 semaphore(%run_scoped3A : memref<!tpu.dma_semaphore, #tpu.memory_space<semaphore_mem>>) src(%dma_wait3A_220 : memref<128xi32, #tpu.memory_space<hbm>>) dst(%arg10 : memref<128xi32, #tpu.memory_space<vmem>>)
        tpu.yield
      }) : () -> ()
      "tpu.region"() ({
        %run_scoped3A = tpu.sem_alloc : memref<!tpu.dma_semaphore, #tpu.memory_space<semaphore_mem>>
        %dma_start3A = tpu.memref_slice %arg5[%mul3A_119] : memref<172032xf32, #tpu.memory_space<hbm>> -> memref<128xf32, #tpu.memory_space<hbm>>
        %dma_start3A_219 = tpu.memref_slice %arg5[%mul3A_119] : memref<172032xf32, #tpu.memory_space<hbm>> -> memref<128xf32, #tpu.memory_space<hbm>>
        tpu.enqueue_dma source(%dma_start3A_219 : memref<128xf32, #tpu.memory_space<hbm>>) target(%arg11 : memref<128xf32, #tpu.memory_space<vmem>>) target_semaphore(%run_scoped3A : memref<!tpu.dma_semaphore, #tpu.memory_space<semaphore_mem>>)
        %dma_wait3A = tpu.memref_slice %arg5[%mul3A_119] : memref<172032xf32, #tpu.memory_space<hbm>> -> memref<128xf32, #tpu.memory_space<hbm>>
        %dma_wait3A_220 = tpu.memref_slice %arg5[%mul3A_119] : memref<172032xf32, #tpu.memory_space<hbm>> -> memref<128xf32, #tpu.memory_space<hbm>>
        tpu.wait_dma2 semaphore(%run_scoped3A : memref<!tpu.dma_semaphore, #tpu.memory_space<semaphore_mem>>) src(%dma_wait3A_220 : memref<128xf32, #tpu.memory_space<hbm>>) dst(%arg11 : memref<128xf32, #tpu.memory_space<vmem>>)
        tpu.yield
      }) : () -> ()
      %get3A = arith.constant 0 : index
      %get3A_120 = tpu.vector_load %arg8[%get3A] {strides = array<i32>} : memref<128xi32, #tpu.memory_space<vmem>>, vector<16xi32>,
      %get3A_121 = vector.shape_cast %get3A_120 : vector<16xi32> to vector<16xi32>
      %mul3A_122 = arith.constant 8 : i32
      %mul3A_123 = vector.broadcast %mul3A_122 : i32 to vector<16xi32>
      %mul3A_124 = arith.muli %get3A_121, %mul3A_123 : vector<16xi32>
      %add3A_125 = vector.broadcast %add3A_35 : i32 to vector<16xi32>
      %add3A_126 = arith.addi %mul3A_124, %add3A_125 : vector<16xi32>
      %swap3A = arith.constant 0 : index
      %swap3A_127 = tpu.vector_load %arg9[%swap3A] {strides = array<i32>} : memref<128xi32, #tpu.memory_space<vmem>>, vector<16xi32>,
      %swap3A_128 = vector.shape_cast %swap3A_127 : vector<16xi32> to vector<16xi32>
      %swap3A_129 = vector.shape_cast %add3A_126 : vector<16xi32> to vector<16xi32>
      tpu.vector_store %arg9[%swap3A], %swap3A_129 {strides = array<i32>} : memref<128xi32, #tpu.memory_space<vmem>>, vector<16xi32>,
      %get3A_130 = arith.constant 16 : index
      %get3A_131 = tpu.vector_load %arg8[%get3A_130] {strides = array<i32>} : memref<128xi32, #tpu.memory_space<vmem>>, vector<16xi32>,
      %get3A_132 = vector.shape_cast %get3A_131 : vector<16xi32> to vector<16xi32>
      %mul3A_133 = arith.constant 8 : i32
      %mul3A_134 = vector.broadcast %mul3A_133 : i32 to vector<16xi32>
      %mul3A_135 = arith.muli %get3A_132, %mul3A_134 : vector<16xi32>
      %add3A_136 = vector.broadcast %add3A_35 : i32 to vector<16xi32>
      %add3A_137 = arith.addi %mul3A_135, %add3A_136 : vector<16xi32>
      %swap3A_138 = arith.constant 16 : index
      %swap3A_139 = tpu.vector_load %arg9[%swap3A_138] {strides = array<i32>} : memref<128xi32, #tpu.memory_space<vmem>>, vector<16xi32>,
      %swap3A_140 = vector.shape_cast %swap3A_139 : vector<16xi32> to vector<16xi32>
      %swap3A_141 = vector.shape_cast %add3A_137 : vector<16xi32> to vector<16xi32>
      tpu.vector_store %arg9[%swap3A_138], %swap3A_141 {strides = array<i32>} : memref<128xi32, #tpu.memory_space<vmem>>, vector<16xi32>,
      %get3A_142 = arith.constant 32 : index
      %get3A_143 = tpu.vector_load %arg8[%get3A_142] {strides = array<i32>} : memref<128xi32, #tpu.memory_space<vmem>>, vector<16xi32>,
      %get3A_144 = vector.shape_cast %get3A_143 : vector<16xi32> to vector<16xi32>
      %mul3A_145 = arith.constant 8 : i32
      %mul3A_146 = vector.broadcast %mul3A_145 : i32 to vector<16xi32>
      %mul3A_147 = arith.muli %get3A_144, %mul3A_146 : vector<16xi32>
      %add3A_148 = vector.broadcast %add3A_35 : i32 to vector<16xi32>
      %add3A_149 = arith.addi %mul3A_147, %add3A_148 : vector<16xi32>
      %swap3A_150 = arith.constant 32 : index
      %swap3A_151 = tpu.vector_load %arg9[%swap3A_150] {strides = array<i32>} : memref<128xi32, #tpu.memory_space<vmem>>, vector<16xi32>,
      %swap3A_152 = vector.shape_cast %swap3A_151 : vector<16xi32> to vector<16xi32>
      %swap3A_153 = vector.shape_cast %add3A_149 : vector<16xi32> to vector<16xi32>
      tpu.vector_store %arg9[%swap3A_150], %swap3A_153 {strides = array<i32>} : memref<128xi32, #tpu.memory_space<vmem>>, vector<16xi32>,
      %get3A_154 = arith.constant 48 : index
      %get3A_155 = tpu.vector_load %arg8[%get3A_154] {strides = array<i32>} : memref<128xi32, #tpu.memory_space<vmem>>, vector<16xi32>,
      %get3A_156 = vector.shape_cast %get3A_155 : vector<16xi32> to vector<16xi32>
      %mul3A_157 = arith.constant 8 : i32
      %mul3A_158 = vector.broadcast %mul3A_157 : i32 to vector<16xi32>
      %mul3A_159 = arith.muli %get3A_156, %mul3A_158 : vector<16xi32>
      %add3A_160 = vector.broadcast %add3A_35 : i32 to vector<16xi32>
      %add3A_161 = arith.addi %mul3A_159, %add3A_160 : vector<16xi32>
      %swap3A_162 = arith.constant 48 : index
      %swap3A_163 = tpu.vector_load %arg9[%swap3A_162] {strides = array<i32>} : memref<128xi32, #tpu.memory_space<vmem>>, vector<16xi32>,
      %swap3A_164 = vector.shape_cast %swap3A_163 : vector<16xi32> to vector<16xi32>
      %swap3A_165 = vector.shape_cast %add3A_161 : vector<16xi32> to vector<16xi32>
      tpu.vector_store %arg9[%swap3A_162], %swap3A_165 {strides = array<i32>} : memref<128xi32, #tpu.memory_space<vmem>>, vector<16xi32>,
      %get3A_166 = arith.constant 64 : index
      %get3A_167 = tpu.vector_load %arg8[%get3A_166] {strides = array<i32>} : memref<128xi32, #tpu.memory_space<vmem>>, vector<16xi32>,
      %get3A_168 = vector.shape_cast %get3A_167 : vector<16xi32> to vector<16xi32>
      %mul3A_169 = arith.constant 8 : i32
      %mul3A_170 = vector.broadcast %mul3A_169 : i32 to vector<16xi32>
      %mul3A_171 = arith.muli %get3A_168, %mul3A_170 : vector<16xi32>
      %add3A_172 = vector.broadcast %add3A_35 : i32 to vector<16xi32>
      %add3A_173 = arith.addi %mul3A_171, %add3A_172 : vector<16xi32>
      %swap3A_174 = arith.constant 64 : index
      %swap3A_175 = tpu.vector_load %arg9[%swap3A_174] {strides = array<i32>} : memref<128xi32, #tpu.memory_space<vmem>>, vector<16xi32>,
      %swap3A_176 = vector.shape_cast %swap3A_175 : vector<16xi32> to vector<16xi32>
      %swap3A_177 = vector.shape_cast %add3A_173 : vector<16xi32> to vector<16xi32>
      tpu.vector_store %arg9[%swap3A_174], %swap3A_177 {strides = array<i32>} : memref<128xi32, #tpu.memory_space<vmem>>, vector<16xi32>,
      %get3A_178 = arith.constant 80 : index
      %get3A_179 = tpu.vector_load %arg8[%get3A_178] {strides = array<i32>} : memref<128xi32, #tpu.memory_space<vmem>>, vector<16xi32>,
      %get3A_180 = vector.shape_cast %get3A_179 : vector<16xi32> to vector<16xi32>
      %mul3A_181 = arith.constant 8 : i32
      %mul3A_182 = vector.broadcast %mul3A_181 : i32 to vector<16xi32>
      %mul3A_183 = arith.muli %get3A_180, %mul3A_182 : vector<16xi32>
      %add3A_184 = vector.broadcast %add3A_35 : i32 to vector<16xi32>
      %add3A_185 = arith.addi %mul3A_183, %add3A_184 : vector<16xi32>
      %swap3A_186 = arith.constant 80 : index
      %swap3A_187 = tpu.vector_load %arg9[%swap3A_186] {strides = array<i32>} : memref<128xi32, #tpu.memory_space<vmem>>, vector<16xi32>,
      %swap3A_188 = vector.shape_cast %swap3A_187 : vector<16xi32> to vector<16xi32>
      %swap3A_189 = vector.shape_cast %add3A_185 : vector<16xi32> to vector<16xi32>
      tpu.vector_store %arg9[%swap3A_186], %swap3A_189 {strides = array<i32>} : memref<128xi32, #tpu.memory_space<vmem>>, vector<16xi32>,
      %get3A_190 = arith.constant 96 : index
      %get3A_191 = tpu.vector_load %arg8[%get3A_190] {strides = array<i32>} : memref<128xi32, #tpu.memory_space<vmem>>, vector<16xi32>,
      %get3A_192 = vector.shape_cast %get3A_191 : vector<16xi32> to vector<16xi32>
      %mul3A_193 = arith.constant 8 : i32
      %mul3A_194 = vector.broadcast %mul3A_193 : i32 to vector<16xi32>
      %mul3A_195 = arith.muli %get3A_192, %mul3A_194 : vector<16xi32>
      %add3A_196 = vector.broadcast %add3A_35 : i32 to vector<16xi32>
      %add3A_197 = arith.addi %mul3A_195, %add3A_196 : vector<16xi32>
      %swap3A_198 = arith.constant 96 : index
      %swap3A_199 = tpu.vector_load %arg9[%swap3A_198] {strides = array<i32>} : memref<128xi32, #tpu.memory_space<vmem>>, vector<16xi32>,
      %swap3A_200 = vector.shape_cast %swap3A_199 : vector<16xi32> to vector<16xi32>
      %swap3A_201 = vector.shape_cast %add3A_197 : vector<16xi32> to vector<16xi32>
      tpu.vector_store %arg9[%swap3A_198], %swap3A_201 {strides = array<i32>} : memref<128xi32, #tpu.memory_space<vmem>>, vector<16xi32>,
      %get3A_202 = arith.constant 112 : index
      %get3A_203 = tpu.vector_load %arg8[%get3A_202] {strides = array<i32>} : memref<128xi32, #tpu.memory_space<vmem>>, vector<16xi32>,
      %get3A_204 = vector.shape_cast %get3A_203 : vector<16xi32> to vector<16xi32>
      %mul3A_205 = arith.constant 8 : i32
      %mul3A_206 = vector.broadcast %mul3A_205 : i32 to vector<16xi32>
      %mul3A_207 = arith.muli %get3A_204, %mul3A_206 : vector<16xi32>
      %add3A_208 = vector.broadcast %add3A_35 : i32 to vector<16xi32>
      %add3A_209 = arith.addi %mul3A_207, %add3A_208 : vector<16xi32>
      %swap3A_210 = arith.constant 112 : index
      %swap3A_211 = tpu.vector_load %arg9[%swap3A_210] {strides = array<i32>} : memref<128xi32, #tpu.memory_space<vmem>>, vector<16xi32>,
      %swap3A_212 = vector.shape_cast %swap3A_211 : vector<16xi32> to vector<16xi32>
      %swap3A_213 = vector.shape_cast %add3A_209 : vector<16xi32> to vector<16xi32>
      tpu.vector_store %arg9[%swap3A_210], %swap3A_213 {strides = array<i32>} : memref<128xi32, #tpu.memory_space<vmem>>, vector<16xi32>,
      "tpu.region"() ({
        %run_scoped3A = tpu.sem_alloc : memref<!tpu.dma_semaphore, #tpu.memory_space<semaphore_mem>>
        %dma_start3A = arith.constant 0 : i32
        %dma_start3A_219 = arith.constant 0 : i32
        %dma_start3A_220 = tpu.memref_slice %arg2[%dma_start3A, %dma_start3A_219] : memref<163840x16xf32, #tpu.memory_space<hbm>> -> memref<163840x16xf32, #tpu.memory_space<hbm>>
        tpu.enqueue_indirect_dma source(%dma_start3A_220 : memref<163840x16xf32, #tpu.memory_space<hbm>>) target(%arg12 : memref<128x16xf32, #tpu.memory_space<vmem>>) offsets(%arg9 : memref<128xi32, #tpu.memory_space<vmem>>) semaphore(%run_scoped3A : memref<!tpu.dma_semaphore, #tpu.memory_space<semaphore_mem>>)
        %dma_wait3A = arith.constant 0 : i32
        %dma_wait3A_221 = arith.constant 0 : i32
        %dma_wait3A_222 = tpu.memref_slice %arg2[%dma_wait3A, %dma_wait3A_221] : memref<163840x16xf32, #tpu.memory_space<hbm>> -> memref<163840x16xf32, #tpu.memory_space<hbm>>
        tpu.wait_indirect_dma semaphore(%run_scoped3A : memref<!tpu.dma_semaphore, #tpu.memory_space<semaphore_mem>>) src(%dma_wait3A_222 : memref<163840x16xf32, #tpu.memory_space<hbm>>) dst(%arg12 : memref<128x16xf32, #tpu.memory_space<vmem>>)
        tpu.yield
      }) : () -> ()
      %scan3A_214 = arith.constant 0 : i32
      %scan3A_215 = arith.constant 8 : i32
      %scan3A_216 = arith.addi %scan3A_214, %scan3A_215 : i32
      %scan3A_217 = arith.constant 1 : i32
      scf.for %scan3A_219 = %scan3A_214 to %scan3A_216 step %scan3A_217  : i32 {
        %mul3A_220 = arith.constant 1 : i32
        %mul3A_221 = arith.muli %scan3A_219, %mul3A_220 : i32
        %add3A_222 = arith.constant 0 : i32
        %add3A_223 = arith.addi %add3A_222, %mul3A_221 : i32
        %mul3A_224 = arith.constant 16 : i32
        %mul3A_225 = arith.muli %mul3A_224, %add3A_223 : i32
        %get3A_226 = arith.index_cast %mul3A_225 : i32 to index
        %get3A_227 = tpu.vector_load %arg10[%get3A_226] {strides = array<i32>} : memref<128xi32, #tpu.memory_space<vmem>>, vector<16xi32>,
        %mul3A_228 = arith.constant 16 : i32
        %mul3A_229 = arith.muli %mul3A_228, %add3A_223 : i32
        %get3A_230 = arith.index_cast %mul3A_229 : i32 to index
        %get3A_231 = tpu.vector_load %arg11[%get3A_230] {strides = array<i32>} : memref<128xf32, #tpu.memory_space<vmem>>, vector<16xf32>,
        %mul3A_232 = arith.constant 16 : i32
        %mul3A_233 = arith.muli %mul3A_232, %add3A_223 : i32
        %add3A_234 = arith.constant 0 : i32
        %add3A_235 = arith.addi %mul3A_233, %add3A_234 : i32
        %slice3A = vector.extract_strided_slice %get3A_227 {offsets = [0], sizes = [1], strides = [1]} : vector<16xi32> to vector<1xi32>
        %squeeze3A = vector.extract %slice3A[0] : i32 from vector<1xi32>
        %slice3A_236 = vector.extract_strided_slice %get3A_231 {offsets = [0], sizes = [1], strides = [1]} : vector<16xf32> to vector<1xf32>
        %squeeze3A_237 = vector.extract %slice3A_236[0] : f32 from vector<1xf32>
        %broadcast_in_dim3A_238 = vector.broadcast %squeeze3A_237 : f32 to vector<16xf32>
        %get3A_239 = arith.index_cast %add3A_235 : i32 to index
        %get3A_240 = arith.constant 0 : index
        %get3A_241 = tpu.vector_load %arg12[%get3A_239, %get3A_240] {strides = array<i32>} : memref<128x16xf32, #tpu.memory_space<vmem>>, vector<16xf32>,
        %mul3A_242 = arith.mulf %get3A_241, %broadcast_in_dim3A_238 : vector<16xf32>
        %mul3A_243 = arith.constant 8 : i32
        %mul3A_244 = arith.muli %squeeze3A, %mul3A_243 : i32
        %broadcast_in_dim3A_245 = vector.broadcast %mul3A_244 : i32 to vector<16xi32>
        %add3A_246 = arith.addi %broadcast_in_dim3A_245, %select_n3A_93 : vector<16xi32>
        tpu.vector_store_idx %arg13[%add3A_246], %mul3A_242 masked %eq3A_71 {add = true} : memref<81920xf32, #tpu.memory_space<vmem>>[vector<16xi32>], vector<16xf32>, vector<16xi1>
        %broadcast_in_dim3A_247 = vector.broadcast %squeeze3A : i32 to vector<16xi32>
        tpu.vector_store_idx %arg14[%broadcast_in_dim3A_247], %broadcast_in_dim3A_238 masked %eq3A_38 {add = true} : memref<10240xf32, #tpu.memory_space<vmem>>[vector<16xi32>], vector<16xf32>, vector<16xi1>
        %mul3A_248 = arith.constant 16 : i32
        %mul3A_249 = arith.muli %mul3A_248, %add3A_223 : i32
        %add3A_250 = arith.constant 1 : i32
        %add3A_251 = arith.addi %mul3A_249, %add3A_250 : i32
        %slice3A_252 = vector.extract_strided_slice %get3A_227 {offsets = [1], sizes = [1], strides = [1]} : vector<16xi32> to vector<1xi32>
        %squeeze3A_253 = vector.extract %slice3A_252[0] : i32 from vector<1xi32>
        %slice3A_254 = vector.extract_strided_slice %get3A_231 {offsets = [1], sizes = [1], strides = [1]} : vector<16xf32> to vector<1xf32>
        %squeeze3A_255 = vector.extract %slice3A_254[0] : f32 from vector<1xf32>
        %broadcast_in_dim3A_256 = vector.broadcast %squeeze3A_255 : f32 to vector<16xf32>
        %get3A_257 = arith.index_cast %add3A_251 : i32 to index
        %get3A_258 = arith.constant 0 : index
        %get3A_259 = tpu.vector_load %arg12[%get3A_257, %get3A_258] {strides = array<i32>} : memref<128x16xf32, #tpu.memory_space<vmem>>, vector<16xf32>,
        %mul3A_260 = arith.mulf %get3A_259, %broadcast_in_dim3A_256 : vector<16xf32>
        %mul3A_261 = arith.constant 8 : i32
        %mul3A_262 = arith.muli %squeeze3A_253, %mul3A_261 : i32
        %broadcast_in_dim3A_263 = vector.broadcast %mul3A_262 : i32 to vector<16xi32>
        %add3A_264 = arith.addi %broadcast_in_dim3A_263, %select_n3A_93 : vector<16xi32>
        tpu.vector_store_idx %arg13[%add3A_264], %mul3A_260 masked %eq3A_71 {add = true} : memref<81920xf32, #tpu.memory_space<vmem>>[vector<16xi32>], vector<16xf32>, vector<16xi1>
        %broadcast_in_dim3A_265 = vector.broadcast %squeeze3A_253 : i32 to vector<16xi32>
        tpu.vector_store_idx %arg14[%broadcast_in_dim3A_265], %broadcast_in_dim3A_256 masked %eq3A_38 {add = true} : memref<10240xf32, #tpu.memory_space<vmem>>[vector<16xi32>], vector<16xf32>, vector<16xi1>
        %mul3A_266 = arith.constant 16 : i32
        %mul3A_267 = arith.muli %mul3A_266, %add3A_223 : i32
        %add3A_268 = arith.constant 2 : i32
        %add3A_269 = arith.addi %mul3A_267, %add3A_268 : i32
        %slice3A_270 = vector.extract_strided_slice %get3A_227 {offsets = [2], sizes = [1], strides = [1]} : vector<16xi32> to vector<1xi32>
        %squeeze3A_271 = vector.extract %slice3A_270[0] : i32 from vector<1xi32>
        %slice3A_272 = vector.extract_strided_slice %get3A_231 {offsets = [2], sizes = [1], strides = [1]} : vector<16xf32> to vector<1xf32>
        %squeeze3A_273 = vector.extract %slice3A_272[0] : f32 from vector<1xf32>
        %broadcast_in_dim3A_274 = vector.broadcast %squeeze3A_273 : f32 to vector<16xf32>
        %get3A_275 = arith.index_cast %add3A_269 : i32 to index
        %get3A_276 = arith.constant 0 : index
        %get3A_277 = tpu.vector_load %arg12[%get3A_275, %get3A_276] {strides = array<i32>} : memref<128x16xf32, #tpu.memory_space<vmem>>, vector<16xf32>,
        %mul3A_278 = arith.mulf %get3A_277, %broadcast_in_dim3A_274 : vector<16xf32>
        %mul3A_279 = arith.constant 8 : i32
        %mul3A_280 = arith.muli %squeeze3A_271, %mul3A_279 : i32
        %broadcast_in_dim3A_281 = vector.broadcast %mul3A_280 : i32 to vector<16xi32>
        %add3A_282 = arith.addi %broadcast_in_dim3A_281, %select_n3A_93 : vector<16xi32>
        tpu.vector_store_idx %arg13[%add3A_282], %mul3A_278 masked %eq3A_71 {add = true} : memref<81920xf32, #tpu.memory_space<vmem>>[vector<16xi32>], vector<16xf32>, vector<16xi1>
        %broadcast_in_dim3A_283 = vector.broadcast %squeeze3A_271 : i32 to vector<16xi32>
        tpu.vector_store_idx %arg14[%broadcast_in_dim3A_283], %broadcast_in_dim3A_274 masked %eq3A_38 {add = true} : memref<10240xf32, #tpu.memory_space<vmem>>[vector<16xi32>], vector<16xf32>, vector<16xi1>
        %mul3A_284 = arith.constant 16 : i32
        %mul3A_285 = arith.muli %mul3A_284, %add3A_223 : i32
        %add3A_286 = arith.constant 3 : i32
        %add3A_287 = arith.addi %mul3A_285, %add3A_286 : i32
        %slice3A_288 = vector.extract_strided_slice %get3A_227 {offsets = [3], sizes = [1], strides = [1]} : vector<16xi32> to vector<1xi32>
        %squeeze3A_289 = vector.extract %slice3A_288[0] : i32 from vector<1xi32>
        %slice3A_290 = vector.extract_strided_slice %get3A_231 {offsets = [3], sizes = [1], strides = [1]} : vector<16xf32> to vector<1xf32>
        %squeeze3A_291 = vector.extract %slice3A_290[0] : f32 from vector<1xf32>
        %broadcast_in_dim3A_292 = vector.broadcast %squeeze3A_291 : f32 to vector<16xf32>
        %get3A_293 = arith.index_cast %add3A_287 : i32 to index
        %get3A_294 = arith.constant 0 : index
        %get3A_295 = tpu.vector_load %arg12[%get3A_293, %get3A_294] {strides = array<i32>} : memref<128x16xf32, #tpu.memory_space<vmem>>, vector<16xf32>,
        %mul3A_296 = arith.mulf %get3A_295, %broadcast_in_dim3A_292 : vector<16xf32>
        %mul3A_297 = arith.constant 8 : i32
        %mul3A_298 = arith.muli %squeeze3A_289, %mul3A_297 : i32
        %broadcast_in_dim3A_299 = vector.broadcast %mul3A_298 : i32 to vector<16xi32>
        %add3A_300 = arith.addi %broadcast_in_dim3A_299, %select_n3A_93 : vector<16xi32>
        tpu.vector_store_idx %arg13[%add3A_300], %mul3A_296 masked %eq3A_71 {add = true} : memref<81920xf32, #tpu.memory_space<vmem>>[vector<16xi32>], vector<16xf32>, vector<16xi1>
        %broadcast_in_dim3A_301 = vector.broadcast %squeeze3A_289 : i32 to vector<16xi32>
        tpu.vector_store_idx %arg14[%broadcast_in_dim3A_301], %broadcast_in_dim3A_292 masked %eq3A_38 {add = true} : memref<10240xf32, #tpu.memory_space<vmem>>[vector<16xi32>], vector<16xf32>, vector<16xi1>
        %mul3A_302 = arith.constant 16 : i32
        %mul3A_303 = arith.muli %mul3A_302, %add3A_223 : i32
        %add3A_304 = arith.constant 4 : i32
        %add3A_305 = arith.addi %mul3A_303, %add3A_304 : i32
        %slice3A_306 = vector.extract_strided_slice %get3A_227 {offsets = [4], sizes = [1], strides = [1]} : vector<16xi32> to vector<1xi32>
        %squeeze3A_307 = vector.extract %slice3A_306[0] : i32 from vector<1xi32>
        %slice3A_308 = vector.extract_strided_slice %get3A_231 {offsets = [4], sizes = [1], strides = [1]} : vector<16xf32> to vector<1xf32>
        %squeeze3A_309 = vector.extract %slice3A_308[0] : f32 from vector<1xf32>
        %broadcast_in_dim3A_310 = vector.broadcast %squeeze3A_309 : f32 to vector<16xf32>
        %get3A_311 = arith.index_cast %add3A_305 : i32 to index
        %get3A_312 = arith.constant 0 : index
        %get3A_313 = tpu.vector_load %arg12[%get3A_311, %get3A_312] {strides = array<i32>} : memref<128x16xf32, #tpu.memory_space<vmem>>, vector<16xf32>,
        %mul3A_314 = arith.mulf %get3A_313, %broadcast_in_dim3A_310 : vector<16xf32>
        %mul3A_315 = arith.constant 8 : i32
        %mul3A_316 = arith.muli %squeeze3A_307, %mul3A_315 : i32
        %broadcast_in_dim3A_317 = vector.broadcast %mul3A_316 : i32 to vector<16xi32>
        %add3A_318 = arith.addi %broadcast_in_dim3A_317, %select_n3A_93 : vector<16xi32>
        tpu.vector_store_idx %arg13[%add3A_318], %mul3A_314 masked %eq3A_71 {add = true} : memref<81920xf32, #tpu.memory_space<vmem>>[vector<16xi32>], vector<16xf32>, vector<16xi1>
        %broadcast_in_dim3A_319 = vector.broadcast %squeeze3A_307 : i32 to vector<16xi32>
        tpu.vector_store_idx %arg14[%broadcast_in_dim3A_319], %broadcast_in_dim3A_310 masked %eq3A_38 {add = true} : memref<10240xf32, #tpu.memory_space<vmem>>[vector<16xi32>], vector<16xf32>, vector<16xi1>
        %mul3A_320 = arith.constant 16 : i32
        %mul3A_321 = arith.muli %mul3A_320, %add3A_223 : i32
        %add3A_322 = arith.constant 5 : i32
        %add3A_323 = arith.addi %mul3A_321, %add3A_322 : i32
        %slice3A_324 = vector.extract_strided_slice %get3A_227 {offsets = [5], sizes = [1], strides = [1]} : vector<16xi32> to vector<1xi32>
        %squeeze3A_325 = vector.extract %slice3A_324[0] : i32 from vector<1xi32>
        %slice3A_326 = vector.extract_strided_slice %get3A_231 {offsets = [5], sizes = [1], strides = [1]} : vector<16xf32> to vector<1xf32>
        %squeeze3A_327 = vector.extract %slice3A_326[0] : f32 from vector<1xf32>
        %broadcast_in_dim3A_328 = vector.broadcast %squeeze3A_327 : f32 to vector<16xf32>
        %get3A_329 = arith.index_cast %add3A_323 : i32 to index
        %get3A_330 = arith.constant 0 : index
        %get3A_331 = tpu.vector_load %arg12[%get3A_329, %get3A_330] {strides = array<i32>} : memref<128x16xf32, #tpu.memory_space<vmem>>, vector<16xf32>,
        %mul3A_332 = arith.mulf %get3A_331, %broadcast_in_dim3A_328 : vector<16xf32>
        %mul3A_333 = arith.constant 8 : i32
        %mul3A_334 = arith.muli %squeeze3A_325, %mul3A_333 : i32
        %broadcast_in_dim3A_335 = vector.broadcast %mul3A_334 : i32 to vector<16xi32>
        %add3A_336 = arith.addi %broadcast_in_dim3A_335, %select_n3A_93 : vector<16xi32>
        tpu.vector_store_idx %arg13[%add3A_336], %mul3A_332 masked %eq3A_71 {add = true} : memref<81920xf32, #tpu.memory_space<vmem>>[vector<16xi32>], vector<16xf32>, vector<16xi1>
        %broadcast_in_dim3A_337 = vector.broadcast %squeeze3A_325 : i32 to vector<16xi32>
        tpu.vector_store_idx %arg14[%broadcast_in_dim3A_337], %broadcast_in_dim3A_328 masked %eq3A_38 {add = true} : memref<10240xf32, #tpu.memory_space<vmem>>[vector<16xi32>], vector<16xf32>, vector<16xi1>
        %mul3A_338 = arith.constant 16 : i32
        %mul3A_339 = arith.muli %mul3A_338, %add3A_223 : i32
        %add3A_340 = arith.constant 6 : i32
        %add3A_341 = arith.addi %mul3A_339, %add3A_340 : i32
        %slice3A_342 = vector.extract_strided_slice %get3A_227 {offsets = [6], sizes = [1], strides = [1]} : vector<16xi32> to vector<1xi32>
        %squeeze3A_343 = vector.extract %slice3A_342[0] : i32 from vector<1xi32>
        %slice3A_344 = vector.extract_strided_slice %get3A_231 {offsets = [6], sizes = [1], strides = [1]} : vector<16xf32> to vector<1xf32>
        %squeeze3A_345 = vector.extract %slice3A_344[0] : f32 from vector<1xf32>
        %broadcast_in_dim3A_346 = vector.broadcast %squeeze3A_345 : f32 to vector<16xf32>
        %get3A_347 = arith.index_cast %add3A_341 : i32 to index
        %get3A_348 = arith.constant 0 : index
        %get3A_349 = tpu.vector_load %arg12[%get3A_347, %get3A_348] {strides = array<i32>} : memref<128x16xf32, #tpu.memory_space<vmem>>, vector<16xf32>,
        %mul3A_350 = arith.mulf %get3A_349, %broadcast_in_dim3A_346 : vector<16xf32>
        %mul3A_351 = arith.constant 8 : i32
        %mul3A_352 = arith.muli %squeeze3A_343, %mul3A_351 : i32
        %broadcast_in_dim3A_353 = vector.broadcast %mul3A_352 : i32 to vector<16xi32>
        %add3A_354 = arith.addi %broadcast_in_dim3A_353, %select_n3A_93 : vector<16xi32>
        tpu.vector_store_idx %arg13[%add3A_354], %mul3A_350 masked %eq3A_71 {add = true} : memref<81920xf32, #tpu.memory_space<vmem>>[vector<16xi32>], vector<16xf32>, vector<16xi1>
        %broadcast_in_dim3A_355 = vector.broadcast %squeeze3A_343 : i32 to vector<16xi32>
        tpu.vector_store_idx %arg14[%broadcast_in_dim3A_355], %broadcast_in_dim3A_346 masked %eq3A_38 {add = true} : memref<10240xf32, #tpu.memory_space<vmem>>[vector<16xi32>], vector<16xf32>, vector<16xi1>
        %mul3A_356 = arith.constant 16 : i32
        %mul3A_357 = arith.muli %mul3A_356, %add3A_223 : i32
        %add3A_358 = arith.constant 7 : i32
        %add3A_359 = arith.addi %mul3A_357, %add3A_358 : i32
        %slice3A_360 = vector.extract_strided_slice %get3A_227 {offsets = [7], sizes = [1], strides = [1]} : vector<16xi32> to vector<1xi32>
        %squeeze3A_361 = vector.extract %slice3A_360[0] : i32 from vector<1xi32>
        %slice3A_362 = vector.extract_strided_slice %get3A_231 {offsets = [7], sizes = [1], strides = [1]} : vector<16xf32> to vector<1xf32>
        %squeeze3A_363 = vector.extract %slice3A_362[0] : f32 from vector<1xf32>
        %broadcast_in_dim3A_364 = vector.broadcast %squeeze3A_363 : f32 to vector<16xf32>
        %get3A_365 = arith.index_cast %add3A_359 : i32 to index
        %get3A_366 = arith.constant 0 : index
        %get3A_367 = tpu.vector_load %arg12[%get3A_365, %get3A_366] {strides = array<i32>} : memref<128x16xf32, #tpu.memory_space<vmem>>, vector<16xf32>,
        %mul3A_368 = arith.mulf %get3A_367, %broadcast_in_dim3A_364 : vector<16xf32>
        %mul3A_369 = arith.constant 8 : i32
        %mul3A_370 = arith.muli %squeeze3A_361, %mul3A_369 : i32
        %broadcast_in_dim3A_371 = vector.broadcast %mul3A_370 : i32 to vector<16xi32>
        %add3A_372 = arith.addi %broadcast_in_dim3A_371, %select_n3A_93 : vector<16xi32>
        tpu.vector_store_idx %arg13[%add3A_372], %mul3A_368 masked %eq3A_71 {add = true} : memref<81920xf32, #tpu.memory_space<vmem>>[vector<16xi32>], vector<16xf32>, vector<16xi1>
        %broadcast_in_dim3A_373 = vector.broadcast %squeeze3A_361 : i32 to vector<16xi32>
        tpu.vector_store_idx %arg14[%broadcast_in_dim3A_373], %broadcast_in_dim3A_364 masked %eq3A_38 {add = true} : memref<10240xf32, #tpu.memory_space<vmem>>[vector<16xi32>], vector<16xf32>, vector<16xi1>
        %mul3A_374 = arith.constant 16 : i32
        %mul3A_375 = arith.muli %mul3A_374, %add3A_223 : i32
        %add3A_376 = arith.constant 8 : i32
        %add3A_377 = arith.addi %mul3A_375, %add3A_376 : i32
        %slice3A_378 = vector.extract_strided_slice %get3A_227 {offsets = [8], sizes = [1], strides = [1]} : vector<16xi32> to vector<1xi32>
        %squeeze3A_379 = vector.extract %slice3A_378[0] : i32 from vector<1xi32>
        %slice3A_380 = vector.extract_strided_slice %get3A_231 {offsets = [8], sizes = [1], strides = [1]} : vector<16xf32> to vector<1xf32>
        %squeeze3A_381 = vector.extract %slice3A_380[0] : f32 from vector<1xf32>
        %broadcast_in_dim3A_382 = vector.broadcast %squeeze3A_381 : f32 to vector<16xf32>
        %get3A_383 = arith.index_cast %add3A_377 : i32 to index
        %get3A_384 = arith.constant 0 : index
        %get3A_385 = tpu.vector_load %arg12[%get3A_383, %get3A_384] {strides = array<i32>} : memref<128x16xf32, #tpu.memory_space<vmem>>, vector<16xf32>,
        %mul3A_386 = arith.mulf %get3A_385, %broadcast_in_dim3A_382 : vector<16xf32>
        %mul3A_387 = arith.constant 8 : i32
        %mul3A_388 = arith.muli %squeeze3A_379, %mul3A_387 : i32
        %broadcast_in_dim3A_389 = vector.broadcast %mul3A_388 : i32 to vector<16xi32>
        %add3A_390 = arith.addi %broadcast_in_dim3A_389, %select_n3A_93 : vector<16xi32>
        tpu.vector_store_idx %arg13[%add3A_390], %mul3A_386 masked %eq3A_71 {add = true} : memref<81920xf32, #tpu.memory_space<vmem>>[vector<16xi32>], vector<16xf32>, vector<16xi1>
        %broadcast_in_dim3A_391 = vector.broadcast %squeeze3A_379 : i32 to vector<16xi32>
        tpu.vector_store_idx %arg14[%broadcast_in_dim3A_391], %broadcast_in_dim3A_382 masked %eq3A_38 {add = true} : memref<10240xf32, #tpu.memory_space<vmem>>[vector<16xi32>], vector<16xf32>, vector<16xi1>
        %mul3A_392 = arith.constant 16 : i32
        %mul3A_393 = arith.muli %mul3A_392, %add3A_223 : i32
        %add3A_394 = arith.constant 9 : i32
        %add3A_395 = arith.addi %mul3A_393, %add3A_394 : i32
        %slice3A_396 = vector.extract_strided_slice %get3A_227 {offsets = [9], sizes = [1], strides = [1]} : vector<16xi32> to vector<1xi32>
        %squeeze3A_397 = vector.extract %slice3A_396[0] : i32 from vector<1xi32>
        %slice3A_398 = vector.extract_strided_slice %get3A_231 {offsets = [9], sizes = [1], strides = [1]} : vector<16xf32> to vector<1xf32>
        %squeeze3A_399 = vector.extract %slice3A_398[0] : f32 from vector<1xf32>
        %broadcast_in_dim3A_400 = vector.broadcast %squeeze3A_399 : f32 to vector<16xf32>
        %get3A_401 = arith.index_cast %add3A_395 : i32 to index
        %get3A_402 = arith.constant 0 : index
        %get3A_403 = tpu.vector_load %arg12[%get3A_401, %get3A_402] {strides = array<i32>} : memref<128x16xf32, #tpu.memory_space<vmem>>, vector<16xf32>,
        %mul3A_404 = arith.mulf %get3A_403, %broadcast_in_dim3A_400 : vector<16xf32>
        %mul3A_405 = arith.constant 8 : i32
        %mul3A_406 = arith.muli %squeeze3A_397, %mul3A_405 : i32
        %broadcast_in_dim3A_407 = vector.broadcast %mul3A_406 : i32 to vector<16xi32>
        %add3A_408 = arith.addi %broadcast_in_dim3A_407, %select_n3A_93 : vector<16xi32>
        tpu.vector_store_idx %arg13[%add3A_408], %mul3A_404 masked %eq3A_71 {add = true} : memref<81920xf32, #tpu.memory_space<vmem>>[vector<16xi32>], vector<16xf32>, vector<16xi1>
        %broadcast_in_dim3A_409 = vector.broadcast %squeeze3A_397 : i32 to vector<16xi32>
        tpu.vector_store_idx %arg14[%broadcast_in_dim3A_409], %broadcast_in_dim3A_400 masked %eq3A_38 {add = true} : memref<10240xf32, #tpu.memory_space<vmem>>[vector<16xi32>], vector<16xf32>, vector<16xi1>
        %mul3A_410 = arith.constant 16 : i32
        %mul3A_411 = arith.muli %mul3A_410, %add3A_223 : i32
        %add3A_412 = arith.constant 10 : i32
        %add3A_413 = arith.addi %mul3A_411, %add3A_412 : i32
        %slice3A_414 = vector.extract_strided_slice %get3A_227 {offsets = [10], sizes = [1], strides = [1]} : vector<16xi32> to vector<1xi32>
        %squeeze3A_415 = vector.extract %slice3A_414[0] : i32 from vector<1xi32>
        %slice3A_416 = vector.extract_strided_slice %get3A_231 {offsets = [10], sizes = [1], strides = [1]} : vector<16xf32> to vector<1xf32>
        %squeeze3A_417 = vector.extract %slice3A_416[0] : f32 from vector<1xf32>
        %broadcast_in_dim3A_418 = vector.broadcast %squeeze3A_417 : f32 to vector<16xf32>
        %get3A_419 = arith.index_cast %add3A_413 : i32 to index
        %get3A_420 = arith.constant 0 : index
        %get3A_421 = tpu.vector_load %arg12[%get3A_419, %get3A_420] {strides = array<i32>} : memref<128x16xf32, #tpu.memory_space<vmem>>, vector<16xf32>,
        %mul3A_422 = arith.mulf %get3A_421, %broadcast_in_dim3A_418 : vector<16xf32>
        %mul3A_423 = arith.constant 8 : i32
        %mul3A_424 = arith.muli %squeeze3A_415, %mul3A_423 : i32
        %broadcast_in_dim3A_425 = vector.broadcast %mul3A_424 : i32 to vector<16xi32>
        %add3A_426 = arith.addi %broadcast_in_dim3A_425, %select_n3A_93 : vector<16xi32>
        tpu.vector_store_idx %arg13[%add3A_426], %mul3A_422 masked %eq3A_71 {add = true} : memref<81920xf32, #tpu.memory_space<vmem>>[vector<16xi32>], vector<16xf32>, vector<16xi1>
        %broadcast_in_dim3A_427 = vector.broadcast %squeeze3A_415 : i32 to vector<16xi32>
        tpu.vector_store_idx %arg14[%broadcast_in_dim3A_427], %broadcast_in_dim3A_418 masked %eq3A_38 {add = true} : memref<10240xf32, #tpu.memory_space<vmem>>[vector<16xi32>], vector<16xf32>, vector<16xi1>
        %mul3A_428 = arith.constant 16 : i32
        %mul3A_429 = arith.muli %mul3A_428, %add3A_223 : i32
        %add3A_430 = arith.constant 11 : i32
        %add3A_431 = arith.addi %mul3A_429, %add3A_430 : i32
        %slice3A_432 = vector.extract_strided_slice %get3A_227 {offsets = [11], sizes = [1], strides = [1]} : vector<16xi32> to vector<1xi32>
        %squeeze3A_433 = vector.extract %slice3A_432[0] : i32 from vector<1xi32>
        %slice3A_434 = vector.extract_strided_slice %get3A_231 {offsets = [11], sizes = [1], strides = [1]} : vector<16xf32> to vector<1xf32>
        %squeeze3A_435 = vector.extract %slice3A_434[0] : f32 from vector<1xf32>
        %broadcast_in_dim3A_436 = vector.broadcast %squeeze3A_435 : f32 to vector<16xf32>
        %get3A_437 = arith.index_cast %add3A_431 : i32 to index
        %get3A_438 = arith.constant 0 : index
        %get3A_439 = tpu.vector_load %arg12[%get3A_437, %get3A_438] {strides = array<i32>} : memref<128x16xf32, #tpu.memory_space<vmem>>, vector<16xf32>,
        %mul3A_440 = arith.mulf %get3A_439, %broadcast_in_dim3A_436 : vector<16xf32>
        %mul3A_441 = arith.constant 8 : i32
        %mul3A_442 = arith.muli %squeeze3A_433, %mul3A_441 : i32
        %broadcast_in_dim3A_443 = vector.broadcast %mul3A_442 : i32 to vector<16xi32>
        %add3A_444 = arith.addi %broadcast_in_dim3A_443, %select_n3A_93 : vector<16xi32>
        tpu.vector_store_idx %arg13[%add3A_444], %mul3A_440 masked %eq3A_71 {add = true} : memref<81920xf32, #tpu.memory_space<vmem>>[vector<16xi32>], vector<16xf32>, vector<16xi1>
        %broadcast_in_dim3A_445 = vector.broadcast %squeeze3A_433 : i32 to vector<16xi32>
        tpu.vector_store_idx %arg14[%broadcast_in_dim3A_445], %broadcast_in_dim3A_436 masked %eq3A_38 {add = true} : memref<10240xf32, #tpu.memory_space<vmem>>[vector<16xi32>], vector<16xf32>, vector<16xi1>
        %mul3A_446 = arith.constant 16 : i32
        %mul3A_447 = arith.muli %mul3A_446, %add3A_223 : i32
        %add3A_448 = arith.constant 12 : i32
        %add3A_449 = arith.addi %mul3A_447, %add3A_448 : i32
        %slice3A_450 = vector.extract_strided_slice %get3A_227 {offsets = [12], sizes = [1], strides = [1]} : vector<16xi32> to vector<1xi32>
        %squeeze3A_451 = vector.extract %slice3A_450[0] : i32 from vector<1xi32>
        %slice3A_452 = vector.extract_strided_slice %get3A_231 {offsets = [12], sizes = [1], strides = [1]} : vector<16xf32> to vector<1xf32>
        %squeeze3A_453 = vector.extract %slice3A_452[0] : f32 from vector<1xf32>
        %broadcast_in_dim3A_454 = vector.broadcast %squeeze3A_453 : f32 to vector<16xf32>
        %get3A_455 = arith.index_cast %add3A_449 : i32 to index
        %get3A_456 = arith.constant 0 : index
        %get3A_457 = tpu.vector_load %arg12[%get3A_455, %get3A_456] {strides = array<i32>} : memref<128x16xf32, #tpu.memory_space<vmem>>, vector<16xf32>,
        %mul3A_458 = arith.mulf %get3A_457, %broadcast_in_dim3A_454 : vector<16xf32>
        %mul3A_459 = arith.constant 8 : i32
        %mul3A_460 = arith.muli %squeeze3A_451, %mul3A_459 : i32
        %broadcast_in_dim3A_461 = vector.broadcast %mul3A_460 : i32 to vector<16xi32>
        %add3A_462 = arith.addi %broadcast_in_dim3A_461, %select_n3A_93 : vector<16xi32>
        tpu.vector_store_idx %arg13[%add3A_462], %mul3A_458 masked %eq3A_71 {add = true} : memref<81920xf32, #tpu.memory_space<vmem>>[vector<16xi32>], vector<16xf32>, vector<16xi1>
        %broadcast_in_dim3A_463 = vector.broadcast %squeeze3A_451 : i32 to vector<16xi32>
        tpu.vector_store_idx %arg14[%broadcast_in_dim3A_463], %broadcast_in_dim3A_454 masked %eq3A_38 {add = true} : memref<10240xf32, #tpu.memory_space<vmem>>[vector<16xi32>], vector<16xf32>, vector<16xi1>
        %mul3A_464 = arith.constant 16 : i32
        %mul3A_465 = arith.muli %mul3A_464, %add3A_223 : i32
        %add3A_466 = arith.constant 13 : i32
        %add3A_467 = arith.addi %mul3A_465, %add3A_466 : i32
        %slice3A_468 = vector.extract_strided_slice %get3A_227 {offsets = [13], sizes = [1], strides = [1]} : vector<16xi32> to vector<1xi32>
        %squeeze3A_469 = vector.extract %slice3A_468[0] : i32 from vector<1xi32>
        %slice3A_470 = vector.extract_strided_slice %get3A_231 {offsets = [13], sizes = [1], strides = [1]} : vector<16xf32> to vector<1xf32>
        %squeeze3A_471 = vector.extract %slice3A_470[0] : f32 from vector<1xf32>
        %broadcast_in_dim3A_472 = vector.broadcast %squeeze3A_471 : f32 to vector<16xf32>
        %get3A_473 = arith.index_cast %add3A_467 : i32 to index
        %get3A_474 = arith.constant 0 : index
        %get3A_475 = tpu.vector_load %arg12[%get3A_473, %get3A_474] {strides = array<i32>} : memref<128x16xf32, #tpu.memory_space<vmem>>, vector<16xf32>,
        %mul3A_476 = arith.mulf %get3A_475, %broadcast_in_dim3A_472 : vector<16xf32>
        %mul3A_477 = arith.constant 8 : i32
        %mul3A_478 = arith.muli %squeeze3A_469, %mul3A_477 : i32
        %broadcast_in_dim3A_479 = vector.broadcast %mul3A_478 : i32 to vector<16xi32>
        %add3A_480 = arith.addi %broadcast_in_dim3A_479, %select_n3A_93 : vector<16xi32>
        tpu.vector_store_idx %arg13[%add3A_480], %mul3A_476 masked %eq3A_71 {add = true} : memref<81920xf32, #tpu.memory_space<vmem>>[vector<16xi32>], vector<16xf32>, vector<16xi1>
        %broadcast_in_dim3A_481 = vector.broadcast %squeeze3A_469 : i32 to vector<16xi32>
        tpu.vector_store_idx %arg14[%broadcast_in_dim3A_481], %broadcast_in_dim3A_472 masked %eq3A_38 {add = true} : memref<10240xf32, #tpu.memory_space<vmem>>[vector<16xi32>], vector<16xf32>, vector<16xi1>
        %mul3A_482 = arith.constant 16 : i32
        %mul3A_483 = arith.muli %mul3A_482, %add3A_223 : i32
        %add3A_484 = arith.constant 14 : i32
        %add3A_485 = arith.addi %mul3A_483, %add3A_484 : i32
        %slice3A_486 = vector.extract_strided_slice %get3A_227 {offsets = [14], sizes = [1], strides = [1]} : vector<16xi32> to vector<1xi32>
        %squeeze3A_487 = vector.extract %slice3A_486[0] : i32 from vector<1xi32>
        %slice3A_488 = vector.extract_strided_slice %get3A_231 {offsets = [14], sizes = [1], strides = [1]} : vector<16xf32> to vector<1xf32>
        %squeeze3A_489 = vector.extract %slice3A_488[0] : f32 from vector<1xf32>
        %broadcast_in_dim3A_490 = vector.broadcast %squeeze3A_489 : f32 to vector<16xf32>
        %get3A_491 = arith.index_cast %add3A_485 : i32 to index
        %get3A_492 = arith.constant 0 : index
        %get3A_493 = tpu.vector_load %arg12[%get3A_491, %get3A_492] {strides = array<i32>} : memref<128x16xf32, #tpu.memory_space<vmem>>, vector<16xf32>,
        %mul3A_494 = arith.mulf %get3A_493, %broadcast_in_dim3A_490 : vector<16xf32>
        %mul3A_495 = arith.constant 8 : i32
        %mul3A_496 = arith.muli %squeeze3A_487, %mul3A_495 : i32
        %broadcast_in_dim3A_497 = vector.broadcast %mul3A_496 : i32 to vector<16xi32>
        %add3A_498 = arith.addi %broadcast_in_dim3A_497, %select_n3A_93 : vector<16xi32>
        tpu.vector_store_idx %arg13[%add3A_498], %mul3A_494 masked %eq3A_71 {add = true} : memref<81920xf32, #tpu.memory_space<vmem>>[vector<16xi32>], vector<16xf32>, vector<16xi1>
        %broadcast_in_dim3A_499 = vector.broadcast %squeeze3A_487 : i32 to vector<16xi32>
        tpu.vector_store_idx %arg14[%broadcast_in_dim3A_499], %broadcast_in_dim3A_490 masked %eq3A_38 {add = true} : memref<10240xf32, #tpu.memory_space<vmem>>[vector<16xi32>], vector<16xf32>, vector<16xi1>
        %mul3A_500 = arith.constant 16 : i32
        %mul3A_501 = arith.muli %mul3A_500, %add3A_223 : i32
        %add3A_502 = arith.constant 15 : i32
        %add3A_503 = arith.addi %mul3A_501, %add3A_502 : i32
        %slice3A_504 = vector.extract_strided_slice %get3A_227 {offsets = [15], sizes = [1], strides = [1]} : vector<16xi32> to vector<1xi32>
        %squeeze3A_505 = vector.extract %slice3A_504[0] : i32 from vector<1xi32>
        %slice3A_506 = vector.extract_strided_slice %get3A_231 {offsets = [15], sizes = [1], strides = [1]} : vector<16xf32> to vector<1xf32>
        %squeeze3A_507 = vector.extract %slice3A_506[0] : f32 from vector<1xf32>
        %broadcast_in_dim3A_508 = vector.broadcast %squeeze3A_507 : f32 to vector<16xf32>
        %get3A_509 = arith.index_cast %add3A_503 : i32 to index
        %get3A_510 = arith.constant 0 : index
        %get3A_511 = tpu.vector_load %arg12[%get3A_509, %get3A_510] {strides = array<i32>} : memref<128x16xf32, #tpu.memory_space<vmem>>, vector<16xf32>,
        %mul3A_512 = arith.mulf %get3A_511, %broadcast_in_dim3A_508 : vector<16xf32>
        %mul3A_513 = arith.constant 8 : i32
        %mul3A_514 = arith.muli %squeeze3A_505, %mul3A_513 : i32
        %broadcast_in_dim3A_515 = vector.broadcast %mul3A_514 : i32 to vector<16xi32>
        %add3A_516 = arith.addi %broadcast_in_dim3A_515, %select_n3A_93 : vector<16xi32>
        tpu.vector_store_idx %arg13[%add3A_516], %mul3A_512 masked %eq3A_71 {add = true} : memref<81920xf32, #tpu.memory_space<vmem>>[vector<16xi32>], vector<16xf32>, vector<16xi1>
        %broadcast_in_dim3A_517 = vector.broadcast %squeeze3A_505 : i32 to vector<16xi32>
        tpu.vector_store_idx %arg14[%broadcast_in_dim3A_517], %broadcast_in_dim3A_508 masked %eq3A_38 {add = true} : memref<10240xf32, #tpu.memory_space<vmem>>[vector<16xi32>], vector<16xf32>, vector<16xi1>
      }
      %scan3A_218 = arith.constant 8 : i32
    }
    %scan3A_108 = arith.constant 1344 : i32
    %mul3A_109 = arith.constant 10240 : i32
    %mul3A_110 = arith.muli %add3A, %mul3A_109 : i32
    %mul3A_111 = arith.constant 8 : i32
    %mul3A_112 = arith.muli %mul3A_110, %mul3A_111 : i32
    "tpu.region"() ({
      %run_scoped3A = tpu.sem_alloc : memref<!tpu.dma_semaphore, #tpu.memory_space<semaphore_mem>>
      %dma_start3A = tpu.memref_slice %arg6[%mul3A_112] : memref<2621440xf32, #tpu.memory_space<hbm>> -> memref<81920xf32, #tpu.memory_space<hbm>>
      %dma_start3A_113 = tpu.memref_slice %arg6[%mul3A_112] : memref<2621440xf32, #tpu.memory_space<hbm>> -> memref<81920xf32, #tpu.memory_space<hbm>>
      tpu.enqueue_dma source(%arg13 : memref<81920xf32, #tpu.memory_space<vmem>>) target(%dma_start3A_113 : memref<81920xf32, #tpu.memory_space<hbm>>) target_semaphore(%run_scoped3A : memref<!tpu.dma_semaphore, #tpu.memory_space<semaphore_mem>>)
      %dma_wait3A = tpu.memref_slice %arg6[%mul3A_112] : memref<2621440xf32, #tpu.memory_space<hbm>> -> memref<81920xf32, #tpu.memory_space<hbm>>
      %dma_wait3A_114 = tpu.memref_slice %arg6[%mul3A_112] : memref<2621440xf32, #tpu.memory_space<hbm>> -> memref<81920xf32, #tpu.memory_space<hbm>>
      tpu.wait_dma2 semaphore(%run_scoped3A : memref<!tpu.dma_semaphore, #tpu.memory_space<semaphore_mem>>) src(%arg13 : memref<81920xf32, #tpu.memory_space<vmem>>) dst(%dma_wait3A_114 : memref<81920xf32, #tpu.memory_space<hbm>>)
      tpu.yield
    }) : () -> ()
    "tpu.region"() ({
      %run_scoped3A = tpu.sem_alloc : memref<!tpu.dma_semaphore, #tpu.memory_space<semaphore_mem>>
      tpu.enqueue_dma source(%arg14 : memref<10240xf32, #tpu.memory_space<vmem>>) target(%arg7 : memref<10240xf32, #tpu.memory_space<hbm>>) target_semaphore(%run_scoped3A : memref<!tpu.dma_semaphore, #tpu.memory_space<semaphore_mem>>)
      tpu.wait_dma2 semaphore(%run_scoped3A : memref<!tpu.dma_semaphore, #tpu.memory_space<semaphore_mem>>) src(%arg14 : memref<10240xf32, #tpu.memory_space<vmem>>) dst(%arg7 : memref<10240xf32, #tpu.memory_space<hbm>>)
      tpu.yield
    }) : () -> ()
    return
  }
}

module attributes {stable_mosaic.version = 14 : i64} {
  func.func @_prep_body(%arg0: i32, %arg1: i32, %arg2: memref<1280x256xf32, #tpu.memory_space<vmem>>, %arg3: memref<1x256x128xf32, #tpu.memory_space<vmem>>, %arg4: memref<1x1x128xf32, #tpu.memory_space<vmem>>, %arg5: memref<1x256x128xf32, #tpu.memory_space<vmem>>, %arg6: memref<1x1x128xf32, #tpu.memory_space<vmem>>, %arg7: memref<1x1280x128xf32, #tpu.memory_space<vmem>>, %arg8: memref<1x1280x128xf32, #tpu.memory_space<vmem>>) attributes {dimension_semantics = [#tpu.dimension_semantics<arbitrary>, #tpu.dimension_semantics<arbitrary>], iteration_bounds = array<i64: 8, 2>, scalar_prefetch = 0 : i64, scratch_operands = 0 : i64, tpu.core_type = #tpu.core_type<tc>, window_params = [{transform_indices = @transform_0, window_bounds = array<i64: 1280, 256>}, {transform_indices = @transform_1, window_bounds = array<i64: 1, 256, 128>}, {transform_indices = @transform_2, window_bounds = array<i64: 1, 1, 128>}, {transform_indices = @transform_3, window_bounds = array<i64: 1, 256, 128>}, {transform_indices = @transform_4, window_bounds = array<i64: 1, 1, 128>}, {transform_indices = @transform_5, window_bounds = array<i64: 1, 1280, 128>}, {transform_indices = @transform_6, window_bounds = array<i64: 1, 1280, 128>}]} {
    %get3A = arith.constant 0 : index
    %get3A_0 = arith.constant 0 : index
    %get3A_1 = vector.load %arg2[%get3A, %get3A_0] : memref<1280x256xf32, #tpu.memory_space<vmem>>, vector<1280x256xf32>
    %get3A_2 = arith.constant 0 : index
    %get3A_3 = arith.constant 0 : index
    %get3A_4 = arith.constant 0 : index
    %get3A_5 = vector.load %arg3[%get3A_2, %get3A_3, %get3A_4] : memref<1x256x128xf32, #tpu.memory_space<vmem>>, vector<1x256x128xf32>
    %get3A_6 = vector.shape_cast %get3A_5 : vector<1x256x128xf32> to vector<256x128xf32>
    %dot_general3A = arith.constant dense<0.000000e+00> : vector<1280x128xf32>
    %dot_general3A_7 = tpu.matmul %get3A_1, %get3A_6, %dot_general3A {dimension_numbers = #tpu.dot_dimension_numbers<[1], [0], [0], [1], [0, 0, 1, 1], [], []>, transpose_lhs_hint = false} : vector<1280x256xf32>, vector<256x128xf32>, vector<1280x128xf32> -> vector<1280x128xf32>
    %get3A_8 = arith.constant 0 : index
    %get3A_9 = arith.constant 0 : index
    %get3A_10 = arith.constant 0 : index
    %get3A_11 = vector.load %arg4[%get3A_8, %get3A_9, %get3A_10] : memref<1x1x128xf32, #tpu.memory_space<vmem>>, vector<1x1x128xf32>
    %get3A_12 = vector.shape_cast %get3A_11 : vector<1x1x128xf32> to vector<1x128xf32>
    %add3A = vector.broadcast %get3A_12 : vector<1x128xf32> to vector<1280x128xf32>
    %add3A_13 = arith.addf %dot_general3A_7, %add3A : vector<1280x128xf32>
    %swap3A = arith.constant 0 : index
    %swap3A_14 = arith.constant 0 : index
    %swap3A_15 = arith.constant 0 : index
    %swap3A_16 = vector.load %arg7[%swap3A, %swap3A_14, %swap3A_15] : memref<1x1280x128xf32, #tpu.memory_space<vmem>>, vector<1x1280x128xf32>
    %swap3A_17 = vector.shape_cast %swap3A_16 : vector<1x1280x128xf32> to vector<1280x128xf32>
    %swap3A_18 = vector.shape_cast %add3A_13 : vector<1280x128xf32> to vector<1x1280x128xf32>
    tpu.vector_store %arg7[%swap3A, %swap3A_14, %swap3A_15], %swap3A_18 {strides = array<i32>} : memref<1x1280x128xf32, #tpu.memory_space<vmem>>, vector<1x1280x128xf32>,
    %get3A_19 = arith.constant 0 : index
    %get3A_20 = arith.constant 0 : index
    %get3A_21 = arith.constant 0 : index
    %get3A_22 = vector.load %arg5[%get3A_19, %get3A_20, %get3A_21] : memref<1x256x128xf32, #tpu.memory_space<vmem>>, vector<1x256x128xf32>
    %get3A_23 = vector.shape_cast %get3A_22 : vector<1x256x128xf32> to vector<256x128xf32>
    %dot_general3A_24 = arith.constant dense<0.000000e+00> : vector<1280x128xf32>
    %dot_general3A_25 = tpu.matmul %get3A_1, %get3A_23, %dot_general3A_24 {dimension_numbers = #tpu.dot_dimension_numbers<[1], [0], [0], [1], [0, 0, 1, 1], [], []>, transpose_lhs_hint = false} : vector<1280x256xf32>, vector<256x128xf32>, vector<1280x128xf32> -> vector<1280x128xf32>
    %get3A_26 = arith.constant 0 : index
    %get3A_27 = arith.constant 0 : index
    %get3A_28 = arith.constant 0 : index
    %get3A_29 = vector.load %arg6[%get3A_26, %get3A_27, %get3A_28] : memref<1x1x128xf32, #tpu.memory_space<vmem>>, vector<1x1x128xf32>
    %get3A_30 = vector.shape_cast %get3A_29 : vector<1x1x128xf32> to vector<1x128xf32>
    %add3A_31 = vector.broadcast %get3A_30 : vector<1x128xf32> to vector<1280x128xf32>
    %add3A_32 = arith.addf %dot_general3A_25, %add3A_31 : vector<1280x128xf32>
    %swap3A_33 = arith.constant 0 : index
    %swap3A_34 = arith.constant 0 : index
    %swap3A_35 = arith.constant 0 : index
    %swap3A_36 = vector.load %arg8[%swap3A_33, %swap3A_34, %swap3A_35] : memref<1x1280x128xf32, #tpu.memory_space<vmem>>, vector<1x1280x128xf32>
    %swap3A_37 = vector.shape_cast %swap3A_36 : vector<1x1280x128xf32> to vector<1280x128xf32>
    %swap3A_38 = vector.shape_cast %add3A_32 : vector<1280x128xf32> to vector<1x1280x128xf32>
    tpu.vector_store %arg8[%swap3A_33, %swap3A_34, %swap3A_35], %swap3A_38 {strides = array<i32>} : memref<1x1280x128xf32, #tpu.memory_space<vmem>>, vector<1x1280x128xf32>,
    return
  }
  func.func @transform_0(%arg0: i32, %arg1: i32) -> (i32, i32) {
    %c0_i32 = arith.constant 0 : i32
    %c0_i32_0 = arith.constant 0 : i32
    return %arg0, %c0_i32 : i32, i32
  }
  func.func @transform_1(%arg0: i32, %arg1: i32) -> (i32, i32, i32) {
    %c0_i32 = arith.constant 0 : i32
    %c0_i32_0 = arith.constant 0 : i32
    %c0_i32_1 = arith.constant 0 : i32
    return %arg1, %c0_i32, %c0_i32_0 : i32, i32, i32
  }
  func.func @transform_2(%arg0: i32, %arg1: i32) -> (i32, i32, i32) {
    %c0_i32 = arith.constant 0 : i32
    %c0_i32_0 = arith.constant 0 : i32
    %c0_i32_1 = arith.constant 0 : i32
    return %arg1, %c0_i32, %c0_i32_0 : i32, i32, i32
  }
  func.func @transform_3(%arg0: i32, %arg1: i32) -> (i32, i32, i32) {
    %c0_i32 = arith.constant 0 : i32
    %c0_i32_0 = arith.constant 0 : i32
    %c0_i32_1 = arith.constant 0 : i32
    return %arg1, %c0_i32, %c0_i32_0 : i32, i32, i32
  }
  func.func @transform_4(%arg0: i32, %arg1: i32) -> (i32, i32, i32) {
    %c0_i32 = arith.constant 0 : i32
    %c0_i32_0 = arith.constant 0 : i32
    %c0_i32_1 = arith.constant 0 : i32
    return %arg1, %c0_i32, %c0_i32_0 : i32, i32, i32
  }
  func.func @transform_5(%arg0: i32, %arg1: i32) -> (i32, i32, i32) {
    %c0_i32 = arith.constant 0 : i32
    %c0_i32_0 = arith.constant 0 : i32
    return %arg1, %arg0, %c0_i32 : i32, i32, i32
  }
  func.func @transform_6(%arg0: i32, %arg1: i32) -> (i32, i32, i32) {
    %c0_i32 = arith.constant 0 : i32
    %c0_i32_0 = arith.constant 0 : i32
    return %arg1, %arg0, %c0_i32 : i32, i32, i32
  }
}

module attributes {stable_mosaic.version = 14 : i64} {
  func.func @_combine_body(%arg0: i32, %arg1: memref<2x1x8192x16xf32, #tpu.memory_space<vmem>>, %arg2: memref<1x1x8192xf32, #tpu.memory_space<vmem>>) attributes {dimension_semantics = [#tpu.dimension_semantics<arbitrary>], iteration_bounds = array<i64: 21>, scalar_prefetch = 0 : i64, scratch_operands = 0 : i64, tpu.core_type = #tpu.core_type<tc>, window_params = [{transform_indices = @transform_0, window_bounds = array<i64: 2, 1, 8192, 16>}, {transform_indices = @transform_1, window_bounds = array<i64: 1, 1, 8192>}]} {
    %get3A = arith.constant 0 : index
    %get3A_0 = arith.constant 0 : index
    %get3A_1 = arith.constant 0 : index
    %get3A_2 = arith.constant 0 : index
    %get3A_3 = vector.load %arg1[%get3A, %get3A_0, %get3A_1, %get3A_2] : memref<2x1x8192x16xf32, #tpu.memory_space<vmem>>, vector<1x1x8192x16xf32>
    %get3A_4 = vector.shape_cast %get3A_3 : vector<1x1x8192x16xf32> to vector<8192x16xf32>
    %get3A_5 = arith.constant 1 : index
    %get3A_6 = arith.constant 0 : index
    %get3A_7 = arith.constant 0 : index
    %get3A_8 = arith.constant 0 : index
    %get3A_9 = vector.load %arg1[%get3A_5, %get3A_6, %get3A_7, %get3A_8] : memref<2x1x8192x16xf32, #tpu.memory_space<vmem>>, vector<1x1x8192x16xf32>
    %get3A_10 = vector.shape_cast %get3A_9 : vector<1x1x8192x16xf32> to vector<8192x16xf32>
    %add3A = arith.addf %get3A_4, %get3A_10 : vector<8192x16xf32>
    %reduce_sum3A = arith.constant dense<0.000000e+00> : vector<8192xf32>
    %reduce_sum3A_11 = vector.multi_reduction <add>, %add3A, %reduce_sum3A [1] : vector<8192x16xf32> to vector<8192xf32>
    %exp3A = math.exp %reduce_sum3A_11 : vector<8192xf32>
    %swap3A = arith.constant 0 : index
    %swap3A_12 = arith.constant 0 : index
    %swap3A_13 = arith.constant 0 : index
    %swap3A_14 = vector.load %arg2[%swap3A, %swap3A_12, %swap3A_13] : memref<1x1x8192xf32, #tpu.memory_space<vmem>>, vector<1x1x8192xf32>
    %swap3A_15 = vector.shape_cast %swap3A_14 : vector<1x1x8192xf32> to vector<8192xf32>
    %swap3A_16 = vector.shape_cast %exp3A : vector<8192xf32> to vector<1x1x8192xf32>
    tpu.vector_store %arg2[%swap3A, %swap3A_12, %swap3A_13], %swap3A_16 {strides = array<i32>} : memref<1x1x8192xf32, #tpu.memory_space<vmem>>, vector<1x1x8192xf32>,
    return
  }
  func.func @transform_0(%arg0: i32) -> (i32, i32, i32, i32) {
    %c0_i32 = arith.constant 0 : i32
    %c0_i32_0 = arith.constant 0 : i32
    %c0_i32_1 = arith.constant 0 : i32
    %c0_i32_2 = arith.constant 0 : i32
    return %c0_i32, %arg0, %c0_i32_0, %c0_i32_1 : i32, i32, i32, i32
  }
  func.func @transform_1(%arg0: i32) -> (i32, i32, i32) {
    %c0_i32 = arith.constant 0 : i32
    %c0_i32_0 = arith.constant 0 : i32
    %c0_i32_1 = arith.constant 0 : i32
    return %arg0, %c0_i32, %c0_i32_0 : i32, i32, i32
  }
}

module attributes {stable_mosaic.version = 14 : i64} {
  func.func @_post_body(%arg0: i32, %arg1: memref<1280x256xf32, #tpu.memory_space<vmem>>, %arg2: memref<1280x1xf32, #tpu.memory_space<vmem>>, %arg3: memref<1x256xf32, #tpu.memory_space<vmem>>, %arg4: memref<1x256xf32, #tpu.memory_space<vmem>>, %arg5: memref<1x256xf32, #tpu.memory_space<vmem>>, %arg6: memref<1280x256xf32, #tpu.memory_space<vmem>>) attributes {dimension_semantics = [#tpu.dimension_semantics<arbitrary>], iteration_bounds = array<i64: 8>, scalar_prefetch = 0 : i64, scratch_operands = 0 : i64, tpu.core_type = #tpu.core_type<tc>, window_params = [{transform_indices = @transform_0, window_bounds = array<i64: 1280, 256>}, {transform_indices = @transform_1, window_bounds = array<i64: 1280, 1>}, {pipeline_mode = #tpu.pipeline_mode<synchronous>, transform_indices = @transform_2, window_bounds = array<i64: 1, 256>}, {pipeline_mode = #tpu.pipeline_mode<synchronous>, transform_indices = @transform_3, window_bounds = array<i64: 1, 256>}, {pipeline_mode = #tpu.pipeline_mode<synchronous>, transform_indices = @transform_4, window_bounds = array<i64: 1, 256>}, {transform_indices = @transform_5, window_bounds = array<i64: 1280, 256>}]} {
    %get3A = arith.constant 0 : index
    %get3A_0 = arith.constant 0 : index
    %get3A_1 = vector.load %arg1[%get3A, %get3A_0] : memref<1280x256xf32, #tpu.memory_space<vmem>>, vector<1280x256xf32>
    %get3A_2 = arith.constant 0 : index
    %get3A_3 = arith.constant 0 : index
    %get3A_4 = vector.load %arg2[%get3A_2, %get3A_3] : memref<1280x1xf32, #tpu.memory_space<vmem>>, vector<1280x1xf32>
    %add3A = arith.constant 1.000000e-16 : f32
    %add3A_5 = vector.broadcast %add3A : f32 to vector<1280x1xf32>
    %add3A_6 = arith.addf %get3A_4, %add3A_5 : vector<1280x1xf32>
    %div3A = vector.broadcast %add3A_6 : vector<1280x1xf32> to vector<1280x256xf32>
    %div3A_7 = arith.divf %get3A_1, %div3A : vector<1280x256xf32>
    %get3A_8 = arith.constant 0 : index
    %get3A_9 = arith.constant 0 : index
    %get3A_10 = vector.load %arg3[%get3A_8, %get3A_9] : memref<1x256xf32, #tpu.memory_space<vmem>>, vector<1x256xf32>
    %add3A_11 = vector.broadcast %get3A_10 : vector<1x256xf32> to vector<1280x256xf32>
    %add3A_12 = arith.addf %div3A_7, %add3A_11 : vector<1280x256xf32>
    %max3A = arith.constant 0.000000e+00 : f32
    %max3A_13 = vector.broadcast %max3A : f32 to vector<1280x256xf32>
    %max3A_14 = arith.maximumf %add3A_12, %max3A_13 : vector<1280x256xf32>
    %reduce_sum3A = arith.constant dense<0.000000e+00> : vector<1280xf32>
    %reduce_sum3A_15 = vector.multi_reduction <add>, %max3A_14, %reduce_sum3A [1] : vector<1280x256xf32> to vector<1280xf32>
    %broadcast_in_dim3A = vector.shape_cast %reduce_sum3A_15 : vector<1280xf32> to vector<1280x1xf32>
    %div3A_16 = arith.constant 2.560000e+02 : f32
    %div3A_17 = vector.broadcast %div3A_16 : f32 to vector<1280x1xf32>
    %div3A_18 = arith.divf %broadcast_in_dim3A, %div3A_17 : vector<1280x1xf32>
    %sub3A = vector.broadcast %div3A_18 : vector<1280x1xf32> to vector<1280x256xf32>
    %sub3A_19 = arith.subf %max3A_14, %sub3A : vector<1280x256xf32>
    %mul3A = arith.mulf %sub3A_19, %sub3A_19 : vector<1280x256xf32>
    %reduce_sum3A_20 = arith.constant dense<0.000000e+00> : vector<1280xf32>
    %reduce_sum3A_21 = vector.multi_reduction <add>, %mul3A, %reduce_sum3A_20 [1] : vector<1280x256xf32> to vector<1280xf32>
    %broadcast_in_dim3A_22 = vector.shape_cast %reduce_sum3A_21 : vector<1280xf32> to vector<1280x1xf32>
    %div3A_23 = arith.constant 2.560000e+02 : f32
    %div3A_24 = vector.broadcast %div3A_23 : f32 to vector<1280x1xf32>
    %div3A_25 = arith.divf %broadcast_in_dim3A_22, %div3A_24 : vector<1280x1xf32>
    %add3A_26 = arith.constant 9.99999974E-6 : f32
    %add3A_27 = vector.broadcast %add3A_26 : f32 to vector<1280x1xf32>
    %add3A_28 = arith.addf %div3A_25, %add3A_27 : vector<1280x1xf32>
    %rsqrt3A = math.rsqrt %add3A_28 : vector<1280x1xf32>
    %mul3A_29 = vector.broadcast %rsqrt3A : vector<1280x1xf32> to vector<1280x256xf32>
    %mul3A_30 = arith.mulf %sub3A_19, %mul3A_29 : vector<1280x256xf32>
    %get3A_31 = arith.constant 0 : index
    %get3A_32 = arith.constant 0 : index
    %get3A_33 = vector.load %arg4[%get3A_31, %get3A_32] : memref<1x256xf32, #tpu.memory_space<vmem>>, vector<1x256xf32>
    %mul3A_34 = vector.broadcast %get3A_33 : vector<1x256xf32> to vector<1280x256xf32>
    %mul3A_35 = arith.mulf %mul3A_30, %mul3A_34 : vector<1280x256xf32>
    %get3A_36 = arith.constant 0 : index
    %get3A_37 = arith.constant 0 : index
    %get3A_38 = vector.load %arg5[%get3A_36, %get3A_37] : memref<1x256xf32, #tpu.memory_space<vmem>>, vector<1x256xf32>
    %add3A_39 = vector.broadcast %get3A_38 : vector<1x256xf32> to vector<1280x256xf32>
    %add3A_40 = arith.addf %mul3A_35, %add3A_39 : vector<1280x256xf32>
    %mul3A_41 = arith.constant 1280 : i32
    %mul3A_42 = arith.muli %arg0, %mul3A_41 : i32
    %iota3A = tpu.iota {dimensions = array<i32: 0>} : vector<1280x1xi32>
    %add3A_43 = vector.broadcast %mul3A_42 : i32 to vector<1280x1xi32>
    %add3A_44 = arith.addi %add3A_43, %iota3A : vector<1280x1xi32>
    %lt3A = arith.constant 10000 : i32
    %lt3A_45 = vector.broadcast %lt3A : i32 to vector<1280x1xi32>
    %lt3A_46 = arith.cmpi slt, %add3A_44, %lt3A_45 : vector<1280x1xi32>
    %jit3A = arith.constant 0.000000e+00 : f32
    %broadcast_in_dim3A_47 = vector.shape_cast %lt3A_46 : vector<1280x1xi1> to vector<1280x1xi1>
    %broadcast_in_dim3A_48 = vector.broadcast %broadcast_in_dim3A_47 : vector<1280x1xi1> to vector<1280x256xi1>
    %broadcast_in_dim3A_49 = vector.broadcast %jit3A : f32 to vector<1280x256xf32>
    %select_n3A = arith.select %broadcast_in_dim3A_48, %add3A_40, %broadcast_in_dim3A_49 : vector<1280x256xi1>, vector<1280x256xf32>
    %swap3A = arith.constant 0 : index
    %swap3A_50 = arith.constant 0 : index
    %swap3A_51 = vector.load %arg6[%swap3A, %swap3A_50] : memref<1280x256xf32, #tpu.memory_space<vmem>>, vector<1280x256xf32>
    tpu.vector_store %arg6[%swap3A, %swap3A_50], %select_n3A {strides = array<i32>} : memref<1280x256xf32, #tpu.memory_space<vmem>>, vector<1280x256xf32>,
    return
  }
  func.func @transform_0(%arg0: i32) -> (i32, i32) {
    %c0_i32 = arith.constant 0 : i32
    %c0_i32_0 = arith.constant 0 : i32
    return %arg0, %c0_i32 : i32, i32
  }
  func.func @transform_1(%arg0: i32) -> (i32, i32) {
    %c0_i32 = arith.constant 0 : i32
    %c0_i32_0 = arith.constant 0 : i32
    return %arg0, %c0_i32 : i32, i32
  }
  func.func @transform_2(%arg0: i32) -> (i32, i32) {
    %c0_i32 = arith.constant 0 : i32
    %c0_i32_0 = arith.constant 0 : i32
    %c0_i32_1 = arith.constant 0 : i32
    return %c0_i32, %c0_i32_0 : i32, i32
  }
  func.func @transform_3(%arg0: i32) -> (i32, i32) {
    %c0_i32 = arith.constant 0 : i32
    %c0_i32_0 = arith.constant 0 : i32
    %c0_i32_1 = arith.constant 0 : i32
    return %c0_i32, %c0_i32_0 : i32, i32
  }
  func.func @transform_4(%arg0: i32) -> (i32, i32) {
    %c0_i32 = arith.constant 0 : i32
    %c0_i32_0 = arith.constant 0 : i32
    %c0_i32_1 = arith.constant 0 : i32
    return %c0_i32, %c0_i32_0 : i32, i32
  }
  func.func @transform_5(%arg0: i32) -> (i32, i32) {
    %c0_i32 = arith.constant 0 : i32
    %c0_i32_0 = arith.constant 0 : i32
    return %arg0, %c0_i32 : i32, i32
  }
}

module attributes {stable_mosaic.version = 14 : i64} {
  func.func @_pool_body(%arg0: memref<10240x256xf32, #tpu.memory_space<vmem>>, %arg1: memref<10240x1xi32, #tpu.memory_space<vmem>>, %arg2: memref<256x256xf32, #tpu.memory_space<vmem>>, %arg3: memref<1x256xf32, #tpu.memory_space<vmem>>, %arg4: memref<128x256xf32, #tpu.memory_space<vmem>>) attributes {dimension_semantics = [], scalar_prefetch = 0 : i64, scratch_operands = 0 : i64, tpu.core_type = #tpu.core_type<tc>} {
    %get3A = arith.constant 0 : index
    %get3A_0 = arith.constant 0 : index
    %get3A_1 = vector.load %arg0[%get3A, %get3A_0] : memref<10240x256xf32, #tpu.memory_space<vmem>>, vector<10240x256xf32>
    %get3A_2 = arith.constant 0 : index
    %get3A_3 = arith.constant 0 : index
    %get3A_4 = vector.load %arg1[%get3A_2, %get3A_3] : memref<10240x1xi32, #tpu.memory_space<vmem>>, vector<10240x1xi32>
    %iota3A = tpu.iota {dimensions = array<i32: 1>} : vector<10240x128xi32>
    %eq3A = vector.broadcast %get3A_4 : vector<10240x1xi32> to vector<10240x128xi32>
    %eq3A_5 = arith.cmpi eq, %eq3A, %iota3A : vector<10240x128xi32>
    %convert_element_type3A = arith.extui %eq3A_5 : vector<10240x128xi1> to vector<10240x128xi32>
    %convert_element_type3A_6 = arith.sitofp %convert_element_type3A : vector<10240x128xi32> to vector<10240x128xf32>
    %dot_general3A = arith.constant dense<0.000000e+00> : vector<128x256xf32>
    %dot_general3A_7 = tpu.matmul %convert_element_type3A_6, %get3A_1, %dot_general3A {dimension_numbers = #tpu.dot_dimension_numbers<[0], [0], [1], [1], [0, 1, 1, 1], [], []>, transpose_lhs_hint = false} : vector<10240x128xf32>, vector<10240x256xf32>, vector<128x256xf32> -> vector<128x256xf32>
    %reduce_sum3A = arith.constant dense<0.000000e+00> : vector<128xf32>
    %reduce_sum3A_8 = vector.multi_reduction <add>, %convert_element_type3A_6, %reduce_sum3A [0] : vector<10240x128xf32> to vector<128xf32>
    %max3A = arith.constant 1.000000e+00 : f32
    %max3A_9 = vector.broadcast %max3A : f32 to vector<128xf32>
    %max3A_10 = arith.maximumf %reduce_sum3A_8, %max3A_9 : vector<128xf32>
    %broadcast_in_dim3A = vector.shape_cast %max3A_10 : vector<128xf32> to vector<128x1xf32>
    %div3A = vector.broadcast %broadcast_in_dim3A : vector<128x1xf32> to vector<128x256xf32>
    %div3A_11 = arith.divf %dot_general3A_7, %div3A : vector<128x256xf32>
    %get3A_12 = arith.constant 0 : index
    %get3A_13 = arith.constant 0 : index
    %get3A_14 = vector.load %arg2[%get3A_12, %get3A_13] : memref<256x256xf32, #tpu.memory_space<vmem>>, vector<256x256xf32>
    %dot_general3A_15 = arith.constant dense<0.000000e+00> : vector<128x256xf32>
    %dot_general3A_16 = tpu.matmul %div3A_11, %get3A_14, %dot_general3A_15 {dimension_numbers = #tpu.dot_dimension_numbers<[1], [0], [0], [1], [0, 0, 1, 1], [], []>, transpose_lhs_hint = false} : vector<128x256xf32>, vector<256x256xf32>, vector<128x256xf32> -> vector<128x256xf32>
    %get3A_17 = arith.constant 0 : index
    %get3A_18 = arith.constant 0 : index
    %get3A_19 = vector.load %arg3[%get3A_17, %get3A_18] : memref<1x256xf32, #tpu.memory_space<vmem>>, vector<1x256xf32>
    %add3A = vector.broadcast %get3A_19 : vector<1x256xf32> to vector<128x256xf32>
    %add3A_20 = arith.addf %dot_general3A_16, %add3A : vector<128x256xf32>
    %max3A_21 = arith.constant 0.000000e+00 : f32
    %max3A_22 = vector.broadcast %max3A_21 : f32 to vector<128x256xf32>
    %max3A_23 = arith.maximumf %add3A_20, %max3A_22 : vector<128x256xf32>
    %swap3A = arith.constant 0 : index
    %swap3A_24 = arith.constant 0 : index
    %swap3A_25 = vector.load %arg4[%swap3A, %swap3A_24] : memref<128x256xf32, #tpu.memory_space<vmem>>, vector<128x256xf32>
    tpu.vector_store %arg4[%swap3A, %swap3A_24], %max3A_23 {strides = array<i32>} : memref<128x256xf32, #tpu.memory_space<vmem>>, vector<128x256xf32>,
    return
  }
}

</mosaic_0001>

<sc_bundles>
// kernel: kernel.18.cloned.1.call-start
scs
__scs_entry_jumppad:
0x0: {  	(pc) =	sbr.rel $0x88, $3  }
0x1: {  	(tag) =	ssettag $0x0;
	lr =	simm.s32 $0x1  }
0x2: {  	[smem:$0x3F88] =	sst lr;
	_ =	strace $0xD0000000  }
0x3: {  	_ = 	snop  }
0x4: {  	_ = 	snop  }
0x5: {  	_ = 	snop  }
0x6: {  	_ = 	snop  }
0x7: {  	_ = 	snop  }
__scs_overlays_trampoline_lowered:
0x8: {  	[smem:$0x3F97] =	sst s0  }
0x9: {  	[smem:$0x3F98] =	sst s1  }
0xa: {  	[smem:$0x3F99] =	sst s2  }
0xb: {  	[smem:$0x3F9A] =	sst s3  }
0xc: {  	[smem:$0x3F9B] =	sst s4  }
0xd: {  	[smem:$0x3F9C] =	sst s5  }
0xe: {  	[smem:$0x3F9D] =	sst s6  }
0xf: {  	[smem:$0x3F9E] =	sst s7  }
0x10: {  	[smem:$0x3F9F] =	sst s8  }
0x11: {  	[smem:$0x3FA0] =	sst s9;
	s0 =	simm.s32 @!p0 $0x0  }
0x12: {  	s1 =	sld [smem:$0x3F86];
	s0 =	simm.s32 @p0 $0x1  }
0x13: {  	[smem:$0x3FA1] =	sst s0;
	s0 =	simm.s32 @!p1 $0x0  }
0x14: {  	s2 =	sld [smem:$0x3F85];
	s0 =	simm.s32 @p1 $0x1  }
0x15: {  	[smem:$0x3FA2] =	sst s0;
	s0 =	simm.s32 @!p2 $0x0  }
0x16: {  	s3 =	sld [smem:$0x3FDB];
	s0 =	simm.s32 @p2 $0x1  }
0x17: {  	s4 =	simm.s32 $0x1BF5;
	[smem:$0x3FA4] =	sst s0  }
0x18: {  	s0 =	sld [smem:$0x3F87];
	_ =	swait.ge [sflag:s4], $0x0  }
0x19: {  	s7 =	sld [smem:$0x3F88]  }
0x1a: {  	s8 =	sadd.s32 $0xFFFFE003, lr  }
0x1b: {  	s9 =	sadd.s32 $0xFFFFFEF7, lr;
	s5 =	simm.s32 $0xFFFFFFFF;
	p2 =	slt.u32 s8, $0xFFFFF086  }
0x1c: {  	p1 =	slt.u32 s9, $0xF7A;
	s5 =	simm.s32 @!p2 $0x0  }
0x1d: {  	s5 =	simm.s32 @p1 $0x1;
	p0 =	seq.s32 s7, s2  }
0x1e: {  	s7 =	smul.u32 @!p0 $0xF7A, s2;
	p2 =	seq.s32 @!p0 s5, $0x0  }
0x1f: {  	s9 =	smul.u32 $0xF7A, s1;
	s8 =	simm.s32 @!p0 $0x1BF5;
	p2 =	por !p2, p0  }
0x20: {  	[sflag:s8] =	ssyncset.s32 @!p0 $0xFFFFF086;
	s6 =	sadd.s32 @!p0 s3, s7;
	s7 =	simm.s32 @!p0 $0x108  }
0x21: {  	s3 =	sadd.s32 s3, s9;
	s6 =	sadd.s32 @!p0 $0x88, s6;
	s7 =	simm.s32 @p2 $0x1082  }
0x22: {  	[simem:s7], [sflag:s8] =	dma.local @!p0 [hbm:s6], $0xF7A  }
0x23: {  	s9 =	sor.u32 $0xD0000000, s2;
	s6 =	simm.s32 $0x108;
	_ =	swait.ge @!p0 [sflag:s8], $0x0  }
0x24: {  	s3 =	sadd.s32 $0x88, s3;
	s6 =	simm.s32 @!p1 $0x1082;
	[sflag:s4] =	ssyncset.s32 $0xFFFFF086  }
0x25: {  	[simem:s6], [sflag:s4] =	dma.local [hbm:s3], $0xF7A  }
0x26: {  	[smem:$0x3F88] =	sst s1;
	(tag) =	ssettag s2;
	_ =	strace s9  }
0x27: {  	s1 =	sld [smem:$0x3F98]  }
0x28: {  	s2 =	sld [smem:$0x3F99]  }
0x29: {  	s4 =	sld [smem:$0x3F9B]  }
0x2a: {  	p0 =	seq.s32 s5, $0x0;
	s5 =	sld [smem:$0x3F9C]  }
0x2b: {  	s6 =	sld [smem:$0x3F9D]  }
0x2c: {  	s7 =	sld [smem:$0x3F9E]  }
0x2d: {  	s3 =	simm.s32 $0x108;
	s8 =	sld [smem:$0x3F9F]  }
0x2e: {  	s3 =	simm.s32 @!p0 $0x1082;
	s9 =	sld [smem:$0x3FA0]  }
0x2f: {  	lr =	sadd.s32 s0, s3;
	s0 =	sld [smem:$0x3F97]  }
0x30: {  	s3 =	sld [smem:$0x3F9A]  }
0x31: {  	[smem:$0x3FA3] =	sst s10  }
0x32: {  	s10 =	sld [smem:$0x3FA1];
	_ =	sdelay $0x3  }
0x33: {  	p0 =	seq.s32 s10, $0x1;
	s10 =	sld [smem:$0x3FA3];
	_ =	sdelay $0x3  }
0x34: {  	[smem:$0x3FA3] =	sst s10  }
0x35: {  	s10 =	sld [smem:$0x3FA2];
	_ =	sdelay $0x3  }
0x36: {  	p1 =	seq.s32 s10, $0x1;
	s10 =	sld [smem:$0x3FA3];
	_ =	sdelay $0x3  }
0x37: {  	[smem:$0x3FA3] =	sst s10  }
0x38: {  	s10 =	sld [smem:$0x3FA4]  }
0x39: {  	_ = 	snop;
	(pc) =	sbr.ind lr, $3  }
0x3a: {  	_ = 	snop  }
0x3b: {  	_ = 	snop  }
0x3c: {  	p2 =	seq.s32 s10, $0x1;
	s10 =	sld [smem:$0x3FA3]  }
0x3d: {  	_ =	shalt  }
0x3e: {  	_ =	shalt  }
0x3f: {  	_ =	shalt  }
0x40: {  	_ =	shalt  }
0x41: {  	_ =	shalt  }
0x42: {  	_ =	shalt  }
0x43: {  	_ =	shalt  }
0x44: {  	_ =	shalt  }
0x45: {  	_ =	shalt  }
0x46: {  	_ =	shalt  }
0x47: {  	_ =	shalt  }
0x48: {  	_ =	shalt  }
0x49: {  	_ =	shalt  }
0x4a: {  	_ =	shalt  }
0x4b: {  	_ =	shalt  }
0x4c: {  	_ =	shalt  }
0x4d: {  	_ =	shalt  }
0x4e: {  	_ =	shalt  }
0x4f: {  	_ =	shalt  }
0x50: {  	_ =	shalt  }
0x51: {  	_ =	shalt  }
0x52: {  	_ =	shalt  }
0x53: {  	_ =	shalt  }
0x54: {  	_ =	shalt  }
0x55: {  	_ =	shalt  }
0x56: {  	_ =	shalt  }
0x57: {  	_ =	shalt  }
0x58: {  	_ =	shalt  }
0x59: {  	_ =	shalt  }
0x5a: {  	_ =	shalt  }
0x5b: {  	_ =	shalt  }
0x5c: {  	_ =	shalt  }
0x5d: {  	_ =	shalt  }
0x5e: {  	_ =	shalt  }
0x5f: {  	_ =	shalt  }
0x60: {  	_ =	shalt  }
0x61: {  	_ =	shalt  }
0x62: {  	_ =	shalt  }
0x63: {  	_ =	shalt  }
0x64: {  	_ =	shalt  }
0x65: {  	_ =	shalt  }
0x66: {  	_ =	shalt  }
0x67: {  	_ =	shalt  }
0x68: {  	_ =	shalt  }
0x69: {  	_ =	shalt  }
0x6a: {  	_ =	shalt  }
0x6b: {  	_ =	shalt  }
0x6c: {  	_ =	shalt  }
0x6d: {  	_ =	shalt  }
0x6e: {  	_ =	shalt  }
0x6f: {  	_ =	shalt  }
0x70: {  	_ =	shalt  }
0x71: {  	_ =	shalt  }
0x72: {  	_ =	shalt  }
0x73: {  	_ =	shalt  }
0x74: {  	_ =	shalt  }
0x75: {  	_ =	shalt  }
0x76: {  	_ =	shalt  }
0x77: {  	_ =	shalt  }
0x78: {  	_ =	shalt  }
0x79: {  	_ =	shalt  }
0x7a: {  	_ =	shalt  }
0x7b: {  	_ =	shalt  }
0x7c: {  	_ =	shalt  }
0x7d: {  	_ =	shalt  }
0x7e: {  	_ =	shalt  }
0x7f: {  	_ =	shalt  }
0x80: {  	_ =	shalt  }
0x81: {  	_ =	shalt  }
0x82: {  	_ =	shalt  }
0x83: {  	_ =	shalt  }
0x84: {  	_ =	shalt  }
0x85: {  	_ =	shalt  }
0x86: {  	_ =	shalt  }
0x87: {  	_ =	shalt  }
.Lfunc_end0:
.L_simem_size_0:
called_computation_lowered:
.L_overlay_start_0:
0x88: {  	s2 =	sld [smem:$0x3FD9]  }
0x89: {  	s3 =	sld [smem:$0x3FFE];
	_ =	sdelay $0x1  }
0x8a: {  	s1 =	srdreg.scid  }
0x8b: {  	s0 =	sand.u32 $0x1, s1  }
0x8c: {  	s17 =	sshll.u32 s0, $0xA;
	s2 =	sadd.s32 s3, s2  }
0x8d: {  	s2 =	sadd.s32 s2, s17  }
0x8e: {  	[smem:$0x3FAF] =	sst s2  }
0x8f: {  	_ = 	snop  }
0x90: {  	s2 =	sld [smem:$0x3FC2];
	(tm) =	ssettm $0x1  }
0x91: {  	s18 =	sld [smem:$0x3FFB];
	_ =	sdelay $0x3  }
0x92: {  	_ =	strace s18  }
0x93: {  	s3 =	sld [smem:$0x3FFC];
	_ =	sdelay $0x3  }
0x94: {  	_ =	strace s3  }
0x95: {  	s3 =	sld [smem:$0x3FFD];
	_ =	sdelay $0x3  }
0x96: {  	_ =	strace s3  }
0x97: {  	_ =	strace $0x8FFFFFFF  }
0x98: {  	s19 =	sld [smem:$0x3FDB];
	_ =	sdelay $0x1  }
0x99: {  	s4 =	simm.s32 $_scs_section_size  }
0x9a: {  	s5 =	simm.s32 $_size__tile_overlayer_lowered;
	s6 =	simm.s32 $_tile_overlayer_lowered  }
0x9b: {  	s22 =	simm.s32 $0x1BFF;
	s21 =	sshll.u32 s6, $0x1;
	s3 =	sadd.s32 s4, s19  }
0x9c: {  	s7 =	simm.s32 $0x0;
	s20 =	sshll.u32 s5, $0x1;
	s5 =	sadd.s32 s21, s3  }
0x9d: {  	[timem:s7], [sflag:s22] =	dma.local [hbm:s5], s20  }
0x9e: {  	_ =	swait.ge [sflag:s22], s20  }
0x9f: {  	s4 =	ssub.s32 $0x0, s20;
	[sflag:s22] =	ssyncset.done $0x0  }
0xa0: {  	[sflag:s22] =	ssyncadd.s32 s4;
	_ =	sdelay $0x1  }
0xa1: {  	s23 =	simm.s32 $0x1B8B  }
0xa2: {  	_ =	swait.ge [sflag:s23], $0x1  }
0xa3: {  	[sflag:s23] =	ssyncset.done $0x0  }
0xa4: {  	s25 =	simm.s32 $0x1B8E;
	s24 =	sld [smem:$0x3FFE];
	[sflag:s23] =	ssyncadd.s32 $0xFFFFFFFF  }
0xa5: {  	s26 =	simm.s32 $execute0_lowered;
	[smem:$0x3FD2] =	sst s25  }
0xa6: {  	s5 =	sshll.u32 s26, $0x1;
	_ =	strace $0x80000046;
	[dreg:$0x1] =	wrdreg $0xFFFFFFFF  }
0xa7: {  	s28 =	simm.s32 $_size_execute0_lowered;
	s3 =	sadd.s32 s3, s5;
	[dreg:$0x0] =	wrdreg $0x0  }
0xa8: {  	s5 =	sshll.u32 s28, $0x1;
	[dreg:$0x2] =	wrdreg s3  }
0xa9: {  	[dreg:$0x3] =	wrdreg s5  }
0xaa: {  	[dreg:$0x4] =	wrdreg $0xC0  }
0xab: {  	_ =	task [dreg:s7], $0x5FFFF  }
0xac: {  	[dreg:$0x1] =	wrdreg $0xFFFFFFFF  }
0xad: {  	[dreg:$0x0] =	wrdreg $0x60  }
0xae: {  	[dreg:$0x2] =	wrdreg s24  }
0xaf: {  	[dreg:$0x3] =	wrdreg s2  }
0xb0: {  	[dreg:$0x4] =	wrdreg $0x9  }
0xb1: {  	_ =	task.clear_ibuf [dreg:s7], $0x5FFFF;
	_ =	strace $0x90000046  }
0xb2: {  	s29 =	simm.s32 $0x9;
	_ =	strace $0x80000048  }
0xb3: {  	_ =	swait.ge [sflag:s29], $0x1  }
0xb4: {  	[sflag:s29] =	ssyncadd.s32 $0xFFFFFFFF  }
0xb5: {  	_ =	strace $0x90000048  }
0xb6: {  	_ =	sfence  }
0xb7: {  	s30 =	sld [smem:$0x0];
	_ =	sdelay $0x2  }
0xb8: {  	s31 =	sshll.u32 s1, $0xD;
	s1 =	sshrl.u32 s1, $0x2  }
0xb9: {  	s3 =	sand.u32 $0x4000, s31;
	s1 =	sadd.s32 s1, s30  }
0xba: {  	s0 =	sor.u32 s3, s0;
	s1 =	sshll.u32 s1, $0x11  }
0xbb: {  	s0 =	sor.u32 s1, s0  }
0xbc: {  	s0 =	sadd.s32 $0x8F2B, s0  }
0xbd: {  	[sflag:s0] =	ssyncadd.remote.s32 $0x1  }
0xbe: {  	_ =	sfence.sel $0xFFFF  }
0xbf: {  	[dreg:$0x0] =	wrdreg $0xFFFFFFFF;
	(pc) =	sbr.abs _section_cstart, $3  }
0xc0: {  	[dreg:$0x1] =	wrdreg $0xFFFFFFFF  }
0xc1: {  	_ =	task.clear_ibuf [dreg:s7], $0x2FFFF;
	_ =	strace $0x9FFFFFFF  }
0xc2: {  	(tm) =	ssettm $0x7FFFFFFF  }
0xc3: {  	_ =	shalt  }
tec
execute0_lowered:
.L_overlay_start_1:
0x0: {  	(tag) =	ssettag $0x1  }
0x1: {  	s5 =	rddreg [dreg:$0x0]  }
0x2: {  	s9 =	rddreg [dreg:$0x1]  }
0x3: {  	s0 =	rddreg [dreg:$0x2];
	s1 =	simm.s32 $0x0  }
0x4: {  	s8 =	srdreg.scid;
	s14 =	simm.s32 $0x100;
	s15 =	simm.s32 $0x80  }
0x5: {  	s16 =	simm.s32 $0x180;
	s18 =	simm.s32 $0x8180;
	s19 =	simm.s32 $0x0  }
0x6: {  	[smem:$0x7FF] =	sst s1;
	s2 =	sadd.s32 $0x11200, s5;
	s3 =	sadd.s32 $0x61200, s5  }
0x7: {  	s4 =	sadd.s32 $0x6A00, s5;
	s6 =	sadd.s32 $0xBE00, s5;
	s10 =	sand.u32 $0x1, s8  }
0x8: {  	s7 =	sadd.s32 $0xB1200, s5;
	s5 =	stileid.u32;
	s17 =	smul.u32 $0x2800, s10  }
0x9: {  	_ =	strace $0x80000047;
	s11 =	ssub.s32 $0x2, s10;
	s8 =	smul.u32 $0x2A00, s5  }
0xa: {  	s13 =	sshll.u32 s10, $0x4;
	s10 =	smul.u32 $0x2A000, s10;
	s12 =	sshrl.u32 s11, $0x1  }
0xb: {  	s9 =	sadd.s32 s9, s13;
	s13 =	simm.s32 $0x1;
	s11 =	ssub.s32 s11, s12  }
0xc: {  	s12 =	simm.s32 $0xC180;
	v0 =	vmov s17;
	s17 =	simm.s32 $0x4180;
	s11 =	smax.u32 s11, $0x1  }
.LBB2_1:
0xd: {  	[tilespmem:s12], [sflag:$0x1] =	stream.linear.gather [hbm4b:s9+s1], $0x80, $0x38;
	[tilespmem:$0xC200] =	vst v63  }
0xe: {  	_ =	swait.ge [sflag:s13], $0x80  }
0xf: {  	[sflag:s13] =	ssyncset.done $0x0  }
0x10: {  	[sflag:s13] =	ssyncadd.s32 $0xFFFFFF80  }
0x11: {  	v1 =	vld [tilespmem:$0xC180]  }
0x12: {  	v2 =	vld [tilespmem:$0xC190]  }
0x13: {  	v3 =	vld [tilespmem:$0xC1A0]  }
0x14: {  	v5 =	vld [tilespmem:$0xC1C0]  }
0x15: {  	v4 =	vld [tilespmem:$0xC1B0]  }
0x16: {  	v6 =	vld [tilespmem:$0xC1D0]  }
0x17: {  	v7 =	vld [tilespmem:$0xC1E0]  }
0x18: {  	s20 =	simm.s32 $0x0;
	v8 =	vld [tilespmem:$0xC1F0]  }
.LBB2_2:
0x19: {  	s21 =	sshll.u32 s20, $0x7  }
0x1a: {  	s21 =	sadd.s32 s8, s21  }
0x1b: {  	s22 =	sshrl.u32 s21, $0x3  }
0x1c: {  	s24 =	simm.s32 $0x0;
	s23 =	sadd.s32 s4, s22  }
0x1d: {  	[tilespmem:s24], [sflag:$0x1] =	stream.linear.gather [hbm4b:s23+s24], $0x80, $0x38;
	[tilespmem:$0xC200] =	vst v63  }
0x1e: {  	_ =	swait.ge [sflag:s13], $0x80  }
0x1f: {  	[sflag:s13] =	ssyncset.done $0x0  }
0x20: {  	s22 =	sadd.s32 s6, s22;
	[sflag:s13] =	ssyncadd.s32 $0xFFFFFF80  }
0x21: {  	[tilespmem:s14], [sflag:$0x1] =	stream.linear.gather [hbm4b:s22+s24], $0x80, $0x38;
	[tilespmem:$0xC200] =	vst v63  }
0x22: {  	_ =	swait.ge [sflag:s13], $0x80  }
0x23: {  	[sflag:s13] =	ssyncset.done $0x0  }
0x24: {  	[sflag:s13] =	ssyncadd.s32 $0xFFFFFF80  }
0x25: {  	v9 =	vld [tilespmem:$0x0]  }
0x26: {  	v10 =	vld [tilespmem:$0x100]  }
0x27: {  	v11 =	vld [tilespmem:$0x10]  }
0x28: {  	v12 =	vld [tilespmem:$0x110]  }
0x29: {  	v13 =	vld [tilespmem:$0x20]  }
0x2a: {  	v14 =	vld [tilespmem:$0x120];
	v9 =	vadd.s32 v0, v9  }
0x2b: {  	[tilespmem:$0x80] =	vst v9;
	v9 =	vadd.s32 v0, v10;
	v10 =	vld [tilespmem:$0x30]  }
0x2c: {  	[tilespmem:$0x100] =	vst v9;
	v9 =	vadd.s32 v0, v11;
	v11 =	vld [tilespmem:$0x130]  }
0x2d: {  	[tilespmem:$0x90] =	vst v9;
	v9 =	vadd.s32 v0, v12;
	v12 =	vld [tilespmem:$0x40]  }
0x2e: {  	[tilespmem:$0x110] =	vst v9;
	v9 =	vadd.s32 v0, v13;
	v13 =	vld [tilespmem:$0x140]  }
0x2f: {  	[tilespmem:$0xA0] =	vst v9;
	v9 =	vadd.s32 v0, v14;
	v14 =	vld [tilespmem:$0x50]  }
0x30: {  	[tilespmem:$0x120] =	vst v9;
	v9 =	vadd.s32 v0, v10;
	v10 =	vld [tilespmem:$0x150]  }
0x31: {  	[tilespmem:$0xB0] =	vst v9;
	v9 =	vadd.s32 v0, v11;
	v11 =	vld [tilespmem:$0x60]  }
0x32: {  	[tilespmem:$0x130] =	vst v9;
	v9 =	vadd.s32 v0, v12;
	v12 =	vld [tilespmem:$0x160]  }
0x33: {  	[tilespmem:$0xC0] =	vst v9;
	v9 =	vadd.s32 v0, v13;
	v13 =	vld [tilespmem:$0x70]  }
0x34: {  	[tilespmem:$0x140] =	vst v9;
	v9 =	vadd.s32 v0, v14;
	v14 =	vld [tilespmem:$0x170]  }
0x35: {  	[tilespmem:$0xD0] =	vst v9;
	v9 =	vadd.s32 v0, v10  }
0x36: {  	[tilespmem:$0x150] =	vst v9;
	v9 =	vadd.s32 v0, v11  }
0x37: {  	[tilespmem:$0xE0] =	vst v9;
	v9 =	vadd.s32 v0, v12  }
0x38: {  	[tilespmem:$0x160] =	vst v9;
	v9 =	vadd.s32 v0, v13  }
0x39: {  	[tilespmem:$0xF0] =	vst v9;
	v9 =	vadd.s32 v0, v14  }
0x3a: {  	[tilespmem:$0x170] =	vst v9  }
0x3b: {  	[tilespmem:s16], [sflag:$0x1] =	stream.indirect.gather [hbm4b:s2+s15], $0x80, s15, s15, $0xb8;
	[tilespmem:$0xC200] =	vst v63  }
0x3c: {  	_ =	swait.ge [sflag:s13], $0x4000  }
0x3d: {  	[sflag:s13] =	ssyncset.done $0x0  }
0x3e: {  	[sflag:s13] =	ssyncadd.s32 $0xFFFFC000  }
0x3f: {  	[tilespmem:s17], [sflag:$0x1] =	stream.indirect.gather [hbm4b:s3+s15], $0x80, s14, s15, $0xb8;
	[tilespmem:$0xC200] =	vst v63  }
0x40: {  	_ =	swait.ge [sflag:s13], $0x4000  }
0x41: {  	[sflag:s13] =	ssyncset.done $0x0  }
0x42: {  	s23 =	simm.s32 $0x0;
	[sflag:s13] =	ssyncadd.s32 $0xFFFFC000  }
0x43: {  	v10 =	vld [tilespmem:s23+$0x1B0]  }
0x44: {  	v11 =	vld [tilespmem:s23+$0x180]  }
0x45: {  	v12 =	vld [tilespmem:s23+$0x4180]  }
0x46: {  	v13 =	vld [tilespmem:s23+$0x190]  }
0x47: {  	v14 =	vld [tilespmem:s23+$0x4190]  }
0x48: {  	v15 =	vld [tilespmem:s23+$0x1A0]  }
0x49: {  	v16 =	vld [tilespmem:s23+$0x41A0]  }
0x4a: {  	v17 =	vld [tilespmem:s23+$0x41B0]  }
0x4b: {  	v9 =	vld [tilespmem:s23+$0x1F0]  }
0x4c: {  	v11 =	vadd.f32 v12, v11;
	v12 =	vadd.f32 v14, v13;
	v13 =	vld [tilespmem:s23+$0x1C0]  }
0x4d: {  	v14 =	vld [tilespmem:s23+$0x41C0]  }
0x4e: {  	v20 =	vld [tilespmem:s23+$0x41D0];
	v15 =	vadd.f32 v16, v15;
	v18 =	vmul.f32 $2.000000030e-01, v11;
	v19 =	vmul.f32 $2.000000030e-01, v12  }
0x4f: {  	v16 =	vld [tilespmem:s23+$0x1D0];
	v17 =	vadd.f32 v17, v10  }
0x50: {  	v21 =	vld [tilespmem:s23+$0x1E0];
	v10 =	vmax.f32 v11, v18;
	v11 =	vmax.f32 v12, v19;
	v12 =	vmul.f32 $2.000000030e-01, v15  }
0x51: {  	v22 =	vld [tilespmem:s23+$0x41E0];
	v18 =	vmul.f32 v10, v1;
	v11 =	vmul.f32 v11, v2  }
0x52: {  	s22 =	simm.s32 $0x80;
	v19 =	vadd.f32 v14, v13;
	v13 =	vld [tilespmem:s23+$0x41F0];
	v12 =	vmax.f32 v15, v12;
	v15 =	vmul.f32 $2.000000030e-01, v17  }
0x53: {  	v10 =	vld [tilespmem:s22+$0x1B0];
	v14 =	vadd.f32 v11, v18;
	v18 =	vmul.f32 v12, v3  }
0x54: {  	v11 =	vld [tilespmem:s22+$0x180];
	v24 =	vmul.f32 $2.000000030e-01, v19;
	v23 =	vmax.f32 v17, v15;
	v15 =	vadd.f32 v20, v16  }
0x55: {  	v12 =	vld [tilespmem:s22+$0x4180];
	v17 =	vadd.f32 v18, v14;
	v18 =	vmul.f32 v23, v4  }
0x56: {  	s24 =	simm.s32 $0x400;
	v16 =	vadd.f32 v22, v21;
	v14 =	vld [tilespmem:s22+$0x190];
	v20 =	vmax.f32 v19, v24;
	v19 =	vmul.f32 $2.000000030e-01, v15  }
.LBB2_3:
0x57: {  	p0 =	sne.s32 s24, $0xFE00;
	v21 =	vld [tilespmem:s22+$0x4190];
	v17 =	vadd.f32 v18, v17;
	v18 =	vmul.f32 v20, v5  }
0x58: {  	v13 =	vadd.f32 v13, v9;
	v20 =	vld [tilespmem:s22+$0x1A0];
	v15 =	vmax.f32 v15, v19;
	v19 =	vmul.f32 $2.000000030e-01, v16  }
0x59: {  	v22 =	vld [tilespmem:s22+$0x41A0];
	v17 =	vadd.f32 v18, v17;
	v15 =	vmul.f32 v15, v6  }
0x5a: {  	v18 =	vld [tilespmem:s22+$0x41B0];
	v16 =	vmax.f32 v16, v19;
	v19 =	vmul.f32 $2.000000030e-01, v13  }
0x5b: {  	v9 =	vld [tilespmem:s22+$0x1F0];
	v15 =	vadd.f32 v15, v17;
	v16 =	vmul.f32 v16, v7  }
0x5c: {  	v11 =	vadd.f32 v12, v11;
	v12 =	vadd.f32 v21, v14;
	v14 =	vld [tilespmem:s22+$0x1C0];
	v13 =	vmax.f32 v13, v19  }
0x5d: {  	v17 =	vld [tilespmem:s22+$0x41C0];
	v15 =	vadd.f32 v16, v15;
	v13 =	vmul.f32 v13, v8  }
0x5e: {  	v16 =	vmul.f32 $2.000000030e-01, v11;
	v19 =	vmul.f32 $2.000000030e-01, v12;
	v20 =	vadd.f32 v22, v20;
	v21 =	vld [tilespmem:s22+$0x1D0]  }
0x5f: {  	v18 =	vadd.f32 v18, v10;
	v22 =	vld [tilespmem:s22+$0x41D0];
	v10 =	vadd.f32 v13, v15  }
0x60: {  	v11 =	vmax.f32 v11, v16;
	v12 =	vmax.f32 v12, v19;
	v13 =	vmul.f32 $2.000000030e-01, v20;
	v16 =	vld [tilespmem:s22+$0x1E0]  }
0x61: {  	v11 =	vmul.f32 v11, v1;
	v12 =	vmul.f32 v12, v2;
	v23 =	vld [tilespmem:s22+$0x41E0];
	[tilespmem:s23+$0x8180] =	vst v10;
	s23 =	smov.u32 s22  }
.Ltmp0:
0x62: {  	s22 =	sshra.s32 s24, $0x2;
	v19 =	vmul.f32 $2.000000030e-01, v18;
	v15 =	vmax.f32 v20, v13;
	v20 =	vadd.f32 v17, v14;
	v13 =	vld [tilespmem:s23+$0x41F0];
	(pc) =	sbr.rel @p0 .LBB2_3-.Ltmp0, $4  }
0x63: {  	v10 =	vld [tilespmem:s22+$0x1B0];
	v14 =	vadd.f32 v12, v11;
	v17 =	vmul.f32 v15, v3  }
0x64: {  	v18 =	vmax.f32 v18, v19;
	v11 =	vld [tilespmem:s22+$0x180];
	v19 =	vmul.f32 $2.000000030e-01, v20;
	v15 =	vadd.f32 v22, v21  }
0x65: {  	v18 =	vmul.f32 v18, v4;
	v12 =	vld [tilespmem:s22+$0x4180];
	v17 =	vadd.f32 v17, v14  }
0x66: {  	s24 =	sadd.s32 $0x200, s24;
	v14 =	vld [tilespmem:s22+$0x190];
	v20 =	vmax.f32 v20, v19;
	v19 =	vmul.f32 $2.000000030e-01, v15;
	v16 =	vadd.f32 v23, v16  }
0x67: {  	v21 =	vld [tilespmem:s22+$0x4190];
	v17 =	vadd.f32 v18, v17;
	v39 =	vmul.f32 v20, v5  }
0x68: {  	v40 =	vld [tilespmem:s22+$0x1A0];
	v9 =	vadd.f32 v13, v9;
	v15 =	vmax.f32 v15, v19  }
0x69: {  	v42 =	vld [tilespmem:s22+$0x41A0];
	v41 =	vmul.f32 $2.000000030e-01, v16;
	v17 =	vadd.f32 v39, v17;
	v15 =	vmul.f32 v15, v6  }
0x6a: {  	v43 =	vld [tilespmem:s22+$0x41B0];
	v44 =	vmul.f32 $2.000000030e-01, v9  }
0x6b: {  	v16 =	vmax.f32 v16, v41;
	v11 =	vadd.f32 v12, v11;
	v15 =	vadd.f32 v15, v17  }
0x6c: {  	v46 =	vld [tilespmem:s22+$0x1C0];
	v16 =	vmul.f32 v16, v7;
	v9 =	vmax.f32 v9, v44;
	v45 =	vadd.f32 v21, v14  }
0x6d: {  	v47 =	vld [tilespmem:s22+$0x41C0];
	v9 =	vmul.f32 v9, v8;
	v48 =	vmul.f32 $2.000000030e-01, v11  }
0x6e: {  	v50 =	vld [tilespmem:s22+$0x1D0];
	v13 =	vadd.f32 v42, v40;
	v15 =	vadd.f32 v16, v15;
	v49 =	vmul.f32 $2.000000030e-01, v45  }
0x6f: {  	v51 =	vld [tilespmem:s22+$0x41D0];
	v10 =	vadd.f32 v43, v10;
	v11 =	vmax.f32 v11, v48  }
0x70: {  	v53 =	vld [tilespmem:s22+$0x1E0];
	v52 =	vmul.f32 $2.000000030e-01, v13;
	v9 =	vadd.f32 v9, v15;
	v12 =	vmax.f32 v45, v49  }
0x71: {  	v54 =	vld [tilespmem:s22+$0x41E0];
	v11 =	vmul.f32 v11, v1;
	v12 =	vmul.f32 v12, v2  }
0x72: {  	v22 =	vld [tilespmem:s22+$0x1F0];
	v14 =	vadd.f32 v47, v46;
	v55 =	vmul.f32 $2.000000030e-01, v10;
	[tilespmem:s23+$0x8180] =	vst v9;
	v9 =	vmax.f32 v13, v52  }
0x73: {  	v56 =	vld [tilespmem:s22+$0x41F0];
	v9 =	vmul.f32 v9, v3;
	v11 =	vadd.f32 v12, v11  }
0x74: {  	v58 =	vadd.f32 v51, v50;
	v57 =	vmul.f32 $2.000000030e-01, v14;
	v10 =	vmax.f32 v10, v55  }
0x75: {  	v10 =	vmul.f32 v10, v4;
	v9 =	vadd.f32 v9, v11  }
0x76: {  	v60 =	vadd.f32 v54, v53;
	v59 =	vmul.f32 $2.000000030e-01, v58;
	v11 =	vmax.f32 v14, v57  }
0x77: {  	v9 =	vadd.f32 v10, v9;
	v10 =	vmul.f32 v11, v5  }
0x78: {  	v61 =	vmul.f32 $2.000000030e-01, v60;
	v11 =	vmax.f32 v58, v59;
	v62 =	vadd.f32 v56, v22  }
0x79: {  	v9 =	vadd.f32 v10, v9;
	v10 =	vmul.f32 v11, v6  }
0x7a: {  	v11 =	vmax.f32 v60, v61;
	v63 =	vmul.f32 $2.000000030e-01, v62  }
0x7b: {  	v9 =	vadd.f32 v10, v9;
	v10 =	vmul.f32 v11, v7  }
0x7c: {  	v11 =	vmax.f32 v62, v63  }
0x7d: {  	v9 =	vadd.f32 v10, v9;
	v10 =	vmul.f32 v11, v8;
	_ =	sdelay $0x1  }
0x7e: {  	s21 =	sadd.s32 s10, s21;
	s20 =	sadd.s32 $0x1, s20;
	v9 =	vadd.f32 v10, v9  }
0x7f: {  	s21 =	sshll.u32 s21, $0x4;
	p0 =	sne.s32 s20, $0x54  }
.Ltmp1:
0x80: {  	s21 =	sadd.s32 s7, s21;
	[tilespmem:s22+$0x8180] =	vst v9;
	(pc) =	sbr.rel @p0 .LBB2_2-.Ltmp1, $4  }
0x81: {  	[hbm4b:s21+s1] =	stream.linear.scatter [tilespmem:s18], [sflag:$0x1], $0x4000, $0x38;
	[tilespmem:$0xC200] =	vst v63  }
0x82: {  	_ =	swait.ge [sflag:s13], $0x4000  }
0x83: {  	[sflag:s13] =	ssyncset.done $0x0  }
0x84: {  	[sflag:s13] =	ssyncadd.s32 $0xFFFFC000  }
0x85: {  	s19 =	sadd.s32 $0x1, s19  }
0x86: {  	p0 =	sne.s32 s19, s11  }
.Ltmp2:
0x87: {  	_ = 	snop;
	(pc) =	sbr.rel @p0 .LBB2_1-.Ltmp2, $1  }
0x88: {  	_ =	sdelay $0x3  }
0x89: {  	_ =	sfence.sel $0x180000  }
0x8a: {  	[bflag:$0x0] =	sbarrier.arrive $0xFFFF  }
0x8b: {  	p0 =	sne.s32 s5, $0x0;
	_ =	strace $0x90000047  }
0x8c: {  	s0 =	sadd.s32 @!p0 $0x100000, s0;
	[bflag:$0x2] =	sbarrier.arrive $0xFFFF  }
0x8d: {  	[sflag:s0] =	ssyncadd.tile.s32 @!p0 $0x1;
	_ =	shalt  }
.Lfunc_end2:
_tile_overlayer_lowered:
.L_overlay_start_2:
0x8e: {  	(tag) =	ssettag $0x2  }
0x8f: {  	s0 =	rddreg [dreg:$0x0];
	s2 =	stileid.u32  }
0x90: {  	s1 =	rddreg [dreg:$0x1];
	p0 =	sne.s32 s2, $0x0  }
0x91: {  	s3 =	rddreg [dreg:$0x2];
	[bflag:$0x3] =	sbarrier.arrive $0xFFFF;
	s2 =	simm.s32 @!p0 $0x1C01  }
0x92: {  	[timem:s3], [sflag:s2] =	dma.local @!p0 [hbm:s0], s1  }
0x93: {  	s0 =	simm.s32 @!p0 $0x1  }
0x94: {  	_ =	swait.ge @!p0 [sflag:s0], s1  }
0x95: {  	s1 =	ssub.s32 @!p0 $0x0, s1;
	[sflag:s0] =	ssyncset.done @!p0 $0x0  }
0x96: {  	[sflag:s0] =	ssyncadd.s32 @!p0 s1  }
0x97: {  	[bflag:$0x3] =	sbarrier.arrive $0xFFFF  }
0x98: {  	_ =	shalt  }

// kernel: kernel.21.cloned.1.call-start
scs
__scs_entry_jumppad:
0x0: {  	(pc) =	sbr.rel $0x88, $3  }
0x1: {  	(tag) =	ssettag $0x0;
	lr =	simm.s32 $0x1  }
0x2: {  	[smem:$0x3F88] =	sst lr;
	_ =	strace $0xD0000000  }
0x3: {  	_ = 	snop  }
0x4: {  	_ = 	snop  }
0x5: {  	_ = 	snop  }
0x6: {  	_ = 	snop  }
0x7: {  	_ = 	snop  }
__scs_overlays_trampoline_lowered:
0x8: {  	[smem:$0x3F97] =	sst s0  }
0x9: {  	[smem:$0x3F98] =	sst s1  }
0xa: {  	[smem:$0x3F99] =	sst s2  }
0xb: {  	[smem:$0x3F9A] =	sst s3  }
0xc: {  	[smem:$0x3F9B] =	sst s4  }
0xd: {  	[smem:$0x3F9C] =	sst s5  }
0xe: {  	[smem:$0x3F9D] =	sst s6  }
0xf: {  	[smem:$0x3F9E] =	sst s7  }
0x10: {  	[smem:$0x3F9F] =	sst s8  }
0x11: {  	[smem:$0x3FA0] =	sst s9;
	s0 =	simm.s32 @!p0 $0x0  }
0x12: {  	s1 =	sld [smem:$0x3F86];
	s0 =	simm.s32 @p0 $0x1  }
0x13: {  	[smem:$0x3FA1] =	sst s0;
	s0 =	simm.s32 @!p1 $0x0  }
0x14: {  	s2 =	sld [smem:$0x3F85];
	s0 =	simm.s32 @p1 $0x1  }
0x15: {  	[smem:$0x3FA2] =	sst s0;
	s0 =	simm.s32 @!p2 $0x0  }
0x16: {  	s3 =	sld [smem:$0x3FDB];
	s0 =	simm.s32 @p2 $0x1  }
0x17: {  	s4 =	simm.s32 $0x1BF5;
	[smem:$0x3FA4] =	sst s0  }
0x18: {  	s0 =	sld [smem:$0x3F87];
	_ =	swait.ge [sflag:s4], $0x0  }
0x19: {  	s7 =	sld [smem:$0x3F88]  }
0x1a: {  	s8 =	sadd.s32 $0xFFFFE003, lr  }
0x1b: {  	s9 =	sadd.s32 $0xFFFFFEF7, lr;
	s5 =	simm.s32 $0xFFFFFFFF;
	p2 =	slt.u32 s8, $0xFFFFF086  }
0x1c: {  	p1 =	slt.u32 s9, $0xF7A;
	s5 =	simm.s32 @!p2 $0x0  }
0x1d: {  	s5 =	simm.s32 @p1 $0x1;
	p0 =	seq.s32 s7, s2  }
0x1e: {  	s7 =	smul.u32 @!p0 $0xF7A, s2;
	p2 =	seq.s32 @!p0 s5, $0x0  }
0x1f: {  	s9 =	smul.u32 $0xF7A, s1;
	s8 =	simm.s32 @!p0 $0x1BF5;
	p2 =	por !p2, p0  }
0x20: {  	[sflag:s8] =	ssyncset.s32 @!p0 $0xFFFFF086;
	s6 =	sadd.s32 @!p0 s3, s7;
	s7 =	simm.s32 @!p0 $0x108  }
0x21: {  	s3 =	sadd.s32 s3, s9;
	s6 =	sadd.s32 @!p0 $0x88, s6;
	s7 =	simm.s32 @p2 $0x1082  }
0x22: {  	[simem:s7], [sflag:s8] =	dma.local @!p0 [hbm:s6], $0xF7A  }
0x23: {  	s9 =	sor.u32 $0xD0000000, s2;
	s6 =	simm.s32 $0x108;
	_ =	swait.ge @!p0 [sflag:s8], $0x0  }
0x24: {  	s3 =	sadd.s32 $0x88, s3;
	s6 =	simm.s32 @!p1 $0x1082;
	[sflag:s4] =	ssyncset.s32 $0xFFFFF086  }
0x25: {  	[simem:s6], [sflag:s4] =	dma.local [hbm:s3], $0xF7A  }
0x26: {  	[smem:$0x3F88] =	sst s1;
	(tag) =	ssettag s2;
	_ =	strace s9  }
0x27: {  	s1 =	sld [smem:$0x3F98]  }
0x28: {  	s2 =	sld [smem:$0x3F99]  }
0x29: {  	s4 =	sld [smem:$0x3F9B]  }
0x2a: {  	p0 =	seq.s32 s5, $0x0;
	s5 =	sld [smem:$0x3F9C]  }
0x2b: {  	s6 =	sld [smem:$0x3F9D]  }
0x2c: {  	s7 =	sld [smem:$0x3F9E]  }
0x2d: {  	s3 =	simm.s32 $0x108;
	s8 =	sld [smem:$0x3F9F]  }
0x2e: {  	s3 =	simm.s32 @!p0 $0x1082;
	s9 =	sld [smem:$0x3FA0]  }
0x2f: {  	lr =	sadd.s32 s0, s3;
	s0 =	sld [smem:$0x3F97]  }
0x30: {  	s3 =	sld [smem:$0x3F9A]  }
0x31: {  	[smem:$0x3FA3] =	sst s10  }
0x32: {  	s10 =	sld [smem:$0x3FA1];
	_ =	sdelay $0x3  }
0x33: {  	p0 =	seq.s32 s10, $0x1;
	s10 =	sld [smem:$0x3FA3];
	_ =	sdelay $0x3  }
0x34: {  	[smem:$0x3FA3] =	sst s10  }
0x35: {  	s10 =	sld [smem:$0x3FA2];
	_ =	sdelay $0x3  }
0x36: {  	p1 =	seq.s32 s10, $0x1;
	s10 =	sld [smem:$0x3FA3];
	_ =	sdelay $0x3  }
0x37: {  	[smem:$0x3FA3] =	sst s10  }
0x38: {  	s10 =	sld [smem:$0x3FA4]  }
0x39: {  	_ = 	snop;
	(pc) =	sbr.ind lr, $3  }
0x3a: {  	_ = 	snop  }
0x3b: {  	_ = 	snop  }
0x3c: {  	p2 =	seq.s32 s10, $0x1;
	s10 =	sld [smem:$0x3FA3]  }
0x3d: {  	_ =	shalt  }
0x3e: {  	_ =	shalt  }
0x3f: {  	_ =	shalt  }
0x40: {  	_ =	shalt  }
0x41: {  	_ =	shalt  }
0x42: {  	_ =	shalt  }
0x43: {  	_ =	shalt  }
0x44: {  	_ =	shalt  }
0x45: {  	_ =	shalt  }
0x46: {  	_ =	shalt  }
0x47: {  	_ =	shalt  }
0x48: {  	_ =	shalt  }
0x49: {  	_ =	shalt  }
0x4a: {  	_ =	shalt  }
0x4b: {  	_ =	shalt  }
0x4c: {  	_ =	shalt  }
0x4d: {  	_ =	shalt  }
0x4e: {  	_ =	shalt  }
0x4f: {  	_ =	shalt  }
0x50: {  	_ =	shalt  }
0x51: {  	_ =	shalt  }
0x52: {  	_ =	shalt  }
0x53: {  	_ =	shalt  }
0x54: {  	_ =	shalt  }
0x55: {  	_ =	shalt  }
0x56: {  	_ =	shalt  }
0x57: {  	_ =	shalt  }
0x58: {  	_ =	shalt  }
0x59: {  	_ =	shalt  }
0x5a: {  	_ =	shalt  }
0x5b: {  	_ =	shalt  }
0x5c: {  	_ =	shalt  }
0x5d: {  	_ =	shalt  }
0x5e: {  	_ =	shalt  }
0x5f: {  	_ =	shalt  }
0x60: {  	_ =	shalt  }
0x61: {  	_ =	shalt  }
0x62: {  	_ =	shalt  }
0x63: {  	_ =	shalt  }
0x64: {  	_ =	shalt  }
0x65: {  	_ =	shalt  }
0x66: {  	_ =	shalt  }
0x67: {  	_ =	shalt  }
0x68: {  	_ =	shalt  }
0x69: {  	_ =	shalt  }
0x6a: {  	_ =	shalt  }
0x6b: {  	_ =	shalt  }
0x6c: {  	_ =	shalt  }
0x6d: {  	_ =	shalt  }
0x6e: {  	_ =	shalt  }
0x6f: {  	_ =	shalt  }
0x70: {  	_ =	shalt  }
0x71: {  	_ =	shalt  }
0x72: {  	_ =	shalt  }
0x73: {  	_ =	shalt  }
0x74: {  	_ =	shalt  }
0x75: {  	_ =	shalt  }
0x76: {  	_ =	shalt  }
0x77: {  	_ =	shalt  }
0x78: {  	_ =	shalt  }
0x79: {  	_ =	shalt  }
0x7a: {  	_ =	shalt  }
0x7b: {  	_ =	shalt  }
0x7c: {  	_ =	shalt  }
0x7d: {  	_ =	shalt  }
0x7e: {  	_ =	shalt  }
0x7f: {  	_ =	shalt  }
0x80: {  	_ =	shalt  }
0x81: {  	_ =	shalt  }
0x82: {  	_ =	shalt  }
0x83: {  	_ =	shalt  }
0x84: {  	_ =	shalt  }
0x85: {  	_ =	shalt  }
0x86: {  	_ =	shalt  }
0x87: {  	_ =	shalt  }
.Lfunc_end0:
.L_simem_size_0:
called_computation.1_lowered:
.L_overlay_start_0:
0x88: {  	s2 =	sld [smem:$0x3FD9]  }
0x89: {  	s3 =	sld [smem:$0x3FFE];
	_ =	sdelay $0x1  }
0x8a: {  	s1 =	srdreg.scid  }
0x8b: {  	s0 =	sand.u32 $0x1, s1  }
0x8c: {  	s17 =	sshll.u32 s0, $0xA;
	s2 =	sadd.s32 s3, s2  }
0x8d: {  	s2 =	sadd.s32 s2, s17  }
0x8e: {  	[smem:$0x3FAF] =	sst s2  }
0x8f: {  	_ = 	snop  }
0x90: {  	s2 =	sld [smem:$0x3FD0];
	(tm) =	ssettm $0x1  }
0x91: {  	s18 =	sld [smem:$0x3FFB];
	_ =	sdelay $0x3  }
0x92: {  	_ =	strace s18  }
0x93: {  	s3 =	sld [smem:$0x3FFC];
	_ =	sdelay $0x3  }
0x94: {  	_ =	strace s3  }
0x95: {  	s3 =	sld [smem:$0x3FFD];
	_ =	sdelay $0x3  }
0x96: {  	_ =	strace s3  }
0x97: {  	_ =	strace $0x8FFFFFFF  }
0x98: {  	s19 =	sld [smem:$0x3FDB];
	_ =	sdelay $0x1  }
0x99: {  	s4 =	simm.s32 $_scs_section_size  }
0x9a: {  	s5 =	simm.s32 $_size__tile_overlayer_lowered;
	s6 =	simm.s32 $_tile_overlayer_lowered  }
0x9b: {  	s22 =	simm.s32 $0x1BFF;
	s21 =	sshll.u32 s6, $0x1;
	s3 =	sadd.s32 s4, s19  }
0x9c: {  	s7 =	simm.s32 $0x0;
	s20 =	sshll.u32 s5, $0x1;
	s5 =	sadd.s32 s21, s3  }
0x9d: {  	[timem:s7], [sflag:s22] =	dma.local [hbm:s5], s20  }
0x9e: {  	_ =	swait.ge [sflag:s22], s20  }
0x9f: {  	s4 =	ssub.s32 $0x0, s20;
	[sflag:s22] =	ssyncset.done $0x0  }
0xa0: {  	[sflag:s22] =	ssyncadd.s32 s4;
	_ =	sdelay $0x1  }
0xa1: {  	s23 =	simm.s32 $0x1B8B  }
0xa2: {  	_ =	swait.ge [sflag:s23], $0x1  }
0xa3: {  	[sflag:s23] =	ssyncset.done $0x0  }
0xa4: {  	s25 =	simm.s32 $0x1B8E;
	s24 =	sld [smem:$0x3FFE];
	[sflag:s23] =	ssyncadd.s32 $0xFFFFFFFF  }
0xa5: {  	s26 =	simm.s32 $execute0_lowered;
	[smem:$0x3FD2] =	sst s25  }
0xa6: {  	s5 =	sshll.u32 s26, $0x1;
	_ =	strace $0x80000049;
	[dreg:$0x1] =	wrdreg $0xFFFFFFFF  }
0xa7: {  	s28 =	simm.s32 $_size_execute0_lowered;
	s3 =	sadd.s32 s3, s5;
	[dreg:$0x0] =	wrdreg $0x0  }
0xa8: {  	s5 =	sshll.u32 s28, $0x1;
	[dreg:$0x2] =	wrdreg s3  }
0xa9: {  	[dreg:$0x3] =	wrdreg s5  }
0xaa: {  	[dreg:$0x4] =	wrdreg $0xC0  }
0xab: {  	_ =	task [dreg:s7], $0x5FFFF  }
0xac: {  	[dreg:$0x1] =	wrdreg $0xFFFFFFFF  }
0xad: {  	[dreg:$0x0] =	wrdreg $0x60  }
0xae: {  	[dreg:$0x2] =	wrdreg s24  }
0xaf: {  	[dreg:$0x3] =	wrdreg s2  }
0xb0: {  	[dreg:$0x4] =	wrdreg $0x9  }
0xb1: {  	_ =	task.clear_ibuf [dreg:s7], $0x5FFFF;
	_ =	strace $0x90000049  }
0xb2: {  	s29 =	simm.s32 $0x9;
	_ =	strace $0x8000004B  }
0xb3: {  	_ =	swait.ge [sflag:s29], $0x1  }
0xb4: {  	[sflag:s29] =	ssyncadd.s32 $0xFFFFFFFF  }
0xb5: {  	_ =	strace $0x9000004B  }
0xb6: {  	_ =	sfence  }
0xb7: {  	s30 =	sld [smem:$0x0];
	_ =	sdelay $0x2  }
0xb8: {  	s31 =	sshll.u32 s1, $0xD;
	s1 =	sshrl.u32 s1, $0x2  }
0xb9: {  	s3 =	sand.u32 $0x4000, s31;
	s1 =	sadd.s32 s1, s30  }
0xba: {  	s0 =	sor.u32 s3, s0;
	s1 =	sshll.u32 s1, $0x11  }
0xbb: {  	s0 =	sor.u32 s1, s0  }
0xbc: {  	s0 =	sadd.s32 $0x8F2B, s0  }
0xbd: {  	[sflag:s0] =	ssyncadd.remote.s32 $0x1  }
0xbe: {  	_ =	sfence.sel $0xFFFF  }
0xbf: {  	[dreg:$0x0] =	wrdreg $0xFFFFFFFF;
	(pc) =	sbr.abs _section_cstart, $3  }
0xc0: {  	[dreg:$0x1] =	wrdreg $0xFFFFFFFF  }
0xc1: {  	_ =	task.clear_ibuf [dreg:s7], $0x2FFFF;
	_ =	strace $0x9FFFFFFF  }
0xc2: {  	(tm) =	ssettm $0x7FFFFFFF  }
0xc3: {  	_ =	shalt  }
tec
execute0_lowered:
.L_overlay_start_1:
0x0: {  	(tag) =	ssettag $0x1  }
0x1: {  	s8 =	rddreg [dreg:$0x0]  }
0x2: {  	s1 =	rddreg [dreg:$0x1]  }
0x3: {  	s0 =	rddreg [dreg:$0x2];
	s2 =	simm.s32 $0x0  }
0x4: {  	s3 =	srdreg.scid;
	s13 =	simm.s32 $0x80;
	s14 =	simm.s32 $0x200  }
0x5: {  	s15 =	simm.s32 $0xA00;
	s16 =	simm.s32 $0x14A00;
	s17 =	simm.s32 $0x0  }
0x6: {  	[smem:$0x7FF] =	sst s2;
	s9 =	sand.u32 $0x1, s3;
	s3 =	stileid.u32  }
0x7: {  	s4 =	sadd.s32 $0x11200, s8;
	s5 =	sadd.s32 $0x6A00, s8;
	_ =	strace $0x8000004A  }
0x8: {  	s6 =	sshll.u32 s9, $0x4;
	s11 =	ssub.s32 $0x2, s9;
	s9 =	smul.u32 $0x14000, s9  }
0x9: {  	s30 =	sshrl.u32 s3, $0x1;
	s31 =	sand.u32 $0x1, s3;
	s7 =	sor.u32 s3, s6  }
0xa: {  	v3 =	vlaneseq.u32;
	s6 =	sadd.s32 $0xBE00, s8;
	s12 =	sshrl.u32 s11, $0x1;
	s10 =	smul.u32 $0x2800, s7  }
0xb: {  	vm1 =	vcmask $0x300;
	v2 =	vshrl.u32 v3, $0x3;
	v1 =	vmov s31;
	s7 =	sadd.s32 $0x61200, s8;
	s29 =	ssub.s32 s11, s12;
	s9 =	sor.u32 s30, s9  }
0xc: {  	v3 =	vand.u32 $0x7, v3;
	s11 =	simm.s32 $0x100;
	s12 =	simm.s32 $0x180;
	vm0 =	veq.s32 v1, v2;
	v2 =	vimm.s32 $0x0;
	s8 =	sadd.s32 s10, s8  }
0xd: {  	v1 =	vimm.f32 $0.0e+00;
	v0 =	vmov s9;
	s9 =	smax.u32 s29, $0x1;
	v2 =	vsel vm1, $0x3, v2;
	s10 =	simm.s32 $0x1;
	s8 =	sadd.s32 $0x66600, s8  }
.LBB2_1:
0xe: {  	s18 =	simm.s32 $0x40;
	s19 =	simm.s32 $0x0  }
.LBB2_2:
0xf: {  	p0 =	sne.s32 s18, $0x4FFC0;
	[tilespmem:s19+$0xA00] =	vst v1;
	s19 =	smov.u32 s18;
	s18 =	sadd.s32 $0x40, s18  }
.Ltmp0:
0x10: {  	(pc) =	sbr.rel @p0 .LBB2_2-.Ltmp0, $2  }
0x11: {  	_ =	sdelay $0x2  }
0x12: {  	s19 =	sshra.s32 s19, $0x2  }
0x13: {  	[tilespmem:s19+$0xA00] =	vst v1;
	s18 =	simm.s32 $0x0;
	s19 =	simm.s32 $0x40;
	s20 =	simm.s32 $0x0  }
.LBB2_4:
0x14: {  	p0 =	sne.s32 s19, $0x9FC0;
	[tilespmem:s20+$0x14A00] =	vst v1;
	s20 =	smov.u32 s19;
	s19 =	sadd.s32 $0x40, s19  }
.Ltmp1:
0x15: {  	(pc) =	sbr.rel @p0 .LBB2_4-.Ltmp1, $2  }
0x16: {  	_ =	sdelay $0x2  }
0x17: {  	s20 =	sshra.s32 s20, $0x2  }
0x18: {  	[tilespmem:s20+$0x14A00] =	vst v1  }
.LBB2_6:
0x19: {  	s19 =	sshll.u32 s18, $0x4  }
0x1a: {  	s21 =	simm.s32 $0x0;
	s20 =	sadd.s32 s5, s19  }
0x1b: {  	[tilespmem:s21], [sflag:$0x1] =	stream.linear.gather [hbm4b:s20+s21], $0x80, $0x38;
	[tilespmem:$0x17200] =	vst v63  }
0x1c: {  	_ =	swait.ge [sflag:s10], $0x80  }
0x1d: {  	[sflag:s10] =	ssyncset.done $0x0  }
0x1e: {  	s30 =	sadd.s32 s6, s19;
	[sflag:s10] =	ssyncadd.s32 $0xFFFFFF80  }
0x1f: {  	[tilespmem:s11], [sflag:$0x1] =	stream.linear.gather [hbm4b:s30+s21], $0x80, $0x38;
	[tilespmem:$0x17200] =	vst v63  }
0x20: {  	_ =	swait.ge [sflag:s10], $0x80  }
0x21: {  	[sflag:s10] =	ssyncset.done $0x0  }
0x22: {  	s19 =	sadd.s32 s7, s19;
	[sflag:s10] =	ssyncadd.s32 $0xFFFFFF80  }
0x23: {  	[tilespmem:s12], [sflag:$0x1] =	stream.linear.gather [hbm4b:s19+s21], $0x80, $0x38;
	[tilespmem:$0x17200] =	vst v63  }
0x24: {  	_ =	swait.ge [sflag:s10], $0x80  }
0x25: {  	[sflag:s10] =	ssyncset.done $0x0  }
0x26: {  	[sflag:s10] =	ssyncadd.s32 $0xFFFFFF80  }
0x27: {  	v4 =	vld [tilespmem:$0x0]  }
0x28: {  	v5 =	vld [tilespmem:$0x10]  }
0x29: {  	v6 =	vld [tilespmem:$0x20]  }
0x2a: {  	v7 =	vld [tilespmem:$0x30]  }
0x2b: {  	v8 =	vld [tilespmem:$0x40]  }
0x2c: {  	v9 =	vld [tilespmem:$0x50];
	v4 =	vshll.u32 v4, $0x3  }
0x2d: {  	v10 =	vld [tilespmem:$0x60];
	v5 =	vshll.u32 v5, $0x3;
	v4 =	vadd.s32 v0, v4  }
0x2e: {  	[tilespmem:$0x80] =	vst v4;
	v4 =	vadd.s32 v0, v5;
	v5 =	vshll.u32 v6, $0x3;
	v6 =	vld [tilespmem:$0x70]  }
0x2f: {  	[tilespmem:$0x90] =	vst v4;
	v4 =	vadd.s32 v0, v5;
	v5 =	vshll.u32 v7, $0x3  }
0x30: {  	[tilespmem:$0xA0] =	vst v4;
	v4 =	vadd.s32 v0, v5;
	v5 =	vshll.u32 v8, $0x3  }
0x31: {  	[tilespmem:$0xB0] =	vst v4;
	v4 =	vadd.s32 v0, v5;
	v5 =	vshll.u32 v9, $0x3  }
0x32: {  	[tilespmem:$0xC0] =	vst v4;
	v4 =	vadd.s32 v0, v5;
	v5 =	vshll.u32 v10, $0x3  }
0x33: {  	[tilespmem:$0xD0] =	vst v4;
	v4 =	vadd.s32 v0, v5;
	v5 =	vshll.u32 v6, $0x3  }
0x34: {  	[tilespmem:$0xE0] =	vst v4;
	v4 =	vadd.s32 v0, v5  }
0x35: {  	[tilespmem:$0xF0] =	vst v4  }
0x36: {  	[tilespmem:s14], [sflag:$0x1] =	stream.indirect.gather [hbm4b:s4+s13], $0x10, s13, s13, $0xb8;
	[tilespmem:$0x17200] =	vst v63  }
0x37: {  	_ =	swait.ge [sflag:s10], $0x800  }
0x38: {  	[sflag:s10] =	ssyncset.done $0x0  }
0x39: {  	s31 =	simm.s32 $0x0;
	[sflag:s10] =	ssyncadd.s32 $0xFFFFF800  }
0x3a: {  	v4 =	vld [tilespmem:s31+$0x100];
	_ =	sdelay $0x4  }
0x3b: {  	v6 =	vshll.u32 v4, $0x3  }
0x3c: {  	v5 =	vld [tilespmem:s31+$0x180];
	v7 =	vshrl.u32 v6, $0x3  }
0x3d: {  	s19 =	simm.s32 $0x280;
	v7 =	vshll.u32 v7, v2  }
0x3e: {  	v20 =	vld [tilespmem:s19+$0xFFFFFF80];
	v7 =	vbroadcast v7, $0x0;
	_ =	sdelay $0x1  }
0x3f: {  	v21 =	vbroadcast v4, $0x0;
	v7 =	vor.u32 v3, v7  }
0x40: {  	v22 =	vbroadcast v5, $0x0;
	_ =	sdelay $0x1  }
0x41: {  	v11 =	vbroadcast v6, $0x1;
	v8 =	vmul.f32 v22, v20;
	_ =	sdelay $0x1  }
0x42: {  	v11 =	vshrl.u32 v11, $0x3;
	[tilespmem:v7+s15+$0x0] =	vst.idx.add.f32.msk vm0, v8  }
0x43: {  	v7 =	vshll.u32 v11, v2;
	[tilespmem:v21+s16+$0x0] =	vst.idx.add.f32.msk $0x1, v22  }
0x44: {  	v7 =	vbroadcast v7, $0x0;
	v8 =	vld [tilespmem:s19+$0xFFFFFF90];
	_ =	sdelay $0x1  }
0x45: {  	v23 =	vbroadcast v4, $0x1;
	v7 =	vor.u32 v3, v7  }
0x46: {  	v24 =	vbroadcast v5, $0x1;
	_ =	sdelay $0x1  }
0x47: {  	v25 =	vbroadcast v6, $0x2;
	v8 =	vmul.f32 v8, v24;
	_ =	sdelay $0x1  }
0x48: {  	v11 =	vshrl.u32 v25, $0x3;
	[tilespmem:v7+s15+$0x0] =	vst.idx.add.f32.msk vm0, v8  }
0x49: {  	v7 =	vshll.u32 v11, v2;
	[tilespmem:v23+s16+$0x0] =	vst.idx.add.f32.msk $0x1, v24  }
0x4a: {  	v7 =	vbroadcast v7, $0x0;
	v8 =	vld [tilespmem:s19+$0xFFFFFFA0];
	_ =	sdelay $0x1  }
0x4b: {  	v26 =	vbroadcast v4, $0x2;
	v7 =	vor.u32 v3, v7  }
0x4c: {  	v27 =	vbroadcast v5, $0x2;
	_ =	sdelay $0x1  }
0x4d: {  	v28 =	vbroadcast v6, $0x3;
	v8 =	vmul.f32 v8, v27;
	_ =	sdelay $0x1  }
0x4e: {  	v11 =	vshrl.u32 v28, $0x3;
	[tilespmem:v7+s15+$0x0] =	vst.idx.add.f32.msk vm0, v8  }
0x4f: {  	v7 =	vshll.u32 v11, v2;
	[tilespmem:v26+s16+$0x0] =	vst.idx.add.f32.msk $0x1, v27  }
0x50: {  	v7 =	vbroadcast v7, $0x0;
	v8 =	vld [tilespmem:s19+$0xFFFFFFB0];
	_ =	sdelay $0x1  }
0x51: {  	v29 =	vbroadcast v4, $0x3;
	v7 =	vor.u32 v3, v7  }
0x52: {  	v30 =	vbroadcast v5, $0x3;
	_ =	sdelay $0x1  }
0x53: {  	v31 =	vbroadcast v6, $0x4;
	v8 =	vmul.f32 v8, v30;
	_ =	sdelay $0x1  }
0x54: {  	v11 =	vshrl.u32 v31, $0x3;
	[tilespmem:v7+s15+$0x0] =	vst.idx.add.f32.msk vm0, v8  }
0x55: {  	v7 =	vshll.u32 v11, v2;
	[tilespmem:v29+s16+$0x0] =	vst.idx.add.f32.msk $0x1, v30  }
0x56: {  	v7 =	vbroadcast v7, $0x0;
	v8 =	vld [tilespmem:s19+$0xFFFFFFC0];
	_ =	sdelay $0x1  }
0x57: {  	v32 =	vbroadcast v4, $0x4;
	v7 =	vor.u32 v3, v7  }
0x58: {  	v33 =	vbroadcast v5, $0x4;
	_ =	sdelay $0x1  }
0x59: {  	v34 =	vbroadcast v6, $0x5;
	v8 =	vmul.f32 v8, v33;
	_ =	sdelay $0x1  }
0x5a: {  	v11 =	vshrl.u32 v34, $0x3;
	[tilespmem:v7+s15+$0x0] =	vst.idx.add.f32.msk vm0, v8  }
0x5b: {  	v7 =	vshll.u32 v11, v2;
	[tilespmem:v32+s16+$0x0] =	vst.idx.add.f32.msk $0x1, v33  }
0x5c: {  	v7 =	vbroadcast v7, $0x0;
	v8 =	vld [tilespmem:s19+$0xFFFFFFD0];
	_ =	sdelay $0x1  }
0x5d: {  	v35 =	vbroadcast v4, $0x5;
	v7 =	vor.u32 v3, v7  }
0x5e: {  	v36 =	vbroadcast v5, $0x5;
	_ =	sdelay $0x1  }
0x5f: {  	v37 =	vbroadcast v6, $0x6;
	v8 =	vmul.f32 v8, v36;
	_ =	sdelay $0x1  }
0x60: {  	v11 =	vshrl.u32 v37, $0x3;
	[tilespmem:v7+s15+$0x0] =	vst.idx.add.f32.msk vm0, v8  }
0x61: {  	v7 =	vshll.u32 v11, v2;
	[tilespmem:v35+s16+$0x0] =	vst.idx.add.f32.msk $0x1, v36  }
0x62: {  	v7 =	vbroadcast v7, $0x0;
	v8 =	vld [tilespmem:s19+$0xFFFFFFE0];
	_ =	sdelay $0x1  }
0x63: {  	v38 =	vbroadcast v4, $0x6;
	v7 =	vor.u32 v3, v7  }
0x64: {  	v39 =	vbroadcast v5, $0x6;
	_ =	sdelay $0x1  }
0x65: {  	v40 =	vbroadcast v6, $0x7;
	v8 =	vmul.f32 v8, v39;
	_ =	sdelay $0x1  }
0x66: {  	v11 =	vshrl.u32 v40, $0x3;
	[tilespmem:v7+s15+$0x0] =	vst.idx.add.f32.msk vm0, v8  }
0x67: {  	v7 =	vshll.u32 v11, v2;
	[tilespmem:v38+s16+$0x0] =	vst.idx.add.f32.msk $0x1, v39  }
0x68: {  	v7 =	vbroadcast v7, $0x0;
	v8 =	vld [tilespmem:s19+$0xFFFFFFF0];
	_ =	sdelay $0x1  }
0x69: {  	v41 =	vbroadcast v4, $0x7;
	v7 =	vor.u32 v3, v7  }
0x6a: {  	v42 =	vbroadcast v5, $0x7;
	_ =	sdelay $0x1  }
0x6b: {  	v43 =	vbroadcast v6, $0x8;
	v8 =	vmul.f32 v8, v42;
	_ =	sdelay $0x1  }
0x6c: {  	v11 =	vshrl.u32 v43, $0x3;
	[tilespmem:v7+s15+$0x0] =	vst.idx.add.f32.msk vm0, v8  }
0x6d: {  	v7 =	vshll.u32 v11, v2;
	[tilespmem:v41+s16+$0x0] =	vst.idx.add.f32.msk $0x1, v42  }
0x6e: {  	v7 =	vbroadcast v7, $0x0;
	v8 =	vld [tilespmem:s19+$0x0];
	_ =	sdelay $0x1  }
0x6f: {  	v44 =	vbroadcast v4, $0x8;
	v7 =	vor.u32 v3, v7  }
0x70: {  	v45 =	vbroadcast v5, $0x8;
	_ =	sdelay $0x1  }
0x71: {  	v46 =	vbroadcast v6, $0x9;
	v8 =	vmul.f32 v8, v45;
	_ =	sdelay $0x1  }
0x72: {  	v11 =	vshrl.u32 v46, $0x3;
	[tilespmem:v7+s15+$0x0] =	vst.idx.add.f32.msk vm0, v8  }
0x73: {  	v7 =	vshll.u32 v11, v2;
	[tilespmem:v44+s16+$0x0] =	vst.idx.add.f32.msk $0x1, v45  }
0x74: {  	v7 =	vbroadcast v7, $0x0;
	v8 =	vld [tilespmem:s19+$0x10];
	_ =	sdelay $0x1  }
0x75: {  	v47 =	vbroadcast v4, $0x9;
	v7 =	vor.u32 v3, v7  }
0x76: {  	v48 =	vbroadcast v5, $0x9;
	_ =	sdelay $0x1  }
0x77: {  	v49 =	vbroadcast v6, $0xA;
	v8 =	vmul.f32 v8, v48;
	_ =	sdelay $0x1  }
0x78: {  	v11 =	vshrl.u32 v49, $0x3;
	[tilespmem:v7+s15+$0x0] =	vst.idx.add.f32.msk vm0, v8  }
0x79: {  	v7 =	vshll.u32 v11, v2;
	[tilespmem:v47+s16+$0x0] =	vst.idx.add.f32.msk $0x1, v48  }
0x7a: {  	v7 =	vbroadcast v7, $0x0;
	v8 =	vld [tilespmem:s19+$0x20];
	_ =	sdelay $0x1  }
0x7b: {  	v50 =	vbroadcast v4, $0xA;
	v7 =	vor.u32 v3, v7  }
0x7c: {  	v51 =	vbroadcast v5, $0xA;
	_ =	sdelay $0x1  }
0x7d: {  	v52 =	vbroadcast v6, $0xB;
	v8 =	vmul.f32 v8, v51;
	_ =	sdelay $0x1  }
0x7e: {  	v11 =	vshrl.u32 v52, $0x3;
	[tilespmem:v7+s15+$0x0] =	vst.idx.add.f32.msk vm0, v8  }
0x7f: {  	v7 =	vshll.u32 v11, v2;
	[tilespmem:v50+s16+$0x0] =	vst.idx.add.f32.msk $0x1, v51  }
0x80: {  	v7 =	vbroadcast v7, $0x0;
	v8 =	vld [tilespmem:s19+$0x30];
	_ =	sdelay $0x1  }
0x81: {  	v53 =	vbroadcast v4, $0xB;
	v7 =	vor.u32 v3, v7  }
0x82: {  	v54 =	vbroadcast v5, $0xB;
	_ =	sdelay $0x1  }
0x83: {  	v55 =	vbroadcast v6, $0xC;
	v8 =	vmul.f32 v8, v54;
	_ =	sdelay $0x1  }
0x84: {  	v11 =	vshrl.u32 v55, $0x3;
	[tilespmem:v7+s15+$0x0] =	vst.idx.add.f32.msk vm0, v8  }
0x85: {  	v7 =	vshll.u32 v11, v2;
	[tilespmem:v53+s16+$0x0] =	vst.idx.add.f32.msk $0x1, v54  }
0x86: {  	v7 =	vbroadcast v7, $0x0;
	v8 =	vld [tilespmem:s19+$0x40];
	_ =	sdelay $0x1  }
0x87: {  	v56 =	vbroadcast v4, $0xC;
	v7 =	vor.u32 v3, v7  }
0x88: {  	v57 =	vbroadcast v5, $0xC;
	_ =	sdelay $0x1  }
0x89: {  	v58 =	vbroadcast v6, $0xD;
	v8 =	vmul.f32 v8, v57;
	_ =	sdelay $0x1  }
0x8a: {  	v11 =	vshrl.u32 v58, $0x3;
	[tilespmem:v7+s15+$0x0] =	vst.idx.add.f32.msk vm0, v8  }
0x8b: {  	v7 =	vshll.u32 v11, v2;
	[tilespmem:v56+s16+$0x0] =	vst.idx.add.f32.msk $0x1, v57  }
0x8c: {  	v7 =	vbroadcast v7, $0x0;
	v8 =	vld [tilespmem:s19+$0x50];
	_ =	sdelay $0x1  }
0x8d: {  	v59 =	vbroadcast v4, $0xD;
	v7 =	vor.u32 v3, v7  }
0x8e: {  	v60 =	vbroadcast v5, $0xD;
	_ =	sdelay $0x1  }
0x8f: {  	v61 =	vbroadcast v6, $0xE;
	v8 =	vmul.f32 v8, v60;
	_ =	sdelay $0x1  }
0x90: {  	v11 =	vshrl.u32 v61, $0x3;
	[tilespmem:v7+s15+$0x0] =	vst.idx.add.f32.msk vm0, v8  }
0x91: {  	v7 =	vshll.u32 v11, v2;
	[tilespmem:v59+s16+$0x0] =	vst.idx.add.f32.msk $0x1, v60  }
0x92: {  	v7 =	vbroadcast v7, $0x0;
	v8 =	vld [tilespmem:s19+$0x60];
	_ =	sdelay $0x1  }
0x93: {  	v62 =	vbroadcast v4, $0xE;
	v7 =	vor.u32 v3, v7  }
0x94: {  	v63 =	vbroadcast v5, $0xE;
	_ =	sdelay $0x1  }
0x95: {  	v6 =	vbroadcast v6, $0xF;
	v8 =	vmul.f32 v8, v63;
	_ =	sdelay $0x1  }
0x96: {  	v6 =	vshrl.u32 v6, $0x3;
	[tilespmem:v7+s15+$0x0] =	vst.idx.add.f32.msk vm0, v8  }
0x97: {  	v6 =	vshll.u32 v6, v2;
	[tilespmem:v62+s16+$0x0] =	vst.idx.add.f32.msk $0x1, v63  }
0x98: {  	v6 =	vbroadcast v6, $0x0;
	v7 =	vld [tilespmem:s19+$0x70];
	_ =	sdelay $0x1  }
0x99: {  	v6 =	vor.u32 v3, v6  }
0x9a: {  	v5 =	vbroadcast v5, $0xF;
	v4 =	vbroadcast v4, $0xF;
	_ =	sdelay $0x1  }
0x9b: {  	v7 =	vmul.f32 v7, v5;
	_ =	sdelay $0x1  }
0x9c: {  	s22 =	simm.s32 $0x80;
	s20 =	simm.s32 $0x40;
	[tilespmem:v6+s15+$0x0] =	vst.idx.add.f32.msk vm0, v7  }
.LBB2_7:
0x9d: {  	s23 =	sshra.s32 s20, $0x2  }
0x9e: {  	[tilespmem:v4+s16+$0x0] =	vst.idx.add.f32.msk $0x1, v5;
	s19 =	sadd.s32 $0x100, s19;
	s20 =	smov.u32 s22;
	s21 =	sadd.s32 $0x40, s22  }
0x9f: {  	p0 =	sne.s32 s22, $0x1C0;
	v4 =	vld [tilespmem:s23+$0x100];
	_ =	sdelay $0x4  }
0xa0: {  	v6 =	vshll.u32 v4, $0x3  }
0xa1: {  	v5 =	vld [tilespmem:s23+$0x180];
	v7 =	vshrl.u32 v6, $0x3;
	v8 =	vbroadcast v6, $0x1;
	v9 =	vbroadcast v6, $0x2  }
0xa2: {  	v10 =	vbroadcast v6, $0x3;
	v11 =	vbroadcast v6, $0x4;
	v7 =	vshll.u32 v7, v2  }
0xa3: {  	v12 =	vld [tilespmem:s19+$0xFFFFFF80];
	v7 =	vbroadcast v7, $0x0;
	v8 =	vshrl.u32 v8, $0x3;
	v9 =	vshrl.u32 v9, $0x3  }
0xa4: {  	v10 =	vshrl.u32 v10, $0x3;
	v8 =	vshll.u32 v8, v2;
	v9 =	vshll.u32 v9, v2  }
0xa5: {  	v13 =	vbroadcast v4, $0x0;
	v7 =	vor.u32 v3, v7;
	v8 =	vbroadcast v8, $0x0  }
0xa6: {  	v10 =	vshll.u32 v10, v2;
	v9 =	vbroadcast v9, $0x0;
	v14 =	vbroadcast v5, $0x0  }
0xa7: {  	v15 =	vbroadcast v10, $0x0;
	v10 =	vshrl.u32 v11, $0x3;
	v11 =	vbroadcast v6, $0x5  }
0xa8: {  	v16 =	vbroadcast v6, $0x6;
	v10 =	vshll.u32 v10, v2;
	v12 =	vmul.f32 v14, v12  }
0xa9: {  	v17 =	vbroadcast v10, $0x0;
	v10 =	vshrl.u32 v11, $0x3;
	v11 =	vbroadcast v6, $0x7  }
0xaa: {  	[tilespmem:v7+s15+$0x0] =	vst.idx.add.f32.msk vm0, v12;
	v7 =	vshll.u32 v10, v2;
	v10 =	vshrl.u32 v16, $0x3;
	v12 =	vbroadcast v6, $0x8  }
0xab: {  	[tilespmem:v13+s16+$0x0] =	vst.idx.add.f32.msk $0x1, v14;
	v14 =	vbroadcast v7, $0x0;
	v7 =	vshll.u32 v10, v2;
	v10 =	vshrl.u32 v11, $0x3  }
0xac: {  	v11 =	vld [tilespmem:s19+$0xFFFFFF90];
	v16 =	vbroadcast v7, $0x0;
	v7 =	vshll.u32 v10, v2;
	v10 =	vshrl.u32 v12, $0x3  }
0xad: {  	v18 =	vbroadcast v7, $0x0;
	v7 =	vshll.u32 v10, v2;
	v10 =	vbroadcast v6, $0x9  }
0xae: {  	v19 =	vbroadcast v4, $0x1;
	v8 =	vor.u32 v3, v8;
	v13 =	vbroadcast v7, $0x0  }
0xaf: {  	v20 =	vbroadcast v6, $0xA;
	v7 =	vbroadcast v5, $0x1;
	v10 =	vshrl.u32 v10, $0x3  }
0xb0: {  	v21 =	vbroadcast v6, $0xB;
	v22 =	vbroadcast v6, $0xC;
	v10 =	vshll.u32 v10, v2  }
0xb1: {  	v11 =	vmul.f32 v11, v7;
	v12 =	vbroadcast v10, $0x0;
	v10 =	vshrl.u32 v20, $0x3  }
0xb2: {  	v20 =	vshrl.u32 v21, $0x3;
	v21 =	vshrl.u32 v22, $0x3;
	v10 =	vshll.u32 v10, v2  }
0xb3: {  	[tilespmem:v8+s15+$0x0] =	vst.idx.add.f32.msk vm0, v11;
	v11 =	vbroadcast v10, $0x0;
	v8 =	vshll.u32 v20, v2;
	v20 =	vshll.u32 v21, v2  }
0xb4: {  	[tilespmem:v19+s16+$0x0] =	vst.idx.add.f32.msk $0x1, v7;
	v10 =	vbroadcast v8, $0x0;
	v8 =	vbroadcast v20, $0x0  }
0xb5: {  	v19 =	vbroadcast v6, $0xD;
	v20 =	vbroadcast v6, $0xE;
	v7 =	vld [tilespmem:s19+$0xFFFFFFA0]  }
0xb6: {  	v6 =	vbroadcast v6, $0xF  }
0xb7: {  	v22 =	vbroadcast v4, $0x2;
	v21 =	vor.u32 v3, v9;
	v9 =	vshrl.u32 v19, $0x3  }
0xb8: {  	v19 =	vbroadcast v5, $0x2;
	v20 =	vshrl.u32 v20, $0x3;
	v9 =	vshll.u32 v9, v2  }
0xb9: {  	v6 =	vshrl.u32 v6, $0x3;
	v20 =	vshll.u32 v20, v2;
	v9 =	vbroadcast v9, $0x0  }
0xba: {  	v6 =	vshll.u32 v6, v2;
	v23 =	vmul.f32 v7, v19;
	v7 =	vbroadcast v20, $0x0  }
0xbb: {  	v6 =	vbroadcast v6, $0x0  }
0xbc: {  	[tilespmem:v21+s15+$0x0] =	vst.idx.add.f32.msk vm0, v23  }
0xbd: {  	[tilespmem:v22+s16+$0x0] =	vst.idx.add.f32.msk $0x1, v19  }
0xbe: {  	v19 =	vld [tilespmem:s19+$0xFFFFFFB0];
	_ =	sdelay $0x1  }
0xbf: {  	v15 =	vor.u32 v3, v15;
	v20 =	vbroadcast v4, $0x3  }
0xc0: {  	v21 =	vbroadcast v5, $0x3;
	_ =	sdelay $0x1  }
0xc1: {  	v19 =	vmul.f32 v19, v21;
	_ =	sdelay $0x1  }
0xc2: {  	[tilespmem:v15+s15+$0x0] =	vst.idx.add.f32.msk vm0, v19  }
0xc3: {  	[tilespmem:v20+s16+$0x0] =	vst.idx.add.f32.msk $0x1, v21  }
0xc4: {  	v15 =	vld [tilespmem:s19+$0xFFFFFFC0];
	_ =	sdelay $0x1  }
0xc5: {  	v17 =	vor.u32 v3, v17;
	v19 =	vbroadcast v4, $0x4  }
0xc6: {  	v20 =	vbroadcast v5, $0x4;
	_ =	sdelay $0x1  }
0xc7: {  	v15 =	vmul.f32 v15, v20;
	_ =	sdelay $0x1  }
0xc8: {  	[tilespmem:v17+s15+$0x0] =	vst.idx.add.f32.msk vm0, v15  }
0xc9: {  	[tilespmem:v19+s16+$0x0] =	vst.idx.add.f32.msk $0x1, v20  }
0xca: {  	v15 =	vld [tilespmem:s19+$0xFFFFFFD0];
	_ =	sdelay $0x1  }
0xcb: {  	v14 =	vor.u32 v3, v14;
	v17 =	vbroadcast v4, $0x5  }
0xcc: {  	v19 =	vbroadcast v5, $0x5;
	_ =	sdelay $0x1  }
0xcd: {  	v15 =	vmul.f32 v15, v19;
	_ =	sdelay $0x1  }
0xce: {  	[tilespmem:v14+s15+$0x0] =	vst.idx.add.f32.msk vm0, v15  }
0xcf: {  	[tilespmem:v17+s16+$0x0] =	vst.idx.add.f32.msk $0x1, v19  }
0xd0: {  	v14 =	vld [tilespmem:s19+$0xFFFFFFE0];
	_ =	sdelay $0x1  }
0xd1: {  	v15 =	vor.u32 v3, v16;
	v16 =	vbroadcast v4, $0x6  }
0xd2: {  	v17 =	vbroadcast v5, $0x6;
	_ =	sdelay $0x1  }
0xd3: {  	v14 =	vmul.f32 v14, v17;
	_ =	sdelay $0x1  }
0xd4: {  	[tilespmem:v15+s15+$0x0] =	vst.idx.add.f32.msk vm0, v14  }
0xd5: {  	[tilespmem:v16+s16+$0x0] =	vst.idx.add.f32.msk $0x1, v17  }
0xd6: {  	v14 =	vld [tilespmem:s19+$0xFFFFFFF0];
	_ =	sdelay $0x1  }
0xd7: {  	v15 =	vor.u32 v3, v18;
	v16 =	vbroadcast v4, $0x7  }
0xd8: {  	v17 =	vbroadcast v5, $0x7;
	_ =	sdelay $0x1  }
0xd9: {  	v14 =	vmul.f32 v14, v17;
	_ =	sdelay $0x1  }
0xda: {  	[tilespmem:v15+s15+$0x0] =	vst.idx.add.f32.msk vm0, v14  }
0xdb: {  	[tilespmem:v16+s16+$0x0] =	vst.idx.add.f32.msk $0x1, v17  }
0xdc: {  	v14 =	vld [tilespmem:s19+$0x0];
	_ =	sdelay $0x1  }
0xdd: {  	v13 =	vor.u32 v3, v13;
	v15 =	vbroadcast v4, $0x8  }
0xde: {  	v16 =	vbroadcast v5, $0x8;
	_ =	sdelay $0x1  }
0xdf: {  	v14 =	vmul.f32 v14, v16;
	_ =	sdelay $0x1  }
0xe0: {  	[tilespmem:v13+s15+$0x0] =	vst.idx.add.f32.msk vm0, v14  }
0xe1: {  	[tilespmem:v15+s16+$0x0] =	vst.idx.add.f32.msk $0x1, v16  }
0xe2: {  	v13 =	vld [tilespmem:s19+$0x10];
	_ =	sdelay $0x1  }
0xe3: {  	v12 =	vor.u32 v3, v12;
	v14 =	vbroadcast v4, $0x9  }
0xe4: {  	v15 =	vbroadcast v5, $0x9;
	_ =	sdelay $0x1  }
0xe5: {  	v13 =	vmul.f32 v13, v15;
	_ =	sdelay $0x1  }
0xe6: {  	[tilespmem:v12+s15+$0x0] =	vst.idx.add.f32.msk vm0, v13  }
0xe7: {  	[tilespmem:v14+s16+$0x0] =	vst.idx.add.f32.msk $0x1, v15  }
0xe8: {  	v12 =	vld [tilespmem:s19+$0x20];
	_ =	sdelay $0x1  }
0xe9: {  	v11 =	vor.u32 v3, v11;
	v13 =	vbroadcast v4, $0xA  }
0xea: {  	v14 =	vbroadcast v5, $0xA;
	_ =	sdelay $0x1  }
0xeb: {  	v12 =	vmul.f32 v12, v14;
	_ =	sdelay $0x1  }
0xec: {  	[tilespmem:v11+s15+$0x0] =	vst.idx.add.f32.msk vm0, v12  }
0xed: {  	[tilespmem:v13+s16+$0x0] =	vst.idx.add.f32.msk $0x1, v14  }
0xee: {  	v11 =	vld [tilespmem:s19+$0x30];
	_ =	sdelay $0x1  }
0xef: {  	v10 =	vor.u32 v3, v10;
	v12 =	vbroadcast v4, $0xB  }
0xf0: {  	v13 =	vbroadcast v5, $0xB;
	_ =	sdelay $0x1  }
0xf1: {  	v11 =	vmul.f32 v11, v13;
	_ =	sdelay $0x1  }
0xf2: {  	[tilespmem:v10+s15+$0x0] =	vst.idx.add.f32.msk vm0, v11  }
0xf3: {  	[tilespmem:v12+s16+$0x0] =	vst.idx.add.f32.msk $0x1, v13  }
0xf4: {  	v10 =	vld [tilespmem:s19+$0x40];
	_ =	sdelay $0x1  }
0xf5: {  	v8 =	vor.u32 v3, v8;
	v11 =	vbroadcast v4, $0xC  }
0xf6: {  	v12 =	vbroadcast v5, $0xC;
	_ =	sdelay $0x1  }
0xf7: {  	v10 =	vmul.f32 v10, v12;
	_ =	sdelay $0x1  }
0xf8: {  	[tilespmem:v8+s15+$0x0] =	vst.idx.add.f32.msk vm0, v10  }
0xf9: {  	[tilespmem:v11+s16+$0x0] =	vst.idx.add.f32.msk $0x1, v12  }
0xfa: {  	v8 =	vld [tilespmem:s19+$0x50];
	_ =	sdelay $0x1  }
0xfb: {  	v9 =	vor.u32 v3, v9;
	v10 =	vbroadcast v4, $0xD  }
0xfc: {  	v11 =	vbroadcast v5, $0xD;
	_ =	sdelay $0x1  }
0xfd: {  	v8 =	vmul.f32 v8, v11;
	_ =	sdelay $0x1  }
0xfe: {  	[tilespmem:v9+s15+$0x0] =	vst.idx.add.f32.msk vm0, v8  }
0xff: {  	[tilespmem:v10+s16+$0x0] =	vst.idx.add.f32.msk $0x1, v11  }
0x100: {  	v8 =	vld [tilespmem:s19+$0x60];
	_ =	sdelay $0x1  }
0x101: {  	v7 =	vor.u32 v3, v7;
	v9 =	vbroadcast v4, $0xE  }
0x102: {  	v10 =	vbroadcast v5, $0xE;
	_ =	sdelay $0x1  }
0x103: {  	v8 =	vmul.f32 v8, v10;
	_ =	sdelay $0x1  }
0x104: {  	[tilespmem:v7+s15+$0x0] =	vst.idx.add.f32.msk vm0, v8  }
0x105: {  	[tilespmem:v9+s16+$0x0] =	vst.idx.add.f32.msk $0x1, v10  }
0x106: {  	v7 =	vld [tilespmem:s19+$0x70];
	_ =	sdelay $0x1  }
0x107: {  	v6 =	vor.u32 v3, v6;
	v4 =	vbroadcast v4, $0xF  }
.Ltmp2:
0x108: {  	v5 =	vbroadcast v5, $0xF;
	(pc) =	sbr.rel @p0 .LBB2_7-.Ltmp2, $3  }
0x109: {  	_ = 	snop  }
0x10a: {  	v7 =	vmul.f32 v7, v5;
	_ =	sdelay $0x1  }
0x10b: {  	s22 =	smov.u32 s21;
	[tilespmem:v6+s15+$0x0] =	vst.idx.add.f32.msk vm0, v7  }
0x10c: {  	_ =	sdelay $0x3  }
0x10d: {  	s20 =	sshra.s32 s20, $0x2;
	[tilespmem:v4+s16+$0x0] =	vst.idx.add.f32.msk $0x1, v5  }
0x10e: {  	v4 =	vld [tilespmem:s20+$0x100];
	_ =	sdelay $0x4  }
0x10f: {  	v6 =	vshll.u32 v4, $0x3  }
0x110: {  	v5 =	vld [tilespmem:s20+$0x180];
	v7 =	vshrl.u32 v6, $0x3  }
0x111: {  	s19 =	sadd.s32 $0x100, s19;
	v7 =	vshll.u32 v7, v2  }
0x112: {  	v8 =	vld [tilespmem:s19+$0xFFFFFF80];
	v7 =	vbroadcast v7, $0x0;
	_ =	sdelay $0x1  }
0x113: {  	v9 =	vbroadcast v4, $0x0;
	v7 =	vor.u32 v3, v7  }
0x114: {  	v10 =	vbroadcast v5, $0x0;
	_ =	sdelay $0x1  }
0x115: {  	v11 =	vbroadcast v6, $0x1;
	v8 =	vmul.f32 v10, v8;
	_ =	sdelay $0x1  }
0x116: {  	v11 =	vshrl.u32 v11, $0x3;
	[tilespmem:v7+s15+$0x0] =	vst.idx.add.f32.msk vm0, v8  }
0x117: {  	v61 =	vshll.u32 v11, v2;
	[tilespmem:v9+s16+$0x0] =	vst.idx.add.f32.msk $0x1, v10  }
0x118: {  	v7 =	vbroadcast v61, $0x0;
	v8 =	vld [tilespmem:s19+$0xFFFFFF90];
	_ =	sdelay $0x1  }
0x119: {  	v62 =	vbroadcast v4, $0x1;
	v7 =	vor.u32 v3, v7  }
0x11a: {  	v63 =	vbroadcast v5, $0x1;
	_ =	sdelay $0x1  }
0x11b: {  	v12 =	vbroadcast v6, $0x2;
	v8 =	vmul.f32 v8, v63;
	_ =	sdelay $0x1  }
0x11c: {  	v11 =	vshrl.u32 v12, $0x3;
	[tilespmem:v7+s15+$0x0] =	vst.idx.add.f32.msk vm0, v8  }
0x11d: {  	v13 =	vshll.u32 v11, v2;
	[tilespmem:v62+s16+$0x0] =	vst.idx.add.f32.msk $0x1, v63  }
0x11e: {  	v7 =	vbroadcast v13, $0x0;
	v8 =	vld [tilespmem:s19+$0xFFFFFFA0];
	_ =	sdelay $0x1  }
0x11f: {  	v14 =	vbroadcast v4, $0x2;
	v7 =	vor.u32 v3, v7  }
0x120: {  	v15 =	vbroadcast v5, $0x2;
	_ =	sdelay $0x1  }
0x121: {  	v16 =	vbroadcast v6, $0x3;
	v8 =	vmul.f32 v8, v15;
	_ =	sdelay $0x1  }
0x122: {  	v11 =	vshrl.u32 v16, $0x3;
	[tilespmem:v7+s15+$0x0] =	vst.idx.add.f32.msk vm0, v8  }
0x123: {  	v17 =	vshll.u32 v11, v2;
	[tilespmem:v14+s16+$0x0] =	vst.idx.add.f32.msk $0x1, v15  }
0x124: {  	v7 =	vbroadcast v17, $0x0;
	v8 =	vld [tilespmem:s19+$0xFFFFFFB0];
	_ =	sdelay $0x1  }
0x125: {  	v18 =	vbroadcast v4, $0x3;
	v7 =	vor.u32 v3, v7  }
0x126: {  	v19 =	vbroadcast v5, $0x3;
	_ =	sdelay $0x1  }
0x127: {  	v20 =	vbroadcast v6, $0x4;
	v8 =	vmul.f32 v8, v19;
	_ =	sdelay $0x1  }
0x128: {  	v11 =	vshrl.u32 v20, $0x3;
	[tilespmem:v7+s15+$0x0] =	vst.idx.add.f32.msk vm0, v8  }
0x129: {  	v21 =	vshll.u32 v11, v2;
	[tilespmem:v18+s16+$0x0] =	vst.idx.add.f32.msk $0x1, v19  }
0x12a: {  	v7 =	vbroadcast v21, $0x0;
	v8 =	vld [tilespmem:s19+$0xFFFFFFC0];
	_ =	sdelay $0x1  }
0x12b: {  	v22 =	vbroadcast v4, $0x4;
	v7 =	vor.u32 v3, v7  }
0x12c: {  	v23 =	vbroadcast v5, $0x4;
	_ =	sdelay $0x1  }
0x12d: {  	v24 =	vbroadcast v6, $0x5;
	v8 =	vmul.f32 v8, v23;
	_ =	sdelay $0x1  }
0x12e: {  	v11 =	vshrl.u32 v24, $0x3;
	[tilespmem:v7+s15+$0x0] =	vst.idx.add.f32.msk vm0, v8  }
0x12f: {  	v25 =	vshll.u32 v11, v2;
	[tilespmem:v22+s16+$0x0] =	vst.idx.add.f32.msk $0x1, v23  }
0x130: {  	v7 =	vbroadcast v25, $0x0;
	v8 =	vld [tilespmem:s19+$0xFFFFFFD0];
	_ =	sdelay $0x1  }
0x131: {  	v26 =	vbroadcast v4, $0x5;
	v7 =	vor.u32 v3, v7  }
0x132: {  	v27 =	vbroadcast v5, $0x5;
	_ =	sdelay $0x1  }
0x133: {  	v28 =	vbroadcast v6, $0x6;
	v8 =	vmul.f32 v8, v27;
	_ =	sdelay $0x1  }
0x134: {  	v11 =	vshrl.u32 v28, $0x3;
	[tilespmem:v7+s15+$0x0] =	vst.idx.add.f32.msk vm0, v8  }
0x135: {  	v29 =	vshll.u32 v11, v2;
	[tilespmem:v26+s16+$0x0] =	vst.idx.add.f32.msk $0x1, v27  }
0x136: {  	v7 =	vbroadcast v29, $0x0;
	v8 =	vld [tilespmem:s19+$0xFFFFFFE0];
	_ =	sdelay $0x1  }
0x137: {  	v30 =	vbroadcast v4, $0x6;
	v7 =	vor.u32 v3, v7  }
0x138: {  	v31 =	vbroadcast v5, $0x6;
	_ =	sdelay $0x1  }
0x139: {  	v32 =	vbroadcast v6, $0x7;
	v8 =	vmul.f32 v8, v31;
	_ =	sdelay $0x1  }
0x13a: {  	v11 =	vshrl.u32 v32, $0x3;
	[tilespmem:v7+s15+$0x0] =	vst.idx.add.f32.msk vm0, v8  }
0x13b: {  	v33 =	vshll.u32 v11, v2;
	[tilespmem:v30+s16+$0x0] =	vst.idx.add.f32.msk $0x1, v31  }
0x13c: {  	v7 =	vbroadcast v33, $0x0;
	v8 =	vld [tilespmem:s19+$0xFFFFFFF0];
	_ =	sdelay $0x1  }
0x13d: {  	v34 =	vbroadcast v4, $0x7;
	v7 =	vor.u32 v3, v7  }
0x13e: {  	v35 =	vbroadcast v5, $0x7;
	_ =	sdelay $0x1  }
0x13f: {  	v36 =	vbroadcast v6, $0x8;
	v8 =	vmul.f32 v8, v35;
	_ =	sdelay $0x1  }
0x140: {  	v11 =	vshrl.u32 v36, $0x3;
	[tilespmem:v7+s15+$0x0] =	vst.idx.add.f32.msk vm0, v8  }
0x141: {  	v37 =	vshll.u32 v11, v2;
	[tilespmem:v34+s16+$0x0] =	vst.idx.add.f32.msk $0x1, v35  }
0x142: {  	v7 =	vbroadcast v37, $0x0;
	v8 =	vld [tilespmem:s19+$0x0];
	_ =	sdelay $0x1  }
0x143: {  	v38 =	vbroadcast v4, $0x8;
	v7 =	vor.u32 v3, v7  }
0x144: {  	v39 =	vbroadcast v5, $0x8;
	_ =	sdelay $0x1  }
0x145: {  	v40 =	vbroadcast v6, $0x9;
	v8 =	vmul.f32 v8, v39;
	_ =	sdelay $0x1  }
0x146: {  	v11 =	vshrl.u32 v40, $0x3;
	[tilespmem:v7+s15+$0x0] =	vst.idx.add.f32.msk vm0, v8  }
0x147: {  	v41 =	vshll.u32 v11, v2;
	[tilespmem:v38+s16+$0x0] =	vst.idx.add.f32.msk $0x1, v39  }
0x148: {  	v7 =	vbroadcast v41, $0x0;
	v8 =	vld [tilespmem:s19+$0x10];
	_ =	sdelay $0x1  }
0x149: {  	v42 =	vbroadcast v4, $0x9;
	v7 =	vor.u32 v3, v7  }
0x14a: {  	v43 =	vbroadcast v5, $0x9;
	_ =	sdelay $0x1  }
0x14b: {  	v44 =	vbroadcast v6, $0xA;
	v8 =	vmul.f32 v8, v43;
	_ =	sdelay $0x1  }
0x14c: {  	v11 =	vshrl.u32 v44, $0x3;
	[tilespmem:v7+s15+$0x0] =	vst.idx.add.f32.msk vm0, v8  }
0x14d: {  	v45 =	vshll.u32 v11, v2;
	[tilespmem:v42+s16+$0x0] =	vst.idx.add.f32.msk $0x1, v43  }
0x14e: {  	v7 =	vbroadcast v45, $0x0;
	v8 =	vld [tilespmem:s19+$0x20];
	_ =	sdelay $0x1  }
0x14f: {  	v46 =	vbroadcast v4, $0xA;
	v7 =	vor.u32 v3, v7  }
0x150: {  	v47 =	vbroadcast v5, $0xA;
	_ =	sdelay $0x1  }
0x151: {  	v48 =	vbroadcast v6, $0xB;
	v8 =	vmul.f32 v8, v47;
	_ =	sdelay $0x1  }
0x152: {  	v11 =	vshrl.u32 v48, $0x3;
	[tilespmem:v7+s15+$0x0] =	vst.idx.add.f32.msk vm0, v8  }
0x153: {  	v49 =	vshll.u32 v11, v2;
	[tilespmem:v46+s16+$0x0] =	vst.idx.add.f32.msk $0x1, v47  }
0x154: {  	v7 =	vbroadcast v49, $0x0;
	v8 =	vld [tilespmem:s19+$0x30];
	_ =	sdelay $0x1  }
0x155: {  	v50 =	vbroadcast v4, $0xB;
	v7 =	vor.u32 v3, v7  }
0x156: {  	v51 =	vbroadcast v5, $0xB;
	_ =	sdelay $0x1  }
0x157: {  	v52 =	vbroadcast v6, $0xC;
	v8 =	vmul.f32 v8, v51;
	_ =	sdelay $0x1  }
0x158: {  	v11 =	vshrl.u32 v52, $0x3;
	[tilespmem:v7+s15+$0x0] =	vst.idx.add.f32.msk vm0, v8  }
0x159: {  	v53 =	vshll.u32 v11, v2;
	[tilespmem:v50+s16+$0x0] =	vst.idx.add.f32.msk $0x1, v51  }
0x15a: {  	v7 =	vbroadcast v53, $0x0;
	v8 =	vld [tilespmem:s19+$0x40];
	_ =	sdelay $0x1  }
0x15b: {  	v54 =	vbroadcast v4, $0xC;
	v7 =	vor.u32 v3, v7  }
0x15c: {  	v55 =	vbroadcast v5, $0xC;
	_ =	sdelay $0x1  }
0x15d: {  	v56 =	vbroadcast v6, $0xD;
	v8 =	vmul.f32 v8, v55;
	_ =	sdelay $0x1  }
0x15e: {  	v11 =	vshrl.u32 v56, $0x3;
	[tilespmem:v7+s15+$0x0] =	vst.idx.add.f32.msk vm0, v8  }
0x15f: {  	v57 =	vshll.u32 v11, v2;
	[tilespmem:v54+s16+$0x0] =	vst.idx.add.f32.msk $0x1, v55  }
0x160: {  	v7 =	vbroadcast v57, $0x0;
	v8 =	vld [tilespmem:s19+$0x50];
	_ =	sdelay $0x1  }
0x161: {  	v58 =	vbroadcast v4, $0xD;
	v7 =	vor.u32 v3, v7  }
0x162: {  	v59 =	vbroadcast v5, $0xD;
	_ =	sdelay $0x1  }
0x163: {  	v60 =	vbroadcast v6, $0xE;
	v8 =	vmul.f32 v8, v59;
	_ =	sdelay $0x1  }
0x164: {  	v11 =	vshrl.u32 v60, $0x3;
	[tilespmem:v7+s15+$0x0] =	vst.idx.add.f32.msk vm0, v8  }
0x165: {  	v61 =	vshll.u32 v11, v2;
	[tilespmem:v58+s16+$0x0] =	vst.idx.add.f32.msk $0x1, v59  }
0x166: {  	v7 =	vbroadcast v61, $0x0;
	v8 =	vld [tilespmem:s19+$0x60];
	_ =	sdelay $0x1  }
0x167: {  	v62 =	vbroadcast v4, $0xE;
	v7 =	vor.u32 v3, v7  }
0x168: {  	v63 =	vbroadcast v5, $0xE;
	_ =	sdelay $0x1  }
0x169: {  	v6 =	vbroadcast v6, $0xF;
	v8 =	vmul.f32 v8, v63;
	_ =	sdelay $0x1  }
0x16a: {  	v6 =	vshrl.u32 v6, $0x3;
	[tilespmem:v7+s15+$0x0] =	vst.idx.add.f32.msk vm0, v8  }
0x16b: {  	v6 =	vshll.u32 v6, v2;
	[tilespmem:v62+s16+$0x0] =	vst.idx.add.f32.msk $0x1, v63  }
0x16c: {  	v6 =	vbroadcast v6, $0x0;
	v7 =	vld [tilespmem:s19+$0x70];
	_ =	sdelay $0x1  }
0x16d: {  	s18 =	sadd.s32 $0x1, s18;
	v6 =	vor.u32 v3, v6;
	v4 =	vbroadcast v4, $0xF  }
0x16e: {  	p0 =	sne.s32 s18, $0x540;
	v5 =	vbroadcast v5, $0xF  }
.Ltmp3:
0x16f: {  	_ = 	snop;
	(pc) =	sbr.rel @p0 .LBB2_6-.Ltmp3, $3  }
0x170: {  	v7 =	vmul.f32 v7, v5;
	_ =	sdelay $0x1  }
0x171: {  	[tilespmem:v6+s15+$0x0] =	vst.idx.add.f32.msk vm0, v7  }
0x172: {  	[tilespmem:v4+s16+$0x0] =	vst.idx.add.f32.msk $0x1, v5  }
0x173: {  	[hbm4b:s8+s2] =	stream.linear.scatter [tilespmem:s15], [sflag:$0x1], $0x14000, $0x38;
	[tilespmem:$0x17200] =	vst v63  }
0x174: {  	s17 =	sadd.s32 $0x1, s17;
	_ =	swait.ge [sflag:s10], $0x14000  }
0x175: {  	p0 =	sne.s32 s17, s9;
	[sflag:s10] =	ssyncset.done $0x0  }
.Ltmp4:
0x176: {  	[sflag:s10] =	ssyncadd.s32 $0xFFFEC000;
	(pc) =	sbr.rel @p0 .LBB2_1-.Ltmp4, $4  }
0x177: {  	[hbm4b:s1+s2] =	stream.linear.scatter [tilespmem:s16], [sflag:$0x1], $0x2800, $0x38;
	[tilespmem:$0x17200] =	vst v63  }
0x178: {  	_ =	swait.ge [sflag:s10], $0x2800  }
0x179: {  	[sflag:s10] =	ssyncset.done $0x0  }
0x17a: {  	[sflag:s10] =	ssyncadd.s32 $0xFFFFD800  }
0x17b: {  	_ =	sfence.sel $0x180000  }
0x17c: {  	[bflag:$0x0] =	sbarrier.arrive $0xFFFF  }
0x17d: {  	p0 =	sne.s32 s3, $0x0;
	_ =	strace $0x9000004A  }
0x17e: {  	s0 =	sadd.s32 @!p0 $0x100000, s0;
	[bflag:$0x2] =	sbarrier.arrive $0xFFFF  }
0x17f: {  	[sflag:s0] =	ssyncadd.tile.s32 @!p0 $0x1;
	_ =	shalt  }
.Lfunc_end2:
_tile_overlayer_lowered:
.L_overlay_start_2:
0x180: {  	(tag) =	ssettag $0x2  }
0x181: {  	s0 =	rddreg [dreg:$0x0];
	s2 =	stileid.u32  }
0x182: {  	s1 =	rddreg [dreg:$0x1];
	p0 =	sne.s32 s2, $0x0  }
0x183: {  	s3 =	rddreg [dreg:$0x2];
	[bflag:$0x3] =	sbarrier.arrive $0xFFFF;
	s2 =	simm.s32 @!p0 $0x1C01  }
0x184: {  	[timem:s3], [sflag:s2] =	dma.local @!p0 [hbm:s0], s1  }
0x185: {  	s0 =	simm.s32 @!p0 $0x1  }
0x186: {  	_ =	swait.ge @!p0 [sflag:s0], s1  }
0x187: {  	s1 =	ssub.s32 @!p0 $0x0, s1;
	[sflag:s0] =	ssyncset.done @!p0 $0x0  }
0x188: {  	[sflag:s0] =	ssyncadd.s32 @!p0 s1  }
0x189: {  	[bflag:$0x3] =	sbarrier.arrive $0xFFFF  }
0x18a: {  	_ =	shalt  }

// kernel: kernel.24.cloned.1.call-start
scs
__scs_entry_jumppad:
0x0: {  	(pc) =	sbr.rel $0x88, $3  }
0x1: {  	(tag) =	ssettag $0x0;
	lr =	simm.s32 $0x1  }
0x2: {  	[smem:$0x3F88] =	sst lr;
	_ =	strace $0xD0000000  }
0x3: {  	_ = 	snop  }
0x4: {  	_ = 	snop  }
0x5: {  	_ = 	snop  }
0x6: {  	_ = 	snop  }
0x7: {  	_ = 	snop  }
__scs_overlays_trampoline_lowered:
0x8: {  	[smem:$0x3F97] =	sst s0  }
0x9: {  	[smem:$0x3F98] =	sst s1  }
0xa: {  	[smem:$0x3F99] =	sst s2  }
0xb: {  	[smem:$0x3F9A] =	sst s3  }
0xc: {  	[smem:$0x3F9B] =	sst s4  }
0xd: {  	[smem:$0x3F9C] =	sst s5  }
0xe: {  	[smem:$0x3F9D] =	sst s6  }
0xf: {  	[smem:$0x3F9E] =	sst s7  }
0x10: {  	[smem:$0x3F9F] =	sst s8  }
0x11: {  	[smem:$0x3FA0] =	sst s9;
	s0 =	simm.s32 @!p0 $0x0  }
0x12: {  	s1 =	sld [smem:$0x3F86];
	s0 =	simm.s32 @p0 $0x1  }
0x13: {  	[smem:$0x3FA1] =	sst s0;
	s0 =	simm.s32 @!p1 $0x0  }
0x14: {  	s2 =	sld [smem:$0x3F85];
	s0 =	simm.s32 @p1 $0x1  }
0x15: {  	[smem:$0x3FA2] =	sst s0;
	s0 =	simm.s32 @!p2 $0x0  }
0x16: {  	s3 =	sld [smem:$0x3FDB];
	s0 =	simm.s32 @p2 $0x1  }
0x17: {  	s4 =	simm.s32 $0x1BF5;
	[smem:$0x3FA4] =	sst s0  }
0x18: {  	s0 =	sld [smem:$0x3F87];
	_ =	swait.ge [sflag:s4], $0x0  }
0x19: {  	s7 =	sld [smem:$0x3F88]  }
0x1a: {  	s8 =	sadd.s32 $0xFFFFE003, lr  }
0x1b: {  	s9 =	sadd.s32 $0xFFFFFEF7, lr;
	s5 =	simm.s32 $0xFFFFFFFF;
	p2 =	slt.u32 s8, $0xFFFFF086  }
0x1c: {  	p1 =	slt.u32 s9, $0xF7A;
	s5 =	simm.s32 @!p2 $0x0  }
0x1d: {  	s5 =	simm.s32 @p1 $0x1;
	p0 =	seq.s32 s7, s2  }
0x1e: {  	s7 =	smul.u32 @!p0 $0xF7A, s2;
	p2 =	seq.s32 @!p0 s5, $0x0  }
0x1f: {  	s9 =	smul.u32 $0xF7A, s1;
	s8 =	simm.s32 @!p0 $0x1BF5;
	p2 =	por !p2, p0  }
0x20: {  	[sflag:s8] =	ssyncset.s32 @!p0 $0xFFFFF086;
	s6 =	sadd.s32 @!p0 s3, s7;
	s7 =	simm.s32 @!p0 $0x108  }
0x21: {  	s3 =	sadd.s32 s3, s9;
	s6 =	sadd.s32 @!p0 $0x88, s6;
	s7 =	simm.s32 @p2 $0x1082  }
0x22: {  	[simem:s7], [sflag:s8] =	dma.local @!p0 [hbm:s6], $0xF7A  }
0x23: {  	s9 =	sor.u32 $0xD0000000, s2;
	s6 =	simm.s32 $0x108;
	_ =	swait.ge @!p0 [sflag:s8], $0x0  }
0x24: {  	s3 =	sadd.s32 $0x88, s3;
	s6 =	simm.s32 @!p1 $0x1082;
	[sflag:s4] =	ssyncset.s32 $0xFFFFF086  }
0x25: {  	[simem:s6], [sflag:s4] =	dma.local [hbm:s3], $0xF7A  }
0x26: {  	[smem:$0x3F88] =	sst s1;
	(tag) =	ssettag s2;
	_ =	strace s9  }
0x27: {  	s1 =	sld [smem:$0x3F98]  }
0x28: {  	s2 =	sld [smem:$0x3F99]  }
0x29: {  	s4 =	sld [smem:$0x3F9B]  }
0x2a: {  	p0 =	seq.s32 s5, $0x0;
	s5 =	sld [smem:$0x3F9C]  }
0x2b: {  	s6 =	sld [smem:$0x3F9D]  }
0x2c: {  	s7 =	sld [smem:$0x3F9E]  }
0x2d: {  	s3 =	simm.s32 $0x108;
	s8 =	sld [smem:$0x3F9F]  }
0x2e: {  	s3 =	simm.s32 @!p0 $0x1082;
	s9 =	sld [smem:$0x3FA0]  }
0x2f: {  	lr =	sadd.s32 s0, s3;
	s0 =	sld [smem:$0x3F97]  }
0x30: {  	s3 =	sld [smem:$0x3F9A]  }
0x31: {  	[smem:$0x3FA3] =	sst s10  }
0x32: {  	s10 =	sld [smem:$0x3FA1];
	_ =	sdelay $0x3  }
0x33: {  	p0 =	seq.s32 s10, $0x1;
	s10 =	sld [smem:$0x3FA3];
	_ =	sdelay $0x3  }
0x34: {  	[smem:$0x3FA3] =	sst s10  }
0x35: {  	s10 =	sld [smem:$0x3FA2];
	_ =	sdelay $0x3  }
0x36: {  	p1 =	seq.s32 s10, $0x1;
	s10 =	sld [smem:$0x3FA3];
	_ =	sdelay $0x3  }
0x37: {  	[smem:$0x3FA3] =	sst s10  }
0x38: {  	s10 =	sld [smem:$0x3FA4]  }
0x39: {  	_ = 	snop;
	(pc) =	sbr.ind lr, $3  }
0x3a: {  	_ = 	snop  }
0x3b: {  	_ = 	snop  }
0x3c: {  	p2 =	seq.s32 s10, $0x1;
	s10 =	sld [smem:$0x3FA3]  }
0x3d: {  	_ =	shalt  }
0x3e: {  	_ =	shalt  }
0x3f: {  	_ =	shalt  }
0x40: {  	_ =	shalt  }
0x41: {  	_ =	shalt  }
0x42: {  	_ =	shalt  }
0x43: {  	_ =	shalt  }
0x44: {  	_ =	shalt  }
0x45: {  	_ =	shalt  }
0x46: {  	_ =	shalt  }
0x47: {  	_ =	shalt  }
0x48: {  	_ =	shalt  }
0x49: {  	_ =	shalt  }
0x4a: {  	_ =	shalt  }
0x4b: {  	_ =	shalt  }
0x4c: {  	_ =	shalt  }
0x4d: {  	_ =	shalt  }
0x4e: {  	_ =	shalt  }
0x4f: {  	_ =	shalt  }
0x50: {  	_ =	shalt  }
0x51: {  	_ =	shalt  }
0x52: {  	_ =	shalt  }
0x53: {  	_ =	shalt  }
0x54: {  	_ =	shalt  }
0x55: {  	_ =	shalt  }
0x56: {  	_ =	shalt  }
0x57: {  	_ =	shalt  }
0x58: {  	_ =	shalt  }
0x59: {  	_ =	shalt  }
0x5a: {  	_ =	shalt  }
0x5b: {  	_ =	shalt  }
0x5c: {  	_ =	shalt  }
0x5d: {  	_ =	shalt  }
0x5e: {  	_ =	shalt  }
0x5f: {  	_ =	shalt  }
0x60: {  	_ =	shalt  }
0x61: {  	_ =	shalt  }
0x62: {  	_ =	shalt  }
0x63: {  	_ =	shalt  }
0x64: {  	_ =	shalt  }
0x65: {  	_ =	shalt  }
0x66: {  	_ =	shalt  }
0x67: {  	_ =	shalt  }
0x68: {  	_ =	shalt  }
0x69: {  	_ =	shalt  }
0x6a: {  	_ =	shalt  }
0x6b: {  	_ =	shalt  }
0x6c: {  	_ =	shalt  }
0x6d: {  	_ =	shalt  }
0x6e: {  	_ =	shalt  }
0x6f: {  	_ =	shalt  }
0x70: {  	_ =	shalt  }
0x71: {  	_ =	shalt  }
0x72: {  	_ =	shalt  }
0x73: {  	_ =	shalt  }
0x74: {  	_ =	shalt  }
0x75: {  	_ =	shalt  }
0x76: {  	_ =	shalt  }
0x77: {  	_ =	shalt  }
0x78: {  	_ =	shalt  }
0x79: {  	_ =	shalt  }
0x7a: {  	_ =	shalt  }
0x7b: {  	_ =	shalt  }
0x7c: {  	_ =	shalt  }
0x7d: {  	_ =	shalt  }
0x7e: {  	_ =	shalt  }
0x7f: {  	_ =	shalt  }
0x80: {  	_ =	shalt  }
0x81: {  	_ =	shalt  }
0x82: {  	_ =	shalt  }
0x83: {  	_ =	shalt  }
0x84: {  	_ =	shalt  }
0x85: {  	_ =	shalt  }
0x86: {  	_ =	shalt  }
0x87: {  	_ =	shalt  }
.Lfunc_end0:
.L_simem_size_0:
called_computation.2_lowered:
.L_overlay_start_0:
0x88: {  	s2 =	sld [smem:$0x3FD9]  }
0x89: {  	s3 =	sld [smem:$0x3FFE];
	_ =	sdelay $0x1  }
0x8a: {  	s1 =	srdreg.scid  }
0x8b: {  	s0 =	sand.u32 $0x1, s1  }
0x8c: {  	s17 =	sshll.u32 s0, $0xA;
	s2 =	sadd.s32 s3, s2  }
0x8d: {  	s2 =	sadd.s32 s2, s17  }
0x8e: {  	[smem:$0x3FAF] =	sst s2  }
0x8f: {  	_ = 	snop  }
0x90: {  	s2 =	sld [smem:$0x3FBC];
	(tm) =	ssettm $0x1  }
0x91: {  	s18 =	sld [smem:$0x3FFB];
	_ =	sdelay $0x3  }
0x92: {  	_ =	strace s18  }
0x93: {  	s3 =	sld [smem:$0x3FFC];
	_ =	sdelay $0x3  }
0x94: {  	_ =	strace s3  }
0x95: {  	s3 =	sld [smem:$0x3FFD];
	_ =	sdelay $0x3  }
0x96: {  	_ =	strace s3  }
0x97: {  	_ =	strace $0x8FFFFFFF  }
0x98: {  	s19 =	sld [smem:$0x3FDB];
	_ =	sdelay $0x1  }
0x99: {  	s4 =	simm.s32 $_scs_section_size  }
0x9a: {  	s5 =	simm.s32 $_size__tile_overlayer_lowered;
	s6 =	simm.s32 $_tile_overlayer_lowered  }
0x9b: {  	s22 =	simm.s32 $0x1BFF;
	s21 =	sshll.u32 s6, $0x1;
	s3 =	sadd.s32 s4, s19  }
0x9c: {  	s7 =	simm.s32 $0x0;
	s20 =	sshll.u32 s5, $0x1;
	s5 =	sadd.s32 s21, s3  }
0x9d: {  	[timem:s7], [sflag:s22] =	dma.local [hbm:s5], s20  }
0x9e: {  	_ =	swait.ge [sflag:s22], s20  }
0x9f: {  	s4 =	ssub.s32 $0x0, s20;
	[sflag:s22] =	ssyncset.done $0x0  }
0xa0: {  	[sflag:s22] =	ssyncadd.s32 s4;
	_ =	sdelay $0x1  }
0xa1: {  	s23 =	simm.s32 $0x1B8B  }
0xa2: {  	_ =	swait.ge [sflag:s23], $0x1  }
0xa3: {  	[sflag:s23] =	ssyncset.done $0x0  }
0xa4: {  	s25 =	simm.s32 $0x1B8E;
	s24 =	sld [smem:$0x3FFE];
	[sflag:s23] =	ssyncadd.s32 $0xFFFFFFFF  }
0xa5: {  	s26 =	simm.s32 $execute0_lowered;
	[smem:$0x3FD2] =	sst s25  }
0xa6: {  	s5 =	sshll.u32 s26, $0x1;
	_ =	strace $0x8000004C;
	[dreg:$0x1] =	wrdreg $0xFFFFFFFF  }
0xa7: {  	s28 =	simm.s32 $_size_execute0_lowered;
	s3 =	sadd.s32 s3, s5;
	[dreg:$0x0] =	wrdreg $0x0  }
0xa8: {  	s5 =	sshll.u32 s28, $0x1;
	[dreg:$0x2] =	wrdreg s3  }
0xa9: {  	[dreg:$0x3] =	wrdreg s5  }
0xaa: {  	[dreg:$0x4] =	wrdreg $0xC0  }
0xab: {  	_ =	task [dreg:s7], $0x5FFFF  }
0xac: {  	[dreg:$0x1] =	wrdreg $0xFFFFFFFF  }
0xad: {  	[dreg:$0x0] =	wrdreg $0x60  }
0xae: {  	[dreg:$0x2] =	wrdreg s24  }
0xaf: {  	[dreg:$0x3] =	wrdreg s2  }
0xb0: {  	[dreg:$0x4] =	wrdreg $0x9  }
0xb1: {  	_ =	task.clear_ibuf [dreg:s7], $0x5FFFF;
	_ =	strace $0x9000004C  }
0xb2: {  	s29 =	simm.s32 $0x9;
	_ =	strace $0x8000004E  }
0xb3: {  	_ =	swait.ge [sflag:s29], $0x1  }
0xb4: {  	[sflag:s29] =	ssyncadd.s32 $0xFFFFFFFF  }
0xb5: {  	_ =	strace $0x9000004E  }
0xb6: {  	_ =	sfence  }
0xb7: {  	s30 =	sld [smem:$0x0];
	_ =	sdelay $0x2  }
0xb8: {  	s31 =	sshll.u32 s1, $0xD;
	s1 =	sshrl.u32 s1, $0x2  }
0xb9: {  	s3 =	sand.u32 $0x4000, s31;
	s1 =	sadd.s32 s1, s30  }
0xba: {  	s0 =	sor.u32 s3, s0;
	s1 =	sshll.u32 s1, $0x11  }
0xbb: {  	s0 =	sor.u32 s1, s0  }
0xbc: {  	s0 =	sadd.s32 $0x8F2B, s0  }
0xbd: {  	[sflag:s0] =	ssyncadd.remote.s32 $0x1  }
0xbe: {  	_ =	sfence.sel $0xFFFF  }
0xbf: {  	[dreg:$0x0] =	wrdreg $0xFFFFFFFF;
	(pc) =	sbr.abs _section_cstart, $3  }
0xc0: {  	[dreg:$0x1] =	wrdreg $0xFFFFFFFF  }
0xc1: {  	_ =	task.clear_ibuf [dreg:s7], $0x2FFFF;
	_ =	strace $0x9FFFFFFF  }
0xc2: {  	(tm) =	ssettm $0x7FFFFFFF  }
0xc3: {  	_ =	shalt  }
tec
execute0_lowered:
.L_overlay_start_1:
0x0: {  	(tag) =	ssettag $0x1  }
0x1: {  	s5 =	rddreg [dreg:$0x0]  }
0x2: {  	s9 =	rddreg [dreg:$0x1]  }
0x3: {  	s0 =	rddreg [dreg:$0x2];
	s1 =	simm.s32 $0x0  }
0x4: {  	s8 =	srdreg.scid;
	s14 =	simm.s32 $0x100;
	s15 =	simm.s32 $0x80  }
0x5: {  	s16 =	simm.s32 $0x180;
	s18 =	simm.s32 $0x8180;
	s19 =	simm.s32 $0x0  }
0x6: {  	[smem:$0x7FF] =	sst s1;
	s2 =	sadd.s32 $0x11200, s5;
	s3 =	sadd.s32 $0x61200, s5  }
0x7: {  	s4 =	sadd.s32 $0x6A00, s5;
	s6 =	sadd.s32 $0xBE00, s5;
	s10 =	sand.u32 $0x1, s8  }
0x8: {  	s7 =	sadd.s32 $0xB1200, s5;
	s5 =	stileid.u32;
	s17 =	smul.u32 $0x2800, s10  }
0x9: {  	_ =	strace $0x8000004D;
	s11 =	ssub.s32 $0x2, s10;
	s8 =	smul.u32 $0x2A00, s5  }
0xa: {  	s13 =	sshll.u32 s10, $0x4;
	s10 =	smul.u32 $0x2A000, s10;
	s12 =	sshrl.u32 s11, $0x1  }
0xb: {  	s9 =	sadd.s32 s9, s13;
	s13 =	simm.s32 $0x1;
	s11 =	ssub.s32 s11, s12  }
0xc: {  	s12 =	simm.s32 $0xC180;
	v0 =	vmov s17;
	s17 =	simm.s32 $0x4180;
	s11 =	smax.u32 s11, $0x1  }
.LBB2_1:
0xd: {  	[tilespmem:s12], [sflag:$0x1] =	stream.linear.gather [hbm4b:s9+s1], $0x80, $0x38;
	[tilespmem:$0xC200] =	vst v63  }
0xe: {  	_ =	swait.ge [sflag:s13], $0x80  }
0xf: {  	[sflag:s13] =	ssyncset.done $0x0  }
0x10: {  	[sflag:s13] =	ssyncadd.s32 $0xFFFFFF80  }
0x11: {  	v1 =	vld [tilespmem:$0xC180]  }
0x12: {  	v2 =	vld [tilespmem:$0xC190]  }
0x13: {  	v3 =	vld [tilespmem:$0xC1A0]  }
0x14: {  	v5 =	vld [tilespmem:$0xC1C0]  }
0x15: {  	v4 =	vld [tilespmem:$0xC1B0]  }
0x16: {  	v6 =	vld [tilespmem:$0xC1D0]  }
0x17: {  	v7 =	vld [tilespmem:$0xC1E0]  }
0x18: {  	s20 =	simm.s32 $0x0;
	v8 =	vld [tilespmem:$0xC1F0]  }
.LBB2_2:
0x19: {  	s21 =	sshll.u32 s20, $0x7  }
0x1a: {  	s21 =	sadd.s32 s8, s21  }
0x1b: {  	s22 =	sshrl.u32 s21, $0x3  }
0x1c: {  	s24 =	simm.s32 $0x0;
	s23 =	sadd.s32 s4, s22  }
0x1d: {  	[tilespmem:s24], [sflag:$0x1] =	stream.linear.gather [hbm4b:s23+s24], $0x80, $0x38;
	[tilespmem:$0xC200] =	vst v63  }
0x1e: {  	_ =	swait.ge [sflag:s13], $0x80  }
0x1f: {  	[sflag:s13] =	ssyncset.done $0x0  }
0x20: {  	s22 =	sadd.s32 s6, s22;
	[sflag:s13] =	ssyncadd.s32 $0xFFFFFF80  }
0x21: {  	[tilespmem:s14], [sflag:$0x1] =	stream.linear.gather [hbm4b:s22+s24], $0x80, $0x38;
	[tilespmem:$0xC200] =	vst v63  }
0x22: {  	_ =	swait.ge [sflag:s13], $0x80  }
0x23: {  	[sflag:s13] =	ssyncset.done $0x0  }
0x24: {  	[sflag:s13] =	ssyncadd.s32 $0xFFFFFF80  }
0x25: {  	v9 =	vld [tilespmem:$0x0]  }
0x26: {  	v10 =	vld [tilespmem:$0x100]  }
0x27: {  	v11 =	vld [tilespmem:$0x10]  }
0x28: {  	v12 =	vld [tilespmem:$0x110]  }
0x29: {  	v13 =	vld [tilespmem:$0x20]  }
0x2a: {  	v14 =	vld [tilespmem:$0x120];
	v9 =	vadd.s32 v0, v9  }
0x2b: {  	[tilespmem:$0x80] =	vst v9;
	v9 =	vadd.s32 v0, v10;
	v10 =	vld [tilespmem:$0x30]  }
0x2c: {  	[tilespmem:$0x100] =	vst v9;
	v9 =	vadd.s32 v0, v11;
	v11 =	vld [tilespmem:$0x130]  }
0x2d: {  	[tilespmem:$0x90] =	vst v9;
	v9 =	vadd.s32 v0, v12;
	v12 =	vld [tilespmem:$0x40]  }
0x2e: {  	[tilespmem:$0x110] =	vst v9;
	v9 =	vadd.s32 v0, v13;
	v13 =	vld [tilespmem:$0x140]  }
0x2f: {  	[tilespmem:$0xA0] =	vst v9;
	v9 =	vadd.s32 v0, v14;
	v14 =	vld [tilespmem:$0x50]  }
0x30: {  	[tilespmem:$0x120] =	vst v9;
	v9 =	vadd.s32 v0, v10;
	v10 =	vld [tilespmem:$0x150]  }
0x31: {  	[tilespmem:$0xB0] =	vst v9;
	v9 =	vadd.s32 v0, v11;
	v11 =	vld [tilespmem:$0x60]  }
0x32: {  	[tilespmem:$0x130] =	vst v9;
	v9 =	vadd.s32 v0, v12;
	v12 =	vld [tilespmem:$0x160]  }
0x33: {  	[tilespmem:$0xC0] =	vst v9;
	v9 =	vadd.s32 v0, v13;
	v13 =	vld [tilespmem:$0x70]  }
0x34: {  	[tilespmem:$0x140] =	vst v9;
	v9 =	vadd.s32 v0, v14;
	v14 =	vld [tilespmem:$0x170]  }
0x35: {  	[tilespmem:$0xD0] =	vst v9;
	v9 =	vadd.s32 v0, v10  }
0x36: {  	[tilespmem:$0x150] =	vst v9;
	v9 =	vadd.s32 v0, v11  }
0x37: {  	[tilespmem:$0xE0] =	vst v9;
	v9 =	vadd.s32 v0, v12  }
0x38: {  	[tilespmem:$0x160] =	vst v9;
	v9 =	vadd.s32 v0, v13  }
0x39: {  	[tilespmem:$0xF0] =	vst v9;
	v9 =	vadd.s32 v0, v14  }
0x3a: {  	[tilespmem:$0x170] =	vst v9  }
0x3b: {  	[tilespmem:s16], [sflag:$0x1] =	stream.indirect.gather [hbm4b:s2+s15], $0x80, s15, s15, $0xb8;
	[tilespmem:$0xC200] =	vst v63  }
0x3c: {  	_ =	swait.ge [sflag:s13], $0x4000  }
0x3d: {  	[sflag:s13] =	ssyncset.done $0x0  }
0x3e: {  	[sflag:s13] =	ssyncadd.s32 $0xFFFFC000  }
0x3f: {  	[tilespmem:s17], [sflag:$0x1] =	stream.indirect.gather [hbm4b:s3+s15], $0x80, s14, s15, $0xb8;
	[tilespmem:$0xC200] =	vst v63  }
0x40: {  	_ =	swait.ge [sflag:s13], $0x4000  }
0x41: {  	[sflag:s13] =	ssyncset.done $0x0  }
0x42: {  	s23 =	simm.s32 $0x0;
	[sflag:s13] =	ssyncadd.s32 $0xFFFFC000  }
0x43: {  	v10 =	vld [tilespmem:s23+$0x1B0]  }
0x44: {  	v11 =	vld [tilespmem:s23+$0x180]  }
0x45: {  	v12 =	vld [tilespmem:s23+$0x4180]  }
0x46: {  	v13 =	vld [tilespmem:s23+$0x190]  }
0x47: {  	v14 =	vld [tilespmem:s23+$0x4190]  }
0x48: {  	v15 =	vld [tilespmem:s23+$0x1A0]  }
0x49: {  	v16 =	vld [tilespmem:s23+$0x41A0]  }
0x4a: {  	v17 =	vld [tilespmem:s23+$0x41B0]  }
0x4b: {  	v9 =	vld [tilespmem:s23+$0x1F0]  }
0x4c: {  	v11 =	vadd.f32 v12, v11;
	v12 =	vadd.f32 v14, v13;
	v13 =	vld [tilespmem:s23+$0x1C0]  }
0x4d: {  	v14 =	vld [tilespmem:s23+$0x41C0]  }
0x4e: {  	v20 =	vld [tilespmem:s23+$0x41D0];
	v15 =	vadd.f32 v16, v15;
	v18 =	vmul.f32 $2.000000030e-01, v11;
	v19 =	vmul.f32 $2.000000030e-01, v12  }
0x4f: {  	v16 =	vld [tilespmem:s23+$0x1D0];
	v17 =	vadd.f32 v17, v10  }
0x50: {  	v21 =	vld [tilespmem:s23+$0x1E0];
	v10 =	vmax.f32 v11, v18;
	v11 =	vmax.f32 v12, v19;
	v12 =	vmul.f32 $2.000000030e-01, v15  }
0x51: {  	v22 =	vld [tilespmem:s23+$0x41E0];
	v18 =	vmul.f32 v10, v1;
	v11 =	vmul.f32 v11, v2  }
0x52: {  	s22 =	simm.s32 $0x80;
	v19 =	vadd.f32 v14, v13;
	v13 =	vld [tilespmem:s23+$0x41F0];
	v12 =	vmax.f32 v15, v12;
	v15 =	vmul.f32 $2.000000030e-01, v17  }
0x53: {  	v10 =	vld [tilespmem:s22+$0x1B0];
	v14 =	vadd.f32 v11, v18;
	v18 =	vmul.f32 v12, v3  }
0x54: {  	v11 =	vld [tilespmem:s22+$0x180];
	v24 =	vmul.f32 $2.000000030e-01, v19;
	v23 =	vmax.f32 v17, v15;
	v15 =	vadd.f32 v20, v16  }
0x55: {  	v12 =	vld [tilespmem:s22+$0x4180];
	v17 =	vadd.f32 v18, v14;
	v18 =	vmul.f32 v23, v4  }
0x56: {  	s24 =	simm.s32 $0x400;
	v16 =	vadd.f32 v22, v21;
	v14 =	vld [tilespmem:s22+$0x190];
	v20 =	vmax.f32 v19, v24;
	v19 =	vmul.f32 $2.000000030e-01, v15  }
.LBB2_3:
0x57: {  	p0 =	sne.s32 s24, $0xFE00;
	v21 =	vld [tilespmem:s22+$0x4190];
	v17 =	vadd.f32 v18, v17;
	v18 =	vmul.f32 v20, v5  }
0x58: {  	v13 =	vadd.f32 v13, v9;
	v20 =	vld [tilespmem:s22+$0x1A0];
	v15 =	vmax.f32 v15, v19;
	v19 =	vmul.f32 $2.000000030e-01, v16  }
0x59: {  	v22 =	vld [tilespmem:s22+$0x41A0];
	v17 =	vadd.f32 v18, v17;
	v15 =	vmul.f32 v15, v6  }
0x5a: {  	v18 =	vld [tilespmem:s22+$0x41B0];
	v16 =	vmax.f32 v16, v19;
	v19 =	vmul.f32 $2.000000030e-01, v13  }
0x5b: {  	v9 =	vld [tilespmem:s22+$0x1F0];
	v15 =	vadd.f32 v15, v17;
	v16 =	vmul.f32 v16, v7  }
0x5c: {  	v11 =	vadd.f32 v12, v11;
	v12 =	vadd.f32 v21, v14;
	v14 =	vld [tilespmem:s22+$0x1C0];
	v13 =	vmax.f32 v13, v19  }
0x5d: {  	v17 =	vld [tilespmem:s22+$0x41C0];
	v15 =	vadd.f32 v16, v15;
	v13 =	vmul.f32 v13, v8  }
0x5e: {  	v16 =	vmul.f32 $2.000000030e-01, v11;
	v19 =	vmul.f32 $2.000000030e-01, v12;
	v20 =	vadd.f32 v22, v20;
	v21 =	vld [tilespmem:s22+$0x1D0]  }
0x5f: {  	v18 =	vadd.f32 v18, v10;
	v22 =	vld [tilespmem:s22+$0x41D0];
	v10 =	vadd.f32 v13, v15  }
0x60: {  	v11 =	vmax.f32 v11, v16;
	v12 =	vmax.f32 v12, v19;
	v13 =	vmul.f32 $2.000000030e-01, v20;
	v16 =	vld [tilespmem:s22+$0x1E0]  }
0x61: {  	v11 =	vmul.f32 v11, v1;
	v12 =	vmul.f32 v12, v2;
	v23 =	vld [tilespmem:s22+$0x41E0];
	[tilespmem:s23+$0x8180] =	vst v10;
	s23 =	smov.u32 s22  }
.Ltmp0:
0x62: {  	s22 =	sshra.s32 s24, $0x2;
	v19 =	vmul.f32 $2.000000030e-01, v18;
	v15 =	vmax.f32 v20, v13;
	v20 =	vadd.f32 v17, v14;
	v13 =	vld [tilespmem:s23+$0x41F0];
	(pc) =	sbr.rel @p0 .LBB2_3-.Ltmp0, $4  }
0x63: {  	v10 =	vld [tilespmem:s22+$0x1B0];
	v14 =	vadd.f32 v12, v11;
	v17 =	vmul.f32 v15, v3  }
0x64: {  	v18 =	vmax.f32 v18, v19;
	v11 =	vld [tilespmem:s22+$0x180];
	v19 =	vmul.f32 $2.000000030e-01, v20;
	v15 =	vadd.f32 v22, v21  }
0x65: {  	v18 =	vmul.f32 v18, v4;
	v12 =	vld [tilespmem:s22+$0x4180];
	v17 =	vadd.f32 v17, v14  }
0x66: {  	s24 =	sadd.s32 $0x200, s24;
	v14 =	vld [tilespmem:s22+$0x190];
	v20 =	vmax.f32 v20, v19;
	v19 =	vmul.f32 $2.000000030e-01, v15;
	v16 =	vadd.f32 v23, v16  }
0x67: {  	v21 =	vld [tilespmem:s22+$0x4190];
	v17 =	vadd.f32 v18, v17;
	v39 =	vmul.f32 v20, v5  }
0x68: {  	v40 =	vld [tilespmem:s22+$0x1A0];
	v9 =	vadd.f32 v13, v9;
	v15 =	vmax.f32 v15, v19  }
0x69: {  	v42 =	vld [tilespmem:s22+$0x41A0];
	v41 =	vmul.f32 $2.000000030e-01, v16;
	v17 =	vadd.f32 v39, v17;
	v15 =	vmul.f32 v15, v6  }
0x6a: {  	v43 =	vld [tilespmem:s22+$0x41B0];
	v44 =	vmul.f32 $2.000000030e-01, v9  }
0x6b: {  	v16 =	vmax.f32 v16, v41;
	v11 =	vadd.f32 v12, v11;
	v15 =	vadd.f32 v15, v17  }
0x6c: {  	v46 =	vld [tilespmem:s22+$0x1C0];
	v16 =	vmul.f32 v16, v7;
	v9 =	vmax.f32 v9, v44;
	v45 =	vadd.f32 v21, v14  }
0x6d: {  	v47 =	vld [tilespmem:s22+$0x41C0];
	v9 =	vmul.f32 v9, v8;
	v48 =	vmul.f32 $2.000000030e-01, v11  }
0x6e: {  	v50 =	vld [tilespmem:s22+$0x1D0];
	v13 =	vadd.f32 v42, v40;
	v15 =	vadd.f32 v16, v15;
	v49 =	vmul.f32 $2.000000030e-01, v45  }
0x6f: {  	v51 =	vld [tilespmem:s22+$0x41D0];
	v10 =	vadd.f32 v43, v10;
	v11 =	vmax.f32 v11, v48  }
0x70: {  	v53 =	vld [tilespmem:s22+$0x1E0];
	v52 =	vmul.f32 $2.000000030e-01, v13;
	v9 =	vadd.f32 v9, v15;
	v12 =	vmax.f32 v45, v49  }
0x71: {  	v54 =	vld [tilespmem:s22+$0x41E0];
	v11 =	vmul.f32 v11, v1;
	v12 =	vmul.f32 v12, v2  }
0x72: {  	v22 =	vld [tilespmem:s22+$0x1F0];
	v14 =	vadd.f32 v47, v46;
	v55 =	vmul.f32 $2.000000030e-01, v10;
	[tilespmem:s23+$0x8180] =	vst v9;
	v9 =	vmax.f32 v13, v52  }
0x73: {  	v56 =	vld [tilespmem:s22+$0x41F0];
	v9 =	vmul.f32 v9, v3;
	v11 =	vadd.f32 v12, v11  }
0x74: {  	v58 =	vadd.f32 v51, v50;
	v57 =	vmul.f32 $2.000000030e-01, v14;
	v10 =	vmax.f32 v10, v55  }
0x75: {  	v10 =	vmul.f32 v10, v4;
	v9 =	vadd.f32 v9, v11  }
0x76: {  	v60 =	vadd.f32 v54, v53;
	v59 =	vmul.f32 $2.000000030e-01, v58;
	v11 =	vmax.f32 v14, v57  }
0x77: {  	v9 =	vadd.f32 v10, v9;
	v10 =	vmul.f32 v11, v5  }
0x78: {  	v61 =	vmul.f32 $2.000000030e-01, v60;
	v11 =	vmax.f32 v58, v59;
	v62 =	vadd.f32 v56, v22  }
0x79: {  	v9 =	vadd.f32 v10, v9;
	v10 =	vmul.f32 v11, v6  }
0x7a: {  	v11 =	vmax.f32 v60, v61;
	v63 =	vmul.f32 $2.000000030e-01, v62  }
0x7b: {  	v9 =	vadd.f32 v10, v9;
	v10 =	vmul.f32 v11, v7  }
0x7c: {  	v11 =	vmax.f32 v62, v63  }
0x7d: {  	v9 =	vadd.f32 v10, v9;
	v10 =	vmul.f32 v11, v8;
	_ =	sdelay $0x1  }
0x7e: {  	s21 =	sadd.s32 s10, s21;
	s20 =	sadd.s32 $0x1, s20;
	v9 =	vadd.f32 v10, v9  }
0x7f: {  	s21 =	sshll.u32 s21, $0x4;
	p0 =	sne.s32 s20, $0x54  }
.Ltmp1:
0x80: {  	s21 =	sadd.s32 s7, s21;
	[tilespmem:s22+$0x8180] =	vst v9;
	(pc) =	sbr.rel @p0 .LBB2_2-.Ltmp1, $4  }
0x81: {  	[hbm4b:s21+s1] =	stream.linear.scatter [tilespmem:s18], [sflag:$0x1], $0x4000, $0x38;
	[tilespmem:$0xC200] =	vst v63  }
0x82: {  	_ =	swait.ge [sflag:s13], $0x4000  }
0x83: {  	[sflag:s13] =	ssyncset.done $0x0  }
0x84: {  	[sflag:s13] =	ssyncadd.s32 $0xFFFFC000  }
0x85: {  	s19 =	sadd.s32 $0x1, s19  }
0x86: {  	p0 =	sne.s32 s19, s11  }
.Ltmp2:
0x87: {  	_ = 	snop;
	(pc) =	sbr.rel @p0 .LBB2_1-.Ltmp2, $1  }
0x88: {  	_ =	sdelay $0x3  }
0x89: {  	_ =	sfence.sel $0x180000  }
0x8a: {  	[bflag:$0x0] =	sbarrier.arrive $0xFFFF  }
0x8b: {  	p0 =	sne.s32 s5, $0x0;
	_ =	strace $0x9000004D  }
0x8c: {  	s0 =	sadd.s32 @!p0 $0x100000, s0;
	[bflag:$0x2] =	sbarrier.arrive $0xFFFF  }
0x8d: {  	[sflag:s0] =	ssyncadd.tile.s32 @!p0 $0x1;
	_ =	shalt  }
.Lfunc_end2:
_tile_overlayer_lowered:
.L_overlay_start_2:
0x8e: {  	(tag) =	ssettag $0x2  }
0x8f: {  	s0 =	rddreg [dreg:$0x0];
	s2 =	stileid.u32  }
0x90: {  	s1 =	rddreg [dreg:$0x1];
	p0 =	sne.s32 s2, $0x0  }
0x91: {  	s3 =	rddreg [dreg:$0x2];
	[bflag:$0x3] =	sbarrier.arrive $0xFFFF;
	s2 =	simm.s32 @!p0 $0x1C01  }
0x92: {  	[timem:s3], [sflag:s2] =	dma.local @!p0 [hbm:s0], s1  }
0x93: {  	s0 =	simm.s32 @!p0 $0x1  }
0x94: {  	_ =	swait.ge @!p0 [sflag:s0], s1  }
0x95: {  	s1 =	ssub.s32 @!p0 $0x0, s1;
	[sflag:s0] =	ssyncset.done @!p0 $0x0  }
0x96: {  	[sflag:s0] =	ssyncadd.s32 @!p0 s1  }
0x97: {  	[bflag:$0x3] =	sbarrier.arrive $0xFFFF  }
0x98: {  	_ =	shalt  }

// kernel: kernel.27.cloned.1.call-start
scs
__scs_entry_jumppad:
0x0: {  	(pc) =	sbr.rel $0x88, $3  }
0x1: {  	(tag) =	ssettag $0x0;
	lr =	simm.s32 $0x1  }
0x2: {  	[smem:$0x3F88] =	sst lr;
	_ =	strace $0xD0000000  }
0x3: {  	_ = 	snop  }
0x4: {  	_ = 	snop  }
0x5: {  	_ = 	snop  }
0x6: {  	_ = 	snop  }
0x7: {  	_ = 	snop  }
__scs_overlays_trampoline_lowered:
0x8: {  	[smem:$0x3F97] =	sst s0  }
0x9: {  	[smem:$0x3F98] =	sst s1  }
0xa: {  	[smem:$0x3F99] =	sst s2  }
0xb: {  	[smem:$0x3F9A] =	sst s3  }
0xc: {  	[smem:$0x3F9B] =	sst s4  }
0xd: {  	[smem:$0x3F9C] =	sst s5  }
0xe: {  	[smem:$0x3F9D] =	sst s6  }
0xf: {  	[smem:$0x3F9E] =	sst s7  }
0x10: {  	[smem:$0x3F9F] =	sst s8  }
0x11: {  	[smem:$0x3FA0] =	sst s9;
	s0 =	simm.s32 @!p0 $0x0  }
0x12: {  	s1 =	sld [smem:$0x3F86];
	s0 =	simm.s32 @p0 $0x1  }
0x13: {  	[smem:$0x3FA1] =	sst s0;
	s0 =	simm.s32 @!p1 $0x0  }
0x14: {  	s2 =	sld [smem:$0x3F85];
	s0 =	simm.s32 @p1 $0x1  }
0x15: {  	[smem:$0x3FA2] =	sst s0;
	s0 =	simm.s32 @!p2 $0x0  }
0x16: {  	s3 =	sld [smem:$0x3FDB];
	s0 =	simm.s32 @p2 $0x1  }
0x17: {  	s4 =	simm.s32 $0x1BF5;
	[smem:$0x3FA4] =	sst s0  }
0x18: {  	s0 =	sld [smem:$0x3F87];
	_ =	swait.ge [sflag:s4], $0x0  }
0x19: {  	s7 =	sld [smem:$0x3F88]  }
0x1a: {  	s8 =	sadd.s32 $0xFFFFE003, lr  }
0x1b: {  	s9 =	sadd.s32 $0xFFFFFEF7, lr;
	s5 =	simm.s32 $0xFFFFFFFF;
	p2 =	slt.u32 s8, $0xFFFFF086  }
0x1c: {  	p1 =	slt.u32 s9, $0xF7A;
	s5 =	simm.s32 @!p2 $0x0  }
0x1d: {  	s5 =	simm.s32 @p1 $0x1;
	p0 =	seq.s32 s7, s2  }
0x1e: {  	s7 =	smul.u32 @!p0 $0xF7A, s2;
	p2 =	seq.s32 @!p0 s5, $0x0  }
0x1f: {  	s9 =	smul.u32 $0xF7A, s1;
	s8 =	simm.s32 @!p0 $0x1BF5;
	p2 =	por !p2, p0  }
0x20: {  	[sflag:s8] =	ssyncset.s32 @!p0 $0xFFFFF086;
	s6 =	sadd.s32 @!p0 s3, s7;
	s7 =	simm.s32 @!p0 $0x108  }
0x21: {  	s3 =	sadd.s32 s3, s9;
	s6 =	sadd.s32 @!p0 $0x88, s6;
	s7 =	simm.s32 @p2 $0x1082  }
0x22: {  	[simem:s7], [sflag:s8] =	dma.local @!p0 [hbm:s6], $0xF7A  }
0x23: {  	s9 =	sor.u32 $0xD0000000, s2;
	s6 =	simm.s32 $0x108;
	_ =	swait.ge @!p0 [sflag:s8], $0x0  }
0x24: {  	s3 =	sadd.s32 $0x88, s3;
	s6 =	simm.s32 @!p1 $0x1082;
	[sflag:s4] =	ssyncset.s32 $0xFFFFF086  }
0x25: {  	[simem:s6], [sflag:s4] =	dma.local [hbm:s3], $0xF7A  }
0x26: {  	[smem:$0x3F88] =	sst s1;
	(tag) =	ssettag s2;
	_ =	strace s9  }
0x27: {  	s1 =	sld [smem:$0x3F98]  }
0x28: {  	s2 =	sld [smem:$0x3F99]  }
0x29: {  	s4 =	sld [smem:$0x3F9B]  }
0x2a: {  	p0 =	seq.s32 s5, $0x0;
	s5 =	sld [smem:$0x3F9C]  }
0x2b: {  	s6 =	sld [smem:$0x3F9D]  }
0x2c: {  	s7 =	sld [smem:$0x3F9E]  }
0x2d: {  	s3 =	simm.s32 $0x108;
	s8 =	sld [smem:$0x3F9F]  }
0x2e: {  	s3 =	simm.s32 @!p0 $0x1082;
	s9 =	sld [smem:$0x3FA0]  }
0x2f: {  	lr =	sadd.s32 s0, s3;
	s0 =	sld [smem:$0x3F97]  }
0x30: {  	s3 =	sld [smem:$0x3F9A]  }
0x31: {  	[smem:$0x3FA3] =	sst s10  }
0x32: {  	s10 =	sld [smem:$0x3FA1];
	_ =	sdelay $0x3  }
0x33: {  	p0 =	seq.s32 s10, $0x1;
	s10 =	sld [smem:$0x3FA3];
	_ =	sdelay $0x3  }
0x34: {  	[smem:$0x3FA3] =	sst s10  }
0x35: {  	s10 =	sld [smem:$0x3FA2];
	_ =	sdelay $0x3  }
0x36: {  	p1 =	seq.s32 s10, $0x1;
	s10 =	sld [smem:$0x3FA3];
	_ =	sdelay $0x3  }
0x37: {  	[smem:$0x3FA3] =	sst s10  }
0x38: {  	s10 =	sld [smem:$0x3FA4]  }
0x39: {  	_ = 	snop;
	(pc) =	sbr.ind lr, $3  }
0x3a: {  	_ = 	snop  }
0x3b: {  	_ = 	snop  }
0x3c: {  	p2 =	seq.s32 s10, $0x1;
	s10 =	sld [smem:$0x3FA3]  }
0x3d: {  	_ =	shalt  }
0x3e: {  	_ =	shalt  }
0x3f: {  	_ =	shalt  }
0x40: {  	_ =	shalt  }
0x41: {  	_ =	shalt  }
0x42: {  	_ =	shalt  }
0x43: {  	_ =	shalt  }
0x44: {  	_ =	shalt  }
0x45: {  	_ =	shalt  }
0x46: {  	_ =	shalt  }
0x47: {  	_ =	shalt  }
0x48: {  	_ =	shalt  }
0x49: {  	_ =	shalt  }
0x4a: {  	_ =	shalt  }
0x4b: {  	_ =	shalt  }
0x4c: {  	_ =	shalt  }
0x4d: {  	_ =	shalt  }
0x4e: {  	_ =	shalt  }
0x4f: {  	_ =	shalt  }
0x50: {  	_ =	shalt  }
0x51: {  	_ =	shalt  }
0x52: {  	_ =	shalt  }
0x53: {  	_ =	shalt  }
0x54: {  	_ =	shalt  }
0x55: {  	_ =	shalt  }
0x56: {  	_ =	shalt  }
0x57: {  	_ =	shalt  }
0x58: {  	_ =	shalt  }
0x59: {  	_ =	shalt  }
0x5a: {  	_ =	shalt  }
0x5b: {  	_ =	shalt  }
0x5c: {  	_ =	shalt  }
0x5d: {  	_ =	shalt  }
0x5e: {  	_ =	shalt  }
0x5f: {  	_ =	shalt  }
0x60: {  	_ =	shalt  }
0x61: {  	_ =	shalt  }
0x62: {  	_ =	shalt  }
0x63: {  	_ =	shalt  }
0x64: {  	_ =	shalt  }
0x65: {  	_ =	shalt  }
0x66: {  	_ =	shalt  }
0x67: {  	_ =	shalt  }
0x68: {  	_ =	shalt  }
0x69: {  	_ =	shalt  }
0x6a: {  	_ =	shalt  }
0x6b: {  	_ =	shalt  }
0x6c: {  	_ =	shalt  }
0x6d: {  	_ =	shalt  }
0x6e: {  	_ =	shalt  }
0x6f: {  	_ =	shalt  }
0x70: {  	_ =	shalt  }
0x71: {  	_ =	shalt  }
0x72: {  	_ =	shalt  }
0x73: {  	_ =	shalt  }
0x74: {  	_ =	shalt  }
0x75: {  	_ =	shalt  }
0x76: {  	_ =	shalt  }
0x77: {  	_ =	shalt  }
0x78: {  	_ =	shalt  }
0x79: {  	_ =	shalt  }
0x7a: {  	_ =	shalt  }
0x7b: {  	_ =	shalt  }
0x7c: {  	_ =	shalt  }
0x7d: {  	_ =	shalt  }
0x7e: {  	_ =	shalt  }
0x7f: {  	_ =	shalt  }
0x80: {  	_ =	shalt  }
0x81: {  	_ =	shalt  }
0x82: {  	_ =	shalt  }
0x83: {  	_ =	shalt  }
0x84: {  	_ =	shalt  }
0x85: {  	_ =	shalt  }
0x86: {  	_ =	shalt  }
0x87: {  	_ =	shalt  }
.Lfunc_end0:
.L_simem_size_0:
called_computation.3_lowered:
.L_overlay_start_0:
0x88: {  	s2 =	sld [smem:$0x3FD9]  }
0x89: {  	s3 =	sld [smem:$0x3FFE];
	_ =	sdelay $0x1  }
0x8a: {  	s1 =	srdreg.scid  }
0x8b: {  	s0 =	sand.u32 $0x1, s1  }
0x8c: {  	s17 =	sshll.u32 s0, $0xA;
	s2 =	sadd.s32 s3, s2  }
0x8d: {  	s2 =	sadd.s32 s2, s17  }
0x8e: {  	[smem:$0x3FAF] =	sst s2  }
0x8f: {  	_ = 	snop  }
0x90: {  	s2 =	sld [smem:$0x3FD0];
	(tm) =	ssettm $0x1  }
0x91: {  	s18 =	sld [smem:$0x3FFB];
	_ =	sdelay $0x3  }
0x92: {  	_ =	strace s18  }
0x93: {  	s3 =	sld [smem:$0x3FFC];
	_ =	sdelay $0x3  }
0x94: {  	_ =	strace s3  }
0x95: {  	s3 =	sld [smem:$0x3FFD];
	_ =	sdelay $0x3  }
0x96: {  	_ =	strace s3  }
0x97: {  	_ =	strace $0x8FFFFFFF  }
0x98: {  	s19 =	sld [smem:$0x3FDB];
	_ =	sdelay $0x1  }
0x99: {  	s4 =	simm.s32 $_scs_section_size  }
0x9a: {  	s5 =	simm.s32 $_size__tile_overlayer_lowered;
	s6 =	simm.s32 $_tile_overlayer_lowered  }
0x9b: {  	s22 =	simm.s32 $0x1BFF;
	s21 =	sshll.u32 s6, $0x1;
	s3 =	sadd.s32 s4, s19  }
0x9c: {  	s7 =	simm.s32 $0x0;
	s20 =	sshll.u32 s5, $0x1;
	s5 =	sadd.s32 s21, s3  }
0x9d: {  	[timem:s7], [sflag:s22] =	dma.local [hbm:s5], s20  }
0x9e: {  	_ =	swait.ge [sflag:s22], s20  }
0x9f: {  	s4 =	ssub.s32 $0x0, s20;
	[sflag:s22] =	ssyncset.done $0x0  }
0xa0: {  	[sflag:s22] =	ssyncadd.s32 s4;
	_ =	sdelay $0x1  }
0xa1: {  	s23 =	simm.s32 $0x1B8B  }
0xa2: {  	_ =	swait.ge [sflag:s23], $0x1  }
0xa3: {  	[sflag:s23] =	ssyncset.done $0x0  }
0xa4: {  	s25 =	simm.s32 $0x1B8E;
	s24 =	sld [smem:$0x3FFE];
	[sflag:s23] =	ssyncadd.s32 $0xFFFFFFFF  }
0xa5: {  	s26 =	simm.s32 $execute0_lowered;
	[smem:$0x3FD2] =	sst s25  }
0xa6: {  	s5 =	sshll.u32 s26, $0x1;
	_ =	strace $0x8000004F;
	[dreg:$0x1] =	wrdreg $0xFFFFFFFF  }
0xa7: {  	s28 =	simm.s32 $_size_execute0_lowered;
	s3 =	sadd.s32 s3, s5;
	[dreg:$0x0] =	wrdreg $0x0  }
0xa8: {  	s5 =	sshll.u32 s28, $0x1;
	[dreg:$0x2] =	wrdreg s3  }
0xa9: {  	[dreg:$0x3] =	wrdreg s5  }
0xaa: {  	[dreg:$0x4] =	wrdreg $0xC0  }
0xab: {  	_ =	task [dreg:s7], $0x5FFFF  }
0xac: {  	[dreg:$0x1] =	wrdreg $0xFFFFFFFF  }
0xad: {  	[dreg:$0x0] =	wrdreg $0x60  }
0xae: {  	[dreg:$0x2] =	wrdreg s24  }
0xaf: {  	[dreg:$0x3] =	wrdreg s2  }
0xb0: {  	[dreg:$0x4] =	wrdreg $0x9  }
0xb1: {  	_ =	task.clear_ibuf [dreg:s7], $0x5FFFF;
	_ =	strace $0x9000004F  }
0xb2: {  	s29 =	simm.s32 $0x9;
	_ =	strace $0x80000051  }
0xb3: {  	_ =	swait.ge [sflag:s29], $0x1  }
0xb4: {  	[sflag:s29] =	ssyncadd.s32 $0xFFFFFFFF  }
0xb5: {  	_ =	strace $0x90000051  }
0xb6: {  	_ =	sfence  }
0xb7: {  	s30 =	sld [smem:$0x0];
	_ =	sdelay $0x2  }
0xb8: {  	s31 =	sshll.u32 s1, $0xD;
	s1 =	sshrl.u32 s1, $0x2  }
0xb9: {  	s3 =	sand.u32 $0x4000, s31;
	s1 =	sadd.s32 s1, s30  }
0xba: {  	s0 =	sor.u32 s3, s0;
	s1 =	sshll.u32 s1, $0x11  }
0xbb: {  	s0 =	sor.u32 s1, s0  }
0xbc: {  	s0 =	sadd.s32 $0x8F2B, s0  }
0xbd: {  	[sflag:s0] =	ssyncadd.remote.s32 $0x1  }
0xbe: {  	_ =	sfence.sel $0xFFFF  }
0xbf: {  	[dreg:$0x0] =	wrdreg $0xFFFFFFFF;
	(pc) =	sbr.abs _section_cstart, $3  }
0xc0: {  	[dreg:$0x1] =	wrdreg $0xFFFFFFFF  }
0xc1: {  	_ =	task.clear_ibuf [dreg:s7], $0x2FFFF;
	_ =	strace $0x9FFFFFFF  }
0xc2: {  	(tm) =	ssettm $0x7FFFFFFF  }
0xc3: {  	_ =	shalt  }
tec
execute0_lowered:
.L_overlay_start_1:
0x0: {  	(tag) =	ssettag $0x1  }
0x1: {  	s8 =	rddreg [dreg:$0x0]  }
0x2: {  	s1 =	rddreg [dreg:$0x1]  }
0x3: {  	s0 =	rddreg [dreg:$0x2];
	s2 =	simm.s32 $0x0  }
0x4: {  	s3 =	srdreg.scid;
	s13 =	simm.s32 $0x80;
	s14 =	simm.s32 $0x200  }
0x5: {  	s15 =	simm.s32 $0xA00;
	s16 =	simm.s32 $0x14A00;
	s17 =	simm.s32 $0x0  }
0x6: {  	[smem:$0x7FF] =	sst s2;
	s9 =	sand.u32 $0x1, s3;
	s3 =	stileid.u32  }
0x7: {  	s4 =	sadd.s32 $0x11200, s8;
	s5 =	sadd.s32 $0x6A00, s8;
	_ =	strace $0x80000050  }
0x8: {  	s6 =	sshll.u32 s9, $0x4;
	s11 =	ssub.s32 $0x2, s9;
	s9 =	smul.u32 $0x14000, s9  }
0x9: {  	s30 =	sshrl.u32 s3, $0x1;
	s31 =	sand.u32 $0x1, s3;
	s7 =	sor.u32 s3, s6  }
0xa: {  	v3 =	vlaneseq.u32;
	s6 =	sadd.s32 $0xBE00, s8;
	s12 =	sshrl.u32 s11, $0x1;
	s10 =	smul.u32 $0x2800, s7  }
0xb: {  	vm1 =	vcmask $0x300;
	v2 =	vshrl.u32 v3, $0x3;
	v1 =	vmov s31;
	s7 =	sadd.s32 $0x61200, s8;
	s29 =	ssub.s32 s11, s12;
	s9 =	sor.u32 s30, s9  }
0xc: {  	v3 =	vand.u32 $0x7, v3;
	s11 =	simm.s32 $0x100;
	s12 =	simm.s32 $0x180;
	vm0 =	veq.s32 v1, v2;
	v2 =	vimm.s32 $0x0;
	s8 =	sadd.s32 s10, s8  }
0xd: {  	v1 =	vimm.f32 $0.0e+00;
	v0 =	vmov s9;
	s9 =	smax.u32 s29, $0x1;
	v2 =	vsel vm1, $0x3, v2;
	s10 =	simm.s32 $0x1;
	s8 =	sadd.s32 $0x66600, s8  }
.LBB2_1:
0xe: {  	s18 =	simm.s32 $0x40;
	s19 =	simm.s32 $0x0  }
.LBB2_2:
0xf: {  	p0 =	sne.s32 s18, $0x4FFC0;
	[tilespmem:s19+$0xA00] =	vst v1;
	s19 =	smov.u32 s18;
	s18 =	sadd.s32 $0x40, s18  }
.Ltmp0:
0x10: {  	(pc) =	sbr.rel @p0 .LBB2_2-.Ltmp0, $2  }
0x11: {  	_ =	sdelay $0x2  }
0x12: {  	s19 =	sshra.s32 s19, $0x2  }
0x13: {  	[tilespmem:s19+$0xA00] =	vst v1;
	s18 =	simm.s32 $0x0;
	s19 =	simm.s32 $0x40;
	s20 =	simm.s32 $0x0  }
.LBB2_4:
0x14: {  	p0 =	sne.s32 s19, $0x9FC0;
	[tilespmem:s20+$0x14A00] =	vst v1;
	s20 =	smov.u32 s19;
	s19 =	sadd.s32 $0x40, s19  }
.Ltmp1:
0x15: {  	(pc) =	sbr.rel @p0 .LBB2_4-.Ltmp1, $2  }
0x16: {  	_ =	sdelay $0x2  }
0x17: {  	s20 =	sshra.s32 s20, $0x2  }
0x18: {  	[tilespmem:s20+$0x14A00] =	vst v1  }
.LBB2_6:
0x19: {  	s19 =	sshll.u32 s18, $0x4  }
0x1a: {  	s21 =	simm.s32 $0x0;
	s20 =	sadd.s32 s5, s19  }
0x1b: {  	[tilespmem:s21], [sflag:$0x1] =	stream.linear.gather [hbm4b:s20+s21], $0x80, $0x38;
	[tilespmem:$0x17200] =	vst v63  }
0x1c: {  	_ =	swait.ge [sflag:s10], $0x80  }
0x1d: {  	[sflag:s10] =	ssyncset.done $0x0  }
0x1e: {  	s30 =	sadd.s32 s6, s19;
	[sflag:s10] =	ssyncadd.s32 $0xFFFFFF80  }
0x1f: {  	[tilespmem:s11], [sflag:$0x1] =	stream.linear.gather [hbm4b:s30+s21], $0x80, $0x38;
	[tilespmem:$0x17200] =	vst v63  }
0x20: {  	_ =	swait.ge [sflag:s10], $0x80  }
0x21: {  	[sflag:s10] =	ssyncset.done $0x0  }
0x22: {  	s19 =	sadd.s32 s7, s19;
	[sflag:s10] =	ssyncadd.s32 $0xFFFFFF80  }
0x23: {  	[tilespmem:s12], [sflag:$0x1] =	stream.linear.gather [hbm4b:s19+s21], $0x80, $0x38;
	[tilespmem:$0x17200] =	vst v63  }
0x24: {  	_ =	swait.ge [sflag:s10], $0x80  }
0x25: {  	[sflag:s10] =	ssyncset.done $0x0  }
0x26: {  	[sflag:s10] =	ssyncadd.s32 $0xFFFFFF80  }
0x27: {  	v4 =	vld [tilespmem:$0x0]  }
0x28: {  	v5 =	vld [tilespmem:$0x10]  }
0x29: {  	v6 =	vld [tilespmem:$0x20]  }
0x2a: {  	v7 =	vld [tilespmem:$0x30]  }
0x2b: {  	v8 =	vld [tilespmem:$0x40]  }
0x2c: {  	v9 =	vld [tilespmem:$0x50];
	v4 =	vshll.u32 v4, $0x3  }
0x2d: {  	v10 =	vld [tilespmem:$0x60];
	v5 =	vshll.u32 v5, $0x3;
	v4 =	vadd.s32 v0, v4  }
0x2e: {  	[tilespmem:$0x80] =	vst v4;
	v4 =	vadd.s32 v0, v5;
	v5 =	vshll.u32 v6, $0x3;
	v6 =	vld [tilespmem:$0x70]  }
0x2f: {  	[tilespmem:$0x90] =	vst v4;
	v4 =	vadd.s32 v0, v5;
	v5 =	vshll.u32 v7, $0x3  }
0x30: {  	[tilespmem:$0xA0] =	vst v4;
	v4 =	vadd.s32 v0, v5;
	v5 =	vshll.u32 v8, $0x3  }
0x31: {  	[tilespmem:$0xB0] =	vst v4;
	v4 =	vadd.s32 v0, v5;
	v5 =	vshll.u32 v9, $0x3  }
0x32: {  	[tilespmem:$0xC0] =	vst v4;
	v4 =	vadd.s32 v0, v5;
	v5 =	vshll.u32 v10, $0x3  }
0x33: {  	[tilespmem:$0xD0] =	vst v4;
	v4 =	vadd.s32 v0, v5;
	v5 =	vshll.u32 v6, $0x3  }
0x34: {  	[tilespmem:$0xE0] =	vst v4;
	v4 =	vadd.s32 v0, v5  }
0x35: {  	[tilespmem:$0xF0] =	vst v4  }
0x36: {  	[tilespmem:s14], [sflag:$0x1] =	stream.indirect.gather [hbm4b:s4+s13], $0x10, s13, s13, $0xb8;
	[tilespmem:$0x17200] =	vst v63  }
0x37: {  	_ =	swait.ge [sflag:s10], $0x800  }
0x38: {  	[sflag:s10] =	ssyncset.done $0x0  }
0x39: {  	s31 =	simm.s32 $0x0;
	[sflag:s10] =	ssyncadd.s32 $0xFFFFF800  }
0x3a: {  	v4 =	vld [tilespmem:s31+$0x100];
	_ =	sdelay $0x4  }
0x3b: {  	v6 =	vshll.u32 v4, $0x3  }
0x3c: {  	v5 =	vld [tilespmem:s31+$0x180];
	v7 =	vshrl.u32 v6, $0x3  }
0x3d: {  	s19 =	simm.s32 $0x280;
	v7 =	vshll.u32 v7, v2  }
0x3e: {  	v20 =	vld [tilespmem:s19+$0xFFFFFF80];
	v7 =	vbroadcast v7, $0x0;
	_ =	sdelay $0x1  }
0x3f: {  	v21 =	vbroadcast v4, $0x0;
	v7 =	vor.u32 v3, v7  }
0x40: {  	v22 =	vbroadcast v5, $0x0;
	_ =	sdelay $0x1  }
0x41: {  	v11 =	vbroadcast v6, $0x1;
	v8 =	vmul.f32 v22, v20;
	_ =	sdelay $0x1  }
0x42: {  	v11 =	vshrl.u32 v11, $0x3;
	[tilespmem:v7+s15+$0x0] =	vst.idx.add.f32.msk vm0, v8  }
0x43: {  	v7 =	vshll.u32 v11, v2;
	[tilespmem:v21+s16+$0x0] =	vst.idx.add.f32.msk $0x1, v22  }
0x44: {  	v7 =	vbroadcast v7, $0x0;
	v8 =	vld [tilespmem:s19+$0xFFFFFF90];
	_ =	sdelay $0x1  }
0x45: {  	v23 =	vbroadcast v4, $0x1;
	v7 =	vor.u32 v3, v7  }
0x46: {  	v24 =	vbroadcast v5, $0x1;
	_ =	sdelay $0x1  }
0x47: {  	v25 =	vbroadcast v6, $0x2;
	v8 =	vmul.f32 v8, v24;
	_ =	sdelay $0x1  }
0x48: {  	v11 =	vshrl.u32 v25, $0x3;
	[tilespmem:v7+s15+$0x0] =	vst.idx.add.f32.msk vm0, v8  }
0x49: {  	v7 =	vshll.u32 v11, v2;
	[tilespmem:v23+s16+$0x0] =	vst.idx.add.f32.msk $0x1, v24  }
0x4a: {  	v7 =	vbroadcast v7, $0x0;
	v8 =	vld [tilespmem:s19+$0xFFFFFFA0];
	_ =	sdelay $0x1  }
0x4b: {  	v26 =	vbroadcast v4, $0x2;
	v7 =	vor.u32 v3, v7  }
0x4c: {  	v27 =	vbroadcast v5, $0x2;
	_ =	sdelay $0x1  }
0x4d: {  	v28 =	vbroadcast v6, $0x3;
	v8 =	vmul.f32 v8, v27;
	_ =	sdelay $0x1  }
0x4e: {  	v11 =	vshrl.u32 v28, $0x3;
	[tilespmem:v7+s15+$0x0] =	vst.idx.add.f32.msk vm0, v8  }
0x4f: {  	v7 =	vshll.u32 v11, v2;
	[tilespmem:v26+s16+$0x0] =	vst.idx.add.f32.msk $0x1, v27  }
0x50: {  	v7 =	vbroadcast v7, $0x0;
	v8 =	vld [tilespmem:s19+$0xFFFFFFB0];
	_ =	sdelay $0x1  }
0x51: {  	v29 =	vbroadcast v4, $0x3;
	v7 =	vor.u32 v3, v7  }
0x52: {  	v30 =	vbroadcast v5, $0x3;
	_ =	sdelay $0x1  }
0x53: {  	v31 =	vbroadcast v6, $0x4;
	v8 =	vmul.f32 v8, v30;
	_ =	sdelay $0x1  }
0x54: {  	v11 =	vshrl.u32 v31, $0x3;
	[tilespmem:v7+s15+$0x0] =	vst.idx.add.f32.msk vm0, v8  }
0x55: {  	v7 =	vshll.u32 v11, v2;
	[tilespmem:v29+s16+$0x0] =	vst.idx.add.f32.msk $0x1, v30  }
0x56: {  	v7 =	vbroadcast v7, $0x0;
	v8 =	vld [tilespmem:s19+$0xFFFFFFC0];
	_ =	sdelay $0x1  }
0x57: {  	v32 =	vbroadcast v4, $0x4;
	v7 =	vor.u32 v3, v7  }
0x58: {  	v33 =	vbroadcast v5, $0x4;
	_ =	sdelay $0x1  }
0x59: {  	v34 =	vbroadcast v6, $0x5;
	v8 =	vmul.f32 v8, v33;
	_ =	sdelay $0x1  }
0x5a: {  	v11 =	vshrl.u32 v34, $0x3;
	[tilespmem:v7+s15+$0x0] =	vst.idx.add.f32.msk vm0, v8  }
0x5b: {  	v7 =	vshll.u32 v11, v2;
	[tilespmem:v32+s16+$0x0] =	vst.idx.add.f32.msk $0x1, v33  }
0x5c: {  	v7 =	vbroadcast v7, $0x0;
	v8 =	vld [tilespmem:s19+$0xFFFFFFD0];
	_ =	sdelay $0x1  }
0x5d: {  	v35 =	vbroadcast v4, $0x5;
	v7 =	vor.u32 v3, v7  }
0x5e: {  	v36 =	vbroadcast v5, $0x5;
	_ =	sdelay $0x1  }
0x5f: {  	v37 =	vbroadcast v6, $0x6;
	v8 =	vmul.f32 v8, v36;
	_ =	sdelay $0x1  }
0x60: {  	v11 =	vshrl.u32 v37, $0x3;
	[tilespmem:v7+s15+$0x0] =	vst.idx.add.f32.msk vm0, v8  }
0x61: {  	v7 =	vshll.u32 v11, v2;
	[tilespmem:v35+s16+$0x0] =	vst.idx.add.f32.msk $0x1, v36  }
0x62: {  	v7 =	vbroadcast v7, $0x0;
	v8 =	vld [tilespmem:s19+$0xFFFFFFE0];
	_ =	sdelay $0x1  }
0x63: {  	v38 =	vbroadcast v4, $0x6;
	v7 =	vor.u32 v3, v7  }
0x64: {  	v39 =	vbroadcast v5, $0x6;
	_ =	sdelay $0x1  }
0x65: {  	v40 =	vbroadcast v6, $0x7;
	v8 =	vmul.f32 v8, v39;
	_ =	sdelay $0x1  }
0x66: {  	v11 =	vshrl.u32 v40, $0x3;
	[tilespmem:v7+s15+$0x0] =	vst.idx.add.f32.msk vm0, v8  }
0x67: {  	v7 =	vshll.u32 v11, v2;
	[tilespmem:v38+s16+$0x0] =	vst.idx.add.f32.msk $0x1, v39  }
0x68: {  	v7 =	vbroadcast v7, $0x0;
	v8 =	vld [tilespmem:s19+$0xFFFFFFF0];
	_ =	sdelay $0x1  }
0x69: {  	v41 =	vbroadcast v4, $0x7;
	v7 =	vor.u32 v3, v7  }
0x6a: {  	v42 =	vbroadcast v5, $0x7;
	_ =	sdelay $0x1  }
0x6b: {  	v43 =	vbroadcast v6, $0x8;
	v8 =	vmul.f32 v8, v42;
	_ =	sdelay $0x1  }
0x6c: {  	v11 =	vshrl.u32 v43, $0x3;
	[tilespmem:v7+s15+$0x0] =	vst.idx.add.f32.msk vm0, v8  }
0x6d: {  	v7 =	vshll.u32 v11, v2;
	[tilespmem:v41+s16+$0x0] =	vst.idx.add.f32.msk $0x1, v42  }
0x6e: {  	v7 =	vbroadcast v7, $0x0;
	v8 =	vld [tilespmem:s19+$0x0];
	_ =	sdelay $0x1  }
0x6f: {  	v44 =	vbroadcast v4, $0x8;
	v7 =	vor.u32 v3, v7  }
0x70: {  	v45 =	vbroadcast v5, $0x8;
	_ =	sdelay $0x1  }
0x71: {  	v46 =	vbroadcast v6, $0x9;
	v8 =	vmul.f32 v8, v45;
	_ =	sdelay $0x1  }
0x72: {  	v11 =	vshrl.u32 v46, $0x3;
	[tilespmem:v7+s15+$0x0] =	vst.idx.add.f32.msk vm0, v8  }
0x73: {  	v7 =	vshll.u32 v11, v2;
	[tilespmem:v44+s16+$0x0] =	vst.idx.add.f32.msk $0x1, v45  }
0x74: {  	v7 =	vbroadcast v7, $0x0;
	v8 =	vld [tilespmem:s19+$0x10];
	_ =	sdelay $0x1  }
0x75: {  	v47 =	vbroadcast v4, $0x9;
	v7 =	vor.u32 v3, v7  }
0x76: {  	v48 =	vbroadcast v5, $0x9;
	_ =	sdelay $0x1  }
0x77: {  	v49 =	vbroadcast v6, $0xA;
	v8 =	vmul.f32 v8, v48;
	_ =	sdelay $0x1  }
0x78: {  	v11 =	vshrl.u32 v49, $0x3;
	[tilespmem:v7+s15+$0x0] =	vst.idx.add.f32.msk vm0, v8  }
0x79: {  	v7 =	vshll.u32 v11, v2;
	[tilespmem:v47+s16+$0x0] =	vst.idx.add.f32.msk $0x1, v48  }
0x7a: {  	v7 =	vbroadcast v7, $0x0;
	v8 =	vld [tilespmem:s19+$0x20];
	_ =	sdelay $0x1  }
0x7b: {  	v50 =	vbroadcast v4, $0xA;
	v7 =	vor.u32 v3, v7  }
0x7c: {  	v51 =	vbroadcast v5, $0xA;
	_ =	sdelay $0x1  }
0x7d: {  	v52 =	vbroadcast v6, $0xB;
	v8 =	vmul.f32 v8, v51;
	_ =	sdelay $0x1  }
0x7e: {  	v11 =	vshrl.u32 v52, $0x3;
	[tilespmem:v7+s15+$0x0] =	vst.idx.add.f32.msk vm0, v8  }
0x7f: {  	v7 =	vshll.u32 v11, v2;
	[tilespmem:v50+s16+$0x0] =	vst.idx.add.f32.msk $0x1, v51  }
0x80: {  	v7 =	vbroadcast v7, $0x0;
	v8 =	vld [tilespmem:s19+$0x30];
	_ =	sdelay $0x1  }
0x81: {  	v53 =	vbroadcast v4, $0xB;
	v7 =	vor.u32 v3, v7  }
0x82: {  	v54 =	vbroadcast v5, $0xB;
	_ =	sdelay $0x1  }
0x83: {  	v55 =	vbroadcast v6, $0xC;
	v8 =	vmul.f32 v8, v54;
	_ =	sdelay $0x1  }
0x84: {  	v11 =	vshrl.u32 v55, $0x3;
	[tilespmem:v7+s15+$0x0] =	vst.idx.add.f32.msk vm0, v8  }
0x85: {  	v7 =	vshll.u32 v11, v2;
	[tilespmem:v53+s16+$0x0] =	vst.idx.add.f32.msk $0x1, v54  }
0x86: {  	v7 =	vbroadcast v7, $0x0;
	v8 =	vld [tilespmem:s19+$0x40];
	_ =	sdelay $0x1  }
0x87: {  	v56 =	vbroadcast v4, $0xC;
	v7 =	vor.u32 v3, v7  }
0x88: {  	v57 =	vbroadcast v5, $0xC;
	_ =	sdelay $0x1  }
0x89: {  	v58 =	vbroadcast v6, $0xD;
	v8 =	vmul.f32 v8, v57;
	_ =	sdelay $0x1  }
0x8a: {  	v11 =	vshrl.u32 v58, $0x3;
	[tilespmem:v7+s15+$0x0] =	vst.idx.add.f32.msk vm0, v8  }
0x8b: {  	v7 =	vshll.u32 v11, v2;
	[tilespmem:v56+s16+$0x0] =	vst.idx.add.f32.msk $0x1, v57  }
0x8c: {  	v7 =	vbroadcast v7, $0x0;
	v8 =	vld [tilespmem:s19+$0x50];
	_ =	sdelay $0x1  }
0x8d: {  	v59 =	vbroadcast v4, $0xD;
	v7 =	vor.u32 v3, v7  }
0x8e: {  	v60 =	vbroadcast v5, $0xD;
	_ =	sdelay $0x1  }
0x8f: {  	v61 =	vbroadcast v6, $0xE;
	v8 =	vmul.f32 v8, v60;
	_ =	sdelay $0x1  }
0x90: {  	v11 =	vshrl.u32 v61, $0x3;
	[tilespmem:v7+s15+$0x0] =	vst.idx.add.f32.msk vm0, v8  }
0x91: {  	v7 =	vshll.u32 v11, v2;
	[tilespmem:v59+s16+$0x0] =	vst.idx.add.f32.msk $0x1, v60  }
0x92: {  	v7 =	vbroadcast v7, $0x0;
	v8 =	vld [tilespmem:s19+$0x60];
	_ =	sdelay $0x1  }
0x93: {  	v62 =	vbroadcast v4, $0xE;
	v7 =	vor.u32 v3, v7  }
0x94: {  	v63 =	vbroadcast v5, $0xE;
	_ =	sdelay $0x1  }
0x95: {  	v6 =	vbroadcast v6, $0xF;
	v8 =	vmul.f32 v8, v63;
	_ =	sdelay $0x1  }
0x96: {  	v6 =	vshrl.u32 v6, $0x3;
	[tilespmem:v7+s15+$0x0] =	vst.idx.add.f32.msk vm0, v8  }
0x97: {  	v6 =	vshll.u32 v6, v2;
	[tilespmem:v62+s16+$0x0] =	vst.idx.add.f32.msk $0x1, v63  }
0x98: {  	v6 =	vbroadcast v6, $0x0;
	v7 =	vld [tilespmem:s19+$0x70];
	_ =	sdelay $0x1  }
0x99: {  	v6 =	vor.u32 v3, v6  }
0x9a: {  	v5 =	vbroadcast v5, $0xF;
	v4 =	vbroadcast v4, $0xF;
	_ =	sdelay $0x1  }
0x9b: {  	v7 =	vmul.f32 v7, v5;
	_ =	sdelay $0x1  }
0x9c: {  	s22 =	simm.s32 $0x80;
	s20 =	simm.s32 $0x40;
	[tilespmem:v6+s15+$0x0] =	vst.idx.add.f32.msk vm0, v7  }
.LBB2_7:
0x9d: {  	s23 =	sshra.s32 s20, $0x2  }
0x9e: {  	[tilespmem:v4+s16+$0x0] =	vst.idx.add.f32.msk $0x1, v5;
	s19 =	sadd.s32 $0x100, s19;
	s20 =	smov.u32 s22;
	s21 =	sadd.s32 $0x40, s22  }
0x9f: {  	p0 =	sne.s32 s22, $0x1C0;
	v4 =	vld [tilespmem:s23+$0x100];
	_ =	sdelay $0x4  }
0xa0: {  	v6 =	vshll.u32 v4, $0x3  }
0xa1: {  	v5 =	vld [tilespmem:s23+$0x180];
	v7 =	vshrl.u32 v6, $0x3;
	v8 =	vbroadcast v6, $0x1;
	v9 =	vbroadcast v6, $0x2  }
0xa2: {  	v10 =	vbroadcast v6, $0x3;
	v11 =	vbroadcast v6, $0x4;
	v7 =	vshll.u32 v7, v2  }
0xa3: {  	v12 =	vld [tilespmem:s19+$0xFFFFFF80];
	v7 =	vbroadcast v7, $0x0;
	v8 =	vshrl.u32 v8, $0x3;
	v9 =	vshrl.u32 v9, $0x3  }
0xa4: {  	v10 =	vshrl.u32 v10, $0x3;
	v8 =	vshll.u32 v8, v2;
	v9 =	vshll.u32 v9, v2  }
0xa5: {  	v13 =	vbroadcast v4, $0x0;
	v7 =	vor.u32 v3, v7;
	v8 =	vbroadcast v8, $0x0  }
0xa6: {  	v10 =	vshll.u32 v10, v2;
	v9 =	vbroadcast v9, $0x0;
	v14 =	vbroadcast v5, $0x0  }
0xa7: {  	v15 =	vbroadcast v10, $0x0;
	v10 =	vshrl.u32 v11, $0x3;
	v11 =	vbroadcast v6, $0x5  }
0xa8: {  	v16 =	vbroadcast v6, $0x6;
	v10 =	vshll.u32 v10, v2;
	v12 =	vmul.f32 v14, v12  }
0xa9: {  	v17 =	vbroadcast v10, $0x0;
	v10 =	vshrl.u32 v11, $0x3;
	v11 =	vbroadcast v6, $0x7  }
0xaa: {  	[tilespmem:v7+s15+$0x0] =	vst.idx.add.f32.msk vm0, v12;
	v7 =	vshll.u32 v10, v2;
	v10 =	vshrl.u32 v16, $0x3;
	v12 =	vbroadcast v6, $0x8  }
0xab: {  	[tilespmem:v13+s16+$0x0] =	vst.idx.add.f32.msk $0x1, v14;
	v14 =	vbroadcast v7, $0x0;
	v7 =	vshll.u32 v10, v2;
	v10 =	vshrl.u32 v11, $0x3  }
0xac: {  	v11 =	vld [tilespmem:s19+$0xFFFFFF90];
	v16 =	vbroadcast v7, $0x0;
	v7 =	vshll.u32 v10, v2;
	v10 =	vshrl.u32 v12, $0x3  }
0xad: {  	v18 =	vbroadcast v7, $0x0;
	v7 =	vshll.u32 v10, v2;
	v10 =	vbroadcast v6, $0x9  }
0xae: {  	v19 =	vbroadcast v4, $0x1;
	v8 =	vor.u32 v3, v8;
	v13 =	vbroadcast v7, $0x0  }
0xaf: {  	v20 =	vbroadcast v6, $0xA;
	v7 =	vbroadcast v5, $0x1;
	v10 =	vshrl.u32 v10, $0x3  }
0xb0: {  	v21 =	vbroadcast v6, $0xB;
	v22 =	vbroadcast v6, $0xC;
	v10 =	vshll.u32 v10, v2  }
0xb1: {  	v11 =	vmul.f32 v11, v7;
	v12 =	vbroadcast v10, $0x0;
	v10 =	vshrl.u32 v20, $0x3  }
0xb2: {  	v20 =	vshrl.u32 v21, $0x3;
	v21 =	vshrl.u32 v22, $0x3;
	v10 =	vshll.u32 v10, v2  }
0xb3: {  	[tilespmem:v8+s15+$0x0] =	vst.idx.add.f32.msk vm0, v11;
	v11 =	vbroadcast v10, $0x0;
	v8 =	vshll.u32 v20, v2;
	v20 =	vshll.u32 v21, v2  }
0xb4: {  	[tilespmem:v19+s16+$0x0] =	vst.idx.add.f32.msk $0x1, v7;
	v10 =	vbroadcast v8, $0x0;
	v8 =	vbroadcast v20, $0x0  }
0xb5: {  	v19 =	vbroadcast v6, $0xD;
	v20 =	vbroadcast v6, $0xE;
	v7 =	vld [tilespmem:s19+$0xFFFFFFA0]  }
0xb6: {  	v6 =	vbroadcast v6, $0xF  }
0xb7: {  	v22 =	vbroadcast v4, $0x2;
	v21 =	vor.u32 v3, v9;
	v9 =	vshrl.u32 v19, $0x3  }
0xb8: {  	v19 =	vbroadcast v5, $0x2;
	v20 =	vshrl.u32 v20, $0x3;
	v9 =	vshll.u32 v9, v2  }
0xb9: {  	v6 =	vshrl.u32 v6, $0x3;
	v20 =	vshll.u32 v20, v2;
	v9 =	vbroadcast v9, $0x0  }
0xba: {  	v6 =	vshll.u32 v6, v2;
	v23 =	vmul.f32 v7, v19;
	v7 =	vbroadcast v20, $0x0  }
0xbb: {  	v6 =	vbroadcast v6, $0x0  }
0xbc: {  	[tilespmem:v21+s15+$0x0] =	vst.idx.add.f32.msk vm0, v23  }
0xbd: {  	[tilespmem:v22+s16+$0x0] =	vst.idx.add.f32.msk $0x1, v19  }
0xbe: {  	v19 =	vld [tilespmem:s19+$0xFFFFFFB0];
	_ =	sdelay $0x1  }
0xbf: {  	v15 =	vor.u32 v3, v15;
	v20 =	vbroadcast v4, $0x3  }
0xc0: {  	v21 =	vbroadcast v5, $0x3;
	_ =	sdelay $0x1  }
0xc1: {  	v19 =	vmul.f32 v19, v21;
	_ =	sdelay $0x1  }
0xc2: {  	[tilespmem:v15+s15+$0x0] =	vst.idx.add.f32.msk vm0, v19  }
0xc3: {  	[tilespmem:v20+s16+$0x0] =	vst.idx.add.f32.msk $0x1, v21  }
0xc4: {  	v15 =	vld [tilespmem:s19+$0xFFFFFFC0];
	_ =	sdelay $0x1  }
0xc5: {  	v17 =	vor.u32 v3, v17;
	v19 =	vbroadcast v4, $0x4  }
0xc6: {  	v20 =	vbroadcast v5, $0x4;
	_ =	sdelay $0x1  }
0xc7: {  	v15 =	vmul.f32 v15, v20;
	_ =	sdelay $0x1  }
0xc8: {  	[tilespmem:v17+s15+$0x0] =	vst.idx.add.f32.msk vm0, v15  }
0xc9: {  	[tilespmem:v19+s16+$0x0] =	vst.idx.add.f32.msk $0x1, v20  }
0xca: {  	v15 =	vld [tilespmem:s19+$0xFFFFFFD0];
	_ =	sdelay $0x1  }
0xcb: {  	v14 =	vor.u32 v3, v14;
	v17 =	vbroadcast v4, $0x5  }
0xcc: {  	v19 =	vbroadcast v5, $0x5;
	_ =	sdelay $0x1  }
0xcd: {  	v15 =	vmul.f32 v15, v19;
	_ =	sdelay $0x1  }
0xce: {  	[tilespmem:v14+s15+$0x0] =	vst.idx.add.f32.msk vm0, v15  }
0xcf: {  	[tilespmem:v17+s16+$0x0] =	vst.idx.add.f32.msk $0x1, v19  }
0xd0: {  	v14 =	vld [tilespmem:s19+$0xFFFFFFE0];
	_ =	sdelay $0x1  }
0xd1: {  	v15 =	vor.u32 v3, v16;
	v16 =	vbroadcast v4, $0x6  }
0xd2: {  	v17 =	vbroadcast v5, $0x6;
	_ =	sdelay $0x1  }
0xd3: {  	v14 =	vmul.f32 v14, v17;
	_ =	sdelay $0x1  }
0xd4: {  	[tilespmem:v15+s15+$0x0] =	vst.idx.add.f32.msk vm0, v14  }
0xd5: {  	[tilespmem:v16+s16+$0x0] =	vst.idx.add.f32.msk $0x1, v17  }
0xd6: {  	v14 =	vld [tilespmem:s19+$0xFFFFFFF0];
	_ =	sdelay $0x1  }
0xd7: {  	v15 =	vor.u32 v3, v18;
	v16 =	vbroadcast v4, $0x7  }
0xd8: {  	v17 =	vbroadcast v5, $0x7;
	_ =	sdelay $0x1  }
0xd9: {  	v14 =	vmul.f32 v14, v17;
	_ =	sdelay $0x1  }
0xda: {  	[tilespmem:v15+s15+$0x0] =	vst.idx.add.f32.msk vm0, v14  }
0xdb: {  	[tilespmem:v16+s16+$0x0] =	vst.idx.add.f32.msk $0x1, v17  }
0xdc: {  	v14 =	vld [tilespmem:s19+$0x0];
	_ =	sdelay $0x1  }
0xdd: {  	v13 =	vor.u32 v3, v13;
	v15 =	vbroadcast v4, $0x8  }
0xde: {  	v16 =	vbroadcast v5, $0x8;
	_ =	sdelay $0x1  }
0xdf: {  	v14 =	vmul.f32 v14, v16;
	_ =	sdelay $0x1  }
0xe0: {  	[tilespmem:v13+s15+$0x0] =	vst.idx.add.f32.msk vm0, v14  }
0xe1: {  	[tilespmem:v15+s16+$0x0] =	vst.idx.add.f32.msk $0x1, v16  }
0xe2: {  	v13 =	vld [tilespmem:s19+$0x10];
	_ =	sdelay $0x1  }
0xe3: {  	v12 =	vor.u32 v3, v12;
	v14 =	vbroadcast v4, $0x9  }
0xe4: {  	v15 =	vbroadcast v5, $0x9;
	_ =	sdelay $0x1  }
0xe5: {  	v13 =	vmul.f32 v13, v15;
	_ =	sdelay $0x1  }
0xe6: {  	[tilespmem:v12+s15+$0x0] =	vst.idx.add.f32.msk vm0, v13  }
0xe7: {  	[tilespmem:v14+s16+$0x0] =	vst.idx.add.f32.msk $0x1, v15  }
0xe8: {  	v12 =	vld [tilespmem:s19+$0x20];
	_ =	sdelay $0x1  }
0xe9: {  	v11 =	vor.u32 v3, v11;
	v13 =	vbroadcast v4, $0xA  }
0xea: {  	v14 =	vbroadcast v5, $0xA;
	_ =	sdelay $0x1  }
0xeb: {  	v12 =	vmul.f32 v12, v14;
	_ =	sdelay $0x1  }
0xec: {  	[tilespmem:v11+s15+$0x0] =	vst.idx.add.f32.msk vm0, v12  }
0xed: {  	[tilespmem:v13+s16+$0x0] =	vst.idx.add.f32.msk $0x1, v14  }
0xee: {  	v11 =	vld [tilespmem:s19+$0x30];
	_ =	sdelay $0x1  }
0xef: {  	v10 =	vor.u32 v3, v10;
	v12 =	vbroadcast v4, $0xB  }
0xf0: {  	v13 =	vbroadcast v5, $0xB;
	_ =	sdelay $0x1  }
0xf1: {  	v11 =	vmul.f32 v11, v13;
	_ =	sdelay $0x1  }
0xf2: {  	[tilespmem:v10+s15+$0x0] =	vst.idx.add.f32.msk vm0, v11  }
0xf3: {  	[tilespmem:v12+s16+$0x0] =	vst.idx.add.f32.msk $0x1, v13  }
0xf4: {  	v10 =	vld [tilespmem:s19+$0x40];
	_ =	sdelay $0x1  }
0xf5: {  	v8 =	vor.u32 v3, v8;
	v11 =	vbroadcast v4, $0xC  }
0xf6: {  	v12 =	vbroadcast v5, $0xC;
	_ =	sdelay $0x1  }
0xf7: {  	v10 =	vmul.f32 v10, v12;
	_ =	sdelay $0x1  }
0xf8: {  	[tilespmem:v8+s15+$0x0] =	vst.idx.add.f32.msk vm0, v10  }
0xf9: {  	[tilespmem:v11+s16+$0x0] =	vst.idx.add.f32.msk $0x1, v12  }
0xfa: {  	v8 =	vld [tilespmem:s19+$0x50];
	_ =	sdelay $0x1  }
0xfb: {  	v9 =	vor.u32 v3, v9;
	v10 =	vbroadcast v4, $0xD  }
0xfc: {  	v11 =	vbroadcast v5, $0xD;
	_ =	sdelay $0x1  }
0xfd: {  	v8 =	vmul.f32 v8, v11;
	_ =	sdelay $0x1  }
0xfe: {  	[tilespmem:v9+s15+$0x0] =	vst.idx.add.f32.msk vm0, v8  }
0xff: {  	[tilespmem:v10+s16+$0x0] =	vst.idx.add.f32.msk $0x1, v11  }
0x100: {  	v8 =	vld [tilespmem:s19+$0x60];
	_ =	sdelay $0x1  }
0x101: {  	v7 =	vor.u32 v3, v7;
	v9 =	vbroadcast v4, $0xE  }
0x102: {  	v10 =	vbroadcast v5, $0xE;
	_ =	sdelay $0x1  }
0x103: {  	v8 =	vmul.f32 v8, v10;
	_ =	sdelay $0x1  }
0x104: {  	[tilespmem:v7+s15+$0x0] =	vst.idx.add.f32.msk vm0, v8  }
0x105: {  	[tilespmem:v9+s16+$0x0] =	vst.idx.add.f32.msk $0x1, v10  }
0x106: {  	v7 =	vld [tilespmem:s19+$0x70];
	_ =	sdelay $0x1  }
0x107: {  	v6 =	vor.u32 v3, v6;
	v4 =	vbroadcast v4, $0xF  }
.Ltmp2:
0x108: {  	v5 =	vbroadcast v5, $0xF;
	(pc) =	sbr.rel @p0 .LBB2_7-.Ltmp2, $3  }
0x109: {  	_ = 	snop  }
0x10a: {  	v7 =	vmul.f32 v7, v5;
	_ =	sdelay $0x1  }
0x10b: {  	s22 =	smov.u32 s21;
	[tilespmem:v6+s15+$0x0] =	vst.idx.add.f32.msk vm0, v7  }
0x10c: {  	_ =	sdelay $0x3  }
0x10d: {  	s20 =	sshra.s32 s20, $0x2;
	[tilespmem:v4+s16+$0x0] =	vst.idx.add.f32.msk $0x1, v5  }
0x10e: {  	v4 =	vld [tilespmem:s20+$0x100];
	_ =	sdelay $0x4  }
0x10f: {  	v6 =	vshll.u32 v4, $0x3  }
0x110: {  	v5 =	vld [tilespmem:s20+$0x180];
	v7 =	vshrl.u32 v6, $0x3  }
0x111: {  	s19 =	sadd.s32 $0x100, s19;
	v7 =	vshll.u32 v7, v2  }
0x112: {  	v8 =	vld [tilespmem:s19+$0xFFFFFF80];
	v7 =	vbroadcast v7, $0x0;
	_ =	sdelay $0x1  }
0x113: {  	v9 =	vbroadcast v4, $0x0;
	v7 =	vor.u32 v3, v7  }
0x114: {  	v10 =	vbroadcast v5, $0x0;
	_ =	sdelay $0x1  }
0x115: {  	v11 =	vbroadcast v6, $0x1;
	v8 =	vmul.f32 v10, v8;
	_ =	sdelay $0x1  }
0x116: {  	v11 =	vshrl.u32 v11, $0x3;
	[tilespmem:v7+s15+$0x0] =	vst.idx.add.f32.msk vm0, v8  }
0x117: {  	v61 =	vshll.u32 v11, v2;
	[tilespmem:v9+s16+$0x0] =	vst.idx.add.f32.msk $0x1, v10  }
0x118: {  	v7 =	vbroadcast v61, $0x0;
	v8 =	vld [tilespmem:s19+$0xFFFFFF90];
	_ =	sdelay $0x1  }
0x119: {  	v62 =	vbroadcast v4, $0x1;
	v7 =	vor.u32 v3, v7  }
0x11a: {  	v63 =	vbroadcast v5, $0x1;
	_ =	sdelay $0x1  }
0x11b: {  	v12 =	vbroadcast v6, $0x2;
	v8 =	vmul.f32 v8, v63;
	_ =	sdelay $0x1  }
0x11c: {  	v11 =	vshrl.u32 v12, $0x3;
	[tilespmem:v7+s15+$0x0] =	vst.idx.add.f32.msk vm0, v8  }
0x11d: {  	v13 =	vshll.u32 v11, v2;
	[tilespmem:v62+s16+$0x0] =	vst.idx.add.f32.msk $0x1, v63  }
0x11e: {  	v7 =	vbroadcast v13, $0x0;
	v8 =	vld [tilespmem:s19+$0xFFFFFFA0];
	_ =	sdelay $0x1  }
0x11f: {  	v14 =	vbroadcast v4, $0x2;
	v7 =	vor.u32 v3, v7  }
0x120: {  	v15 =	vbroadcast v5, $0x2;
	_ =	sdelay $0x1  }
0x121: {  	v16 =	vbroadcast v6, $0x3;
	v8 =	vmul.f32 v8, v15;
	_ =	sdelay $0x1  }
0x122: {  	v11 =	vshrl.u32 v16, $0x3;
	[tilespmem:v7+s15+$0x0] =	vst.idx.add.f32.msk vm0, v8  }
0x123: {  	v17 =	vshll.u32 v11, v2;
	[tilespmem:v14+s16+$0x0] =	vst.idx.add.f32.msk $0x1, v15  }
0x124: {  	v7 =	vbroadcast v17, $0x0;
	v8 =	vld [tilespmem:s19+$0xFFFFFFB0];
	_ =	sdelay $0x1  }
0x125: {  	v18 =	vbroadcast v4, $0x3;
	v7 =	vor.u32 v3, v7  }
0x126: {  	v19 =	vbroadcast v5, $0x3;
	_ =	sdelay $0x1  }
0x127: {  	v20 =	vbroadcast v6, $0x4;
	v8 =	vmul.f32 v8, v19;
	_ =	sdelay $0x1  }
0x128: {  	v11 =	vshrl.u32 v20, $0x3;
	[tilespmem:v7+s15+$0x0] =	vst.idx.add.f32.msk vm0, v8  }
0x129: {  	v21 =	vshll.u32 v11, v2;
	[tilespmem:v18+s16+$0x0] =	vst.idx.add.f32.msk $0x1, v19  }
0x12a: {  	v7 =	vbroadcast v21, $0x0;
	v8 =	vld [tilespmem:s19+$0xFFFFFFC0];
	_ =	sdelay $0x1  }
0x12b: {  	v22 =	vbroadcast v4, $0x4;
	v7 =	vor.u32 v3, v7  }
0x12c: {  	v23 =	vbroadcast v5, $0x4;
	_ =	sdelay $0x1  }
0x12d: {  	v24 =	vbroadcast v6, $0x5;
	v8 =	vmul.f32 v8, v23;
	_ =	sdelay $0x1  }
0x12e: {  	v11 =	vshrl.u32 v24, $0x3;
	[tilespmem:v7+s15+$0x0] =	vst.idx.add.f32.msk vm0, v8  }
0x12f: {  	v25 =	vshll.u32 v11, v2;
	[tilespmem:v22+s16+$0x0] =	vst.idx.add.f32.msk $0x1, v23  }
0x130: {  	v7 =	vbroadcast v25, $0x0;
	v8 =	vld [tilespmem:s19+$0xFFFFFFD0];
	_ =	sdelay $0x1  }
0x131: {  	v26 =	vbroadcast v4, $0x5;
	v7 =	vor.u32 v3, v7  }
0x132: {  	v27 =	vbroadcast v5, $0x5;
	_ =	sdelay $0x1  }
0x133: {  	v28 =	vbroadcast v6, $0x6;
	v8 =	vmul.f32 v8, v27;
	_ =	sdelay $0x1  }
0x134: {  	v11 =	vshrl.u32 v28, $0x3;
	[tilespmem:v7+s15+$0x0] =	vst.idx.add.f32.msk vm0, v8  }
0x135: {  	v29 =	vshll.u32 v11, v2;
	[tilespmem:v26+s16+$0x0] =	vst.idx.add.f32.msk $0x1, v27  }
0x136: {  	v7 =	vbroadcast v29, $0x0;
	v8 =	vld [tilespmem:s19+$0xFFFFFFE0];
	_ =	sdelay $0x1  }
0x137: {  	v30 =	vbroadcast v4, $0x6;
	v7 =	vor.u32 v3, v7  }
0x138: {  	v31 =	vbroadcast v5, $0x6;
	_ =	sdelay $0x1  }
0x139: {  	v32 =	vbroadcast v6, $0x7;
	v8 =	vmul.f32 v8, v31;
	_ =	sdelay $0x1  }
0x13a: {  	v11 =	vshrl.u32 v32, $0x3;
	[tilespmem:v7+s15+$0x0] =	vst.idx.add.f32.msk vm0, v8  }
0x13b: {  	v33 =	vshll.u32 v11, v2;
	[tilespmem:v30+s16+$0x0] =	vst.idx.add.f32.msk $0x1, v31  }
0x13c: {  	v7 =	vbroadcast v33, $0x0;
	v8 =	vld [tilespmem:s19+$0xFFFFFFF0];
	_ =	sdelay $0x1  }
0x13d: {  	v34 =	vbroadcast v4, $0x7;
	v7 =	vor.u32 v3, v7  }
0x13e: {  	v35 =	vbroadcast v5, $0x7;
	_ =	sdelay $0x1  }
0x13f: {  	v36 =	vbroadcast v6, $0x8;
	v8 =	vmul.f32 v8, v35;
	_ =	sdelay $0x1  }
0x140: {  	v11 =	vshrl.u32 v36, $0x3;
	[tilespmem:v7+s15+$0x0] =	vst.idx.add.f32.msk vm0, v8  }
0x141: {  	v37 =	vshll.u32 v11, v2;
	[tilespmem:v34+s16+$0x0] =	vst.idx.add.f32.msk $0x1, v35  }
0x142: {  	v7 =	vbroadcast v37, $0x0;
	v8 =	vld [tilespmem:s19+$0x0];
	_ =	sdelay $0x1  }
0x143: {  	v38 =	vbroadcast v4, $0x8;
	v7 =	vor.u32 v3, v7  }
0x144: {  	v39 =	vbroadcast v5, $0x8;
	_ =	sdelay $0x1  }
0x145: {  	v40 =	vbroadcast v6, $0x9;
	v8 =	vmul.f32 v8, v39;
	_ =	sdelay $0x1  }
0x146: {  	v11 =	vshrl.u32 v40, $0x3;
	[tilespmem:v7+s15+$0x0] =	vst.idx.add.f32.msk vm0, v8  }
0x147: {  	v41 =	vshll.u32 v11, v2;
	[tilespmem:v38+s16+$0x0] =	vst.idx.add.f32.msk $0x1, v39  }
0x148: {  	v7 =	vbroadcast v41, $0x0;
	v8 =	vld [tilespmem:s19+$0x10];
	_ =	sdelay $0x1  }
0x149: {  	v42 =	vbroadcast v4, $0x9;
	v7 =	vor.u32 v3, v7  }
0x14a: {  	v43 =	vbroadcast v5, $0x9;
	_ =	sdelay $0x1  }
0x14b: {  	v44 =	vbroadcast v6, $0xA;
	v8 =	vmul.f32 v8, v43;
	_ =	sdelay $0x1  }
0x14c: {  	v11 =	vshrl.u32 v44, $0x3;
	[tilespmem:v7+s15+$0x0] =	vst.idx.add.f32.msk vm0, v8  }
0x14d: {  	v45 =	vshll.u32 v11, v2;
	[tilespmem:v42+s16+$0x0] =	vst.idx.add.f32.msk $0x1, v43  }
0x14e: {  	v7 =	vbroadcast v45, $0x0;
	v8 =	vld [tilespmem:s19+$0x20];
	_ =	sdelay $0x1  }
0x14f: {  	v46 =	vbroadcast v4, $0xA;
	v7 =	vor.u32 v3, v7  }
0x150: {  	v47 =	vbroadcast v5, $0xA;
	_ =	sdelay $0x1  }
0x151: {  	v48 =	vbroadcast v6, $0xB;
	v8 =	vmul.f32 v8, v47;
	_ =	sdelay $0x1  }
0x152: {  	v11 =	vshrl.u32 v48, $0x3;
	[tilespmem:v7+s15+$0x0] =	vst.idx.add.f32.msk vm0, v8  }
0x153: {  	v49 =	vshll.u32 v11, v2;
	[tilespmem:v46+s16+$0x0] =	vst.idx.add.f32.msk $0x1, v47  }
0x154: {  	v7 =	vbroadcast v49, $0x0;
	v8 =	vld [tilespmem:s19+$0x30];
	_ =	sdelay $0x1  }
0x155: {  	v50 =	vbroadcast v4, $0xB;
	v7 =	vor.u32 v3, v7  }
0x156: {  	v51 =	vbroadcast v5, $0xB;
	_ =	sdelay $0x1  }
0x157: {  	v52 =	vbroadcast v6, $0xC;
	v8 =	vmul.f32 v8, v51;
	_ =	sdelay $0x1  }
0x158: {  	v11 =	vshrl.u32 v52, $0x3;
	[tilespmem:v7+s15+$0x0] =	vst.idx.add.f32.msk vm0, v8  }
0x159: {  	v53 =	vshll.u32 v11, v2;
	[tilespmem:v50+s16+$0x0] =	vst.idx.add.f32.msk $0x1, v51  }
0x15a: {  	v7 =	vbroadcast v53, $0x0;
	v8 =	vld [tilespmem:s19+$0x40];
	_ =	sdelay $0x1  }
0x15b: {  	v54 =	vbroadcast v4, $0xC;
	v7 =	vor.u32 v3, v7  }
0x15c: {  	v55 =	vbroadcast v5, $0xC;
	_ =	sdelay $0x1  }
0x15d: {  	v56 =	vbroadcast v6, $0xD;
	v8 =	vmul.f32 v8, v55;
	_ =	sdelay $0x1  }
0x15e: {  	v11 =	vshrl.u32 v56, $0x3;
	[tilespmem:v7+s15+$0x0] =	vst.idx.add.f32.msk vm0, v8  }
0x15f: {  	v57 =	vshll.u32 v11, v2;
	[tilespmem:v54+s16+$0x0] =	vst.idx.add.f32.msk $0x1, v55  }
0x160: {  	v7 =	vbroadcast v57, $0x0;
	v8 =	vld [tilespmem:s19+$0x50];
	_ =	sdelay $0x1  }
0x161: {  	v58 =	vbroadcast v4, $0xD;
	v7 =	vor.u32 v3, v7  }
0x162: {  	v59 =	vbroadcast v5, $0xD;
	_ =	sdelay $0x1  }
0x163: {  	v60 =	vbroadcast v6, $0xE;
	v8 =	vmul.f32 v8, v59;
	_ =	sdelay $0x1  }
0x164: {  	v11 =	vshrl.u32 v60, $0x3;
	[tilespmem:v7+s15+$0x0] =	vst.idx.add.f32.msk vm0, v8  }
0x165: {  	v61 =	vshll.u32 v11, v2;
	[tilespmem:v58+s16+$0x0] =	vst.idx.add.f32.msk $0x1, v59  }
0x166: {  	v7 =	vbroadcast v61, $0x0;
	v8 =	vld [tilespmem:s19+$0x60];
	_ =	sdelay $0x1  }
0x167: {  	v62 =	vbroadcast v4, $0xE;
	v7 =	vor.u32 v3, v7  }
0x168: {  	v63 =	vbroadcast v5, $0xE;
	_ =	sdelay $0x1  }
0x169: {  	v6 =	vbroadcast v6, $0xF;
	v8 =	vmul.f32 v8, v63;
	_ =	sdelay $0x1  }
0x16a: {  	v6 =	vshrl.u32 v6, $0x3;
	[tilespmem:v7+s15+$0x0] =	vst.idx.add.f32.msk vm0, v8  }
0x16b: {  	v6 =	vshll.u32 v6, v2;
	[tilespmem:v62+s16+$0x0] =	vst.idx.add.f32.msk $0x1, v63  }
0x16c: {  	v6 =	vbroadcast v6, $0x0;
	v7 =	vld [tilespmem:s19+$0x70];
	_ =	sdelay $0x1  }
0x16d: {  	s18 =	sadd.s32 $0x1, s18;
	v6 =	vor.u32 v3, v6;
	v4 =	vbroadcast v4, $0xF  }
0x16e: {  	p0 =	sne.s32 s18, $0x540;
	v5 =	vbroadcast v5, $0xF  }
.Ltmp3:
0x16f: {  	_ = 	snop;
	(pc) =	sbr.rel @p0 .LBB2_6-.Ltmp3, $3  }
0x170: {  	v7 =	vmul.f32 v7, v5;
	_ =	sdelay $0x1  }
0x171: {  	[tilespmem:v6+s15+$0x0] =	vst.idx.add.f32.msk vm0, v7  }
0x172: {  	[tilespmem:v4+s16+$0x0] =	vst.idx.add.f32.msk $0x1, v5  }
0x173: {  	[hbm4b:s8+s2] =	stream.linear.scatter [tilespmem:s15], [sflag:$0x1], $0x14000, $0x38;
	[tilespmem:$0x17200] =	vst v63  }
0x174: {  	s17 =	sadd.s32 $0x1, s17;
	_ =	swait.ge [sflag:s10], $0x14000  }
0x175: {  	p0 =	sne.s32 s17, s9;
	[sflag:s10] =	ssyncset.done $0x0  }
.Ltmp4:
0x176: {  	[sflag:s10] =	ssyncadd.s32 $0xFFFEC000;
	(pc) =	sbr.rel @p0 .LBB2_1-.Ltmp4, $4  }
0x177: {  	[hbm4b:s1+s2] =	stream.linear.scatter [tilespmem:s16], [sflag:$0x1], $0x2800, $0x38;
	[tilespmem:$0x17200] =	vst v63  }
0x178: {  	_ =	swait.ge [sflag:s10], $0x2800  }
0x179: {  	[sflag:s10] =	ssyncset.done $0x0  }
0x17a: {  	[sflag:s10] =	ssyncadd.s32 $0xFFFFD800  }
0x17b: {  	_ =	sfence.sel $0x180000  }
0x17c: {  	[bflag:$0x0] =	sbarrier.arrive $0xFFFF  }
0x17d: {  	p0 =	sne.s32 s3, $0x0;
	_ =	strace $0x90000050  }
0x17e: {  	s0 =	sadd.s32 @!p0 $0x100000, s0;
	[bflag:$0x2] =	sbarrier.arrive $0xFFFF  }
0x17f: {  	[sflag:s0] =	ssyncadd.tile.s32 @!p0 $0x1;
	_ =	shalt  }
.Lfunc_end2:
_tile_overlayer_lowered:
.L_overlay_start_2:
0x180: {  	(tag) =	ssettag $0x2  }
0x181: {  	s0 =	rddreg [dreg:$0x0];
	s2 =	stileid.u32  }
0x182: {  	s1 =	rddreg [dreg:$0x1];
	p0 =	sne.s32 s2, $0x0  }
0x183: {  	s3 =	rddreg [dreg:$0x2];
	[bflag:$0x3] =	sbarrier.arrive $0xFFFF;
	s2 =	simm.s32 @!p0 $0x1C01  }
0x184: {  	[timem:s3], [sflag:s2] =	dma.local @!p0 [hbm:s0], s1  }
0x185: {  	s0 =	simm.s32 @!p0 $0x1  }
0x186: {  	_ =	swait.ge @!p0 [sflag:s0], s1  }
0x187: {  	s1 =	ssub.s32 @!p0 $0x0, s1;
	[sflag:s0] =	ssyncset.done @!p0 $0x0  }
0x188: {  	[sflag:s0] =	ssyncadd.s32 @!p0 s1  }
0x189: {  	[bflag:$0x3] =	sbarrier.arrive $0xFFFF  }
0x18a: {  	_ =	shalt  }

// kernel: kernel.30.cloned.1.call-start
scs
__scs_entry_jumppad:
0x0: {  	(pc) =	sbr.rel $0x88, $3  }
0x1: {  	(tag) =	ssettag $0x0;
	lr =	simm.s32 $0x1  }
0x2: {  	[smem:$0x3F88] =	sst lr;
	_ =	strace $0xD0000000  }
0x3: {  	_ = 	snop  }
0x4: {  	_ = 	snop  }
0x5: {  	_ = 	snop  }
0x6: {  	_ = 	snop  }
0x7: {  	_ = 	snop  }
__scs_overlays_trampoline_lowered:
0x8: {  	[smem:$0x3F97] =	sst s0  }
0x9: {  	[smem:$0x3F98] =	sst s1  }
0xa: {  	[smem:$0x3F99] =	sst s2  }
0xb: {  	[smem:$0x3F9A] =	sst s3  }
0xc: {  	[smem:$0x3F9B] =	sst s4  }
0xd: {  	[smem:$0x3F9C] =	sst s5  }
0xe: {  	[smem:$0x3F9D] =	sst s6  }
0xf: {  	[smem:$0x3F9E] =	sst s7  }
0x10: {  	[smem:$0x3F9F] =	sst s8  }
0x11: {  	[smem:$0x3FA0] =	sst s9;
	s0 =	simm.s32 @!p0 $0x0  }
0x12: {  	s1 =	sld [smem:$0x3F86];
	s0 =	simm.s32 @p0 $0x1  }
0x13: {  	[smem:$0x3FA1] =	sst s0;
	s0 =	simm.s32 @!p1 $0x0  }
0x14: {  	s2 =	sld [smem:$0x3F85];
	s0 =	simm.s32 @p1 $0x1  }
0x15: {  	[smem:$0x3FA2] =	sst s0;
	s0 =	simm.s32 @!p2 $0x0  }
0x16: {  	s3 =	sld [smem:$0x3FDB];
	s0 =	simm.s32 @p2 $0x1  }
0x17: {  	s4 =	simm.s32 $0x1BF5;
	[smem:$0x3FA4] =	sst s0  }
0x18: {  	s0 =	sld [smem:$0x3F87];
	_ =	swait.ge [sflag:s4], $0x0  }
0x19: {  	s7 =	sld [smem:$0x3F88]  }
0x1a: {  	s8 =	sadd.s32 $0xFFFFE003, lr  }
0x1b: {  	s9 =	sadd.s32 $0xFFFFFEF7, lr;
	s5 =	simm.s32 $0xFFFFFFFF;
	p2 =	slt.u32 s8, $0xFFFFF086  }
0x1c: {  	p1 =	slt.u32 s9, $0xF7A;
	s5 =	simm.s32 @!p2 $0x0  }
0x1d: {  	s5 =	simm.s32 @p1 $0x1;
	p0 =	seq.s32 s7, s2  }
0x1e: {  	s7 =	smul.u32 @!p0 $0xF7A, s2;
	p2 =	seq.s32 @!p0 s5, $0x0  }
0x1f: {  	s9 =	smul.u32 $0xF7A, s1;
	s8 =	simm.s32 @!p0 $0x1BF5;
	p2 =	por !p2, p0  }
0x20: {  	[sflag:s8] =	ssyncset.s32 @!p0 $0xFFFFF086;
	s6 =	sadd.s32 @!p0 s3, s7;
	s7 =	simm.s32 @!p0 $0x108  }
0x21: {  	s3 =	sadd.s32 s3, s9;
	s6 =	sadd.s32 @!p0 $0x88, s6;
	s7 =	simm.s32 @p2 $0x1082  }
0x22: {  	[simem:s7], [sflag:s8] =	dma.local @!p0 [hbm:s6], $0xF7A  }
0x23: {  	s9 =	sor.u32 $0xD0000000, s2;
	s6 =	simm.s32 $0x108;
	_ =	swait.ge @!p0 [sflag:s8], $0x0  }
0x24: {  	s3 =	sadd.s32 $0x88, s3;
	s6 =	simm.s32 @!p1 $0x1082;
	[sflag:s4] =	ssyncset.s32 $0xFFFFF086  }
0x25: {  	[simem:s6], [sflag:s4] =	dma.local [hbm:s3], $0xF7A  }
0x26: {  	[smem:$0x3F88] =	sst s1;
	(tag) =	ssettag s2;
	_ =	strace s9  }
0x27: {  	s1 =	sld [smem:$0x3F98]  }
0x28: {  	s2 =	sld [smem:$0x3F99]  }
0x29: {  	s4 =	sld [smem:$0x3F9B]  }
0x2a: {  	p0 =	seq.s32 s5, $0x0;
	s5 =	sld [smem:$0x3F9C]  }
0x2b: {  	s6 =	sld [smem:$0x3F9D]  }
0x2c: {  	s7 =	sld [smem:$0x3F9E]  }
0x2d: {  	s3 =	simm.s32 $0x108;
	s8 =	sld [smem:$0x3F9F]  }
0x2e: {  	s3 =	simm.s32 @!p0 $0x1082;
	s9 =	sld [smem:$0x3FA0]  }
0x2f: {  	lr =	sadd.s32 s0, s3;
	s0 =	sld [smem:$0x3F97]  }
0x30: {  	s3 =	sld [smem:$0x3F9A]  }
0x31: {  	[smem:$0x3FA3] =	sst s10  }
0x32: {  	s10 =	sld [smem:$0x3FA1];
	_ =	sdelay $0x3  }
0x33: {  	p0 =	seq.s32 s10, $0x1;
	s10 =	sld [smem:$0x3FA3];
	_ =	sdelay $0x3  }
0x34: {  	[smem:$0x3FA3] =	sst s10  }
0x35: {  	s10 =	sld [smem:$0x3FA2];
	_ =	sdelay $0x3  }
0x36: {  	p1 =	seq.s32 s10, $0x1;
	s10 =	sld [smem:$0x3FA3];
	_ =	sdelay $0x3  }
0x37: {  	[smem:$0x3FA3] =	sst s10  }
0x38: {  	s10 =	sld [smem:$0x3FA4]  }
0x39: {  	_ = 	snop;
	(pc) =	sbr.ind lr, $3  }
0x3a: {  	_ = 	snop  }
0x3b: {  	_ = 	snop  }
0x3c: {  	p2 =	seq.s32 s10, $0x1;
	s10 =	sld [smem:$0x3FA3]  }
0x3d: {  	_ =	shalt  }
0x3e: {  	_ =	shalt  }
0x3f: {  	_ =	shalt  }
0x40: {  	_ =	shalt  }
0x41: {  	_ =	shalt  }
0x42: {  	_ =	shalt  }
0x43: {  	_ =	shalt  }
0x44: {  	_ =	shalt  }
0x45: {  	_ =	shalt  }
0x46: {  	_ =	shalt  }
0x47: {  	_ =	shalt  }
0x48: {  	_ =	shalt  }
0x49: {  	_ =	shalt  }
0x4a: {  	_ =	shalt  }
0x4b: {  	_ =	shalt  }
0x4c: {  	_ =	shalt  }
0x4d: {  	_ =	shalt  }
0x4e: {  	_ =	shalt  }
0x4f: {  	_ =	shalt  }
0x50: {  	_ =	shalt  }
0x51: {  	_ =	shalt  }
0x52: {  	_ =	shalt  }
0x53: {  	_ =	shalt  }
0x54: {  	_ =	shalt  }
0x55: {  	_ =	shalt  }
0x56: {  	_ =	shalt  }
0x57: {  	_ =	shalt  }
0x58: {  	_ =	shalt  }
0x59: {  	_ =	shalt  }
0x5a: {  	_ =	shalt  }
0x5b: {  	_ =	shalt  }
0x5c: {  	_ =	shalt  }
0x5d: {  	_ =	shalt  }
0x5e: {  	_ =	shalt  }
0x5f: {  	_ =	shalt  }
0x60: {  	_ =	shalt  }
0x61: {  	_ =	shalt  }
0x62: {  	_ =	shalt  }
0x63: {  	_ =	shalt  }
0x64: {  	_ =	shalt  }
0x65: {  	_ =	shalt  }
0x66: {  	_ =	shalt  }
0x67: {  	_ =	shalt  }
0x68: {  	_ =	shalt  }
0x69: {  	_ =	shalt  }
0x6a: {  	_ =	shalt  }
0x6b: {  	_ =	shalt  }
0x6c: {  	_ =	shalt  }
0x6d: {  	_ =	shalt  }
0x6e: {  	_ =	shalt  }
0x6f: {  	_ =	shalt  }
0x70: {  	_ =	shalt  }
0x71: {  	_ =	shalt  }
0x72: {  	_ =	shalt  }
0x73: {  	_ =	shalt  }
0x74: {  	_ =	shalt  }
0x75: {  	_ =	shalt  }
0x76: {  	_ =	shalt  }
0x77: {  	_ =	shalt  }
0x78: {  	_ =	shalt  }
0x79: {  	_ =	shalt  }
0x7a: {  	_ =	shalt  }
0x7b: {  	_ =	shalt  }
0x7c: {  	_ =	shalt  }
0x7d: {  	_ =	shalt  }
0x7e: {  	_ =	shalt  }
0x7f: {  	_ =	shalt  }
0x80: {  	_ =	shalt  }
0x81: {  	_ =	shalt  }
0x82: {  	_ =	shalt  }
0x83: {  	_ =	shalt  }
0x84: {  	_ =	shalt  }
0x85: {  	_ =	shalt  }
0x86: {  	_ =	shalt  }
0x87: {  	_ =	shalt  }
.Lfunc_end0:
.L_simem_size_0:
called_computation.4_lowered:
.L_overlay_start_0:
0x88: {  	s2 =	sld [smem:$0x3FD9]  }
0x89: {  	s3 =	sld [smem:$0x3FFE];
	_ =	sdelay $0x1  }
0x8a: {  	s1 =	srdreg.scid  }
0x8b: {  	s0 =	sand.u32 $0x1, s1  }
0x8c: {  	s17 =	sshll.u32 s0, $0xA;
	s2 =	sadd.s32 s3, s2  }
0x8d: {  	s2 =	sadd.s32 s2, s17  }
0x8e: {  	[smem:$0x3FAF] =	sst s2  }
0x8f: {  	_ = 	snop  }
0x90: {  	s2 =	sld [smem:$0x3FB6];
	(tm) =	ssettm $0x1  }
0x91: {  	s18 =	sld [smem:$0x3FFB];
	_ =	sdelay $0x3  }
0x92: {  	_ =	strace s18  }
0x93: {  	s3 =	sld [smem:$0x3FFC];
	_ =	sdelay $0x3  }
0x94: {  	_ =	strace s3  }
0x95: {  	s3 =	sld [smem:$0x3FFD];
	_ =	sdelay $0x3  }
0x96: {  	_ =	strace s3  }
0x97: {  	_ =	strace $0x8FFFFFFF  }
0x98: {  	s19 =	sld [smem:$0x3FDB];
	_ =	sdelay $0x1  }
0x99: {  	s4 =	simm.s32 $_scs_section_size  }
0x9a: {  	s5 =	simm.s32 $_size__tile_overlayer_lowered;
	s6 =	simm.s32 $_tile_overlayer_lowered  }
0x9b: {  	s22 =	simm.s32 $0x1BFF;
	s21 =	sshll.u32 s6, $0x1;
	s3 =	sadd.s32 s4, s19  }
0x9c: {  	s7 =	simm.s32 $0x0;
	s20 =	sshll.u32 s5, $0x1;
	s5 =	sadd.s32 s21, s3  }
0x9d: {  	[timem:s7], [sflag:s22] =	dma.local [hbm:s5], s20  }
0x9e: {  	_ =	swait.ge [sflag:s22], s20  }
0x9f: {  	s4 =	ssub.s32 $0x0, s20;
	[sflag:s22] =	ssyncset.done $0x0  }
0xa0: {  	[sflag:s22] =	ssyncadd.s32 s4;
	_ =	sdelay $0x1  }
0xa1: {  	s23 =	simm.s32 $0x1B8B  }
0xa2: {  	_ =	swait.ge [sflag:s23], $0x1  }
0xa3: {  	[sflag:s23] =	ssyncset.done $0x0  }
0xa4: {  	s25 =	simm.s32 $0x1B8E;
	s24 =	sld [smem:$0x3FFE];
	[sflag:s23] =	ssyncadd.s32 $0xFFFFFFFF  }
0xa5: {  	s26 =	simm.s32 $execute0_lowered;
	[smem:$0x3FD2] =	sst s25  }
0xa6: {  	s5 =	sshll.u32 s26, $0x1;
	_ =	strace $0x80000052;
	[dreg:$0x1] =	wrdreg $0xFFFFFFFF  }
0xa7: {  	s28 =	simm.s32 $_size_execute0_lowered;
	s3 =	sadd.s32 s3, s5;
	[dreg:$0x0] =	wrdreg $0x0  }
0xa8: {  	s5 =	sshll.u32 s28, $0x1;
	[dreg:$0x2] =	wrdreg s3  }
0xa9: {  	[dreg:$0x3] =	wrdreg s5  }
0xaa: {  	[dreg:$0x4] =	wrdreg $0xC0  }
0xab: {  	_ =	task [dreg:s7], $0x5FFFF  }
0xac: {  	[dreg:$0x1] =	wrdreg $0xFFFFFFFF  }
0xad: {  	[dreg:$0x0] =	wrdreg $0x60  }
0xae: {  	[dreg:$0x2] =	wrdreg s24  }
0xaf: {  	[dreg:$0x3] =	wrdreg s2  }
0xb0: {  	[dreg:$0x4] =	wrdreg $0x9  }
0xb1: {  	_ =	task.clear_ibuf [dreg:s7], $0x5FFFF;
	_ =	strace $0x90000052  }
0xb2: {  	s29 =	simm.s32 $0x9;
	_ =	strace $0x80000054  }
0xb3: {  	_ =	swait.ge [sflag:s29], $0x1  }
0xb4: {  	[sflag:s29] =	ssyncadd.s32 $0xFFFFFFFF  }
0xb5: {  	_ =	strace $0x90000054  }
0xb6: {  	_ =	sfence  }
0xb7: {  	s30 =	sld [smem:$0x0];
	_ =	sdelay $0x2  }
0xb8: {  	s31 =	sshll.u32 s1, $0xD;
	s1 =	sshrl.u32 s1, $0x2  }
0xb9: {  	s3 =	sand.u32 $0x4000, s31;
	s1 =	sadd.s32 s1, s30  }
0xba: {  	s0 =	sor.u32 s3, s0;
	s1 =	sshll.u32 s1, $0x11  }
0xbb: {  	s0 =	sor.u32 s1, s0  }
0xbc: {  	s0 =	sadd.s32 $0x8F2B, s0  }
0xbd: {  	[sflag:s0] =	ssyncadd.remote.s32 $0x1  }
0xbe: {  	_ =	sfence.sel $0xFFFF  }
0xbf: {  	[dreg:$0x0] =	wrdreg $0xFFFFFFFF;
	(pc) =	sbr.abs _section_cstart, $3  }
0xc0: {  	[dreg:$0x1] =	wrdreg $0xFFFFFFFF  }
0xc1: {  	_ =	task.clear_ibuf [dreg:s7], $0x2FFFF;
	_ =	strace $0x9FFFFFFF  }
0xc2: {  	(tm) =	ssettm $0x7FFFFFFF  }
0xc3: {  	_ =	shalt  }
tec
execute0_lowered:
.L_overlay_start_1:
0x0: {  	(tag) =	ssettag $0x1  }
0x1: {  	s5 =	rddreg [dreg:$0x0]  }
0x2: {  	s9 =	rddreg [dreg:$0x1]  }
0x3: {  	s0 =	rddreg [dreg:$0x2];
	s1 =	simm.s32 $0x0  }
0x4: {  	s8 =	srdreg.scid;
	s14 =	simm.s32 $0x100;
	s15 =	simm.s32 $0x80  }
0x5: {  	s16 =	simm.s32 $0x180;
	s18 =	simm.s32 $0x8180;
	s19 =	simm.s32 $0x0  }
0x6: {  	[smem:$0x7FF] =	sst s1;
	s2 =	sadd.s32 $0x11200, s5;
	s3 =	sadd.s32 $0x61200, s5  }
0x7: {  	s4 =	sadd.s32 $0x6A00, s5;
	s6 =	sadd.s32 $0xBE00, s5;
	s10 =	sand.u32 $0x1, s8  }
0x8: {  	s7 =	sadd.s32 $0xB1200, s5;
	s5 =	stileid.u32;
	s17 =	smul.u32 $0x2800, s10  }
0x9: {  	_ =	strace $0x80000053;
	s11 =	ssub.s32 $0x2, s10;
	s8 =	smul.u32 $0x2A00, s5  }
0xa: {  	s13 =	sshll.u32 s10, $0x4;
	s10 =	smul.u32 $0x2A000, s10;
	s12 =	sshrl.u32 s11, $0x1  }
0xb: {  	s9 =	sadd.s32 s9, s13;
	s13 =	simm.s32 $0x1;
	s11 =	ssub.s32 s11, s12  }
0xc: {  	s12 =	simm.s32 $0xC180;
	v0 =	vmov s17;
	s17 =	simm.s32 $0x4180;
	s11 =	smax.u32 s11, $0x1  }
.LBB2_1:
0xd: {  	[tilespmem:s12], [sflag:$0x1] =	stream.linear.gather [hbm4b:s9+s1], $0x80, $0x38;
	[tilespmem:$0xC200] =	vst v63  }
0xe: {  	_ =	swait.ge [sflag:s13], $0x80  }
0xf: {  	[sflag:s13] =	ssyncset.done $0x0  }
0x10: {  	[sflag:s13] =	ssyncadd.s32 $0xFFFFFF80  }
0x11: {  	v1 =	vld [tilespmem:$0xC180]  }
0x12: {  	v2 =	vld [tilespmem:$0xC190]  }
0x13: {  	v3 =	vld [tilespmem:$0xC1A0]  }
0x14: {  	v5 =	vld [tilespmem:$0xC1C0]  }
0x15: {  	v4 =	vld [tilespmem:$0xC1B0]  }
0x16: {  	v6 =	vld [tilespmem:$0xC1D0]  }
0x17: {  	v7 =	vld [tilespmem:$0xC1E0]  }
0x18: {  	s20 =	simm.s32 $0x0;
	v8 =	vld [tilespmem:$0xC1F0]  }
.LBB2_2:
0x19: {  	s21 =	sshll.u32 s20, $0x7  }
0x1a: {  	s21 =	sadd.s32 s8, s21  }
0x1b: {  	s22 =	sshrl.u32 s21, $0x3  }
0x1c: {  	s24 =	simm.s32 $0x0;
	s23 =	sadd.s32 s4, s22  }
0x1d: {  	[tilespmem:s24], [sflag:$0x1] =	stream.linear.gather [hbm4b:s23+s24], $0x80, $0x38;
	[tilespmem:$0xC200] =	vst v63  }
0x1e: {  	_ =	swait.ge [sflag:s13], $0x80  }
0x1f: {  	[sflag:s13] =	ssyncset.done $0x0  }
0x20: {  	s22 =	sadd.s32 s6, s22;
	[sflag:s13] =	ssyncadd.s32 $0xFFFFFF80  }
0x21: {  	[tilespmem:s14], [sflag:$0x1] =	stream.linear.gather [hbm4b:s22+s24], $0x80, $0x38;
	[tilespmem:$0xC200] =	vst v63  }
0x22: {  	_ =	swait.ge [sflag:s13], $0x80  }
0x23: {  	[sflag:s13] =	ssyncset.done $0x0  }
0x24: {  	[sflag:s13] =	ssyncadd.s32 $0xFFFFFF80  }
0x25: {  	v9 =	vld [tilespmem:$0x0]  }
0x26: {  	v10 =	vld [tilespmem:$0x100]  }
0x27: {  	v11 =	vld [tilespmem:$0x10]  }
0x28: {  	v12 =	vld [tilespmem:$0x110]  }
0x29: {  	v13 =	vld [tilespmem:$0x20]  }
0x2a: {  	v14 =	vld [tilespmem:$0x120];
	v9 =	vadd.s32 v0, v9  }
0x2b: {  	[tilespmem:$0x80] =	vst v9;
	v9 =	vadd.s32 v0, v10;
	v10 =	vld [tilespmem:$0x30]  }
0x2c: {  	[tilespmem:$0x100] =	vst v9;
	v9 =	vadd.s32 v0, v11;
	v11 =	vld [tilespmem:$0x130]  }
0x2d: {  	[tilespmem:$0x90] =	vst v9;
	v9 =	vadd.s32 v0, v12;
	v12 =	vld [tilespmem:$0x40]  }
0x2e: {  	[tilespmem:$0x110] =	vst v9;
	v9 =	vadd.s32 v0, v13;
	v13 =	vld [tilespmem:$0x140]  }
0x2f: {  	[tilespmem:$0xA0] =	vst v9;
	v9 =	vadd.s32 v0, v14;
	v14 =	vld [tilespmem:$0x50]  }
0x30: {  	[tilespmem:$0x120] =	vst v9;
	v9 =	vadd.s32 v0, v10;
	v10 =	vld [tilespmem:$0x150]  }
0x31: {  	[tilespmem:$0xB0] =	vst v9;
	v9 =	vadd.s32 v0, v11;
	v11 =	vld [tilespmem:$0x60]  }
0x32: {  	[tilespmem:$0x130] =	vst v9;
	v9 =	vadd.s32 v0, v12;
	v12 =	vld [tilespmem:$0x160]  }
0x33: {  	[tilespmem:$0xC0] =	vst v9;
	v9 =	vadd.s32 v0, v13;
	v13 =	vld [tilespmem:$0x70]  }
0x34: {  	[tilespmem:$0x140] =	vst v9;
	v9 =	vadd.s32 v0, v14;
	v14 =	vld [tilespmem:$0x170]  }
0x35: {  	[tilespmem:$0xD0] =	vst v9;
	v9 =	vadd.s32 v0, v10  }
0x36: {  	[tilespmem:$0x150] =	vst v9;
	v9 =	vadd.s32 v0, v11  }
0x37: {  	[tilespmem:$0xE0] =	vst v9;
	v9 =	vadd.s32 v0, v12  }
0x38: {  	[tilespmem:$0x160] =	vst v9;
	v9 =	vadd.s32 v0, v13  }
0x39: {  	[tilespmem:$0xF0] =	vst v9;
	v9 =	vadd.s32 v0, v14  }
0x3a: {  	[tilespmem:$0x170] =	vst v9  }
0x3b: {  	[tilespmem:s16], [sflag:$0x1] =	stream.indirect.gather [hbm4b:s2+s15], $0x80, s15, s15, $0xb8;
	[tilespmem:$0xC200] =	vst v63  }
0x3c: {  	_ =	swait.ge [sflag:s13], $0x4000  }
0x3d: {  	[sflag:s13] =	ssyncset.done $0x0  }
0x3e: {  	[sflag:s13] =	ssyncadd.s32 $0xFFFFC000  }
0x3f: {  	[tilespmem:s17], [sflag:$0x1] =	stream.indirect.gather [hbm4b:s3+s15], $0x80, s14, s15, $0xb8;
	[tilespmem:$0xC200] =	vst v63  }
0x40: {  	_ =	swait.ge [sflag:s13], $0x4000  }
0x41: {  	[sflag:s13] =	ssyncset.done $0x0  }
0x42: {  	s23 =	simm.s32 $0x0;
	[sflag:s13] =	ssyncadd.s32 $0xFFFFC000  }
0x43: {  	v10 =	vld [tilespmem:s23+$0x1B0]  }
0x44: {  	v11 =	vld [tilespmem:s23+$0x180]  }
0x45: {  	v12 =	vld [tilespmem:s23+$0x4180]  }
0x46: {  	v13 =	vld [tilespmem:s23+$0x190]  }
0x47: {  	v14 =	vld [tilespmem:s23+$0x4190]  }
0x48: {  	v15 =	vld [tilespmem:s23+$0x1A0]  }
0x49: {  	v16 =	vld [tilespmem:s23+$0x41A0]  }
0x4a: {  	v17 =	vld [tilespmem:s23+$0x41B0]  }
0x4b: {  	v9 =	vld [tilespmem:s23+$0x1F0]  }
0x4c: {  	v11 =	vadd.f32 v12, v11;
	v12 =	vadd.f32 v14, v13;
	v13 =	vld [tilespmem:s23+$0x1C0]  }
0x4d: {  	v14 =	vld [tilespmem:s23+$0x41C0]  }
0x4e: {  	v20 =	vld [tilespmem:s23+$0x41D0];
	v15 =	vadd.f32 v16, v15;
	v18 =	vmul.f32 $2.000000030e-01, v11;
	v19 =	vmul.f32 $2.000000030e-01, v12  }
0x4f: {  	v16 =	vld [tilespmem:s23+$0x1D0];
	v17 =	vadd.f32 v17, v10  }
0x50: {  	v21 =	vld [tilespmem:s23+$0x1E0];
	v10 =	vmax.f32 v11, v18;
	v11 =	vmax.f32 v12, v19;
	v12 =	vmul.f32 $2.000000030e-01, v15  }
0x51: {  	v22 =	vld [tilespmem:s23+$0x41E0];
	v18 =	vmul.f32 v10, v1;
	v11 =	vmul.f32 v11, v2  }
0x52: {  	s22 =	simm.s32 $0x80;
	v19 =	vadd.f32 v14, v13;
	v13 =	vld [tilespmem:s23+$0x41F0];
	v12 =	vmax.f32 v15, v12;
	v15 =	vmul.f32 $2.000000030e-01, v17  }
0x53: {  	v10 =	vld [tilespmem:s22+$0x1B0];
	v14 =	vadd.f32 v11, v18;
	v18 =	vmul.f32 v12, v3  }
0x54: {  	v11 =	vld [tilespmem:s22+$0x180];
	v24 =	vmul.f32 $2.000000030e-01, v19;
	v23 =	vmax.f32 v17, v15;
	v15 =	vadd.f32 v20, v16  }
0x55: {  	v12 =	vld [tilespmem:s22+$0x4180];
	v17 =	vadd.f32 v18, v14;
	v18 =	vmul.f32 v23, v4  }
0x56: {  	s24 =	simm.s32 $0x400;
	v16 =	vadd.f32 v22, v21;
	v14 =	vld [tilespmem:s22+$0x190];
	v20 =	vmax.f32 v19, v24;
	v19 =	vmul.f32 $2.000000030e-01, v15  }
.LBB2_3:
0x57: {  	p0 =	sne.s32 s24, $0xFE00;
	v21 =	vld [tilespmem:s22+$0x4190];
	v17 =	vadd.f32 v18, v17;
	v18 =	vmul.f32 v20, v5  }
0x58: {  	v13 =	vadd.f32 v13, v9;
	v20 =	vld [tilespmem:s22+$0x1A0];
	v15 =	vmax.f32 v15, v19;
	v19 =	vmul.f32 $2.000000030e-01, v16  }
0x59: {  	v22 =	vld [tilespmem:s22+$0x41A0];
	v17 =	vadd.f32 v18, v17;
	v15 =	vmul.f32 v15, v6  }
0x5a: {  	v18 =	vld [tilespmem:s22+$0x41B0];
	v16 =	vmax.f32 v16, v19;
	v19 =	vmul.f32 $2.000000030e-01, v13  }
0x5b: {  	v9 =	vld [tilespmem:s22+$0x1F0];
	v15 =	vadd.f32 v15, v17;
	v16 =	vmul.f32 v16, v7  }
0x5c: {  	v11 =	vadd.f32 v12, v11;
	v12 =	vadd.f32 v21, v14;
	v14 =	vld [tilespmem:s22+$0x1C0];
	v13 =	vmax.f32 v13, v19  }
0x5d: {  	v17 =	vld [tilespmem:s22+$0x41C0];
	v15 =	vadd.f32 v16, v15;
	v13 =	vmul.f32 v13, v8  }
0x5e: {  	v16 =	vmul.f32 $2.000000030e-01, v11;
	v19 =	vmul.f32 $2.000000030e-01, v12;
	v20 =	vadd.f32 v22, v20;
	v21 =	vld [tilespmem:s22+$0x1D0]  }
0x5f: {  	v18 =	vadd.f32 v18, v10;
	v22 =	vld [tilespmem:s22+$0x41D0];
	v10 =	vadd.f32 v13, v15  }
0x60: {  	v11 =	vmax.f32 v11, v16;
	v12 =	vmax.f32 v12, v19;
	v13 =	vmul.f32 $2.000000030e-01, v20;
	v16 =	vld [tilespmem:s22+$0x1E0]  }
0x61: {  	v11 =	vmul.f32 v11, v1;
	v12 =	vmul.f32 v12, v2;
	v23 =	vld [tilespmem:s22+$0x41E0];
	[tilespmem:s23+$0x8180] =	vst v10;
	s23 =	smov.u32 s22  }
.Ltmp0:
0x62: {  	s22 =	sshra.s32 s24, $0x2;
	v19 =	vmul.f32 $2.000000030e-01, v18;
	v15 =	vmax.f32 v20, v13;
	v20 =	vadd.f32 v17, v14;
	v13 =	vld [tilespmem:s23+$0x41F0];
	(pc) =	sbr.rel @p0 .LBB2_3-.Ltmp0, $4  }
0x63: {  	v10 =	vld [tilespmem:s22+$0x1B0];
	v14 =	vadd.f32 v12, v11;
	v17 =	vmul.f32 v15, v3  }
0x64: {  	v18 =	vmax.f32 v18, v19;
	v11 =	vld [tilespmem:s22+$0x180];
	v19 =	vmul.f32 $2.000000030e-01, v20;
	v15 =	vadd.f32 v22, v21  }
0x65: {  	v18 =	vmul.f32 v18, v4;
	v12 =	vld [tilespmem:s22+$0x4180];
	v17 =	vadd.f32 v17, v14  }
0x66: {  	s24 =	sadd.s32 $0x200, s24;
	v14 =	vld [tilespmem:s22+$0x190];
	v20 =	vmax.f32 v20, v19;
	v19 =	vmul.f32 $2.000000030e-01, v15;
	v16 =	vadd.f32 v23, v16  }
0x67: {  	v21 =	vld [tilespmem:s22+$0x4190];
	v17 =	vadd.f32 v18, v17;
	v39 =	vmul.f32 v20, v5  }
0x68: {  	v40 =	vld [tilespmem:s22+$0x1A0];
	v9 =	vadd.f32 v13, v9;
	v15 =	vmax.f32 v15, v19  }
0x69: {  	v42 =	vld [tilespmem:s22+$0x41A0];
	v41 =	vmul.f32 $2.000000030e-01, v16;
	v17 =	vadd.f32 v39, v17;
	v15 =	vmul.f32 v15, v6  }
0x6a: {  	v43 =	vld [tilespmem:s22+$0x41B0];
	v44 =	vmul.f32 $2.000000030e-01, v9  }
0x6b: {  	v16 =	vmax.f32 v16, v41;
	v11 =	vadd.f32 v12, v11;
	v15 =	vadd.f32 v15, v17  }
0x6c: {  	v46 =	vld [tilespmem:s22+$0x1C0];
	v16 =	vmul.f32 v16, v7;
	v9 =	vmax.f32 v9, v44;
	v45 =	vadd.f32 v21, v14  }
0x6d: {  	v47 =	vld [tilespmem:s22+$0x41C0];
	v9 =	vmul.f32 v9, v8;
	v48 =	vmul.f32 $2.000000030e-01, v11  }
0x6e: {  	v50 =	vld [tilespmem:s22+$0x1D0];
	v13 =	vadd.f32 v42, v40;
	v15 =	vadd.f32 v16, v15;
	v49 =	vmul.f32 $2.000000030e-01, v45  }
0x6f: {  	v51 =	vld [tilespmem:s22+$0x41D0];
	v10 =	vadd.f32 v43, v10;
	v11 =	vmax.f32 v11, v48  }
0x70: {  	v53 =	vld [tilespmem:s22+$0x1E0];
	v52 =	vmul.f32 $2.000000030e-01, v13;
	v9 =	vadd.f32 v9, v15;
	v12 =	vmax.f32 v45, v49  }
0x71: {  	v54 =	vld [tilespmem:s22+$0x41E0];
	v11 =	vmul.f32 v11, v1;
	v12 =	vmul.f32 v12, v2  }
0x72: {  	v22 =	vld [tilespmem:s22+$0x1F0];
	v14 =	vadd.f32 v47, v46;
	v55 =	vmul.f32 $2.000000030e-01, v10;
	[tilespmem:s23+$0x8180] =	vst v9;
	v9 =	vmax.f32 v13, v52  }
0x73: {  	v56 =	vld [tilespmem:s22+$0x41F0];
	v9 =	vmul.f32 v9, v3;
	v11 =	vadd.f32 v12, v11  }
0x74: {  	v58 =	vadd.f32 v51, v50;
	v57 =	vmul.f32 $2.000000030e-01, v14;
	v10 =	vmax.f32 v10, v55  }
0x75: {  	v10 =	vmul.f32 v10, v4;
	v9 =	vadd.f32 v9, v11  }
0x76: {  	v60 =	vadd.f32 v54, v53;
	v59 =	vmul.f32 $2.000000030e-01, v58;
	v11 =	vmax.f32 v14, v57  }
0x77: {  	v9 =	vadd.f32 v10, v9;
	v10 =	vmul.f32 v11, v5  }
0x78: {  	v61 =	vmul.f32 $2.000000030e-01, v60;
	v11 =	vmax.f32 v58, v59;
	v62 =	vadd.f32 v56, v22  }
0x79: {  	v9 =	vadd.f32 v10, v9;
	v10 =	vmul.f32 v11, v6  }
0x7a: {  	v11 =	vmax.f32 v60, v61;
	v63 =	vmul.f32 $2.000000030e-01, v62  }
0x7b: {  	v9 =	vadd.f32 v10, v9;
	v10 =	vmul.f32 v11, v7  }
0x7c: {  	v11 =	vmax.f32 v62, v63  }
0x7d: {  	v9 =	vadd.f32 v10, v9;
	v10 =	vmul.f32 v11, v8;
	_ =	sdelay $0x1  }
0x7e: {  	s21 =	sadd.s32 s10, s21;
	s20 =	sadd.s32 $0x1, s20;
	v9 =	vadd.f32 v10, v9  }
0x7f: {  	s21 =	sshll.u32 s21, $0x4;
	p0 =	sne.s32 s20, $0x54  }
.Ltmp1:
0x80: {  	s21 =	sadd.s32 s7, s21;
	[tilespmem:s22+$0x8180] =	vst v9;
	(pc) =	sbr.rel @p0 .LBB2_2-.Ltmp1, $4  }
0x81: {  	[hbm4b:s21+s1] =	stream.linear.scatter [tilespmem:s18], [sflag:$0x1], $0x4000, $0x38;
	[tilespmem:$0xC200] =	vst v63  }
0x82: {  	_ =	swait.ge [sflag:s13], $0x4000  }
0x83: {  	[sflag:s13] =	ssyncset.done $0x0  }
0x84: {  	[sflag:s13] =	ssyncadd.s32 $0xFFFFC000  }
0x85: {  	s19 =	sadd.s32 $0x1, s19  }
0x86: {  	p0 =	sne.s32 s19, s11  }
.Ltmp2:
0x87: {  	_ = 	snop;
	(pc) =	sbr.rel @p0 .LBB2_1-.Ltmp2, $1  }
0x88: {  	_ =	sdelay $0x3  }
0x89: {  	_ =	sfence.sel $0x180000  }
0x8a: {  	[bflag:$0x0] =	sbarrier.arrive $0xFFFF  }
0x8b: {  	p0 =	sne.s32 s5, $0x0;
	_ =	strace $0x90000053  }
0x8c: {  	s0 =	sadd.s32 @!p0 $0x100000, s0;
	[bflag:$0x2] =	sbarrier.arrive $0xFFFF  }
0x8d: {  	[sflag:s0] =	ssyncadd.tile.s32 @!p0 $0x1;
	_ =	shalt  }
.Lfunc_end2:
_tile_overlayer_lowered:
.L_overlay_start_2:
0x8e: {  	(tag) =	ssettag $0x2  }
0x8f: {  	s0 =	rddreg [dreg:$0x0];
	s2 =	stileid.u32  }
0x90: {  	s1 =	rddreg [dreg:$0x1];
	p0 =	sne.s32 s2, $0x0  }
0x91: {  	s3 =	rddreg [dreg:$0x2];
	[bflag:$0x3] =	sbarrier.arrive $0xFFFF;
	s2 =	simm.s32 @!p0 $0x1C01  }
0x92: {  	[timem:s3], [sflag:s2] =	dma.local @!p0 [hbm:s0], s1  }
0x93: {  	s0 =	simm.s32 @!p0 $0x1  }
0x94: {  	_ =	swait.ge @!p0 [sflag:s0], s1  }
0x95: {  	s1 =	ssub.s32 @!p0 $0x0, s1;
	[sflag:s0] =	ssyncset.done @!p0 $0x0  }
0x96: {  	[sflag:s0] =	ssyncadd.s32 @!p0 s1  }
0x97: {  	[bflag:$0x3] =	sbarrier.arrive $0xFFFF  }
0x98: {  	_ =	shalt  }

// kernel: kernel.33.cloned.1.call-start
scs
__scs_entry_jumppad:
0x0: {  	(pc) =	sbr.rel $0x88, $3  }
0x1: {  	(tag) =	ssettag $0x0;
	lr =	simm.s32 $0x1  }
0x2: {  	[smem:$0x3F88] =	sst lr;
	_ =	strace $0xD0000000  }
0x3: {  	_ = 	snop  }
0x4: {  	_ = 	snop  }
0x5: {  	_ = 	snop  }
0x6: {  	_ = 	snop  }
0x7: {  	_ = 	snop  }
__scs_overlays_trampoline_lowered:
0x8: {  	[smem:$0x3F97] =	sst s0  }
0x9: {  	[smem:$0x3F98] =	sst s1  }
0xa: {  	[smem:$0x3F99] =	sst s2  }
0xb: {  	[smem:$0x3F9A] =	sst s3  }
0xc: {  	[smem:$0x3F9B] =	sst s4  }
0xd: {  	[smem:$0x3F9C] =	sst s5  }
0xe: {  	[smem:$0x3F9D] =	sst s6  }
0xf: {  	[smem:$0x3F9E] =	sst s7  }
0x10: {  	[smem:$0x3F9F] =	sst s8  }
0x11: {  	[smem:$0x3FA0] =	sst s9;
	s0 =	simm.s32 @!p0 $0x0  }
0x12: {  	s1 =	sld [smem:$0x3F86];
	s0 =	simm.s32 @p0 $0x1  }
0x13: {  	[smem:$0x3FA1] =	sst s0;
	s0 =	simm.s32 @!p1 $0x0  }
0x14: {  	s2 =	sld [smem:$0x3F85];
	s0 =	simm.s32 @p1 $0x1  }
0x15: {  	[smem:$0x3FA2] =	sst s0;
	s0 =	simm.s32 @!p2 $0x0  }
0x16: {  	s3 =	sld [smem:$0x3FDB];
	s0 =	simm.s32 @p2 $0x1  }
0x17: {  	s4 =	simm.s32 $0x1BF5;
	[smem:$0x3FA4] =	sst s0  }
0x18: {  	s0 =	sld [smem:$0x3F87];
	_ =	swait.ge [sflag:s4], $0x0  }
0x19: {  	s7 =	sld [smem:$0x3F88]  }
0x1a: {  	s8 =	sadd.s32 $0xFFFFE003, lr  }
0x1b: {  	s9 =	sadd.s32 $0xFFFFFEF7, lr;
	s5 =	simm.s32 $0xFFFFFFFF;
	p2 =	slt.u32 s8, $0xFFFFF086  }
0x1c: {  	p1 =	slt.u32 s9, $0xF7A;
	s5 =	simm.s32 @!p2 $0x0  }
0x1d: {  	s5 =	simm.s32 @p1 $0x1;
	p0 =	seq.s32 s7, s2  }
0x1e: {  	s7 =	smul.u32 @!p0 $0xF7A, s2;
	p2 =	seq.s32 @!p0 s5, $0x0  }
0x1f: {  	s9 =	smul.u32 $0xF7A, s1;
	s8 =	simm.s32 @!p0 $0x1BF5;
	p2 =	por !p2, p0  }
0x20: {  	[sflag:s8] =	ssyncset.s32 @!p0 $0xFFFFF086;
	s6 =	sadd.s32 @!p0 s3, s7;
	s7 =	simm.s32 @!p0 $0x108  }
0x21: {  	s3 =	sadd.s32 s3, s9;
	s6 =	sadd.s32 @!p0 $0x88, s6;
	s7 =	simm.s32 @p2 $0x1082  }
0x22: {  	[simem:s7], [sflag:s8] =	dma.local @!p0 [hbm:s6], $0xF7A  }
0x23: {  	s9 =	sor.u32 $0xD0000000, s2;
	s6 =	simm.s32 $0x108;
	_ =	swait.ge @!p0 [sflag:s8], $0x0  }
0x24: {  	s3 =	sadd.s32 $0x88, s3;
	s6 =	simm.s32 @!p1 $0x1082;
	[sflag:s4] =	ssyncset.s32 $0xFFFFF086  }
0x25: {  	[simem:s6], [sflag:s4] =	dma.local [hbm:s3], $0xF7A  }
0x26: {  	[smem:$0x3F88] =	sst s1;
	(tag) =	ssettag s2;
	_ =	strace s9  }
0x27: {  	s1 =	sld [smem:$0x3F98]  }
0x28: {  	s2 =	sld [smem:$0x3F99]  }
0x29: {  	s4 =	sld [smem:$0x3F9B]  }
0x2a: {  	p0 =	seq.s32 s5, $0x0;
	s5 =	sld [smem:$0x3F9C]  }
0x2b: {  	s6 =	sld [smem:$0x3F9D]  }
0x2c: {  	s7 =	sld [smem:$0x3F9E]  }
0x2d: {  	s3 =	simm.s32 $0x108;
	s8 =	sld [smem:$0x3F9F]  }
0x2e: {  	s3 =	simm.s32 @!p0 $0x1082;
	s9 =	sld [smem:$0x3FA0]  }
0x2f: {  	lr =	sadd.s32 s0, s3;
	s0 =	sld [smem:$0x3F97]  }
0x30: {  	s3 =	sld [smem:$0x3F9A]  }
0x31: {  	[smem:$0x3FA3] =	sst s10  }
0x32: {  	s10 =	sld [smem:$0x3FA1];
	_ =	sdelay $0x3  }
0x33: {  	p0 =	seq.s32 s10, $0x1;
	s10 =	sld [smem:$0x3FA3];
	_ =	sdelay $0x3  }
0x34: {  	[smem:$0x3FA3] =	sst s10  }
0x35: {  	s10 =	sld [smem:$0x3FA2];
	_ =	sdelay $0x3  }
0x36: {  	p1 =	seq.s32 s10, $0x1;
	s10 =	sld [smem:$0x3FA3];
	_ =	sdelay $0x3  }
0x37: {  	[smem:$0x3FA3] =	sst s10  }
0x38: {  	s10 =	sld [smem:$0x3FA4]  }
0x39: {  	_ = 	snop;
	(pc) =	sbr.ind lr, $3  }
0x3a: {  	_ = 	snop  }
0x3b: {  	_ = 	snop  }
0x3c: {  	p2 =	seq.s32 s10, $0x1;
	s10 =	sld [smem:$0x3FA3]  }
0x3d: {  	_ =	shalt  }
0x3e: {  	_ =	shalt  }
0x3f: {  	_ =	shalt  }
0x40: {  	_ =	shalt  }
0x41: {  	_ =	shalt  }
0x42: {  	_ =	shalt  }
0x43: {  	_ =	shalt  }
0x44: {  	_ =	shalt  }
0x45: {  	_ =	shalt  }
0x46: {  	_ =	shalt  }
0x47: {  	_ =	shalt  }
0x48: {  	_ =	shalt  }
0x49: {  	_ =	shalt  }
0x4a: {  	_ =	shalt  }
0x4b: {  	_ =	shalt  }
0x4c: {  	_ =	shalt  }
0x4d: {  	_ =	shalt  }
0x4e: {  	_ =	shalt  }
0x4f: {  	_ =	shalt  }
0x50: {  	_ =	shalt  }
0x51: {  	_ =	shalt  }
0x52: {  	_ =	shalt  }
0x53: {  	_ =	shalt  }
0x54: {  	_ =	shalt  }
0x55: {  	_ =	shalt  }
0x56: {  	_ =	shalt  }
0x57: {  	_ =	shalt  }
0x58: {  	_ =	shalt  }
0x59: {  	_ =	shalt  }
0x5a: {  	_ =	shalt  }
0x5b: {  	_ =	shalt  }
0x5c: {  	_ =	shalt  }
0x5d: {  	_ =	shalt  }
0x5e: {  	_ =	shalt  }
0x5f: {  	_ =	shalt  }
0x60: {  	_ =	shalt  }
0x61: {  	_ =	shalt  }
0x62: {  	_ =	shalt  }
0x63: {  	_ =	shalt  }
0x64: {  	_ =	shalt  }
0x65: {  	_ =	shalt  }
0x66: {  	_ =	shalt  }
0x67: {  	_ =	shalt  }
0x68: {  	_ =	shalt  }
0x69: {  	_ =	shalt  }
0x6a: {  	_ =	shalt  }
0x6b: {  	_ =	shalt  }
0x6c: {  	_ =	shalt  }
0x6d: {  	_ =	shalt  }
0x6e: {  	_ =	shalt  }
0x6f: {  	_ =	shalt  }
0x70: {  	_ =	shalt  }
0x71: {  	_ =	shalt  }
0x72: {  	_ =	shalt  }
0x73: {  	_ =	shalt  }
0x74: {  	_ =	shalt  }
0x75: {  	_ =	shalt  }
0x76: {  	_ =	shalt  }
0x77: {  	_ =	shalt  }
0x78: {  	_ =	shalt  }
0x79: {  	_ =	shalt  }
0x7a: {  	_ =	shalt  }
0x7b: {  	_ =	shalt  }
0x7c: {  	_ =	shalt  }
0x7d: {  	_ =	shalt  }
0x7e: {  	_ =	shalt  }
0x7f: {  	_ =	shalt  }
0x80: {  	_ =	shalt  }
0x81: {  	_ =	shalt  }
0x82: {  	_ =	shalt  }
0x83: {  	_ =	shalt  }
0x84: {  	_ =	shalt  }
0x85: {  	_ =	shalt  }
0x86: {  	_ =	shalt  }
0x87: {  	_ =	shalt  }
.Lfunc_end0:
.L_simem_size_0:
called_computation.5_lowered:
.L_overlay_start_0:
0x88: {  	s2 =	sld [smem:$0x3FD9]  }
0x89: {  	s3 =	sld [smem:$0x3FFE];
	_ =	sdelay $0x1  }
0x8a: {  	s1 =	srdreg.scid  }
0x8b: {  	s0 =	sand.u32 $0x1, s1  }
0x8c: {  	s17 =	sshll.u32 s0, $0xA;
	s2 =	sadd.s32 s3, s2  }
0x8d: {  	s2 =	sadd.s32 s2, s17  }
0x8e: {  	[smem:$0x3FAF] =	sst s2  }
0x8f: {  	_ = 	snop  }
0x90: {  	s2 =	sld [smem:$0x3FD0];
	(tm) =	ssettm $0x1  }
0x91: {  	s18 =	sld [smem:$0x3FFB];
	_ =	sdelay $0x3  }
0x92: {  	_ =	strace s18  }
0x93: {  	s3 =	sld [smem:$0x3FFC];
	_ =	sdelay $0x3  }
0x94: {  	_ =	strace s3  }
0x95: {  	s3 =	sld [smem:$0x3FFD];
	_ =	sdelay $0x3  }
0x96: {  	_ =	strace s3  }
0x97: {  	_ =	strace $0x8FFFFFFF  }
0x98: {  	s19 =	sld [smem:$0x3FDB];
	_ =	sdelay $0x1  }
0x99: {  	s4 =	simm.s32 $_scs_section_size  }
0x9a: {  	s5 =	simm.s32 $_size__tile_overlayer_lowered;
	s6 =	simm.s32 $_tile_overlayer_lowered  }
0x9b: {  	s22 =	simm.s32 $0x1BFF;
	s21 =	sshll.u32 s6, $0x1;
	s3 =	sadd.s32 s4, s19  }
0x9c: {  	s7 =	simm.s32 $0x0;
	s20 =	sshll.u32 s5, $0x1;
	s5 =	sadd.s32 s21, s3  }
0x9d: {  	[timem:s7], [sflag:s22] =	dma.local [hbm:s5], s20  }
0x9e: {  	_ =	swait.ge [sflag:s22], s20  }
0x9f: {  	s4 =	ssub.s32 $0x0, s20;
	[sflag:s22] =	ssyncset.done $0x0  }
0xa0: {  	[sflag:s22] =	ssyncadd.s32 s4;
	_ =	sdelay $0x1  }
0xa1: {  	s23 =	simm.s32 $0x1B8B  }
0xa2: {  	_ =	swait.ge [sflag:s23], $0x1  }
0xa3: {  	[sflag:s23] =	ssyncset.done $0x0  }
0xa4: {  	s25 =	simm.s32 $0x1B8E;
	s24 =	sld [smem:$0x3FFE];
	[sflag:s23] =	ssyncadd.s32 $0xFFFFFFFF  }
0xa5: {  	s26 =	simm.s32 $execute0_lowered;
	[smem:$0x3FD2] =	sst s25  }
0xa6: {  	s5 =	sshll.u32 s26, $0x1;
	_ =	strace $0x80000055;
	[dreg:$0x1] =	wrdreg $0xFFFFFFFF  }
0xa7: {  	s28 =	simm.s32 $_size_execute0_lowered;
	s3 =	sadd.s32 s3, s5;
	[dreg:$0x0] =	wrdreg $0x0  }
0xa8: {  	s5 =	sshll.u32 s28, $0x1;
	[dreg:$0x2] =	wrdreg s3  }
0xa9: {  	[dreg:$0x3] =	wrdreg s5  }
0xaa: {  	[dreg:$0x4] =	wrdreg $0xC0  }
0xab: {  	_ =	task [dreg:s7], $0x5FFFF  }
0xac: {  	[dreg:$0x1] =	wrdreg $0xFFFFFFFF  }
0xad: {  	[dreg:$0x0] =	wrdreg $0x60  }
0xae: {  	[dreg:$0x2] =	wrdreg s24  }
0xaf: {  	[dreg:$0x3] =	wrdreg s2  }
0xb0: {  	[dreg:$0x4] =	wrdreg $0x9  }
0xb1: {  	_ =	task.clear_ibuf [dreg:s7], $0x5FFFF;
	_ =	strace $0x90000055  }
0xb2: {  	s29 =	simm.s32 $0x9;
	_ =	strace $0x80000057  }
0xb3: {  	_ =	swait.ge [sflag:s29], $0x1  }
0xb4: {  	[sflag:s29] =	ssyncadd.s32 $0xFFFFFFFF  }
0xb5: {  	_ =	strace $0x90000057  }
0xb6: {  	_ =	sfence  }
0xb7: {  	s30 =	sld [smem:$0x0];
	_ =	sdelay $0x2  }
0xb8: {  	s31 =	sshll.u32 s1, $0xD;
	s1 =	sshrl.u32 s1, $0x2  }
0xb9: {  	s3 =	sand.u32 $0x4000, s31;
	s1 =	sadd.s32 s1, s30  }
0xba: {  	s0 =	sor.u32 s3, s0;
	s1 =	sshll.u32 s1, $0x11  }
0xbb: {  	s0 =	sor.u32 s1, s0  }
0xbc: {  	s0 =	sadd.s32 $0x8F2B, s0  }
0xbd: {  	[sflag:s0] =	ssyncadd.remote.s32 $0x1  }
0xbe: {  	_ =	sfence.sel $0xFFFF  }
0xbf: {  	[dreg:$0x0] =	wrdreg $0xFFFFFFFF;
	(pc) =	sbr.abs _section_cstart, $3  }
0xc0: {  	[dreg:$0x1] =	wrdreg $0xFFFFFFFF  }
0xc1: {  	_ =	task.clear_ibuf [dreg:s7], $0x2FFFF;
	_ =	strace $0x9FFFFFFF  }
0xc2: {  	(tm) =	ssettm $0x7FFFFFFF  }
0xc3: {  	_ =	shalt  }
tec
execute0_lowered:
.L_overlay_start_1:
0x0: {  	(tag) =	ssettag $0x1  }
0x1: {  	s8 =	rddreg [dreg:$0x0]  }
0x2: {  	s1 =	rddreg [dreg:$0x1]  }
0x3: {  	s0 =	rddreg [dreg:$0x2];
	s2 =	simm.s32 $0x0  }
0x4: {  	s3 =	srdreg.scid;
	s13 =	simm.s32 $0x80;
	s14 =	simm.s32 $0x200  }
0x5: {  	s15 =	simm.s32 $0xA00;
	s16 =	simm.s32 $0x14A00;
	s17 =	simm.s32 $0x0  }
0x6: {  	[smem:$0x7FF] =	sst s2;
	s9 =	sand.u32 $0x1, s3;
	s3 =	stileid.u32  }
0x7: {  	s4 =	sadd.s32 $0x11200, s8;
	s5 =	sadd.s32 $0x6A00, s8;
	_ =	strace $0x80000056  }
0x8: {  	s6 =	sshll.u32 s9, $0x4;
	s11 =	ssub.s32 $0x2, s9;
	s9 =	smul.u32 $0x14000, s9  }
0x9: {  	s30 =	sshrl.u32 s3, $0x1;
	s31 =	sand.u32 $0x1, s3;
	s7 =	sor.u32 s3, s6  }
0xa: {  	v3 =	vlaneseq.u32;
	s6 =	sadd.s32 $0xBE00, s8;
	s12 =	sshrl.u32 s11, $0x1;
	s10 =	smul.u32 $0x2800, s7  }
0xb: {  	vm1 =	vcmask $0x300;
	v2 =	vshrl.u32 v3, $0x3;
	v1 =	vmov s31;
	s7 =	sadd.s32 $0x61200, s8;
	s29 =	ssub.s32 s11, s12;
	s9 =	sor.u32 s30, s9  }
0xc: {  	v3 =	vand.u32 $0x7, v3;
	s11 =	simm.s32 $0x100;
	s12 =	simm.s32 $0x180;
	vm0 =	veq.s32 v1, v2;
	v2 =	vimm.s32 $0x0;
	s8 =	sadd.s32 s10, s8  }
0xd: {  	v1 =	vimm.f32 $0.0e+00;
	v0 =	vmov s9;
	s9 =	smax.u32 s29, $0x1;
	v2 =	vsel vm1, $0x3, v2;
	s10 =	simm.s32 $0x1;
	s8 =	sadd.s32 $0x66600, s8  }
.LBB2_1:
0xe: {  	s18 =	simm.s32 $0x40;
	s19 =	simm.s32 $0x0  }
.LBB2_2:
0xf: {  	p0 =	sne.s32 s18, $0x4FFC0;
	[tilespmem:s19+$0xA00] =	vst v1;
	s19 =	smov.u32 s18;
	s18 =	sadd.s32 $0x40, s18  }
.Ltmp0:
0x10: {  	(pc) =	sbr.rel @p0 .LBB2_2-.Ltmp0, $2  }
0x11: {  	_ =	sdelay $0x2  }
0x12: {  	s19 =	sshra.s32 s19, $0x2  }
0x13: {  	[tilespmem:s19+$0xA00] =	vst v1;
	s18 =	simm.s32 $0x0;
	s19 =	simm.s32 $0x40;
	s20 =	simm.s32 $0x0  }
.LBB2_4:
0x14: {  	p0 =	sne.s32 s19, $0x9FC0;
	[tilespmem:s20+$0x14A00] =	vst v1;
	s20 =	smov.u32 s19;
	s19 =	sadd.s32 $0x40, s19  }
.Ltmp1:
0x15: {  	(pc) =	sbr.rel @p0 .LBB2_4-.Ltmp1, $2  }
0x16: {  	_ =	sdelay $0x2  }
0x17: {  	s20 =	sshra.s32 s20, $0x2  }
0x18: {  	[tilespmem:s20+$0x14A00] =	vst v1  }
.LBB2_6:
0x19: {  	s19 =	sshll.u32 s18, $0x4  }
0x1a: {  	s21 =	simm.s32 $0x0;
	s20 =	sadd.s32 s5, s19  }
0x1b: {  	[tilespmem:s21], [sflag:$0x1] =	stream.linear.gather [hbm4b:s20+s21], $0x80, $0x38;
	[tilespmem:$0x17200] =	vst v63  }
0x1c: {  	_ =	swait.ge [sflag:s10], $0x80  }
0x1d: {  	[sflag:s10] =	ssyncset.done $0x0  }
0x1e: {  	s30 =	sadd.s32 s6, s19;
	[sflag:s10] =	ssyncadd.s32 $0xFFFFFF80  }
0x1f: {  	[tilespmem:s11], [sflag:$0x1] =	stream.linear.gather [hbm4b:s30+s21], $0x80, $0x38;
	[tilespmem:$0x17200] =	vst v63  }
0x20: {  	_ =	swait.ge [sflag:s10], $0x80  }
0x21: {  	[sflag:s10] =	ssyncset.done $0x0  }
0x22: {  	s19 =	sadd.s32 s7, s19;
	[sflag:s10] =	ssyncadd.s32 $0xFFFFFF80  }
0x23: {  	[tilespmem:s12], [sflag:$0x1] =	stream.linear.gather [hbm4b:s19+s21], $0x80, $0x38;
	[tilespmem:$0x17200] =	vst v63  }
0x24: {  	_ =	swait.ge [sflag:s10], $0x80  }
0x25: {  	[sflag:s10] =	ssyncset.done $0x0  }
0x26: {  	[sflag:s10] =	ssyncadd.s32 $0xFFFFFF80  }
0x27: {  	v4 =	vld [tilespmem:$0x0]  }
0x28: {  	v5 =	vld [tilespmem:$0x10]  }
0x29: {  	v6 =	vld [tilespmem:$0x20]  }
0x2a: {  	v7 =	vld [tilespmem:$0x30]  }
0x2b: {  	v8 =	vld [tilespmem:$0x40]  }
0x2c: {  	v9 =	vld [tilespmem:$0x50];
	v4 =	vshll.u32 v4, $0x3  }
0x2d: {  	v10 =	vld [tilespmem:$0x60];
	v5 =	vshll.u32 v5, $0x3;
	v4 =	vadd.s32 v0, v4  }
0x2e: {  	[tilespmem:$0x80] =	vst v4;
	v4 =	vadd.s32 v0, v5;
	v5 =	vshll.u32 v6, $0x3;
	v6 =	vld [tilespmem:$0x70]  }
0x2f: {  	[tilespmem:$0x90] =	vst v4;
	v4 =	vadd.s32 v0, v5;
	v5 =	vshll.u32 v7, $0x3  }
0x30: {  	[tilespmem:$0xA0] =	vst v4;
	v4 =	vadd.s32 v0, v5;
	v5 =	vshll.u32 v8, $0x3  }
0x31: {  	[tilespmem:$0xB0] =	vst v4;
	v4 =	vadd.s32 v0, v5;
	v5 =	vshll.u32 v9, $0x3  }
0x32: {  	[tilespmem:$0xC0] =	vst v4;
	v4 =	vadd.s32 v0, v5;
	v5 =	vshll.u32 v10, $0x3  }
0x33: {  	[tilespmem:$0xD0] =	vst v4;
	v4 =	vadd.s32 v0, v5;
	v5 =	vshll.u32 v6, $0x3  }
0x34: {  	[tilespmem:$0xE0] =	vst v4;
	v4 =	vadd.s32 v0, v5  }
0x35: {  	[tilespmem:$0xF0] =	vst v4  }
0x36: {  	[tilespmem:s14], [sflag:$0x1] =	stream.indirect.gather [hbm4b:s4+s13], $0x10, s13, s13, $0xb8;
	[tilespmem:$0x17200] =	vst v63  }
0x37: {  	_ =	swait.ge [sflag:s10], $0x800  }
0x38: {  	[sflag:s10] =	ssyncset.done $0x0  }
0x39: {  	s31 =	simm.s32 $0x0;
	[sflag:s10] =	ssyncadd.s32 $0xFFFFF800  }
0x3a: {  	v4 =	vld [tilespmem:s31+$0x100];
	_ =	sdelay $0x4  }
0x3b: {  	v6 =	vshll.u32 v4, $0x3  }
0x3c: {  	v5 =	vld [tilespmem:s31+$0x180];
	v7 =	vshrl.u32 v6, $0x3  }
0x3d: {  	s19 =	simm.s32 $0x280;
	v7 =	vshll.u32 v7, v2  }
0x3e: {  	v20 =	vld [tilespmem:s19+$0xFFFFFF80];
	v7 =	vbroadcast v7, $0x0;
	_ =	sdelay $0x1  }
0x3f: {  	v21 =	vbroadcast v4, $0x0;
	v7 =	vor.u32 v3, v7  }
0x40: {  	v22 =	vbroadcast v5, $0x0;
	_ =	sdelay $0x1  }
0x41: {  	v11 =	vbroadcast v6, $0x1;
	v8 =	vmul.f32 v22, v20;
	_ =	sdelay $0x1  }
0x42: {  	v11 =	vshrl.u32 v11, $0x3;
	[tilespmem:v7+s15+$0x0] =	vst.idx.add.f32.msk vm0, v8  }
0x43: {  	v7 =	vshll.u32 v11, v2;
	[tilespmem:v21+s16+$0x0] =	vst.idx.add.f32.msk $0x1, v22  }
0x44: {  	v7 =	vbroadcast v7, $0x0;
	v8 =	vld [tilespmem:s19+$0xFFFFFF90];
	_ =	sdelay $0x1  }
0x45: {  	v23 =	vbroadcast v4, $0x1;
	v7 =	vor.u32 v3, v7  }
0x46: {  	v24 =	vbroadcast v5, $0x1;
	_ =	sdelay $0x1  }
0x47: {  	v25 =	vbroadcast v6, $0x2;
	v8 =	vmul.f32 v8, v24;
	_ =	sdelay $0x1  }
0x48: {  	v11 =	vshrl.u32 v25, $0x3;
	[tilespmem:v7+s15+$0x0] =	vst.idx.add.f32.msk vm0, v8  }
0x49: {  	v7 =	vshll.u32 v11, v2;
	[tilespmem:v23+s16+$0x0] =	vst.idx.add.f32.msk $0x1, v24  }
0x4a: {  	v7 =	vbroadcast v7, $0x0;
	v8 =	vld [tilespmem:s19+$0xFFFFFFA0];
	_ =	sdelay $0x1  }
0x4b: {  	v26 =	vbroadcast v4, $0x2;
	v7 =	vor.u32 v3, v7  }
0x4c: {  	v27 =	vbroadcast v5, $0x2;
	_ =	sdelay $0x1  }
0x4d: {  	v28 =	vbroadcast v6, $0x3;
	v8 =	vmul.f32 v8, v27;
	_ =	sdelay $0x1  }
0x4e: {  	v11 =	vshrl.u32 v28, $0x3;
	[tilespmem:v7+s15+$0x0] =	vst.idx.add.f32.msk vm0, v8  }
0x4f: {  	v7 =	vshll.u32 v11, v2;
	[tilespmem:v26+s16+$0x0] =	vst.idx.add.f32.msk $0x1, v27  }
0x50: {  	v7 =	vbroadcast v7, $0x0;
	v8 =	vld [tilespmem:s19+$0xFFFFFFB0];
	_ =	sdelay $0x1  }
0x51: {  	v29 =	vbroadcast v4, $0x3;
	v7 =	vor.u32 v3, v7  }
0x52: {  	v30 =	vbroadcast v5, $0x3;
	_ =	sdelay $0x1  }
0x53: {  	v31 =	vbroadcast v6, $0x4;
	v8 =	vmul.f32 v8, v30;
	_ =	sdelay $0x1  }
0x54: {  	v11 =	vshrl.u32 v31, $0x3;
	[tilespmem:v7+s15+$0x0] =	vst.idx.add.f32.msk vm0, v8  }
0x55: {  	v7 =	vshll.u32 v11, v2;
	[tilespmem:v29+s16+$0x0] =	vst.idx.add.f32.msk $0x1, v30  }
0x56: {  	v7 =	vbroadcast v7, $0x0;
	v8 =	vld [tilespmem:s19+$0xFFFFFFC0];
	_ =	sdelay $0x1  }
0x57: {  	v32 =	vbroadcast v4, $0x4;
	v7 =	vor.u32 v3, v7  }
0x58: {  	v33 =	vbroadcast v5, $0x4;
	_ =	sdelay $0x1  }
0x59: {  	v34 =	vbroadcast v6, $0x5;
	v8 =	vmul.f32 v8, v33;
	_ =	sdelay $0x1  }
0x5a: {  	v11 =	vshrl.u32 v34, $0x3;
	[tilespmem:v7+s15+$0x0] =	vst.idx.add.f32.msk vm0, v8  }
0x5b: {  	v7 =	vshll.u32 v11, v2;
	[tilespmem:v32+s16+$0x0] =	vst.idx.add.f32.msk $0x1, v33  }
0x5c: {  	v7 =	vbroadcast v7, $0x0;
	v8 =	vld [tilespmem:s19+$0xFFFFFFD0];
	_ =	sdelay $0x1  }
0x5d: {  	v35 =	vbroadcast v4, $0x5;
	v7 =	vor.u32 v3, v7  }
0x5e: {  	v36 =	vbroadcast v5, $0x5;
	_ =	sdelay $0x1  }
0x5f: {  	v37 =	vbroadcast v6, $0x6;
	v8 =	vmul.f32 v8, v36;
	_ =	sdelay $0x1  }
0x60: {  	v11 =	vshrl.u32 v37, $0x3;
	[tilespmem:v7+s15+$0x0] =	vst.idx.add.f32.msk vm0, v8  }
0x61: {  	v7 =	vshll.u32 v11, v2;
	[tilespmem:v35+s16+$0x0] =	vst.idx.add.f32.msk $0x1, v36  }
0x62: {  	v7 =	vbroadcast v7, $0x0;
	v8 =	vld [tilespmem:s19+$0xFFFFFFE0];
	_ =	sdelay $0x1  }
0x63: {  	v38 =	vbroadcast v4, $0x6;
	v7 =	vor.u32 v3, v7  }
0x64: {  	v39 =	vbroadcast v5, $0x6;
	_ =	sdelay $0x1  }
0x65: {  	v40 =	vbroadcast v6, $0x7;
	v8 =	vmul.f32 v8, v39;
	_ =	sdelay $0x1  }
0x66: {  	v11 =	vshrl.u32 v40, $0x3;
	[tilespmem:v7+s15+$0x0] =	vst.idx.add.f32.msk vm0, v8  }
0x67: {  	v7 =	vshll.u32 v11, v2;
	[tilespmem:v38+s16+$0x0] =	vst.idx.add.f32.msk $0x1, v39  }
0x68: {  	v7 =	vbroadcast v7, $0x0;
	v8 =	vld [tilespmem:s19+$0xFFFFFFF0];
	_ =	sdelay $0x1  }
0x69: {  	v41 =	vbroadcast v4, $0x7;
	v7 =	vor.u32 v3, v7  }
0x6a: {  	v42 =	vbroadcast v5, $0x7;
	_ =	sdelay $0x1  }
0x6b: {  	v43 =	vbroadcast v6, $0x8;
	v8 =	vmul.f32 v8, v42;
	_ =	sdelay $0x1  }
0x6c: {  	v11 =	vshrl.u32 v43, $0x3;
	[tilespmem:v7+s15+$0x0] =	vst.idx.add.f32.msk vm0, v8  }
0x6d: {  	v7 =	vshll.u32 v11, v2;
	[tilespmem:v41+s16+$0x0] =	vst.idx.add.f32.msk $0x1, v42  }
0x6e: {  	v7 =	vbroadcast v7, $0x0;
	v8 =	vld [tilespmem:s19+$0x0];
	_ =	sdelay $0x1  }
0x6f: {  	v44 =	vbroadcast v4, $0x8;
	v7 =	vor.u32 v3, v7  }
0x70: {  	v45 =	vbroadcast v5, $0x8;
	_ =	sdelay $0x1  }
0x71: {  	v46 =	vbroadcast v6, $0x9;
	v8 =	vmul.f32 v8, v45;
	_ =	sdelay $0x1  }
0x72: {  	v11 =	vshrl.u32 v46, $0x3;
	[tilespmem:v7+s15+$0x0] =	vst.idx.add.f32.msk vm0, v8  }
0x73: {  	v7 =	vshll.u32 v11, v2;
	[tilespmem:v44+s16+$0x0] =	vst.idx.add.f32.msk $0x1, v45  }
0x74: {  	v7 =	vbroadcast v7, $0x0;
	v8 =	vld [tilespmem:s19+$0x10];
	_ =	sdelay $0x1  }
0x75: {  	v47 =	vbroadcast v4, $0x9;
	v7 =	vor.u32 v3, v7  }
0x76: {  	v48 =	vbroadcast v5, $0x9;
	_ =	sdelay $0x1  }
0x77: {  	v49 =	vbroadcast v6, $0xA;
	v8 =	vmul.f32 v8, v48;
	_ =	sdelay $0x1  }
0x78: {  	v11 =	vshrl.u32 v49, $0x3;
	[tilespmem:v7+s15+$0x0] =	vst.idx.add.f32.msk vm0, v8  }
0x79: {  	v7 =	vshll.u32 v11, v2;
	[tilespmem:v47+s16+$0x0] =	vst.idx.add.f32.msk $0x1, v48  }
0x7a: {  	v7 =	vbroadcast v7, $0x0;
	v8 =	vld [tilespmem:s19+$0x20];
	_ =	sdelay $0x1  }
0x7b: {  	v50 =	vbroadcast v4, $0xA;
	v7 =	vor.u32 v3, v7  }
0x7c: {  	v51 =	vbroadcast v5, $0xA;
	_ =	sdelay $0x1  }
0x7d: {  	v52 =	vbroadcast v6, $0xB;
	v8 =	vmul.f32 v8, v51;
	_ =	sdelay $0x1  }
0x7e: {  	v11 =	vshrl.u32 v52, $0x3;
	[tilespmem:v7+s15+$0x0] =	vst.idx.add.f32.msk vm0, v8  }
0x7f: {  	v7 =	vshll.u32 v11, v2;
	[tilespmem:v50+s16+$0x0] =	vst.idx.add.f32.msk $0x1, v51  }
0x80: {  	v7 =	vbroadcast v7, $0x0;
	v8 =	vld [tilespmem:s19+$0x30];
	_ =	sdelay $0x1  }
0x81: {  	v53 =	vbroadcast v4, $0xB;
	v7 =	vor.u32 v3, v7  }
0x82: {  	v54 =	vbroadcast v5, $0xB;
	_ =	sdelay $0x1  }
0x83: {  	v55 =	vbroadcast v6, $0xC;
	v8 =	vmul.f32 v8, v54;
	_ =	sdelay $0x1  }
0x84: {  	v11 =	vshrl.u32 v55, $0x3;
	[tilespmem:v7+s15+$0x0] =	vst.idx.add.f32.msk vm0, v8  }
0x85: {  	v7 =	vshll.u32 v11, v2;
	[tilespmem:v53+s16+$0x0] =	vst.idx.add.f32.msk $0x1, v54  }
0x86: {  	v7 =	vbroadcast v7, $0x0;
	v8 =	vld [tilespmem:s19+$0x40];
	_ =	sdelay $0x1  }
0x87: {  	v56 =	vbroadcast v4, $0xC;
	v7 =	vor.u32 v3, v7  }
0x88: {  	v57 =	vbroadcast v5, $0xC;
	_ =	sdelay $0x1  }
0x89: {  	v58 =	vbroadcast v6, $0xD;
	v8 =	vmul.f32 v8, v57;
	_ =	sdelay $0x1  }
0x8a: {  	v11 =	vshrl.u32 v58, $0x3;
	[tilespmem:v7+s15+$0x0] =	vst.idx.add.f32.msk vm0, v8  }
0x8b: {  	v7 =	vshll.u32 v11, v2;
	[tilespmem:v56+s16+$0x0] =	vst.idx.add.f32.msk $0x1, v57  }
0x8c: {  	v7 =	vbroadcast v7, $0x0;
	v8 =	vld [tilespmem:s19+$0x50];
	_ =	sdelay $0x1  }
0x8d: {  	v59 =	vbroadcast v4, $0xD;
	v7 =	vor.u32 v3, v7  }
0x8e: {  	v60 =	vbroadcast v5, $0xD;
	_ =	sdelay $0x1  }
0x8f: {  	v61 =	vbroadcast v6, $0xE;
	v8 =	vmul.f32 v8, v60;
	_ =	sdelay $0x1  }
0x90: {  	v11 =	vshrl.u32 v61, $0x3;
	[tilespmem:v7+s15+$0x0] =	vst.idx.add.f32.msk vm0, v8  }
0x91: {  	v7 =	vshll.u32 v11, v2;
	[tilespmem:v59+s16+$0x0] =	vst.idx.add.f32.msk $0x1, v60  }
0x92: {  	v7 =	vbroadcast v7, $0x0;
	v8 =	vld [tilespmem:s19+$0x60];
	_ =	sdelay $0x1  }
0x93: {  	v62 =	vbroadcast v4, $0xE;
	v7 =	vor.u32 v3, v7  }
0x94: {  	v63 =	vbroadcast v5, $0xE;
	_ =	sdelay $0x1  }
0x95: {  	v6 =	vbroadcast v6, $0xF;
	v8 =	vmul.f32 v8, v63;
	_ =	sdelay $0x1  }
0x96: {  	v6 =	vshrl.u32 v6, $0x3;
	[tilespmem:v7+s15+$0x0] =	vst.idx.add.f32.msk vm0, v8  }
0x97: {  	v6 =	vshll.u32 v6, v2;
	[tilespmem:v62+s16+$0x0] =	vst.idx.add.f32.msk $0x1, v63  }
0x98: {  	v6 =	vbroadcast v6, $0x0;
	v7 =	vld [tilespmem:s19+$0x70];
	_ =	sdelay $0x1  }
0x99: {  	v6 =	vor.u32 v3, v6  }
0x9a: {  	v5 =	vbroadcast v5, $0xF;
	v4 =	vbroadcast v4, $0xF;
	_ =	sdelay $0x1  }
0x9b: {  	v7 =	vmul.f32 v7, v5;
	_ =	sdelay $0x1  }
0x9c: {  	s22 =	simm.s32 $0x80;
	s20 =	simm.s32 $0x40;
	[tilespmem:v6+s15+$0x0] =	vst.idx.add.f32.msk vm0, v7  }
.LBB2_7:
0x9d: {  	s23 =	sshra.s32 s20, $0x2  }
0x9e: {  	[tilespmem:v4+s16+$0x0] =	vst.idx.add.f32.msk $0x1, v5;
	s19 =	sadd.s32 $0x100, s19;
	s20 =	smov.u32 s22;
	s21 =	sadd.s32 $0x40, s22  }
0x9f: {  	p0 =	sne.s32 s22, $0x1C0;
	v4 =	vld [tilespmem:s23+$0x100];
	_ =	sdelay $0x4  }
0xa0: {  	v6 =	vshll.u32 v4, $0x3  }
0xa1: {  	v5 =	vld [tilespmem:s23+$0x180];
	v7 =	vshrl.u32 v6, $0x3;
	v8 =	vbroadcast v6, $0x1;
	v9 =	vbroadcast v6, $0x2  }
0xa2: {  	v10 =	vbroadcast v6, $0x3;
	v11 =	vbroadcast v6, $0x4;
	v7 =	vshll.u32 v7, v2  }
0xa3: {  	v12 =	vld [tilespmem:s19+$0xFFFFFF80];
	v7 =	vbroadcast v7, $0x0;
	v8 =	vshrl.u32 v8, $0x3;
	v9 =	vshrl.u32 v9, $0x3  }
0xa4: {  	v10 =	vshrl.u32 v10, $0x3;
	v8 =	vshll.u32 v8, v2;
	v9 =	vshll.u32 v9, v2  }
0xa5: {  	v13 =	vbroadcast v4, $0x0;
	v7 =	vor.u32 v3, v7;
	v8 =	vbroadcast v8, $0x0  }
0xa6: {  	v10 =	vshll.u32 v10, v2;
	v9 =	vbroadcast v9, $0x0;
	v14 =	vbroadcast v5, $0x0  }
0xa7: {  	v15 =	vbroadcast v10, $0x0;
	v10 =	vshrl.u32 v11, $0x3;
	v11 =	vbroadcast v6, $0x5  }
0xa8: {  	v16 =	vbroadcast v6, $0x6;
	v10 =	vshll.u32 v10, v2;
	v12 =	vmul.f32 v14, v12  }
0xa9: {  	v17 =	vbroadcast v10, $0x0;
	v10 =	vshrl.u32 v11, $0x3;
	v11 =	vbroadcast v6, $0x7  }
0xaa: {  	[tilespmem:v7+s15+$0x0] =	vst.idx.add.f32.msk vm0, v12;
	v7 =	vshll.u32 v10, v2;
	v10 =	vshrl.u32 v16, $0x3;
	v12 =	vbroadcast v6, $0x8  }
0xab: {  	[tilespmem:v13+s16+$0x0] =	vst.idx.add.f32.msk $0x1, v14;
	v14 =	vbroadcast v7, $0x0;
	v7 =	vshll.u32 v10, v2;
	v10 =	vshrl.u32 v11, $0x3  }
0xac: {  	v11 =	vld [tilespmem:s19+$0xFFFFFF90];
	v16 =	vbroadcast v7, $0x0;
	v7 =	vshll.u32 v10, v2;
	v10 =	vshrl.u32 v12, $0x3  }
0xad: {  	v18 =	vbroadcast v7, $0x0;
	v7 =	vshll.u32 v10, v2;
	v10 =	vbroadcast v6, $0x9  }
0xae: {  	v19 =	vbroadcast v4, $0x1;
	v8 =	vor.u32 v3, v8;
	v13 =	vbroadcast v7, $0x0  }
0xaf: {  	v20 =	vbroadcast v6, $0xA;
	v7 =	vbroadcast v5, $0x1;
	v10 =	vshrl.u32 v10, $0x3  }
0xb0: {  	v21 =	vbroadcast v6, $0xB;
	v22 =	vbroadcast v6, $0xC;
	v10 =	vshll.u32 v10, v2  }
0xb1: {  	v11 =	vmul.f32 v11, v7;
	v12 =	vbroadcast v10, $0x0;
	v10 =	vshrl.u32 v20, $0x3  }
0xb2: {  	v20 =	vshrl.u32 v21, $0x3;
	v21 =	vshrl.u32 v22, $0x3;
	v10 =	vshll.u32 v10, v2  }
0xb3: {  	[tilespmem:v8+s15+$0x0] =	vst.idx.add.f32.msk vm0, v11;
	v11 =	vbroadcast v10, $0x0;
	v8 =	vshll.u32 v20, v2;
	v20 =	vshll.u32 v21, v2  }
0xb4: {  	[tilespmem:v19+s16+$0x0] =	vst.idx.add.f32.msk $0x1, v7;
	v10 =	vbroadcast v8, $0x0;
	v8 =	vbroadcast v20, $0x0  }
0xb5: {  	v19 =	vbroadcast v6, $0xD;
	v20 =	vbroadcast v6, $0xE;
	v7 =	vld [tilespmem:s19+$0xFFFFFFA0]  }
0xb6: {  	v6 =	vbroadcast v6, $0xF  }
0xb7: {  	v22 =	vbroadcast v4, $0x2;
	v21 =	vor.u32 v3, v9;
	v9 =	vshrl.u32 v19, $0x3  }
0xb8: {  	v19 =	vbroadcast v5, $0x2;
	v20 =	vshrl.u32 v20, $0x3;
	v9 =	vshll.u32 v9, v2  }
0xb9: {  	v6 =	vshrl.u32 v6, $0x3;
	v20 =	vshll.u32 v20, v2;
	v9 =	vbroadcast v9, $0x0  }
0xba: {  	v6 =	vshll.u32 v6, v2;
	v23 =	vmul.f32 v7, v19;
	v7 =	vbroadcast v20, $0x0  }
0xbb: {  	v6 =	vbroadcast v6, $0x0  }
0xbc: {  	[tilespmem:v21+s15+$0x0] =	vst.idx.add.f32.msk vm0, v23  }
0xbd: {  	[tilespmem:v22+s16+$0x0] =	vst.idx.add.f32.msk $0x1, v19  }
0xbe: {  	v19 =	vld [tilespmem:s19+$0xFFFFFFB0];
	_ =	sdelay $0x1  }
0xbf: {  	v15 =	vor.u32 v3, v15;
	v20 =	vbroadcast v4, $0x3  }
0xc0: {  	v21 =	vbroadcast v5, $0x3;
	_ =	sdelay $0x1  }
0xc1: {  	v19 =	vmul.f32 v19, v21;
	_ =	sdelay $0x1  }
0xc2: {  	[tilespmem:v15+s15+$0x0] =	vst.idx.add.f32.msk vm0, v19  }
0xc3: {  	[tilespmem:v20+s16+$0x0] =	vst.idx.add.f32.msk $0x1, v21  }
0xc4: {  	v15 =	vld [tilespmem:s19+$0xFFFFFFC0];
	_ =	sdelay $0x1  }
0xc5: {  	v17 =	vor.u32 v3, v17;
	v19 =	vbroadcast v4, $0x4  }
0xc6: {  	v20 =	vbroadcast v5, $0x4;
	_ =	sdelay $0x1  }
0xc7: {  	v15 =	vmul.f32 v15, v20;
	_ =	sdelay $0x1  }
0xc8: {  	[tilespmem:v17+s15+$0x0] =	vst.idx.add.f32.msk vm0, v15  }
0xc9: {  	[tilespmem:v19+s16+$0x0] =	vst.idx.add.f32.msk $0x1, v20  }
0xca: {  	v15 =	vld [tilespmem:s19+$0xFFFFFFD0];
	_ =	sdelay $0x1  }
0xcb: {  	v14 =	vor.u32 v3, v14;
	v17 =	vbroadcast v4, $0x5  }
0xcc: {  	v19 =	vbroadcast v5, $0x5;
	_ =	sdelay $0x1  }
0xcd: {  	v15 =	vmul.f32 v15, v19;
	_ =	sdelay $0x1  }
0xce: {  	[tilespmem:v14+s15+$0x0] =	vst.idx.add.f32.msk vm0, v15  }
0xcf: {  	[tilespmem:v17+s16+$0x0] =	vst.idx.add.f32.msk $0x1, v19  }
0xd0: {  	v14 =	vld [tilespmem:s19+$0xFFFFFFE0];
	_ =	sdelay $0x1  }
0xd1: {  	v15 =	vor.u32 v3, v16;
	v16 =	vbroadcast v4, $0x6  }
0xd2: {  	v17 =	vbroadcast v5, $0x6;
	_ =	sdelay $0x1  }
0xd3: {  	v14 =	vmul.f32 v14, v17;
	_ =	sdelay $0x1  }
0xd4: {  	[tilespmem:v15+s15+$0x0] =	vst.idx.add.f32.msk vm0, v14  }
0xd5: {  	[tilespmem:v16+s16+$0x0] =	vst.idx.add.f32.msk $0x1, v17  }
0xd6: {  	v14 =	vld [tilespmem:s19+$0xFFFFFFF0];
	_ =	sdelay $0x1  }
0xd7: {  	v15 =	vor.u32 v3, v18;
	v16 =	vbroadcast v4, $0x7  }
0xd8: {  	v17 =	vbroadcast v5, $0x7;
	_ =	sdelay $0x1  }
0xd9: {  	v14 =	vmul.f32 v14, v17;
	_ =	sdelay $0x1  }
0xda: {  	[tilespmem:v15+s15+$0x0] =	vst.idx.add.f32.msk vm0, v14  }
0xdb: {  	[tilespmem:v16+s16+$0x0] =	vst.idx.add.f32.msk $0x1, v17  }
0xdc: {  	v14 =	vld [tilespmem:s19+$0x0];
	_ =	sdelay $0x1  }
0xdd: {  	v13 =	vor.u32 v3, v13;
	v15 =	vbroadcast v4, $0x8  }
0xde: {  	v16 =	vbroadcast v5, $0x8;
	_ =	sdelay $0x1  }
0xdf: {  	v14 =	vmul.f32 v14, v16;
	_ =	sdelay $0x1  }
0xe0: {  	[tilespmem:v13+s15+$0x0] =	vst.idx.add.f32.msk vm0, v14  }
0xe1: {  	[tilespmem:v15+s16+$0x0] =	vst.idx.add.f32.msk $0x1, v16  }
0xe2: {  	v13 =	vld [tilespmem:s19+$0x10];
	_ =	sdelay $0x1  }
0xe3: {  	v12 =	vor.u32 v3, v12;
	v14 =	vbroadcast v4, $0x9  }
0xe4: {  	v15 =	vbroadcast v5, $0x9;
	_ =	sdelay $0x1  }
0xe5: {  	v13 =	vmul.f32 v13, v15;
	_ =	sdelay $0x1  }
0xe6: {  	[tilespmem:v12+s15+$0x0] =	vst.idx.add.f32.msk vm0, v13  }
0xe7: {  	[tilespmem:v14+s16+$0x0] =	vst.idx.add.f32.msk $0x1, v15  }
0xe8: {  	v12 =	vld [tilespmem:s19+$0x20];
	_ =	sdelay $0x1  }
0xe9: {  	v11 =	vor.u32 v3, v11;
	v13 =	vbroadcast v4, $0xA  }
0xea: {  	v14 =	vbroadcast v5, $0xA;
	_ =	sdelay $0x1  }
0xeb: {  	v12 =	vmul.f32 v12, v14;
	_ =	sdelay $0x1  }
0xec: {  	[tilespmem:v11+s15+$0x0] =	vst.idx.add.f32.msk vm0, v12  }
0xed: {  	[tilespmem:v13+s16+$0x0] =	vst.idx.add.f32.msk $0x1, v14  }
0xee: {  	v11 =	vld [tilespmem:s19+$0x30];
	_ =	sdelay $0x1  }
0xef: {  	v10 =	vor.u32 v3, v10;
	v12 =	vbroadcast v4, $0xB  }
0xf0: {  	v13 =	vbroadcast v5, $0xB;
	_ =	sdelay $0x1  }
0xf1: {  	v11 =	vmul.f32 v11, v13;
	_ =	sdelay $0x1  }
0xf2: {  	[tilespmem:v10+s15+$0x0] =	vst.idx.add.f32.msk vm0, v11  }
0xf3: {  	[tilespmem:v12+s16+$0x0] =	vst.idx.add.f32.msk $0x1, v13  }
0xf4: {  	v10 =	vld [tilespmem:s19+$0x40];
	_ =	sdelay $0x1  }
0xf5: {  	v8 =	vor.u32 v3, v8;
	v11 =	vbroadcast v4, $0xC  }
0xf6: {  	v12 =	vbroadcast v5, $0xC;
	_ =	sdelay $0x1  }
0xf7: {  	v10 =	vmul.f32 v10, v12;
	_ =	sdelay $0x1  }
0xf8: {  	[tilespmem:v8+s15+$0x0] =	vst.idx.add.f32.msk vm0, v10  }
0xf9: {  	[tilespmem:v11+s16+$0x0] =	vst.idx.add.f32.msk $0x1, v12  }
0xfa: {  	v8 =	vld [tilespmem:s19+$0x50];
	_ =	sdelay $0x1  }
0xfb: {  	v9 =	vor.u32 v3, v9;
	v10 =	vbroadcast v4, $0xD  }
0xfc: {  	v11 =	vbroadcast v5, $0xD;
	_ =	sdelay $0x1  }
0xfd: {  	v8 =	vmul.f32 v8, v11;
	_ =	sdelay $0x1  }
0xfe: {  	[tilespmem:v9+s15+$0x0] =	vst.idx.add.f32.msk vm0, v8  }
0xff: {  	[tilespmem:v10+s16+$0x0] =	vst.idx.add.f32.msk $0x1, v11  }
0x100: {  	v8 =	vld [tilespmem:s19+$0x60];
	_ =	sdelay $0x1  }
0x101: {  	v7 =	vor.u32 v3, v7;
	v9 =	vbroadcast v4, $0xE  }
0x102: {  	v10 =	vbroadcast v5, $0xE;
	_ =	sdelay $0x1  }
0x103: {  	v8 =	vmul.f32 v8, v10;
	_ =	sdelay $0x1  }
0x104: {  	[tilespmem:v7+s15+$0x0] =	vst.idx.add.f32.msk vm0, v8  }
0x105: {  	[tilespmem:v9+s16+$0x0] =	vst.idx.add.f32.msk $0x1, v10  }
0x106: {  	v7 =	vld [tilespmem:s19+$0x70];
	_ =	sdelay $0x1  }
0x107: {  	v6 =	vor.u32 v3, v6;
	v4 =	vbroadcast v4, $0xF  }
.Ltmp2:
0x108: {  	v5 =	vbroadcast v5, $0xF;
	(pc) =	sbr.rel @p0 .LBB2_7-.Ltmp2, $3  }
0x109: {  	_ = 	snop  }
0x10a: {  	v7 =	vmul.f32 v7, v5;
	_ =	sdelay $0x1  }
0x10b: {  	s22 =	smov.u32 s21;
	[tilespmem:v6+s15+$0x0] =	vst.idx.add.f32.msk vm0, v7  }
0x10c: {  	_ =	sdelay $0x3  }
0x10d: {  	s20 =	sshra.s32 s20, $0x2;
	[tilespmem:v4+s16+$0x0] =	vst.idx.add.f32.msk $0x1, v5  }
0x10e: {  	v4 =	vld [tilespmem:s20+$0x100];
	_ =	sdelay $0x4  }
0x10f: {  	v6 =	vshll.u32 v4, $0x3  }
0x110: {  	v5 =	vld [tilespmem:s20+$0x180];
	v7 =	vshrl.u32 v6, $0x3  }
0x111: {  	s19 =	sadd.s32 $0x100, s19;
	v7 =	vshll.u32 v7, v2  }
0x112: {  	v8 =	vld [tilespmem:s19+$0xFFFFFF80];
	v7 =	vbroadcast v7, $0x0;
	_ =	sdelay $0x1  }
0x113: {  	v9 =	vbroadcast v4, $0x0;
	v7 =	vor.u32 v3, v7  }
0x114: {  	v10 =	vbroadcast v5, $0x0;
	_ =	sdelay $0x1  }
0x115: {  	v11 =	vbroadcast v6, $0x1;
	v8 =	vmul.f32 v10, v8;
	_ =	sdelay $0x1  }
0x116: {  	v11 =	vshrl.u32 v11, $0x3;
	[tilespmem:v7+s15+$0x0] =	vst.idx.add.f32.msk vm0, v8  }
0x117: {  	v61 =	vshll.u32 v11, v2;
	[tilespmem:v9+s16+$0x0] =	vst.idx.add.f32.msk $0x1, v10  }
0x118: {  	v7 =	vbroadcast v61, $0x0;
	v8 =	vld [tilespmem:s19+$0xFFFFFF90];
	_ =	sdelay $0x1  }
0x119: {  	v62 =	vbroadcast v4, $0x1;
	v7 =	vor.u32 v3, v7  }
0x11a: {  	v63 =	vbroadcast v5, $0x1;
	_ =	sdelay $0x1  }
0x11b: {  	v12 =	vbroadcast v6, $0x2;
	v8 =	vmul.f32 v8, v63;
	_ =	sdelay $0x1  }
0x11c: {  	v11 =	vshrl.u32 v12, $0x3;
	[tilespmem:v7+s15+$0x0] =	vst.idx.add.f32.msk vm0, v8  }
0x11d: {  	v13 =	vshll.u32 v11, v2;
	[tilespmem:v62+s16+$0x0] =	vst.idx.add.f32.msk $0x1, v63  }
0x11e: {  	v7 =	vbroadcast v13, $0x0;
	v8 =	vld [tilespmem:s19+$0xFFFFFFA0];
	_ =	sdelay $0x1  }
0x11f: {  	v14 =	vbroadcast v4, $0x2;
	v7 =	vor.u32 v3, v7  }
0x120: {  	v15 =	vbroadcast v5, $0x2;
	_ =	sdelay $0x1  }
0x121: {  	v16 =	vbroadcast v6, $0x3;
	v8 =	vmul.f32 v8, v15;
	_ =	sdelay $0x1  }
0x122: {  	v11 =	vshrl.u32 v16, $0x3;
	[tilespmem:v7+s15+$0x0] =	vst.idx.add.f32.msk vm0, v8  }
0x123: {  	v17 =	vshll.u32 v11, v2;
	[tilespmem:v14+s16+$0x0] =	vst.idx.add.f32.msk $0x1, v15  }
0x124: {  	v7 =	vbroadcast v17, $0x0;
	v8 =	vld [tilespmem:s19+$0xFFFFFFB0];
	_ =	sdelay $0x1  }
0x125: {  	v18 =	vbroadcast v4, $0x3;
	v7 =	vor.u32 v3, v7  }
0x126: {  	v19 =	vbroadcast v5, $0x3;
	_ =	sdelay $0x1  }
0x127: {  	v20 =	vbroadcast v6, $0x4;
	v8 =	vmul.f32 v8, v19;
	_ =	sdelay $0x1  }
0x128: {  	v11 =	vshrl.u32 v20, $0x3;
	[tilespmem:v7+s15+$0x0] =	vst.idx.add.f32.msk vm0, v8  }
0x129: {  	v21 =	vshll.u32 v11, v2;
	[tilespmem:v18+s16+$0x0] =	vst.idx.add.f32.msk $0x1, v19  }
0x12a: {  	v7 =	vbroadcast v21, $0x0;
	v8 =	vld [tilespmem:s19+$0xFFFFFFC0];
	_ =	sdelay $0x1  }
0x12b: {  	v22 =	vbroadcast v4, $0x4;
	v7 =	vor.u32 v3, v7  }
0x12c: {  	v23 =	vbroadcast v5, $0x4;
	_ =	sdelay $0x1  }
0x12d: {  	v24 =	vbroadcast v6, $0x5;
	v8 =	vmul.f32 v8, v23;
	_ =	sdelay $0x1  }
0x12e: {  	v11 =	vshrl.u32 v24, $0x3;
	[tilespmem:v7+s15+$0x0] =	vst.idx.add.f32.msk vm0, v8  }
0x12f: {  	v25 =	vshll.u32 v11, v2;
	[tilespmem:v22+s16+$0x0] =	vst.idx.add.f32.msk $0x1, v23  }
0x130: {  	v7 =	vbroadcast v25, $0x0;
	v8 =	vld [tilespmem:s19+$0xFFFFFFD0];
	_ =	sdelay $0x1  }
0x131: {  	v26 =	vbroadcast v4, $0x5;
	v7 =	vor.u32 v3, v7  }
0x132: {  	v27 =	vbroadcast v5, $0x5;
	_ =	sdelay $0x1  }
0x133: {  	v28 =	vbroadcast v6, $0x6;
	v8 =	vmul.f32 v8, v27;
	_ =	sdelay $0x1  }
0x134: {  	v11 =	vshrl.u32 v28, $0x3;
	[tilespmem:v7+s15+$0x0] =	vst.idx.add.f32.msk vm0, v8  }
0x135: {  	v29 =	vshll.u32 v11, v2;
	[tilespmem:v26+s16+$0x0] =	vst.idx.add.f32.msk $0x1, v27  }
0x136: {  	v7 =	vbroadcast v29, $0x0;
	v8 =	vld [tilespmem:s19+$0xFFFFFFE0];
	_ =	sdelay $0x1  }
0x137: {  	v30 =	vbroadcast v4, $0x6;
	v7 =	vor.u32 v3, v7  }
0x138: {  	v31 =	vbroadcast v5, $0x6;
	_ =	sdelay $0x1  }
0x139: {  	v32 =	vbroadcast v6, $0x7;
	v8 =	vmul.f32 v8, v31;
	_ =	sdelay $0x1  }
0x13a: {  	v11 =	vshrl.u32 v32, $0x3;
	[tilespmem:v7+s15+$0x0] =	vst.idx.add.f32.msk vm0, v8  }
0x13b: {  	v33 =	vshll.u32 v11, v2;
	[tilespmem:v30+s16+$0x0] =	vst.idx.add.f32.msk $0x1, v31  }
0x13c: {  	v7 =	vbroadcast v33, $0x0;
	v8 =	vld [tilespmem:s19+$0xFFFFFFF0];
	_ =	sdelay $0x1  }
0x13d: {  	v34 =	vbroadcast v4, $0x7;
	v7 =	vor.u32 v3, v7  }
0x13e: {  	v35 =	vbroadcast v5, $0x7;
	_ =	sdelay $0x1  }
0x13f: {  	v36 =	vbroadcast v6, $0x8;
	v8 =	vmul.f32 v8, v35;
	_ =	sdelay $0x1  }
0x140: {  	v11 =	vshrl.u32 v36, $0x3;
	[tilespmem:v7+s15+$0x0] =	vst.idx.add.f32.msk vm0, v8  }
0x141: {  	v37 =	vshll.u32 v11, v2;
	[tilespmem:v34+s16+$0x0] =	vst.idx.add.f32.msk $0x1, v35  }
0x142: {  	v7 =	vbroadcast v37, $0x0;
	v8 =	vld [tilespmem:s19+$0x0];
	_ =	sdelay $0x1  }
0x143: {  	v38 =	vbroadcast v4, $0x8;
	v7 =	vor.u32 v3, v7  }
0x144: {  	v39 =	vbroadcast v5, $0x8;
	_ =	sdelay $0x1  }
0x145: {  	v40 =	vbroadcast v6, $0x9;
	v8 =	vmul.f32 v8, v39;
	_ =	sdelay $0x1  }
0x146: {  	v11 =	vshrl.u32 v40, $0x3;
	[tilespmem:v7+s15+$0x0] =	vst.idx.add.f32.msk vm0, v8  }
0x147: {  	v41 =	vshll.u32 v11, v2;
	[tilespmem:v38+s16+$0x0] =	vst.idx.add.f32.msk $0x1, v39  }
0x148: {  	v7 =	vbroadcast v41, $0x0;
	v8 =	vld [tilespmem:s19+$0x10];
	_ =	sdelay $0x1  }
0x149: {  	v42 =	vbroadcast v4, $0x9;
	v7 =	vor.u32 v3, v7  }
0x14a: {  	v43 =	vbroadcast v5, $0x9;
	_ =	sdelay $0x1  }
0x14b: {  	v44 =	vbroadcast v6, $0xA;
	v8 =	vmul.f32 v8, v43;
	_ =	sdelay $0x1  }
0x14c: {  	v11 =	vshrl.u32 v44, $0x3;
	[tilespmem:v7+s15+$0x0] =	vst.idx.add.f32.msk vm0, v8  }
0x14d: {  	v45 =	vshll.u32 v11, v2;
	[tilespmem:v42+s16+$0x0] =	vst.idx.add.f32.msk $0x1, v43  }
0x14e: {  	v7 =	vbroadcast v45, $0x0;
	v8 =	vld [tilespmem:s19+$0x20];
	_ =	sdelay $0x1  }
0x14f: {  	v46 =	vbroadcast v4, $0xA;
	v7 =	vor.u32 v3, v7  }
0x150: {  	v47 =	vbroadcast v5, $0xA;
	_ =	sdelay $0x1  }
0x151: {  	v48 =	vbroadcast v6, $0xB;
	v8 =	vmul.f32 v8, v47;
	_ =	sdelay $0x1  }
0x152: {  	v11 =	vshrl.u32 v48, $0x3;
	[tilespmem:v7+s15+$0x0] =	vst.idx.add.f32.msk vm0, v8  }
0x153: {  	v49 =	vshll.u32 v11, v2;
	[tilespmem:v46+s16+$0x0] =	vst.idx.add.f32.msk $0x1, v47  }
0x154: {  	v7 =	vbroadcast v49, $0x0;
	v8 =	vld [tilespmem:s19+$0x30];
	_ =	sdelay $0x1  }
0x155: {  	v50 =	vbroadcast v4, $0xB;
	v7 =	vor.u32 v3, v7  }
0x156: {  	v51 =	vbroadcast v5, $0xB;
	_ =	sdelay $0x1  }
0x157: {  	v52 =	vbroadcast v6, $0xC;
	v8 =	vmul.f32 v8, v51;
	_ =	sdelay $0x1  }
0x158: {  	v11 =	vshrl.u32 v52, $0x3;
	[tilespmem:v7+s15+$0x0] =	vst.idx.add.f32.msk vm0, v8  }
0x159: {  	v53 =	vshll.u32 v11, v2;
	[tilespmem:v50+s16+$0x0] =	vst.idx.add.f32.msk $0x1, v51  }
0x15a: {  	v7 =	vbroadcast v53, $0x0;
	v8 =	vld [tilespmem:s19+$0x40];
	_ =	sdelay $0x1  }
0x15b: {  	v54 =	vbroadcast v4, $0xC;
	v7 =	vor.u32 v3, v7  }
0x15c: {  	v55 =	vbroadcast v5, $0xC;
	_ =	sdelay $0x1  }
0x15d: {  	v56 =	vbroadcast v6, $0xD;
	v8 =	vmul.f32 v8, v55;
	_ =	sdelay $0x1  }
0x15e: {  	v11 =	vshrl.u32 v56, $0x3;
	[tilespmem:v7+s15+$0x0] =	vst.idx.add.f32.msk vm0, v8  }
0x15f: {  	v57 =	vshll.u32 v11, v2;
	[tilespmem:v54+s16+$0x0] =	vst.idx.add.f32.msk $0x1, v55  }
0x160: {  	v7 =	vbroadcast v57, $0x0;
	v8 =	vld [tilespmem:s19+$0x50];
	_ =	sdelay $0x1  }
0x161: {  	v58 =	vbroadcast v4, $0xD;
	v7 =	vor.u32 v3, v7  }
0x162: {  	v59 =	vbroadcast v5, $0xD;
	_ =	sdelay $0x1  }
0x163: {  	v60 =	vbroadcast v6, $0xE;
	v8 =	vmul.f32 v8, v59;
	_ =	sdelay $0x1  }
0x164: {  	v11 =	vshrl.u32 v60, $0x3;
	[tilespmem:v7+s15+$0x0] =	vst.idx.add.f32.msk vm0, v8  }
0x165: {  	v61 =	vshll.u32 v11, v2;
	[tilespmem:v58+s16+$0x0] =	vst.idx.add.f32.msk $0x1, v59  }
0x166: {  	v7 =	vbroadcast v61, $0x0;
	v8 =	vld [tilespmem:s19+$0x60];
	_ =	sdelay $0x1  }
0x167: {  	v62 =	vbroadcast v4, $0xE;
	v7 =	vor.u32 v3, v7  }
0x168: {  	v63 =	vbroadcast v5, $0xE;
	_ =	sdelay $0x1  }
0x169: {  	v6 =	vbroadcast v6, $0xF;
	v8 =	vmul.f32 v8, v63;
	_ =	sdelay $0x1  }
0x16a: {  	v6 =	vshrl.u32 v6, $0x3;
	[tilespmem:v7+s15+$0x0] =	vst.idx.add.f32.msk vm0, v8  }
0x16b: {  	v6 =	vshll.u32 v6, v2;
	[tilespmem:v62+s16+$0x0] =	vst.idx.add.f32.msk $0x1, v63  }
0x16c: {  	v6 =	vbroadcast v6, $0x0;
	v7 =	vld [tilespmem:s19+$0x70];
	_ =	sdelay $0x1  }
0x16d: {  	s18 =	sadd.s32 $0x1, s18;
	v6 =	vor.u32 v3, v6;
	v4 =	vbroadcast v4, $0xF  }
0x16e: {  	p0 =	sne.s32 s18, $0x540;
	v5 =	vbroadcast v5, $0xF  }
.Ltmp3:
0x16f: {  	_ = 	snop;
	(pc) =	sbr.rel @p0 .LBB2_6-.Ltmp3, $3  }
0x170: {  	v7 =	vmul.f32 v7, v5;
	_ =	sdelay $0x1  }
0x171: {  	[tilespmem:v6+s15+$0x0] =	vst.idx.add.f32.msk vm0, v7  }
0x172: {  	[tilespmem:v4+s16+$0x0] =	vst.idx.add.f32.msk $0x1, v5  }
0x173: {  	[hbm4b:s8+s2] =	stream.linear.scatter [tilespmem:s15], [sflag:$0x1], $0x14000, $0x38;
	[tilespmem:$0x17200] =	vst v63  }
0x174: {  	s17 =	sadd.s32 $0x1, s17;
	_ =	swait.ge [sflag:s10], $0x14000  }
0x175: {  	p0 =	sne.s32 s17, s9;
	[sflag:s10] =	ssyncset.done $0x0  }
.Ltmp4:
0x176: {  	[sflag:s10] =	ssyncadd.s32 $0xFFFEC000;
	(pc) =	sbr.rel @p0 .LBB2_1-.Ltmp4, $4  }
0x177: {  	[hbm4b:s1+s2] =	stream.linear.scatter [tilespmem:s16], [sflag:$0x1], $0x2800, $0x38;
	[tilespmem:$0x17200] =	vst v63  }
0x178: {  	_ =	swait.ge [sflag:s10], $0x2800  }
0x179: {  	[sflag:s10] =	ssyncset.done $0x0  }
0x17a: {  	[sflag:s10] =	ssyncadd.s32 $0xFFFFD800  }
0x17b: {  	_ =	sfence.sel $0x180000  }
0x17c: {  	[bflag:$0x0] =	sbarrier.arrive $0xFFFF  }
0x17d: {  	p0 =	sne.s32 s3, $0x0;
	_ =	strace $0x90000056  }
0x17e: {  	s0 =	sadd.s32 @!p0 $0x100000, s0;
	[bflag:$0x2] =	sbarrier.arrive $0xFFFF  }
0x17f: {  	[sflag:s0] =	ssyncadd.tile.s32 @!p0 $0x1;
	_ =	shalt  }
.Lfunc_end2:
_tile_overlayer_lowered:
.L_overlay_start_2:
0x180: {  	(tag) =	ssettag $0x2  }
0x181: {  	s0 =	rddreg [dreg:$0x0];
	s2 =	stileid.u32  }
0x182: {  	s1 =	rddreg [dreg:$0x1];
	p0 =	sne.s32 s2, $0x0  }
0x183: {  	s3 =	rddreg [dreg:$0x2];
	[bflag:$0x3] =	sbarrier.arrive $0xFFFF;
	s2 =	simm.s32 @!p0 $0x1C01  }
0x184: {  	[timem:s3], [sflag:s2] =	dma.local @!p0 [hbm:s0], s1  }
0x185: {  	s0 =	simm.s32 @!p0 $0x1  }
0x186: {  	_ =	swait.ge @!p0 [sflag:s0], s1  }
0x187: {  	s1 =	ssub.s32 @!p0 $0x0, s1;
	[sflag:s0] =	ssyncset.done @!p0 $0x0  }
0x188: {  	[sflag:s0] =	ssyncadd.s32 @!p0 s1  }
0x189: {  	[bflag:$0x3] =	sbarrier.arrive $0xFFFF  }
0x18a: {  	_ =	shalt  }

</sc_bundles>
